<compile_context>
chip_gen: v7x
topology: tpu7x:2x2x1
jax: 0.10.2.dev20260603
libtpu: 0.0.44.dev20260713+nightly
codegen_flags: <defaults>
</compile_context>

<pallas_src>
import functools

import jax
import jax.numpy as jnp
from jax import lax
from jax.experimental import pallas as pl
from jax.experimental.pallas import tpu as pltpu
from jax.experimental.pallas import tpu_sc as plsc

NC = 2
NS = 16
L = 16
NW = NC * NS


def _sc_mesh():
    return plsc.VectorSubcoreMesh(
        core_axis_name="c", subcore_axis_name="s", num_cores=NC, num_subcores=NS
    )




@functools.lru_cache(maxsize=None)
def _deg_fn(E: int, N: int):
    EPW = E // NW
    NP = _pad16x8(N)
    assert EPW * NW == E and EPW % L == 0 and N % L == 0

    @functools.partial(
        pl.kernel,
        out_type=jax.ShapeDtypeStruct((NW, NP), jnp.float32),
        mesh=_sc_mesh(),
        compiler_params=pltpu.CompilerParams(needs_layout_passes=False),
        scratch_types=[
            pltpu.VMEM((EPW,), jnp.int32),
            pltpu.VMEM((NP,), jnp.float32),
        ],
    )
    def k(ei_hbm, out_hbm, idx_v, hist_v):
        cid = lax.axis_index("c")
        sid = lax.axis_index("s")
        wid = cid * NS + sid
        pltpu.sync_copy(ei_hbm.at[pl.ds(E + wid * EPW, EPW)], idx_v)
        zeros = jnp.zeros((L,), jnp.float32)

        def zbody(i, carry):
            hist_v[pl.ds(i * L, L)] = zeros
            return carry

        lax.fori_loop(0, NP // L, zbody, 0)
        ones = jnp.full((L,), 1.0, jnp.float32)

        def body(i, carry):
            ids = idx_v[pl.ds(i * L, L)]
            plsc.addupdate_scatter(hist_v, [ids], ones)
            return carry

        lax.fori_loop(0, EPW // L, body, 0)
        pltpu.sync_copy(hist_v, out_hbm.at[wid])

    return k


def _pad16x8(n):
    q = NS * 40
    return ((n + q - 1) // q) * q


@functools.lru_cache(maxsize=None)
def _agg_fn(N: int, D: int, E: int, K: int, ZR: int, NB: int = 5, LA: int = 3,
            side: bool = False):
    EPW = E // NW
    NCH = EPW // K
    NP = _pad16x8(N)
    RPT = NP // NS
    assert NCH * K == EPW and RPT % ZR == 0 and ZR % 8 == 0 and D % L == 0
    assert NCH % NB == 0 and LA < NB and K % 8 == 0

    out_shape = (NP, NC * D) if side else (NC * NP, D)

    @functools.partial(
        pl.kernel,
        out_type=jax.ShapeDtypeStruct(out_shape, jnp.float32),
        mesh=_sc_mesh(),
        compiler_params=pltpu.CompilerParams(
            needs_layout_passes=False, use_tc_tiling_on_sc=False
        ),
        scratch_types=[
            pltpu.VMEM((NCH, K), jnp.int32),
            pltpu.VMEM((NCH, K), jnp.int32),
            pltpu.VMEM((NB, K, D), jnp.float32),
            pltpu.VMEM((ZR, D), jnp.float32),
            pltpu.VMEM_SHARED((NP, D), jnp.float32),
            pltpu.SemaphoreType.DMA,
            pltpu.SemaphoreType.DMA,
            [pltpu.SemaphoreType.DMA] * NB,
            [pltpu.SemaphoreType.DMA] * NB,
        ],
    )
    def k(table, ei2d_hbm, out_hbm, sidx_v, didx, rows, zbuf, acc,
          isem, dsem, gsems, ssems):
        cid = lax.axis_index("c")
        sid = lax.axis_index("s")
        wid = cid * NS + sid
        ebase = wid * EPW

        srow = ebase // K
        drow = (E + ebase) // K
        pltpu.async_copy(ei2d_hbm.at[pl.ds(srow, NCH)], sidx_v, isem)
        pltpu.async_copy(ei2d_hbm.at[pl.ds(drow, NCH)], didx, dsem)

        zeros = jnp.zeros((L,), jnp.float32)
        vpr = D // L

        def zb(t, carry):
            zbuf[t // vpr, pl.ds((t % vpr) * L, L)] = zeros
            return carry

        lax.fori_loop(0, ZR * vpr, zb, 0)
        for j in range(RPT // ZR):
            pltpu.sync_copy(zbuf, acc.at[pl.ds(sid * RPT + j * ZR, ZR)])
        pltpu.make_async_copy(ei2d_hbm.at[pl.ds(srow, NCH)], sidx_v, isem).wait()
        pltpu.make_async_copy(ei2d_hbm.at[pl.ds(drow, NCH)], didx, dsem).wait()
        plsc.subcore_barrier()

        def start_gather(j, b):
            pltpu.async_copy(
                table.at[sidx_v.at[j]], rows.at[b], gsems[b]
            )

        def wait_gather(b):
            pltpu.make_async_copy(
                table.at[pl.ds(0, K)], rows.at[b], gsems[b]
            ).wait()

        def start_scatter(j, b):
            pltpu.async_copy(rows.at[b], acc.at[didx.at[j]], ssems[b], add=True)

        def wait_scatter(b):
            pltpu.make_async_copy(rows.at[b], acc.at[pl.ds(0, K)], ssems[b]).wait()

        for b in range(LA):
            start_gather(b, b)

        def body(i, carry):
            j0 = i * NB
            for b in range(NB):
                j = j0 + b
                wait_gather(b)
                start_scatter(j, b)
                jn = j + LA
                bn = (b + LA) % NB

                @pl.when(jn < NCH)
                def _():
                    @pl.when(jn >= NB)
                    def _():
                        wait_scatter(bn)

                    start_gather(jn, bn)

            return carry

        lax.fori_loop(0, NCH // NB, body, 0)
        for b in range(NB):
            wait_scatter(b)
        plsc.subcore_barrier()
        if side:
            pltpu.sync_copy(
                acc.at[pl.ds(sid * RPT, RPT)],
                out_hbm.at[pl.ds(sid * RPT, RPT), pl.ds(cid * D, D)],
            )
        else:
            pltpu.sync_copy(
                acc.at[pl.ds(sid * RPT, RPT)],
                out_hbm.at[pl.ds(cid * NP + sid * RPT, RPT)],
            )

    return k




def _dinv(hist):
    NWh, N = hist.shape

    def body(h_ref, o_ref):
        s = jnp.sum(h_ref[...], axis=0, keepdims=True) + 1.0
        o_ref[...] = lax.rsqrt(s)

    return pl.pallas_call(
        body, out_shape=jax.ShapeDtypeStruct((1, N), jnp.float32)
    )(hist)


def _matmul_prescale(x, W, dinv_col, rb=2000):
    N, Din = x.shape
    NP = _pad16x8(N)
    Dout = W.shape[1]

    def body(x_ref, w_ref, dv_ref, o_ref):
        h = jnp.dot(x_ref[...], w_ref[...], preferred_element_type=jnp.float32)
        o_ref[...] = h * dv_ref[...]

    return pl.pallas_call(
        body,
        grid=(N // rb,),
        in_specs=[
            pl.BlockSpec((rb, Din), lambda i: (i, 0)),
            pl.BlockSpec((Din, Dout), lambda i: (0, 0)),
            pl.BlockSpec((rb, 1), lambda i: (i, 0)),
        ],
        out_specs=pl.BlockSpec((rb, Dout), lambda i: (i, 0)),
        out_shape=jax.ShapeDtypeStruct((NP, Dout), jnp.float32),
    )(x, W, dinv_col)


def _combine_next(agg, scaled, dinv_col, b_row, Wn, rb=2048):
    NP, D = scaled.shape
    npb = NP // rb
    Dn = Wn.shape[1]

    def body(p0_ref, p1_ref, s_ref, dv_ref, b_ref, w_ref, o_ref):
        agg_ = (p0_ref[...] + p1_ref[...] + s_ref[...]) * dv_ref[...]
        act = jnp.tanh(agg_ + b_ref[...])
        h = jnp.dot(act, w_ref[...], preferred_element_type=jnp.float32)
        o_ref[...] = h * dv_ref[...]

    return pl.pallas_call(
        body,
        grid=(npb,),
        in_specs=[
            pl.BlockSpec((rb, D), lambda i: (i, 0)),
            pl.BlockSpec((rb, D), lambda i: (npb + i, 0)),
            pl.BlockSpec((rb, D), lambda i: (i, 0)),
            pl.BlockSpec((rb, 1), lambda i: (i, 0)),
            pl.BlockSpec((1, D), lambda i: (0, 0)),
            pl.BlockSpec((D, Dn), lambda i: (0, 0)),
        ],
        out_specs=pl.BlockSpec((rb, Dn), lambda i: (i, 0)),
        out_shape=jax.ShapeDtypeStruct((NP, Dn), jnp.float32),
    )(agg, agg, scaled, dinv_col, b_row, Wn)


def _combine_sbs(agg, scaled, dinv_col, b_row, Wn, rb=2048):
    NP, D = scaled.shape
    npb = NP // rb
    Dn = Wn.shape[1]

    def body(a_ref, s_ref, dv_ref, b_ref, w_ref, o_ref):
        a = a_ref[...]
        agg_ = (a[:, :D] + a[:, D:] + s_ref[...]) * dv_ref[...]
        act = jnp.tanh(agg_ + b_ref[...])
        h = jnp.dot(act, w_ref[...], preferred_element_type=jnp.float32)
        o_ref[...] = h * dv_ref[...]

    return pl.pallas_call(
        body,
        grid=(npb,),
        in_specs=[
            pl.BlockSpec((rb, 2 * D), lambda i: (i, 0)),
            pl.BlockSpec((rb, D), lambda i: (i, 0)),
            pl.BlockSpec((rb, 1), lambda i: (i, 0)),
            pl.BlockSpec((1, D), lambda i: (0, 0)),
            pl.BlockSpec((D, Dn), lambda i: (0, 0)),
        ],
        out_specs=pl.BlockSpec((rb, Dn), lambda i: (i, 0)),
        out_shape=jax.ShapeDtypeStruct((NP, Dn), jnp.float32),
    )(agg, scaled, dinv_col, b_row, Wn)


def _final_sbs(agg, scaled, dinv_col, b_row, rb=2048):
    NP, D = scaled.shape
    npb = NP // rb

    def body(a_ref, s_ref, dv_ref, b_ref, o_ref):
        a = a_ref[...]
        agg_ = (a[:, :D] + a[:, D:] + s_ref[...]) * dv_ref[...]
        o_ref[...] = jnp.tanh(agg_ + b_ref[...])

    return pl.pallas_call(
        body,
        grid=(npb,),
        in_specs=[
            pl.BlockSpec((rb, 2 * D), lambda i: (i, 0)),
            pl.BlockSpec((rb, D), lambda i: (i, 0)),
            pl.BlockSpec((rb, 1), lambda i: (i, 0)),
            pl.BlockSpec((1, D), lambda i: (0, 0)),
        ],
        out_specs=pl.BlockSpec((rb, D), lambda i: (i, 0)),
        out_shape=jax.ShapeDtypeStruct((NP, D), jnp.float32),
    )(agg, scaled, dinv_col, b_row)






def kernel(x, edge_index, W1, b1, W2, b2, W3, b3):
    N, _ = x.shape
    E = edge_index.shape[1]

    ei_flat = edge_index.reshape(2 * E)
    hist = _deg_fn(E, N)(ei_flat)
    NP = _pad16x8(N)
    dinv_col = _dinv(hist).reshape(NP, 1)

    K1, ZR1 = 40, 16
    K2, ZR2 = 40, 128
    ei2d_a = ei_flat.reshape(2 * E // K1, K1)
    ei2d_b = ei_flat.reshape(2 * E // K2, K2)
    scaled1 = _matmul_prescale(x, W1, dinv_col)
    agg1 = _agg_fn(N, W1.shape[1], E, K1, ZR1, NB=5, LA=4)(scaled1, ei2d_a)
    scaled2 = _combine_next(agg1, scaled1, dinv_col, b1.reshape(1, -1), W2)
    agg2 = _agg_fn(N, W2.shape[1], E, K2, ZR2, NB=10, LA=6, side=True)(scaled2, ei2d_b)
    scaled3 = _combine_sbs(agg2, scaled2, dinv_col, b2.reshape(1, -1), W3)
    agg3 = _agg_fn(N, W3.shape[1], E, K2, ZR2, NB=10, LA=6, side=True)(scaled3, ei2d_b)
    return _final_sbs(agg3, scaled3, dinv_col, b3.reshape(1, -1))[:N]

# --- scband reference (transcript-rebuilt; emitter-appended) ---
"""Pipeline reference for scband-my-gcn-12403865551399 (READ-ONLY COPY).

The authoritative reference and input builder live on the scoring server;
editing this copy changes nothing except your own understanding.
"""

import jax, jax.numpy as jnp
import numpy as np

N = 10000
E = 320000
D_IN = 128
D_HID1 = 128
D_HID2 = 64
D_OUT = 64


def setup_inputs(seed: int = 0) -> dict:
    key = jax.random.key(seed)
    ks = jax.random.split(key, 8)
    x = jax.random.normal(ks[0], (N, D_IN), dtype=jnp.float32)
    edge_index = jax.random.randint(ks[1], (2, E), 0, N, dtype=jnp.int32)
    W1 = jax.random.normal(ks[2], (D_IN, D_HID1), dtype=jnp.float32) * (1.0 / np.sqrt(D_IN))
    b1 = jnp.zeros((D_HID1,), dtype=jnp.float32)
    W2 = jax.random.normal(ks[3], (D_HID1, D_HID2), dtype=jnp.float32) * (1.0 / np.sqrt(D_HID1))
    b2 = jnp.zeros((D_HID2,), dtype=jnp.float32)
    W3 = jax.random.normal(ks[4], (D_HID2, D_OUT), dtype=jnp.float32) * (1.0 / np.sqrt(D_HID2))
    b3 = jnp.zeros((D_OUT,), dtype=jnp.float32)
    return {"x": x, "edge_index": edge_index, "W1": W1, "b1": b1, "W2": W2, "b2": b2, "W3": W3, "b3": b3}


def _gcn_conv(x, edge_index, W, b):
    # Faithful PyG GCNConv: linear transform, add self-loops, symmetric degree
    # normalization (deg computed on dst with self-loops), scatter-add aggregate, add bias.
    n = x.shape[0]
    src = edge_index[0]
    dst = edge_index[1]
    loop = jnp.arange(n, dtype=src.dtype)
    src = jnp.concatenate([src, loop])
    dst = jnp.concatenate([dst, loop])
    h = x @ W
    deg = jnp.zeros((n,), dtype=x.dtype).at[dst].add(1.0)
    dinv = jnp.where(deg > 0, 1.0 / jnp.sqrt(deg), 0.0)
    norm = dinv[src] * dinv[dst]
    msg = h[src] * norm[:, None]
    out = jax.ops.segment_sum(msg, dst, num_segments=n)
    return out + b


def reference(x, edge_index, W1, b1, W2, b2, W3, b3):
    h = jnp.tanh(_gcn_conv(x, edge_index, W1, b1))
    h = jnp.tanh(_gcn_conv(h, edge_index, W2, b2))
    out = jnp.tanh(_gcn_conv(h, edge_index, W3, b3))
    return out

if __name__ == "__main__":
    import jax
    _d = setup_inputs()
    print(jax.jit(kernel)(*tuple(_d.values())))

</pallas_src>

<mosaic_0001>
#map = affine_map<(d0, d1) -> (0)>
#map1 = affine_map<(d0, d1) -> (0, 0)>
module attributes {stable_mosaic.version = 14 : i64} {
  func.func @k(%arg0: i32, %arg1: i32, %arg2: memref<640000xi32, #tpu.memory_space<hbm>>, %arg3: memref<32x10240xf32, #tpu.memory_space<hbm>>, %arg4: memref<10000xi32, #tpu.memory_space<vmem>>, %arg5: memref<10240xf32, #tpu.memory_space<vmem>>) attributes {dimension_semantics = [#tpu.dimension_semantics<core_parallel>, #tpu.dimension_semantics<subcore_parallel>], iteration_bounds = array<i64: 2, 16>, scalar_prefetch = 0 : i64, scratch_operands = 2 : i64, tpu.core_type = #tpu.core_type<sc_vector_subcore>, window_params = [{transform_indices = #map}, {transform_indices = #map1}]} {
    %mul3A = arith.constant 16 : i32
    %mul3A_0 = arith.muli %arg0, %mul3A : i32
    %add3A = arith.addi %mul3A_0, %arg1 : i32
    %mul3A_1 = arith.constant 10000 : i32
    %mul3A_2 = arith.muli %add3A, %mul3A_1 : i32
    %add3A_3 = arith.constant 320000 : i32
    %add3A_4 = arith.addi %add3A_3, %mul3A_2 : i32
    "tpu.region"() ({
      %run_scoped3A = tpu.sem_alloc : memref<!tpu.dma_semaphore, #tpu.memory_space<semaphore_mem>>
      %dma_start3A = tpu.memref_slice %arg2[%add3A_4] : memref<640000xi32, #tpu.memory_space<hbm>> -> memref<10000xi32, #tpu.memory_space<hbm>>
      %dma_start3A_19 = tpu.memref_slice %arg2[%add3A_4] : memref<640000xi32, #tpu.memory_space<hbm>> -> memref<10000xi32, #tpu.memory_space<hbm>>
      tpu.enqueue_dma source(%dma_start3A_19 : memref<10000xi32, #tpu.memory_space<hbm>>) target(%arg4 : memref<10000xi32, #tpu.memory_space<vmem>>) target_semaphore(%run_scoped3A : memref<!tpu.dma_semaphore, #tpu.memory_space<semaphore_mem>>)
      %dma_wait3A = tpu.memref_slice %arg2[%add3A_4] : memref<640000xi32, #tpu.memory_space<hbm>> -> memref<10000xi32, #tpu.memory_space<hbm>>
      %dma_wait3A_20 = tpu.memref_slice %arg2[%add3A_4] : memref<640000xi32, #tpu.memory_space<hbm>> -> memref<10000xi32, #tpu.memory_space<hbm>>
      tpu.wait_dma2 semaphore(%run_scoped3A : memref<!tpu.dma_semaphore, #tpu.memory_space<semaphore_mem>>) src(%dma_wait3A_20 : memref<10000xi32, #tpu.memory_space<hbm>>) dst(%arg4 : memref<10000xi32, #tpu.memory_space<vmem>>)
      tpu.yield
    }) : () -> ()
    %broadcast_in_dim3A = arith.constant 0.000000e+00 : f32
    %broadcast_in_dim3A_5 = vector.broadcast %broadcast_in_dim3A : f32 to vector<16xf32>
    %scan3A = arith.constant 0 : i32
    %scan3A_6 = arith.constant 0 : i32
    %scan3A_7 = arith.constant 640 : i32
    %scan3A_8 = arith.addi %scan3A_6, %scan3A_7 : i32
    %scan3A_9 = arith.constant 1 : i32
    scf.for %scan3A_19 = %scan3A_6 to %scan3A_8 step %scan3A_9  : i32 {
      %mul3A_20 = arith.constant 16 : i32
      %mul3A_21 = arith.muli %scan3A_19, %mul3A_20 : i32
      %swap3A = arith.index_cast %mul3A_21 : i32 to index
      %swap3A_22 = tpu.vector_load %arg5[%swap3A] {strides = array<i32>} : memref<10240xf32, #tpu.memory_space<vmem>>, vector<16xf32>,
      tpu.vector_store %arg5[%swap3A], %broadcast_in_dim3A_5 {strides = array<i32>} : memref<10240xf32, #tpu.memory_space<vmem>>, vector<16xf32>,
    }
    %scan3A_10 = arith.constant 640 : i32
    %broadcast_in_dim3A_11 = arith.constant 1.000000e+00 : f32
    %broadcast_in_dim3A_12 = vector.broadcast %broadcast_in_dim3A_11 : f32 to vector<16xf32>
    %scan3A_13 = arith.constant 0 : i32
    %scan3A_14 = arith.constant 0 : i32
    %scan3A_15 = arith.constant 625 : i32
    %scan3A_16 = arith.addi %scan3A_14, %scan3A_15 : i32
    %scan3A_17 = arith.constant 1 : i32
    scf.for %scan3A_19 = %scan3A_14 to %scan3A_16 step %scan3A_17  : i32 {
      %mul3A_20 = arith.constant 16 : i32
      %mul3A_21 = arith.muli %scan3A_19, %mul3A_20 : i32
      %get3A = arith.index_cast %mul3A_21 : i32 to index
      %get3A_22 = tpu.vector_load %arg4[%get3A] {strides = array<i32>} : memref<10000xi32, #tpu.memory_space<vmem>>, vector<16xi32>,
      tpu.vector_store_idx %arg5[%get3A_22], %broadcast_in_dim3A_12 {add = true} : memref<10240xf32, #tpu.memory_space<vmem>>[vector<16xi32>], vector<16xf32>,
    }
    %scan3A_18 = arith.constant 625 : i32
    "tpu.region"() ({
      %run_scoped3A = tpu.sem_alloc : memref<!tpu.dma_semaphore, #tpu.memory_space<semaphore_mem>>
      %dma_start3A = arith.constant 0 : i32
      %dma_start3A_19 = tpu.memref_slice %arg3[%add3A, %dma_start3A] : memref<32x10240xf32, #tpu.memory_space<hbm>> -> memref<1x10240xf32, #tpu.memory_space<hbm>>
      %dma_start3A_20 = tpu.memref_squeeze %dma_start3A_19 : memref<1x10240xf32, #tpu.memory_space<hbm>> -> memref<10240xf32, #tpu.memory_space<hbm>>
      %dma_start3A_21 = arith.constant 0 : i32
      %dma_start3A_22 = tpu.memref_slice %arg3[%add3A, %dma_start3A_21] : memref<32x10240xf32, #tpu.memory_space<hbm>> -> memref<1x10240xf32, #tpu.memory_space<hbm>>
      %dma_start3A_23 = tpu.memref_squeeze %dma_start3A_22 : memref<1x10240xf32, #tpu.memory_space<hbm>> -> memref<10240xf32, #tpu.memory_space<hbm>>
      tpu.enqueue_dma source(%arg5 : memref<10240xf32, #tpu.memory_space<vmem>>) target(%dma_start3A_23 : memref<10240xf32, #tpu.memory_space<hbm>>) target_semaphore(%run_scoped3A : memref<!tpu.dma_semaphore, #tpu.memory_space<semaphore_mem>>)
      %dma_wait3A = arith.constant 0 : i32
      %dma_wait3A_24 = tpu.memref_slice %arg3[%add3A, %dma_wait3A] : memref<32x10240xf32, #tpu.memory_space<hbm>> -> memref<1x10240xf32, #tpu.memory_space<hbm>>
      %dma_wait3A_25 = tpu.memref_squeeze %dma_wait3A_24 : memref<1x10240xf32, #tpu.memory_space<hbm>> -> memref<10240xf32, #tpu.memory_space<hbm>>
      %dma_wait3A_26 = arith.constant 0 : i32
      %dma_wait3A_27 = tpu.memref_slice %arg3[%add3A, %dma_wait3A_26] : memref<32x10240xf32, #tpu.memory_space<hbm>> -> memref<1x10240xf32, #tpu.memory_space<hbm>>
      %dma_wait3A_28 = tpu.memref_squeeze %dma_wait3A_27 : memref<1x10240xf32, #tpu.memory_space<hbm>> -> memref<10240xf32, #tpu.memory_space<hbm>>
      tpu.wait_dma2 semaphore(%run_scoped3A : memref<!tpu.dma_semaphore, #tpu.memory_space<semaphore_mem>>) src(%arg5 : memref<10240xf32, #tpu.memory_space<vmem>>) dst(%dma_wait3A_28 : memref<10240xf32, #tpu.memory_space<hbm>>)
      tpu.yield
    }) : () -> ()
    return
  }
}

#map = affine_map<(d0, d1) -> (0, 0)>
module attributes {stable_mosaic.version = 14 : i64} {
  func.func @k(%arg0: i32, %arg1: i32, %arg2: memref<10240x64xf32, #tpu.memory_space<hbm>>, %arg3: memref<16000x40xi32, #tpu.memory_space<hbm>>, %arg4: memref<10240x128xf32, #tpu.memory_space<hbm>>, %arg5: memref<250x40xi32, #tpu.memory_space<vmem>>, %arg6: memref<250x40xi32, #tpu.memory_space<vmem>>, %arg7: memref<10x40x64xf32, #tpu.memory_space<vmem>>, %arg8: memref<128x64xf32, #tpu.memory_space<vmem>>, %arg9: memref<10240x64xf32, #tpu.memory_space<vmem_shared>>, %arg10: memref<!tpu.dma_semaphore, #tpu.memory_space<semaphore_mem>>, %arg11: memref<!tpu.dma_semaphore, #tpu.memory_space<semaphore_mem>>, %arg12: memref<!tpu.dma_semaphore, #tpu.memory_space<semaphore_mem>>, %arg13: memref<!tpu.dma_semaphore, #tpu.memory_space<semaphore_mem>>, %arg14: memref<!tpu.dma_semaphore, #tpu.memory_space<semaphore_mem>>, %arg15: memref<!tpu.dma_semaphore, #tpu.memory_space<semaphore_mem>>, %arg16: memref<!tpu.dma_semaphore, #tpu.memory_space<semaphore_mem>>, %arg17: memref<!tpu.dma_semaphore, #tpu.memory_space<semaphore_mem>>, %arg18: memref<!tpu.dma_semaphore, #tpu.memory_space<semaphore_mem>>, %arg19: memref<!tpu.dma_semaphore, #tpu.memory_space<semaphore_mem>>, %arg20: memref<!tpu.dma_semaphore, #tpu.memory_space<semaphore_mem>>, %arg21: memref<!tpu.dma_semaphore, #tpu.memory_space<semaphore_mem>>, %arg22: memref<!tpu.dma_semaphore, #tpu.memory_space<semaphore_mem>>, %arg23: memref<!tpu.dma_semaphore, #tpu.memory_space<semaphore_mem>>, %arg24: memref<!tpu.dma_semaphore, #tpu.memory_space<semaphore_mem>>, %arg25: memref<!tpu.dma_semaphore, #tpu.memory_space<semaphore_mem>>, %arg26: memref<!tpu.dma_semaphore, #tpu.memory_space<semaphore_mem>>, %arg27: memref<!tpu.dma_semaphore, #tpu.memory_space<semaphore_mem>>, %arg28: memref<!tpu.dma_semaphore, #tpu.memory_space<semaphore_mem>>, %arg29: memref<!tpu.dma_semaphore, #tpu.memory_space<semaphore_mem>>, %arg30: memref<!tpu.dma_semaphore, #tpu.memory_space<semaphore_mem>>, %arg31: memref<!tpu.dma_semaphore, #tpu.memory_space<semaphore_mem>>) attributes {dimension_semantics = [#tpu.dimension_semantics<core_parallel>, #tpu.dimension_semantics<subcore_parallel>], iteration_bounds = array<i64: 2, 16>, scalar_prefetch = 0 : i64, scratch_operands = 27 : i64, tpu.core_type = #tpu.core_type<sc_vector_subcore>, window_params = [{transform_indices = #map}, {transform_indices = #map}, {transform_indices = #map}]} {
    %mul3A = arith.constant 16 : i32
    %mul3A_0 = arith.muli %arg0, %mul3A : i32
    %add3A = arith.addi %mul3A_0, %arg1 : i32
    %mul3A_1 = arith.constant 10000 : i32
    %mul3A_2 = arith.muli %add3A, %mul3A_1 : i32
    %jit3A = arith.constant 40 : i32
    %div3A = arith.divsi %mul3A_2, %jit3A : i32
    %sign3A = arith.constant 0 : i32
    %sign3A_3 = arith.cmpi sgt, %mul3A_2, %sign3A : i32
    %sign3A_4 = arith.extui %sign3A_3 : i1 to i32
    %sign3A_5 = arith.constant 0 : i32
    %sign3A_6 = arith.cmpi slt, %mul3A_2, %sign3A_5 : i32
    %sign3A_7 = arith.extui %sign3A_6 : i1 to i32
    %sign3A_8 = arith.subi %sign3A_4, %sign3A_7 : i32
    %sign3A_9 = arith.constant 0 : i32
    %sign3A_10 = arith.cmpi sgt, %jit3A, %sign3A_9 : i32
    %sign3A_11 = arith.extui %sign3A_10 : i1 to i32
    %sign3A_12 = arith.constant 0 : i32
    %sign3A_13 = arith.cmpi slt, %jit3A, %sign3A_12 : i32
    %sign3A_14 = arith.extui %sign3A_13 : i1 to i32
    %sign3A_15 = arith.subi %sign3A_11, %sign3A_14 : i32
    %ne3A = arith.cmpi ne, %sign3A_8, %sign3A_15 : i32
    %rem3A = arith.remsi %mul3A_2, %jit3A : i32
    %ne3A_16 = arith.constant 0 : i32
    %ne3A_17 = arith.cmpi ne, %rem3A, %ne3A_16 : i32
    %and3A = arith.andi %ne3A, %ne3A_17 : i1
    %sub3A = arith.constant 1 : i32
    %sub3A_18 = arith.subi %div3A, %sub3A : i32
    %select_n3A = arith.select %and3A, %sub3A_18, %div3A : i32
    %add3A_19 = arith.constant 320000 : i32
    %add3A_20 = arith.addi %add3A_19, %mul3A_2 : i32
    %jit3A_21 = arith.constant 40 : i32
    %div3A_22 = arith.divsi %add3A_20, %jit3A_21 : i32
    %sign3A_23 = arith.constant 0 : i32
    %sign3A_24 = arith.cmpi sgt, %add3A_20, %sign3A_23 : i32
    %sign3A_25 = arith.extui %sign3A_24 : i1 to i32
    %sign3A_26 = arith.constant 0 : i32
    %sign3A_27 = arith.cmpi slt, %add3A_20, %sign3A_26 : i32
    %sign3A_28 = arith.extui %sign3A_27 : i1 to i32
    %sign3A_29 = arith.subi %sign3A_25, %sign3A_28 : i32
    %sign3A_30 = arith.constant 0 : i32
    %sign3A_31 = arith.cmpi sgt, %jit3A_21, %sign3A_30 : i32
    %sign3A_32 = arith.extui %sign3A_31 : i1 to i32
    %sign3A_33 = arith.constant 0 : i32
    %sign3A_34 = arith.cmpi slt, %jit3A_21, %sign3A_33 : i32
    %sign3A_35 = arith.extui %sign3A_34 : i1 to i32
    %sign3A_36 = arith.subi %sign3A_32, %sign3A_35 : i32
    %ne3A_37 = arith.cmpi ne, %sign3A_29, %sign3A_36 : i32
    %rem3A_38 = arith.remsi %add3A_20, %jit3A_21 : i32
    %ne3A_39 = arith.constant 0 : i32
    %ne3A_40 = arith.cmpi ne, %rem3A_38, %ne3A_39 : i32
    %and3A_41 = arith.andi %ne3A_37, %ne3A_40 : i1
    %sub3A_42 = arith.constant 1 : i32
    %sub3A_43 = arith.subi %div3A_22, %sub3A_42 : i32
    %select_n3A_44 = arith.select %and3A_41, %sub3A_43, %div3A_22 : i32
    %dma_start3A = arith.constant 0 : i32
    %dma_start3A_45 = tpu.memref_slice %arg3[%select_n3A, %dma_start3A] : memref<16000x40xi32, #tpu.memory_space<hbm>> -> memref<250x40xi32, #tpu.memory_space<hbm>>
    %dma_start3A_46 = arith.constant 0 : i32
    %dma_start3A_47 = tpu.memref_slice %arg3[%select_n3A, %dma_start3A_46] : memref<16000x40xi32, #tpu.memory_space<hbm>> -> memref<250x40xi32, #tpu.memory_space<hbm>>
    tpu.enqueue_dma source(%dma_start3A_47 : memref<250x40xi32, #tpu.memory_space<hbm>>) target(%arg5 : memref<250x40xi32, #tpu.memory_space<vmem>>) target_semaphore(%arg10 : memref<!tpu.dma_semaphore, #tpu.memory_space<semaphore_mem>>)
    %dma_start3A_48 = arith.constant 0 : i32
    %dma_start3A_49 = tpu.memref_slice %arg3[%select_n3A_44, %dma_start3A_48] : memref<16000x40xi32, #tpu.memory_space<hbm>> -> memref<250x40xi32, #tpu.memory_space<hbm>>
    %dma_start3A_50 = arith.constant 0 : i32
    %dma_start3A_51 = tpu.memref_slice %arg3[%select_n3A_44, %dma_start3A_50] : memref<16000x40xi32, #tpu.memory_space<hbm>> -> memref<250x40xi32, #tpu.memory_space<hbm>>
    tpu.enqueue_dma source(%dma_start3A_51 : memref<250x40xi32, #tpu.memory_space<hbm>>) target(%arg6 : memref<250x40xi32, #tpu.memory_space<vmem>>) target_semaphore(%arg11 : memref<!tpu.dma_semaphore, #tpu.memory_space<semaphore_mem>>)
    %broadcast_in_dim3A = arith.constant 0.000000e+00 : f32
    %broadcast_in_dim3A_52 = vector.broadcast %broadcast_in_dim3A : f32 to vector<16xf32>
    %scan3A = arith.constant 0 : i32
    %scan3A_53 = arith.constant 0 : i32
    %scan3A_54 = arith.constant 512 : i32
    %scan3A_55 = arith.addi %scan3A_53, %scan3A_54 : i32
    %scan3A_56 = arith.constant 1 : i32
    scf.for %scan3A_320 = %scan3A_53 to %scan3A_55 step %scan3A_56  : i32 {
      %jit3A_321 = arith.constant 4 : i32
      %div3A_322 = arith.divsi %scan3A_320, %jit3A_321 : i32
      %sign3A_323 = arith.constant 0 : i32
      %sign3A_324 = arith.cmpi sgt, %scan3A_320, %sign3A_323 : i32
      %sign3A_325 = arith.extui %sign3A_324 : i1 to i32
      %sign3A_326 = arith.constant 0 : i32
      %sign3A_327 = arith.cmpi slt, %scan3A_320, %sign3A_326 : i32
      %sign3A_328 = arith.extui %sign3A_327 : i1 to i32
      %sign3A_329 = arith.subi %sign3A_325, %sign3A_328 : i32
      %sign3A_330 = arith.constant 0 : i32
      %sign3A_331 = arith.cmpi sgt, %jit3A_321, %sign3A_330 : i32
      %sign3A_332 = arith.extui %sign3A_331 : i1 to i32
      %sign3A_333 = arith.constant 0 : i32
      %sign3A_334 = arith.cmpi slt, %jit3A_321, %sign3A_333 : i32
      %sign3A_335 = arith.extui %sign3A_334 : i1 to i32
      %sign3A_336 = arith.subi %sign3A_332, %sign3A_335 : i32
      %ne3A_337 = arith.cmpi ne, %sign3A_329, %sign3A_336 : i32
      %rem3A_338 = arith.remsi %scan3A_320, %jit3A_321 : i32
      %ne3A_339 = arith.constant 0 : i32
      %ne3A_340 = arith.cmpi ne, %rem3A_338, %ne3A_339 : i32
      %and3A_341 = arith.andi %ne3A_337, %ne3A_340 : i1
      %sub3A_342 = arith.constant 1 : i32
      %sub3A_343 = arith.subi %div3A_322, %sub3A_342 : i32
      %select_n3A_344 = arith.select %and3A_341, %sub3A_343, %div3A_322 : i32
      %jit3A_345 = arith.constant 4 : i32
      %eq3A = arith.constant 0 : i32
      %eq3A_346 = arith.cmpi eq, %jit3A_345, %eq3A : i32
      %jit3A_347 = arith.constant 1 : i32
      %select_n3A_348 = arith.select %eq3A_346, %jit3A_347, %jit3A_345 : i32
      %rem3A_349 = arith.remsi %scan3A_320, %select_n3A_348 : i32
      %ne3A_350 = arith.constant 0 : i32
      %ne3A_351 = arith.cmpi ne, %rem3A_349, %ne3A_350 : i32
      %lt3A = arith.constant 0 : i32
      %lt3A_352 = arith.cmpi slt, %rem3A_349, %lt3A : i32
      %lt3A_353 = arith.constant 0 : i32
      %lt3A_354 = arith.cmpi slt, %select_n3A_348, %lt3A_353 : i32
      %ne3A_355 = arith.xori %lt3A_352, %lt3A_354 : i1
      %and3A_356 = arith.andi %ne3A_355, %ne3A_351 : i1
      %add3A_357 = arith.addi %rem3A_349, %select_n3A_348 : i32
      %select_n3A_358 = arith.select %and3A_356, %add3A_357, %rem3A_349 : i32
      %mul3A_359 = arith.constant 16 : i32
      %mul3A_360 = arith.muli %select_n3A_358, %mul3A_359 : i32
      %swap3A = arith.index_cast %select_n3A_344 : i32 to index
      %swap3A_361 = arith.index_cast %mul3A_360 : i32 to index
      %swap3A_362 = tpu.vector_load %arg8[%swap3A, %swap3A_361] {strides = array<i32>} : memref<128x64xf32, #tpu.memory_space<vmem>>, vector<16xf32>,
      tpu.vector_store %arg8[%swap3A, %swap3A_361], %broadcast_in_dim3A_52 {strides = array<i32>} : memref<128x64xf32, #tpu.memory_space<vmem>>, vector<16xf32>,
    }
    %scan3A_57 = arith.constant 512 : i32
    %mul3A_58 = arith.constant 640 : i32
    %mul3A_59 = arith.muli %arg1, %mul3A_58 : i32
    %add3A_60 = arith.constant 0 : i32
    %add3A_61 = arith.addi %mul3A_59, %add3A_60 : i32
    "tpu.region"() ({
      %run_scoped3A = tpu.sem_alloc : memref<!tpu.dma_semaphore, #tpu.memory_space<semaphore_mem>>
      %dma_start3A_320 = arith.constant 0 : i32
      %dma_start3A_321 = tpu.memref_slice %arg9[%add3A_61, %dma_start3A_320] : memref<10240x64xf32, #tpu.memory_space<vmem_shared>> -> memref<128x64xf32, #tpu.memory_space<vmem_shared>>
      %dma_start3A_322 = arith.constant 0 : i32
      %dma_start3A_323 = tpu.memref_slice %arg9[%add3A_61, %dma_start3A_322] : memref<10240x64xf32, #tpu.memory_space<vmem_shared>> -> memref<128x64xf32, #tpu.memory_space<vmem_shared>>
      tpu.enqueue_dma source(%arg8 : memref<128x64xf32, #tpu.memory_space<vmem>>) target(%dma_start3A_323 : memref<128x64xf32, #tpu.memory_space<vmem_shared>>) target_semaphore(%run_scoped3A : memref<!tpu.dma_semaphore, #tpu.memory_space<semaphore_mem>>)
      %dma_wait3A_324 = arith.constant 0 : i32
      %dma_wait3A_325 = tpu.memref_slice %arg9[%add3A_61, %dma_wait3A_324] : memref<10240x64xf32, #tpu.memory_space<vmem_shared>> -> memref<128x64xf32, #tpu.memory_space<vmem_shared>>
      %dma_wait3A_326 = arith.constant 0 : i32
      %dma_wait3A_327 = tpu.memref_slice %arg9[%add3A_61, %dma_wait3A_326] : memref<10240x64xf32, #tpu.memory_space<vmem_shared>> -> memref<128x64xf32, #tpu.memory_space<vmem_shared>>
      tpu.wait_dma2 semaphore(%run_scoped3A : memref<!tpu.dma_semaphore, #tpu.memory_space<semaphore_mem>>) src(%arg8 : memref<128x64xf32, #tpu.memory_space<vmem>>) dst(%dma_wait3A_327 : memref<128x64xf32, #tpu.memory_space<vmem_shared>>)
      tpu.yield
    }) : () -> ()
    %mul3A_62 = arith.constant 640 : i32
    %mul3A_63 = arith.muli %arg1, %mul3A_62 : i32
    %add3A_64 = arith.constant 128 : i32
    %add3A_65 = arith.addi %mul3A_63, %add3A_64 : i32
    "tpu.region"() ({
      %run_scoped3A = tpu.sem_alloc : memref<!tpu.dma_semaphore, #tpu.memory_space<semaphore_mem>>
      %dma_start3A_320 = arith.constant 0 : i32
      %dma_start3A_321 = tpu.memref_slice %arg9[%add3A_65, %dma_start3A_320] : memref<10240x64xf32, #tpu.memory_space<vmem_shared>> -> memref<128x64xf32, #tpu.memory_space<vmem_shared>>
      %dma_start3A_322 = arith.constant 0 : i32
      %dma_start3A_323 = tpu.memref_slice %arg9[%add3A_65, %dma_start3A_322] : memref<10240x64xf32, #tpu.memory_space<vmem_shared>> -> memref<128x64xf32, #tpu.memory_space<vmem_shared>>
      tpu.enqueue_dma source(%arg8 : memref<128x64xf32, #tpu.memory_space<vmem>>) target(%dma_start3A_323 : memref<128x64xf32, #tpu.memory_space<vmem_shared>>) target_semaphore(%run_scoped3A : memref<!tpu.dma_semaphore, #tpu.memory_space<semaphore_mem>>)
      %dma_wait3A_324 = arith.constant 0 : i32
      %dma_wait3A_325 = tpu.memref_slice %arg9[%add3A_65, %dma_wait3A_324] : memref<10240x64xf32, #tpu.memory_space<vmem_shared>> -> memref<128x64xf32, #tpu.memory_space<vmem_shared>>
      %dma_wait3A_326 = arith.constant 0 : i32
      %dma_wait3A_327 = tpu.memref_slice %arg9[%add3A_65, %dma_wait3A_326] : memref<10240x64xf32, #tpu.memory_space<vmem_shared>> -> memref<128x64xf32, #tpu.memory_space<vmem_shared>>
      tpu.wait_dma2 semaphore(%run_scoped3A : memref<!tpu.dma_semaphore, #tpu.memory_space<semaphore_mem>>) src(%arg8 : memref<128x64xf32, #tpu.memory_space<vmem>>) dst(%dma_wait3A_327 : memref<128x64xf32, #tpu.memory_space<vmem_shared>>)
      tpu.yield
    }) : () -> ()
    %mul3A_66 = arith.constant 640 : i32
    %mul3A_67 = arith.muli %arg1, %mul3A_66 : i32
    %add3A_68 = arith.constant 256 : i32
    %add3A_69 = arith.addi %mul3A_67, %add3A_68 : i32
    "tpu.region"() ({
      %run_scoped3A = tpu.sem_alloc : memref<!tpu.dma_semaphore, #tpu.memory_space<semaphore_mem>>
      %dma_start3A_320 = arith.constant 0 : i32
      %dma_start3A_321 = tpu.memref_slice %arg9[%add3A_69, %dma_start3A_320] : memref<10240x64xf32, #tpu.memory_space<vmem_shared>> -> memref<128x64xf32, #tpu.memory_space<vmem_shared>>
      %dma_start3A_322 = arith.constant 0 : i32
      %dma_start3A_323 = tpu.memref_slice %arg9[%add3A_69, %dma_start3A_322] : memref<10240x64xf32, #tpu.memory_space<vmem_shared>> -> memref<128x64xf32, #tpu.memory_space<vmem_shared>>
      tpu.enqueue_dma source(%arg8 : memref<128x64xf32, #tpu.memory_space<vmem>>) target(%dma_start3A_323 : memref<128x64xf32, #tpu.memory_space<vmem_shared>>) target_semaphore(%run_scoped3A : memref<!tpu.dma_semaphore, #tpu.memory_space<semaphore_mem>>)
      %dma_wait3A_324 = arith.constant 0 : i32
      %dma_wait3A_325 = tpu.memref_slice %arg9[%add3A_69, %dma_wait3A_324] : memref<10240x64xf32, #tpu.memory_space<vmem_shared>> -> memref<128x64xf32, #tpu.memory_space<vmem_shared>>
      %dma_wait3A_326 = arith.constant 0 : i32
      %dma_wait3A_327 = tpu.memref_slice %arg9[%add3A_69, %dma_wait3A_326] : memref<10240x64xf32, #tpu.memory_space<vmem_shared>> -> memref<128x64xf32, #tpu.memory_space<vmem_shared>>
      tpu.wait_dma2 semaphore(%run_scoped3A : memref<!tpu.dma_semaphore, #tpu.memory_space<semaphore_mem>>) src(%arg8 : memref<128x64xf32, #tpu.memory_space<vmem>>) dst(%dma_wait3A_327 : memref<128x64xf32, #tpu.memory_space<vmem_shared>>)
      tpu.yield
    }) : () -> ()
    %mul3A_70 = arith.constant 640 : i32
    %mul3A_71 = arith.muli %arg1, %mul3A_70 : i32
    %add3A_72 = arith.constant 384 : i32
    %add3A_73 = arith.addi %mul3A_71, %add3A_72 : i32
    "tpu.region"() ({
      %run_scoped3A = tpu.sem_alloc : memref<!tpu.dma_semaphore, #tpu.memory_space<semaphore_mem>>
      %dma_start3A_320 = arith.constant 0 : i32
      %dma_start3A_321 = tpu.memref_slice %arg9[%add3A_73, %dma_start3A_320] : memref<10240x64xf32, #tpu.memory_space<vmem_shared>> -> memref<128x64xf32, #tpu.memory_space<vmem_shared>>
      %dma_start3A_322 = arith.constant 0 : i32
      %dma_start3A_323 = tpu.memref_slice %arg9[%add3A_73, %dma_start3A_322] : memref<10240x64xf32, #tpu.memory_space<vmem_shared>> -> memref<128x64xf32, #tpu.memory_space<vmem_shared>>
      tpu.enqueue_dma source(%arg8 : memref<128x64xf32, #tpu.memory_space<vmem>>) target(%dma_start3A_323 : memref<128x64xf32, #tpu.memory_space<vmem_shared>>) target_semaphore(%run_scoped3A : memref<!tpu.dma_semaphore, #tpu.memory_space<semaphore_mem>>)
      %dma_wait3A_324 = arith.constant 0 : i32
      %dma_wait3A_325 = tpu.memref_slice %arg9[%add3A_73, %dma_wait3A_324] : memref<10240x64xf32, #tpu.memory_space<vmem_shared>> -> memref<128x64xf32, #tpu.memory_space<vmem_shared>>
      %dma_wait3A_326 = arith.constant 0 : i32
      %dma_wait3A_327 = tpu.memref_slice %arg9[%add3A_73, %dma_wait3A_326] : memref<10240x64xf32, #tpu.memory_space<vmem_shared>> -> memref<128x64xf32, #tpu.memory_space<vmem_shared>>
      tpu.wait_dma2 semaphore(%run_scoped3A : memref<!tpu.dma_semaphore, #tpu.memory_space<semaphore_mem>>) src(%arg8 : memref<128x64xf32, #tpu.memory_space<vmem>>) dst(%dma_wait3A_327 : memref<128x64xf32, #tpu.memory_space<vmem_shared>>)
      tpu.yield
    }) : () -> ()
    %mul3A_74 = arith.constant 640 : i32
    %mul3A_75 = arith.muli %arg1, %mul3A_74 : i32
    %add3A_76 = arith.constant 512 : i32
    %add3A_77 = arith.addi %mul3A_75, %add3A_76 : i32
    "tpu.region"() ({
      %run_scoped3A = tpu.sem_alloc : memref<!tpu.dma_semaphore, #tpu.memory_space<semaphore_mem>>
      %dma_start3A_320 = arith.constant 0 : i32
      %dma_start3A_321 = tpu.memref_slice %arg9[%add3A_77, %dma_start3A_320] : memref<10240x64xf32, #tpu.memory_space<vmem_shared>> -> memref<128x64xf32, #tpu.memory_space<vmem_shared>>
      %dma_start3A_322 = arith.constant 0 : i32
      %dma_start3A_323 = tpu.memref_slice %arg9[%add3A_77, %dma_start3A_322] : memref<10240x64xf32, #tpu.memory_space<vmem_shared>> -> memref<128x64xf32, #tpu.memory_space<vmem_shared>>
      tpu.enqueue_dma source(%arg8 : memref<128x64xf32, #tpu.memory_space<vmem>>) target(%dma_start3A_323 : memref<128x64xf32, #tpu.memory_space<vmem_shared>>) target_semaphore(%run_scoped3A : memref<!tpu.dma_semaphore, #tpu.memory_space<semaphore_mem>>)
      %dma_wait3A_324 = arith.constant 0 : i32
      %dma_wait3A_325 = tpu.memref_slice %arg9[%add3A_77, %dma_wait3A_324] : memref<10240x64xf32, #tpu.memory_space<vmem_shared>> -> memref<128x64xf32, #tpu.memory_space<vmem_shared>>
      %dma_wait3A_326 = arith.constant 0 : i32
      %dma_wait3A_327 = tpu.memref_slice %arg9[%add3A_77, %dma_wait3A_326] : memref<10240x64xf32, #tpu.memory_space<vmem_shared>> -> memref<128x64xf32, #tpu.memory_space<vmem_shared>>
      tpu.wait_dma2 semaphore(%run_scoped3A : memref<!tpu.dma_semaphore, #tpu.memory_space<semaphore_mem>>) src(%arg8 : memref<128x64xf32, #tpu.memory_space<vmem>>) dst(%dma_wait3A_327 : memref<128x64xf32, #tpu.memory_space<vmem_shared>>)
      tpu.yield
    }) : () -> ()
    %dma_wait3A = arith.constant 0 : i32
    %dma_wait3A_78 = tpu.memref_slice %arg3[%select_n3A, %dma_wait3A] : memref<16000x40xi32, #tpu.memory_space<hbm>> -> memref<250x40xi32, #tpu.memory_space<hbm>>
    %dma_wait3A_79 = arith.constant 0 : i32
    %dma_wait3A_80 = tpu.memref_slice %arg3[%select_n3A, %dma_wait3A_79] : memref<16000x40xi32, #tpu.memory_space<hbm>> -> memref<250x40xi32, #tpu.memory_space<hbm>>
    tpu.wait_dma2 semaphore(%arg10 : memref<!tpu.dma_semaphore, #tpu.memory_space<semaphore_mem>>) src(%dma_wait3A_80 : memref<250x40xi32, #tpu.memory_space<hbm>>) dst(%arg5 : memref<250x40xi32, #tpu.memory_space<vmem>>)
    %dma_wait3A_81 = arith.constant 0 : i32
    %dma_wait3A_82 = tpu.memref_slice %arg3[%select_n3A_44, %dma_wait3A_81] : memref<16000x40xi32, #tpu.memory_space<hbm>> -> memref<250x40xi32, #tpu.memory_space<hbm>>
    %dma_wait3A_83 = arith.constant 0 : i32
    %dma_wait3A_84 = tpu.memref_slice %arg3[%select_n3A_44, %dma_wait3A_83] : memref<16000x40xi32, #tpu.memory_space<hbm>> -> memref<250x40xi32, #tpu.memory_space<hbm>>
    tpu.wait_dma2 semaphore(%arg11 : memref<!tpu.dma_semaphore, #tpu.memory_space<semaphore_mem>>) src(%dma_wait3A_84 : memref<250x40xi32, #tpu.memory_space<hbm>>) dst(%arg6 : memref<250x40xi32, #tpu.memory_space<vmem>>)
    %barrier3A = arith.constant 0 : index
    tpu.barrier barrier_id(%barrier3A)
    %dma_start3A_85 = arith.constant 0 : i32
    %dma_start3A_86 = arith.constant 0 : i32
    %dma_start3A_87 = arith.constant 0 : i32
    %dma_start3A_88 = arith.constant 0 : i32
    %dma_start3A_89 = tpu.memref_slice %arg7[%dma_start3A_86, %dma_start3A_87, %dma_start3A_88] : memref<10x40x64xf32, #tpu.memory_space<vmem>> -> memref<1x40x64xf32, #tpu.memory_space<vmem>>
    %dma_start3A_90 = tpu.memref_squeeze %dma_start3A_89 : memref<1x40x64xf32, #tpu.memory_space<vmem>> -> memref<40x64xf32, #tpu.memory_space<vmem>>
    %dma_start3A_91 = arith.constant 0 : i32
    %dma_start3A_92 = tpu.memref_slice %arg5[%dma_start3A_85, %dma_start3A_91] : memref<250x40xi32, #tpu.memory_space<vmem>> -> memref<1x40xi32, #tpu.memory_space<vmem>>
    %dma_start3A_93 = tpu.memref_squeeze %dma_start3A_92 : memref<1x40xi32, #tpu.memory_space<vmem>> -> memref<40xi32, #tpu.memory_space<vmem>>
    %dma_start3A_94 = arith.constant 0 : i32
    %dma_start3A_95 = arith.constant 0 : i32
    %dma_start3A_96 = tpu.memref_slice %arg2[%dma_start3A_94, %dma_start3A_95] : memref<10240x64xf32, #tpu.memory_space<hbm>> -> memref<10240x64xf32, #tpu.memory_space<hbm>>
    tpu.enqueue_indirect_dma source(%dma_start3A_96 : memref<10240x64xf32, #tpu.memory_space<hbm>>) target(%dma_start3A_90 : memref<40x64xf32, #tpu.memory_space<vmem>>) offsets(%dma_start3A_93 : memref<40xi32, #tpu.memory_space<vmem>>) semaphore(%arg12 : memref<!tpu.dma_semaphore, #tpu.memory_space<semaphore_mem>>)
    %dma_start3A_97 = arith.constant 1 : i32
    %dma_start3A_98 = arith.constant 1 : i32
    %dma_start3A_99 = arith.constant 0 : i32
    %dma_start3A_100 = arith.constant 0 : i32
    %dma_start3A_101 = tpu.memref_slice %arg7[%dma_start3A_98, %dma_start3A_99, %dma_start3A_100] : memref<10x40x64xf32, #tpu.memory_space<vmem>> -> memref<1x40x64xf32, #tpu.memory_space<vmem>>
    %dma_start3A_102 = tpu.memref_squeeze %dma_start3A_101 : memref<1x40x64xf32, #tpu.memory_space<vmem>> -> memref<40x64xf32, #tpu.memory_space<vmem>>
    %dma_start3A_103 = arith.constant 0 : i32
    %dma_start3A_104 = tpu.memref_slice %arg5[%dma_start3A_97, %dma_start3A_103] : memref<250x40xi32, #tpu.memory_space<vmem>> -> memref<1x40xi32, #tpu.memory_space<vmem>>
    %dma_start3A_105 = tpu.memref_squeeze %dma_start3A_104 : memref<1x40xi32, #tpu.memory_space<vmem>> -> memref<40xi32, #tpu.memory_space<vmem>>
    %dma_start3A_106 = arith.constant 0 : i32
    %dma_start3A_107 = arith.constant 0 : i32
    %dma_start3A_108 = tpu.memref_slice %arg2[%dma_start3A_106, %dma_start3A_107] : memref<10240x64xf32, #tpu.memory_space<hbm>> -> memref<10240x64xf32, #tpu.memory_space<hbm>>
    tpu.enqueue_indirect_dma source(%dma_start3A_108 : memref<10240x64xf32, #tpu.memory_space<hbm>>) target(%dma_start3A_102 : memref<40x64xf32, #tpu.memory_space<vmem>>) offsets(%dma_start3A_105 : memref<40xi32, #tpu.memory_space<vmem>>) semaphore(%arg13 : memref<!tpu.dma_semaphore, #tpu.memory_space<semaphore_mem>>)
    %dma_start3A_109 = arith.constant 2 : i32
    %dma_start3A_110 = arith.constant 2 : i32
    %dma_start3A_111 = arith.constant 0 : i32
    %dma_start3A_112 = arith.constant 0 : i32
    %dma_start3A_113 = tpu.memref_slice %arg7[%dma_start3A_110, %dma_start3A_111, %dma_start3A_112] : memref<10x40x64xf32, #tpu.memory_space<vmem>> -> memref<1x40x64xf32, #tpu.memory_space<vmem>>
    %dma_start3A_114 = tpu.memref_squeeze %dma_start3A_113 : memref<1x40x64xf32, #tpu.memory_space<vmem>> -> memref<40x64xf32, #tpu.memory_space<vmem>>
    %dma_start3A_115 = arith.constant 0 : i32
    %dma_start3A_116 = tpu.memref_slice %arg5[%dma_start3A_109, %dma_start3A_115] : memref<250x40xi32, #tpu.memory_space<vmem>> -> memref<1x40xi32, #tpu.memory_space<vmem>>
    %dma_start3A_117 = tpu.memref_squeeze %dma_start3A_116 : memref<1x40xi32, #tpu.memory_space<vmem>> -> memref<40xi32, #tpu.memory_space<vmem>>
    %dma_start3A_118 = arith.constant 0 : i32
    %dma_start3A_119 = arith.constant 0 : i32
    %dma_start3A_120 = tpu.memref_slice %arg2[%dma_start3A_118, %dma_start3A_119] : memref<10240x64xf32, #tpu.memory_space<hbm>> -> memref<10240x64xf32, #tpu.memory_space<hbm>>
    tpu.enqueue_indirect_dma source(%dma_start3A_120 : memref<10240x64xf32, #tpu.memory_space<hbm>>) target(%dma_start3A_114 : memref<40x64xf32, #tpu.memory_space<vmem>>) offsets(%dma_start3A_117 : memref<40xi32, #tpu.memory_space<vmem>>) semaphore(%arg14 : memref<!tpu.dma_semaphore, #tpu.memory_space<semaphore_mem>>)
    %dma_start3A_121 = arith.constant 3 : i32
    %dma_start3A_122 = arith.constant 3 : i32
    %dma_start3A_123 = arith.constant 0 : i32
    %dma_start3A_124 = arith.constant 0 : i32
    %dma_start3A_125 = tpu.memref_slice %arg7[%dma_start3A_122, %dma_start3A_123, %dma_start3A_124] : memref<10x40x64xf32, #tpu.memory_space<vmem>> -> memref<1x40x64xf32, #tpu.memory_space<vmem>>
    %dma_start3A_126 = tpu.memref_squeeze %dma_start3A_125 : memref<1x40x64xf32, #tpu.memory_space<vmem>> -> memref<40x64xf32, #tpu.memory_space<vmem>>
    %dma_start3A_127 = arith.constant 0 : i32
    %dma_start3A_128 = tpu.memref_slice %arg5[%dma_start3A_121, %dma_start3A_127] : memref<250x40xi32, #tpu.memory_space<vmem>> -> memref<1x40xi32, #tpu.memory_space<vmem>>
    %dma_start3A_129 = tpu.memref_squeeze %dma_start3A_128 : memref<1x40xi32, #tpu.memory_space<vmem>> -> memref<40xi32, #tpu.memory_space<vmem>>
    %dma_start3A_130 = arith.constant 0 : i32
    %dma_start3A_131 = arith.constant 0 : i32
    %dma_start3A_132 = tpu.memref_slice %arg2[%dma_start3A_130, %dma_start3A_131] : memref<10240x64xf32, #tpu.memory_space<hbm>> -> memref<10240x64xf32, #tpu.memory_space<hbm>>
    tpu.enqueue_indirect_dma source(%dma_start3A_132 : memref<10240x64xf32, #tpu.memory_space<hbm>>) target(%dma_start3A_126 : memref<40x64xf32, #tpu.memory_space<vmem>>) offsets(%dma_start3A_129 : memref<40xi32, #tpu.memory_space<vmem>>) semaphore(%arg15 : memref<!tpu.dma_semaphore, #tpu.memory_space<semaphore_mem>>)
    %dma_start3A_133 = arith.constant 4 : i32
    %dma_start3A_134 = arith.constant 4 : i32
    %dma_start3A_135 = arith.constant 0 : i32
    %dma_start3A_136 = arith.constant 0 : i32
    %dma_start3A_137 = tpu.memref_slice %arg7[%dma_start3A_134, %dma_start3A_135, %dma_start3A_136] : memref<10x40x64xf32, #tpu.memory_space<vmem>> -> memref<1x40x64xf32, #tpu.memory_space<vmem>>
    %dma_start3A_138 = tpu.memref_squeeze %dma_start3A_137 : memref<1x40x64xf32, #tpu.memory_space<vmem>> -> memref<40x64xf32, #tpu.memory_space<vmem>>
    %dma_start3A_139 = arith.constant 0 : i32
    %dma_start3A_140 = tpu.memref_slice %arg5[%dma_start3A_133, %dma_start3A_139] : memref<250x40xi32, #tpu.memory_space<vmem>> -> memref<1x40xi32, #tpu.memory_space<vmem>>
    %dma_start3A_141 = tpu.memref_squeeze %dma_start3A_140 : memref<1x40xi32, #tpu.memory_space<vmem>> -> memref<40xi32, #tpu.memory_space<vmem>>
    %dma_start3A_142 = arith.constant 0 : i32
    %dma_start3A_143 = arith.constant 0 : i32
    %dma_start3A_144 = tpu.memref_slice %arg2[%dma_start3A_142, %dma_start3A_143] : memref<10240x64xf32, #tpu.memory_space<hbm>> -> memref<10240x64xf32, #tpu.memory_space<hbm>>
    tpu.enqueue_indirect_dma source(%dma_start3A_144 : memref<10240x64xf32, #tpu.memory_space<hbm>>) target(%dma_start3A_138 : memref<40x64xf32, #tpu.memory_space<vmem>>) offsets(%dma_start3A_141 : memref<40xi32, #tpu.memory_space<vmem>>) semaphore(%arg16 : memref<!tpu.dma_semaphore, #tpu.memory_space<semaphore_mem>>)
    %dma_start3A_145 = arith.constant 5 : i32
    %dma_start3A_146 = arith.constant 5 : i32
    %dma_start3A_147 = arith.constant 0 : i32
    %dma_start3A_148 = arith.constant 0 : i32
    %dma_start3A_149 = tpu.memref_slice %arg7[%dma_start3A_146, %dma_start3A_147, %dma_start3A_148] : memref<10x40x64xf32, #tpu.memory_space<vmem>> -> memref<1x40x64xf32, #tpu.memory_space<vmem>>
    %dma_start3A_150 = tpu.memref_squeeze %dma_start3A_149 : memref<1x40x64xf32, #tpu.memory_space<vmem>> -> memref<40x64xf32, #tpu.memory_space<vmem>>
    %dma_start3A_151 = arith.constant 0 : i32
    %dma_start3A_152 = tpu.memref_slice %arg5[%dma_start3A_145, %dma_start3A_151] : memref<250x40xi32, #tpu.memory_space<vmem>> -> memref<1x40xi32, #tpu.memory_space<vmem>>
    %dma_start3A_153 = tpu.memref_squeeze %dma_start3A_152 : memref<1x40xi32, #tpu.memory_space<vmem>> -> memref<40xi32, #tpu.memory_space<vmem>>
    %dma_start3A_154 = arith.constant 0 : i32
    %dma_start3A_155 = arith.constant 0 : i32
    %dma_start3A_156 = tpu.memref_slice %arg2[%dma_start3A_154, %dma_start3A_155] : memref<10240x64xf32, #tpu.memory_space<hbm>> -> memref<10240x64xf32, #tpu.memory_space<hbm>>
    tpu.enqueue_indirect_dma source(%dma_start3A_156 : memref<10240x64xf32, #tpu.memory_space<hbm>>) target(%dma_start3A_150 : memref<40x64xf32, #tpu.memory_space<vmem>>) offsets(%dma_start3A_153 : memref<40xi32, #tpu.memory_space<vmem>>) semaphore(%arg17 : memref<!tpu.dma_semaphore, #tpu.memory_space<semaphore_mem>>)
    %scan3A_157 = arith.constant 0 : i32
    %scan3A_158 = arith.constant 0 : i32
    %scan3A_159 = arith.constant 25 : i32
    %scan3A_160 = arith.addi %scan3A_158, %scan3A_159 : i32
    %scan3A_161 = arith.constant 1 : i32
    scf.for %scan3A_320 = %scan3A_158 to %scan3A_160 step %scan3A_161  : i32 {
      %mul3A_321 = arith.constant 10 : i32
      %mul3A_322 = arith.muli %scan3A_320, %mul3A_321 : i32
      %add3A_323 = arith.constant 0 : i32
      %add3A_324 = arith.addi %mul3A_322, %add3A_323 : i32
      %dma_wait3A_325 = arith.constant 0 : i32
      %dma_wait3A_326 = arith.constant 0 : i32
      %dma_wait3A_327 = arith.constant 0 : i32
      %dma_wait3A_328 = tpu.memref_slice %arg7[%dma_wait3A_325, %dma_wait3A_326, %dma_wait3A_327] : memref<10x40x64xf32, #tpu.memory_space<vmem>> -> memref<1x40x64xf32, #tpu.memory_space<vmem>>
      %dma_wait3A_329 = tpu.memref_squeeze %dma_wait3A_328 : memref<1x40x64xf32, #tpu.memory_space<vmem>> -> memref<40x64xf32, #tpu.memory_space<vmem>>
      %dma_wait3A_330 = arith.constant 0 : i32
      %dma_wait3A_331 = arith.constant 0 : i32
      %dma_wait3A_332 = tpu.memref_slice %arg2[%dma_wait3A_330, %dma_wait3A_331] : memref<10240x64xf32, #tpu.memory_space<hbm>> -> memref<40x64xf32, #tpu.memory_space<hbm>>
      %dma_wait3A_333 = arith.constant 0 : i32
      %dma_wait3A_334 = arith.constant 0 : i32
      %dma_wait3A_335 = tpu.memref_slice %arg7[%dma_wait3A_325, %dma_wait3A_333, %dma_wait3A_334] : memref<10x40x64xf32, #tpu.memory_space<vmem>> -> memref<1x40x64xf32, #tpu.memory_space<vmem>>
      %dma_wait3A_336 = tpu.memref_squeeze %dma_wait3A_335 : memref<1x40x64xf32, #tpu.memory_space<vmem>> -> memref<40x64xf32, #tpu.memory_space<vmem>>
      %dma_wait3A_337 = arith.constant 0 : i32
      %dma_wait3A_338 = arith.constant 0 : i32
      %dma_wait3A_339 = tpu.memref_slice %arg2[%dma_wait3A_337, %dma_wait3A_338] : memref<10240x64xf32, #tpu.memory_space<hbm>> -> memref<40x64xf32, #tpu.memory_space<hbm>>
      tpu.wait_dma2 semaphore(%arg12 : memref<!tpu.dma_semaphore, #tpu.memory_space<semaphore_mem>>) src(%dma_wait3A_339 : memref<40x64xf32, #tpu.memory_space<hbm>>) dst(%dma_wait3A_336 : memref<40x64xf32, #tpu.memory_space<vmem>>)
      %dma_start3A_340 = arith.constant 0 : i32
      %dma_start3A_341 = arith.constant 0 : i32
      %dma_start3A_342 = arith.constant 0 : i32
      %dma_start3A_343 = tpu.memref_slice %arg7[%dma_start3A_340, %dma_start3A_341, %dma_start3A_342] : memref<10x40x64xf32, #tpu.memory_space<vmem>> -> memref<1x40x64xf32, #tpu.memory_space<vmem>>
      %dma_start3A_344 = tpu.memref_squeeze %dma_start3A_343 : memref<1x40x64xf32, #tpu.memory_space<vmem>> -> memref<40x64xf32, #tpu.memory_space<vmem>>
      %dma_start3A_345 = arith.constant 0 : i32
      %dma_start3A_346 = tpu.memref_slice %arg6[%add3A_324, %dma_start3A_345] : memref<250x40xi32, #tpu.memory_space<vmem>> -> memref<1x40xi32, #tpu.memory_space<vmem>>
      %dma_start3A_347 = tpu.memref_squeeze %dma_start3A_346 : memref<1x40xi32, #tpu.memory_space<vmem>> -> memref<40xi32, #tpu.memory_space<vmem>>
      %dma_start3A_348 = arith.constant 0 : i32
      %dma_start3A_349 = arith.constant 0 : i32
      %dma_start3A_350 = tpu.memref_slice %arg9[%dma_start3A_348, %dma_start3A_349] : memref<10240x64xf32, #tpu.memory_space<vmem_shared>> -> memref<10240x64xf32, #tpu.memory_space<vmem_shared>>
      tpu.enqueue_indirect_dma source(%dma_start3A_344 : memref<40x64xf32, #tpu.memory_space<vmem>>) target(%dma_start3A_350 : memref<10240x64xf32, #tpu.memory_space<vmem_shared>>) offsets(%dma_start3A_347 : memref<40xi32, #tpu.memory_space<vmem>>) semaphore(%arg22 : memref<!tpu.dma_semaphore, #tpu.memory_space<semaphore_mem>>) {add = true}
      %add3A_351 = arith.constant 6 : i32
      %add3A_352 = arith.addi %add3A_324, %add3A_351 : i32
      %lt3A = arith.constant 250 : i32
      %lt3A_353 = arith.cmpi slt, %add3A_352, %lt3A : i32
      %convert_element_type3A = arith.extui %lt3A_353 : i1 to i32
      %cond3A = arith.constant 0 : i32
      %cond3A_354 = arith.cmpi ne, %convert_element_type3A, %cond3A : i32
      scf.if %cond3A_354 {
        %ge3A = arith.constant 10 : i32
        %ge3A_670 = arith.cmpi sge, %add3A_352, %ge3A : i32
        %convert_element_type3A_671 = arith.extui %ge3A_670 : i1 to i32
        %cond3A_672 = arith.constant 0 : i32
        %cond3A_673 = arith.cmpi ne, %convert_element_type3A_671, %cond3A_672 : i32
        scf.if %cond3A_673 {
          %dma_wait3A_685 = arith.constant 6 : i32
          %dma_wait3A_686 = arith.constant 0 : i32
          %dma_wait3A_687 = arith.constant 0 : i32
          %dma_wait3A_688 = tpu.memref_slice %arg7[%dma_wait3A_685, %dma_wait3A_686, %dma_wait3A_687] : memref<10x40x64xf32, #tpu.memory_space<vmem>> -> memref<1x40x64xf32, #tpu.memory_space<vmem>>
          %dma_wait3A_689 = tpu.memref_squeeze %dma_wait3A_688 : memref<1x40x64xf32, #tpu.memory_space<vmem>> -> memref<40x64xf32, #tpu.memory_space<vmem>>
          %dma_wait3A_690 = arith.constant 0 : i32
          %dma_wait3A_691 = arith.constant 0 : i32
          %dma_wait3A_692 = tpu.memref_slice %arg9[%dma_wait3A_690, %dma_wait3A_691] : memref<10240x64xf32, #tpu.memory_space<vmem_shared>> -> memref<40x64xf32, #tpu.memory_space<vmem_shared>>
          %dma_wait3A_693 = arith.constant 0 : i32
          %dma_wait3A_694 = arith.constant 0 : i32
          %dma_wait3A_695 = tpu.memref_slice %arg9[%dma_wait3A_693, %dma_wait3A_694] : memref<10240x64xf32, #tpu.memory_space<vmem_shared>> -> memref<40x64xf32, #tpu.memory_space<vmem_shared>>
          %dma_wait3A_696 = arith.constant 0 : i32
          %dma_wait3A_697 = arith.constant 0 : i32
          %dma_wait3A_698 = tpu.memref_slice %arg7[%dma_wait3A_685, %dma_wait3A_696, %dma_wait3A_697] : memref<10x40x64xf32, #tpu.memory_space<vmem>> -> memref<1x40x64xf32, #tpu.memory_space<vmem>>
          %dma_wait3A_699 = tpu.memref_squeeze %dma_wait3A_698 : memref<1x40x64xf32, #tpu.memory_space<vmem>> -> memref<40x64xf32, #tpu.memory_space<vmem>>
          tpu.wait_dma2 semaphore(%arg28 : memref<!tpu.dma_semaphore, #tpu.memory_space<semaphore_mem>>) src(%dma_wait3A_699 : memref<40x64xf32, #tpu.memory_space<vmem>>) dst(%dma_wait3A_695 : memref<40x64xf32, #tpu.memory_space<vmem_shared>>)
        } else {
        }
        %dma_start3A_674 = arith.constant 6 : i32
        %dma_start3A_675 = arith.constant 0 : i32
        %dma_start3A_676 = arith.constant 0 : i32
        %dma_start3A_677 = tpu.memref_slice %arg7[%dma_start3A_674, %dma_start3A_675, %dma_start3A_676] : memref<10x40x64xf32, #tpu.memory_space<vmem>> -> memref<1x40x64xf32, #tpu.memory_space<vmem>>
        %dma_start3A_678 = tpu.memref_squeeze %dma_start3A_677 : memref<1x40x64xf32, #tpu.memory_space<vmem>> -> memref<40x64xf32, #tpu.memory_space<vmem>>
        %dma_start3A_679 = arith.constant 0 : i32
        %dma_start3A_680 = tpu.memref_slice %arg5[%add3A_352, %dma_start3A_679] : memref<250x40xi32, #tpu.memory_space<vmem>> -> memref<1x40xi32, #tpu.memory_space<vmem>>
        %dma_start3A_681 = tpu.memref_squeeze %dma_start3A_680 : memref<1x40xi32, #tpu.memory_space<vmem>> -> memref<40xi32, #tpu.memory_space<vmem>>
        %dma_start3A_682 = arith.constant 0 : i32
        %dma_start3A_683 = arith.constant 0 : i32
        %dma_start3A_684 = tpu.memref_slice %arg2[%dma_start3A_682, %dma_start3A_683] : memref<10240x64xf32, #tpu.memory_space<hbm>> -> memref<10240x64xf32, #tpu.memory_space<hbm>>
        tpu.enqueue_indirect_dma source(%dma_start3A_684 : memref<10240x64xf32, #tpu.memory_space<hbm>>) target(%dma_start3A_678 : memref<40x64xf32, #tpu.memory_space<vmem>>) offsets(%dma_start3A_681 : memref<40xi32, #tpu.memory_space<vmem>>) semaphore(%arg18 : memref<!tpu.dma_semaphore, #tpu.memory_space<semaphore_mem>>)
      } else {
      }
      %add3A_355 = arith.constant 1 : i32
      %add3A_356 = arith.addi %mul3A_322, %add3A_355 : i32
      %dma_wait3A_357 = arith.constant 1 : i32
      %dma_wait3A_358 = arith.constant 0 : i32
      %dma_wait3A_359 = arith.constant 0 : i32
      %dma_wait3A_360 = tpu.memref_slice %arg7[%dma_wait3A_357, %dma_wait3A_358, %dma_wait3A_359] : memref<10x40x64xf32, #tpu.memory_space<vmem>> -> memref<1x40x64xf32, #tpu.memory_space<vmem>>
      %dma_wait3A_361 = tpu.memref_squeeze %dma_wait3A_360 : memref<1x40x64xf32, #tpu.memory_space<vmem>> -> memref<40x64xf32, #tpu.memory_space<vmem>>
      %dma_wait3A_362 = arith.constant 0 : i32
      %dma_wait3A_363 = arith.constant 0 : i32
      %dma_wait3A_364 = tpu.memref_slice %arg2[%dma_wait3A_362, %dma_wait3A_363] : memref<10240x64xf32, #tpu.memory_space<hbm>> -> memref<40x64xf32, #tpu.memory_space<hbm>>
      %dma_wait3A_365 = arith.constant 0 : i32
      %dma_wait3A_366 = arith.constant 0 : i32
      %dma_wait3A_367 = tpu.memref_slice %arg7[%dma_wait3A_357, %dma_wait3A_365, %dma_wait3A_366] : memref<10x40x64xf32, #tpu.memory_space<vmem>> -> memref<1x40x64xf32, #tpu.memory_space<vmem>>
      %dma_wait3A_368 = tpu.memref_squeeze %dma_wait3A_367 : memref<1x40x64xf32, #tpu.memory_space<vmem>> -> memref<40x64xf32, #tpu.memory_space<vmem>>
      %dma_wait3A_369 = arith.constant 0 : i32
      %dma_wait3A_370 = arith.constant 0 : i32
      %dma_wait3A_371 = tpu.memref_slice %arg2[%dma_wait3A_369, %dma_wait3A_370] : memref<10240x64xf32, #tpu.memory_space<hbm>> -> memref<40x64xf32, #tpu.memory_space<hbm>>
      tpu.wait_dma2 semaphore(%arg13 : memref<!tpu.dma_semaphore, #tpu.memory_space<semaphore_mem>>) src(%dma_wait3A_371 : memref<40x64xf32, #tpu.memory_space<hbm>>) dst(%dma_wait3A_368 : memref<40x64xf32, #tpu.memory_space<vmem>>)
      %dma_start3A_372 = arith.constant 1 : i32
      %dma_start3A_373 = arith.constant 0 : i32
      %dma_start3A_374 = arith.constant 0 : i32
      %dma_start3A_375 = tpu.memref_slice %arg7[%dma_start3A_372, %dma_start3A_373, %dma_start3A_374] : memref<10x40x64xf32, #tpu.memory_space<vmem>> -> memref<1x40x64xf32, #tpu.memory_space<vmem>>
      %dma_start3A_376 = tpu.memref_squeeze %dma_start3A_375 : memref<1x40x64xf32, #tpu.memory_space<vmem>> -> memref<40x64xf32, #tpu.memory_space<vmem>>
      %dma_start3A_377 = arith.constant 0 : i32
      %dma_start3A_378 = tpu.memref_slice %arg6[%add3A_356, %dma_start3A_377] : memref<250x40xi32, #tpu.memory_space<vmem>> -> memref<1x40xi32, #tpu.memory_space<vmem>>
      %dma_start3A_379 = tpu.memref_squeeze %dma_start3A_378 : memref<1x40xi32, #tpu.memory_space<vmem>> -> memref<40xi32, #tpu.memory_space<vmem>>
      %dma_start3A_380 = arith.constant 0 : i32
      %dma_start3A_381 = arith.constant 0 : i32
      %dma_start3A_382 = tpu.memref_slice %arg9[%dma_start3A_380, %dma_start3A_381] : memref<10240x64xf32, #tpu.memory_space<vmem_shared>> -> memref<10240x64xf32, #tpu.memory_space<vmem_shared>>
      tpu.enqueue_indirect_dma source(%dma_start3A_376 : memref<40x64xf32, #tpu.memory_space<vmem>>) target(%dma_start3A_382 : memref<10240x64xf32, #tpu.memory_space<vmem_shared>>) offsets(%dma_start3A_379 : memref<40xi32, #tpu.memory_space<vmem>>) semaphore(%arg23 : memref<!tpu.dma_semaphore, #tpu.memory_space<semaphore_mem>>) {add = true}
      %add3A_383 = arith.constant 6 : i32
      %add3A_384 = arith.addi %add3A_356, %add3A_383 : i32
      %lt3A_385 = arith.constant 250 : i32
      %lt3A_386 = arith.cmpi slt, %add3A_384, %lt3A_385 : i32
      %convert_element_type3A_387 = arith.extui %lt3A_386 : i1 to i32
      %cond3A_388 = arith.constant 0 : i32
      %cond3A_389 = arith.cmpi ne, %convert_element_type3A_387, %cond3A_388 : i32
      scf.if %cond3A_389 {
        %ge3A = arith.constant 10 : i32
        %ge3A_670 = arith.cmpi sge, %add3A_384, %ge3A : i32
        %convert_element_type3A_671 = arith.extui %ge3A_670 : i1 to i32
        %cond3A_672 = arith.constant 0 : i32
        %cond3A_673 = arith.cmpi ne, %convert_element_type3A_671, %cond3A_672 : i32
        scf.if %cond3A_673 {
          %dma_wait3A_685 = arith.constant 7 : i32
          %dma_wait3A_686 = arith.constant 0 : i32
          %dma_wait3A_687 = arith.constant 0 : i32
          %dma_wait3A_688 = tpu.memref_slice %arg7[%dma_wait3A_685, %dma_wait3A_686, %dma_wait3A_687] : memref<10x40x64xf32, #tpu.memory_space<vmem>> -> memref<1x40x64xf32, #tpu.memory_space<vmem>>
          %dma_wait3A_689 = tpu.memref_squeeze %dma_wait3A_688 : memref<1x40x64xf32, #tpu.memory_space<vmem>> -> memref<40x64xf32, #tpu.memory_space<vmem>>
          %dma_wait3A_690 = arith.constant 0 : i32
          %dma_wait3A_691 = arith.constant 0 : i32
          %dma_wait3A_692 = tpu.memref_slice %arg9[%dma_wait3A_690, %dma_wait3A_691] : memref<10240x64xf32, #tpu.memory_space<vmem_shared>> -> memref<40x64xf32, #tpu.memory_space<vmem_shared>>
          %dma_wait3A_693 = arith.constant 0 : i32
          %dma_wait3A_694 = arith.constant 0 : i32
          %dma_wait3A_695 = tpu.memref_slice %arg9[%dma_wait3A_693, %dma_wait3A_694] : memref<10240x64xf32, #tpu.memory_space<vmem_shared>> -> memref<40x64xf32, #tpu.memory_space<vmem_shared>>
          %dma_wait3A_696 = arith.constant 0 : i32
          %dma_wait3A_697 = arith.constant 0 : i32
          %dma_wait3A_698 = tpu.memref_slice %arg7[%dma_wait3A_685, %dma_wait3A_696, %dma_wait3A_697] : memref<10x40x64xf32, #tpu.memory_space<vmem>> -> memref<1x40x64xf32, #tpu.memory_space<vmem>>
          %dma_wait3A_699 = tpu.memref_squeeze %dma_wait3A_698 : memref<1x40x64xf32, #tpu.memory_space<vmem>> -> memref<40x64xf32, #tpu.memory_space<vmem>>
          tpu.wait_dma2 semaphore(%arg29 : memref<!tpu.dma_semaphore, #tpu.memory_space<semaphore_mem>>) src(%dma_wait3A_699 : memref<40x64xf32, #tpu.memory_space<vmem>>) dst(%dma_wait3A_695 : memref<40x64xf32, #tpu.memory_space<vmem_shared>>)
        } else {
        }
        %dma_start3A_674 = arith.constant 7 : i32
        %dma_start3A_675 = arith.constant 0 : i32
        %dma_start3A_676 = arith.constant 0 : i32
        %dma_start3A_677 = tpu.memref_slice %arg7[%dma_start3A_674, %dma_start3A_675, %dma_start3A_676] : memref<10x40x64xf32, #tpu.memory_space<vmem>> -> memref<1x40x64xf32, #tpu.memory_space<vmem>>
        %dma_start3A_678 = tpu.memref_squeeze %dma_start3A_677 : memref<1x40x64xf32, #tpu.memory_space<vmem>> -> memref<40x64xf32, #tpu.memory_space<vmem>>
        %dma_start3A_679 = arith.constant 0 : i32
        %dma_start3A_680 = tpu.memref_slice %arg5[%add3A_384, %dma_start3A_679] : memref<250x40xi32, #tpu.memory_space<vmem>> -> memref<1x40xi32, #tpu.memory_space<vmem>>
        %dma_start3A_681 = tpu.memref_squeeze %dma_start3A_680 : memref<1x40xi32, #tpu.memory_space<vmem>> -> memref<40xi32, #tpu.memory_space<vmem>>
        %dma_start3A_682 = arith.constant 0 : i32
        %dma_start3A_683 = arith.constant 0 : i32
        %dma_start3A_684 = tpu.memref_slice %arg2[%dma_start3A_682, %dma_start3A_683] : memref<10240x64xf32, #tpu.memory_space<hbm>> -> memref<10240x64xf32, #tpu.memory_space<hbm>>
        tpu.enqueue_indirect_dma source(%dma_start3A_684 : memref<10240x64xf32, #tpu.memory_space<hbm>>) target(%dma_start3A_678 : memref<40x64xf32, #tpu.memory_space<vmem>>) offsets(%dma_start3A_681 : memref<40xi32, #tpu.memory_space<vmem>>) semaphore(%arg19 : memref<!tpu.dma_semaphore, #tpu.memory_space<semaphore_mem>>)
      } else {
      }
      %add3A_390 = arith.constant 2 : i32
      %add3A_391 = arith.addi %mul3A_322, %add3A_390 : i32
      %dma_wait3A_392 = arith.constant 2 : i32
      %dma_wait3A_393 = arith.constant 0 : i32
      %dma_wait3A_394 = arith.constant 0 : i32
      %dma_wait3A_395 = tpu.memref_slice %arg7[%dma_wait3A_392, %dma_wait3A_393, %dma_wait3A_394] : memref<10x40x64xf32, #tpu.memory_space<vmem>> -> memref<1x40x64xf32, #tpu.memory_space<vmem>>
      %dma_wait3A_396 = tpu.memref_squeeze %dma_wait3A_395 : memref<1x40x64xf32, #tpu.memory_space<vmem>> -> memref<40x64xf32, #tpu.memory_space<vmem>>
      %dma_wait3A_397 = arith.constant 0 : i32
      %dma_wait3A_398 = arith.constant 0 : i32
      %dma_wait3A_399 = tpu.memref_slice %arg2[%dma_wait3A_397, %dma_wait3A_398] : memref<10240x64xf32, #tpu.memory_space<hbm>> -> memref<40x64xf32, #tpu.memory_space<hbm>>
      %dma_wait3A_400 = arith.constant 0 : i32
      %dma_wait3A_401 = arith.constant 0 : i32
      %dma_wait3A_402 = tpu.memref_slice %arg7[%dma_wait3A_392, %dma_wait3A_400, %dma_wait3A_401] : memref<10x40x64xf32, #tpu.memory_space<vmem>> -> memref<1x40x64xf32, #tpu.memory_space<vmem>>
      %dma_wait3A_403 = tpu.memref_squeeze %dma_wait3A_402 : memref<1x40x64xf32, #tpu.memory_space<vmem>> -> memref<40x64xf32, #tpu.memory_space<vmem>>
      %dma_wait3A_404 = arith.constant 0 : i32
      %dma_wait3A_405 = arith.constant 0 : i32
      %dma_wait3A_406 = tpu.memref_slice %arg2[%dma_wait3A_404, %dma_wait3A_405] : memref<10240x64xf32, #tpu.memory_space<hbm>> -> memref<40x64xf32, #tpu.memory_space<hbm>>
      tpu.wait_dma2 semaphore(%arg14 : memref<!tpu.dma_semaphore, #tpu.memory_space<semaphore_mem>>) src(%dma_wait3A_406 : memref<40x64xf32, #tpu.memory_space<hbm>>) dst(%dma_wait3A_403 : memref<40x64xf32, #tpu.memory_space<vmem>>)
      %dma_start3A_407 = arith.constant 2 : i32
      %dma_start3A_408 = arith.constant 0 : i32
      %dma_start3A_409 = arith.constant 0 : i32
      %dma_start3A_410 = tpu.memref_slice %arg7[%dma_start3A_407, %dma_start3A_408, %dma_start3A_409] : memref<10x40x64xf32, #tpu.memory_space<vmem>> -> memref<1x40x64xf32, #tpu.memory_space<vmem>>
      %dma_start3A_411 = tpu.memref_squeeze %dma_start3A_410 : memref<1x40x64xf32, #tpu.memory_space<vmem>> -> memref<40x64xf32, #tpu.memory_space<vmem>>
      %dma_start3A_412 = arith.constant 0 : i32
      %dma_start3A_413 = tpu.memref_slice %arg6[%add3A_391, %dma_start3A_412] : memref<250x40xi32, #tpu.memory_space<vmem>> -> memref<1x40xi32, #tpu.memory_space<vmem>>
      %dma_start3A_414 = tpu.memref_squeeze %dma_start3A_413 : memref<1x40xi32, #tpu.memory_space<vmem>> -> memref<40xi32, #tpu.memory_space<vmem>>
      %dma_start3A_415 = arith.constant 0 : i32
      %dma_start3A_416 = arith.constant 0 : i32
      %dma_start3A_417 = tpu.memref_slice %arg9[%dma_start3A_415, %dma_start3A_416] : memref<10240x64xf32, #tpu.memory_space<vmem_shared>> -> memref<10240x64xf32, #tpu.memory_space<vmem_shared>>
      tpu.enqueue_indirect_dma source(%dma_start3A_411 : memref<40x64xf32, #tpu.memory_space<vmem>>) target(%dma_start3A_417 : memref<10240x64xf32, #tpu.memory_space<vmem_shared>>) offsets(%dma_start3A_414 : memref<40xi32, #tpu.memory_space<vmem>>) semaphore(%arg24 : memref<!tpu.dma_semaphore, #tpu.memory_space<semaphore_mem>>) {add = true}
      %add3A_418 = arith.constant 6 : i32
      %add3A_419 = arith.addi %add3A_391, %add3A_418 : i32
      %lt3A_420 = arith.constant 250 : i32
      %lt3A_421 = arith.cmpi slt, %add3A_419, %lt3A_420 : i32
      %convert_element_type3A_422 = arith.extui %lt3A_421 : i1 to i32
      %cond3A_423 = arith.constant 0 : i32
      %cond3A_424 = arith.cmpi ne, %convert_element_type3A_422, %cond3A_423 : i32
      scf.if %cond3A_424 {
        %ge3A = arith.constant 10 : i32
        %ge3A_670 = arith.cmpi sge, %add3A_419, %ge3A : i32
        %convert_element_type3A_671 = arith.extui %ge3A_670 : i1 to i32
        %cond3A_672 = arith.constant 0 : i32
        %cond3A_673 = arith.cmpi ne, %convert_element_type3A_671, %cond3A_672 : i32
        scf.if %cond3A_673 {
          %dma_wait3A_685 = arith.constant 8 : i32
          %dma_wait3A_686 = arith.constant 0 : i32
          %dma_wait3A_687 = arith.constant 0 : i32
          %dma_wait3A_688 = tpu.memref_slice %arg7[%dma_wait3A_685, %dma_wait3A_686, %dma_wait3A_687] : memref<10x40x64xf32, #tpu.memory_space<vmem>> -> memref<1x40x64xf32, #tpu.memory_space<vmem>>
          %dma_wait3A_689 = tpu.memref_squeeze %dma_wait3A_688 : memref<1x40x64xf32, #tpu.memory_space<vmem>> -> memref<40x64xf32, #tpu.memory_space<vmem>>
          %dma_wait3A_690 = arith.constant 0 : i32
          %dma_wait3A_691 = arith.constant 0 : i32
          %dma_wait3A_692 = tpu.memref_slice %arg9[%dma_wait3A_690, %dma_wait3A_691] : memref<10240x64xf32, #tpu.memory_space<vmem_shared>> -> memref<40x64xf32, #tpu.memory_space<vmem_shared>>
          %dma_wait3A_693 = arith.constant 0 : i32
          %dma_wait3A_694 = arith.constant 0 : i32
          %dma_wait3A_695 = tpu.memref_slice %arg9[%dma_wait3A_693, %dma_wait3A_694] : memref<10240x64xf32, #tpu.memory_space<vmem_shared>> -> memref<40x64xf32, #tpu.memory_space<vmem_shared>>
          %dma_wait3A_696 = arith.constant 0 : i32
          %dma_wait3A_697 = arith.constant 0 : i32
          %dma_wait3A_698 = tpu.memref_slice %arg7[%dma_wait3A_685, %dma_wait3A_696, %dma_wait3A_697] : memref<10x40x64xf32, #tpu.memory_space<vmem>> -> memref<1x40x64xf32, #tpu.memory_space<vmem>>
          %dma_wait3A_699 = tpu.memref_squeeze %dma_wait3A_698 : memref<1x40x64xf32, #tpu.memory_space<vmem>> -> memref<40x64xf32, #tpu.memory_space<vmem>>
          tpu.wait_dma2 semaphore(%arg30 : memref<!tpu.dma_semaphore, #tpu.memory_space<semaphore_mem>>) src(%dma_wait3A_699 : memref<40x64xf32, #tpu.memory_space<vmem>>) dst(%dma_wait3A_695 : memref<40x64xf32, #tpu.memory_space<vmem_shared>>)
        } else {
        }
        %dma_start3A_674 = arith.constant 8 : i32
        %dma_start3A_675 = arith.constant 0 : i32
        %dma_start3A_676 = arith.constant 0 : i32
        %dma_start3A_677 = tpu.memref_slice %arg7[%dma_start3A_674, %dma_start3A_675, %dma_start3A_676] : memref<10x40x64xf32, #tpu.memory_space<vmem>> -> memref<1x40x64xf32, #tpu.memory_space<vmem>>
        %dma_start3A_678 = tpu.memref_squeeze %dma_start3A_677 : memref<1x40x64xf32, #tpu.memory_space<vmem>> -> memref<40x64xf32, #tpu.memory_space<vmem>>
        %dma_start3A_679 = arith.constant 0 : i32
        %dma_start3A_680 = tpu.memref_slice %arg5[%add3A_419, %dma_start3A_679] : memref<250x40xi32, #tpu.memory_space<vmem>> -> memref<1x40xi32, #tpu.memory_space<vmem>>
        %dma_start3A_681 = tpu.memref_squeeze %dma_start3A_680 : memref<1x40xi32, #tpu.memory_space<vmem>> -> memref<40xi32, #tpu.memory_space<vmem>>
        %dma_start3A_682 = arith.constant 0 : i32
        %dma_start3A_683 = arith.constant 0 : i32
        %dma_start3A_684 = tpu.memref_slice %arg2[%dma_start3A_682, %dma_start3A_683] : memref<10240x64xf32, #tpu.memory_space<hbm>> -> memref<10240x64xf32, #tpu.memory_space<hbm>>
        tpu.enqueue_indirect_dma source(%dma_start3A_684 : memref<10240x64xf32, #tpu.memory_space<hbm>>) target(%dma_start3A_678 : memref<40x64xf32, #tpu.memory_space<vmem>>) offsets(%dma_start3A_681 : memref<40xi32, #tpu.memory_space<vmem>>) semaphore(%arg20 : memref<!tpu.dma_semaphore, #tpu.memory_space<semaphore_mem>>)
      } else {
      }
      %add3A_425 = arith.constant 3 : i32
      %add3A_426 = arith.addi %mul3A_322, %add3A_425 : i32
      %dma_wait3A_427 = arith.constant 3 : i32
      %dma_wait3A_428 = arith.constant 0 : i32
      %dma_wait3A_429 = arith.constant 0 : i32
      %dma_wait3A_430 = tpu.memref_slice %arg7[%dma_wait3A_427, %dma_wait3A_428, %dma_wait3A_429] : memref<10x40x64xf32, #tpu.memory_space<vmem>> -> memref<1x40x64xf32, #tpu.memory_space<vmem>>
      %dma_wait3A_431 = tpu.memref_squeeze %dma_wait3A_430 : memref<1x40x64xf32, #tpu.memory_space<vmem>> -> memref<40x64xf32, #tpu.memory_space<vmem>>
      %dma_wait3A_432 = arith.constant 0 : i32
      %dma_wait3A_433 = arith.constant 0 : i32
      %dma_wait3A_434 = tpu.memref_slice %arg2[%dma_wait3A_432, %dma_wait3A_433] : memref<10240x64xf32, #tpu.memory_space<hbm>> -> memref<40x64xf32, #tpu.memory_space<hbm>>
      %dma_wait3A_435 = arith.constant 0 : i32
      %dma_wait3A_436 = arith.constant 0 : i32
      %dma_wait3A_437 = tpu.memref_slice %arg7[%dma_wait3A_427, %dma_wait3A_435, %dma_wait3A_436] : memref<10x40x64xf32, #tpu.memory_space<vmem>> -> memref<1x40x64xf32, #tpu.memory_space<vmem>>
      %dma_wait3A_438 = tpu.memref_squeeze %dma_wait3A_437 : memref<1x40x64xf32, #tpu.memory_space<vmem>> -> memref<40x64xf32, #tpu.memory_space<vmem>>
      %dma_wait3A_439 = arith.constant 0 : i32
      %dma_wait3A_440 = arith.constant 0 : i32
      %dma_wait3A_441 = tpu.memref_slice %arg2[%dma_wait3A_439, %dma_wait3A_440] : memref<10240x64xf32, #tpu.memory_space<hbm>> -> memref<40x64xf32, #tpu.memory_space<hbm>>
      tpu.wait_dma2 semaphore(%arg15 : memref<!tpu.dma_semaphore, #tpu.memory_space<semaphore_mem>>) src(%dma_wait3A_441 : memref<40x64xf32, #tpu.memory_space<hbm>>) dst(%dma_wait3A_438 : memref<40x64xf32, #tpu.memory_space<vmem>>)
      %dma_start3A_442 = arith.constant 3 : i32
      %dma_start3A_443 = arith.constant 0 : i32
      %dma_start3A_444 = arith.constant 0 : i32
      %dma_start3A_445 = tpu.memref_slice %arg7[%dma_start3A_442, %dma_start3A_443, %dma_start3A_444] : memref<10x40x64xf32, #tpu.memory_space<vmem>> -> memref<1x40x64xf32, #tpu.memory_space<vmem>>
      %dma_start3A_446 = tpu.memref_squeeze %dma_start3A_445 : memref<1x40x64xf32, #tpu.memory_space<vmem>> -> memref<40x64xf32, #tpu.memory_space<vmem>>
      %dma_start3A_447 = arith.constant 0 : i32
      %dma_start3A_448 = tpu.memref_slice %arg6[%add3A_426, %dma_start3A_447] : memref<250x40xi32, #tpu.memory_space<vmem>> -> memref<1x40xi32, #tpu.memory_space<vmem>>
      %dma_start3A_449 = tpu.memref_squeeze %dma_start3A_448 : memref<1x40xi32, #tpu.memory_space<vmem>> -> memref<40xi32, #tpu.memory_space<vmem>>
      %dma_start3A_450 = arith.constant 0 : i32
      %dma_start3A_451 = arith.constant 0 : i32
      %dma_start3A_452 = tpu.memref_slice %arg9[%dma_start3A_450, %dma_start3A_451] : memref<10240x64xf32, #tpu.memory_space<vmem_shared>> -> memref<10240x64xf32, #tpu.memory_space<vmem_shared>>
      tpu.enqueue_indirect_dma source(%dma_start3A_446 : memref<40x64xf32, #tpu.memory_space<vmem>>) target(%dma_start3A_452 : memref<10240x64xf32, #tpu.memory_space<vmem_shared>>) offsets(%dma_start3A_449 : memref<40xi32, #tpu.memory_space<vmem>>) semaphore(%arg25 : memref<!tpu.dma_semaphore, #tpu.memory_space<semaphore_mem>>) {add = true}
      %add3A_453 = arith.constant 6 : i32
      %add3A_454 = arith.addi %add3A_426, %add3A_453 : i32
      %lt3A_455 = arith.constant 250 : i32
      %lt3A_456 = arith.cmpi slt, %add3A_454, %lt3A_455 : i32
      %convert_element_type3A_457 = arith.extui %lt3A_456 : i1 to i32
      %cond3A_458 = arith.constant 0 : i32
      %cond3A_459 = arith.cmpi ne, %convert_element_type3A_457, %cond3A_458 : i32
      scf.if %cond3A_459 {
        %ge3A = arith.constant 10 : i32
        %ge3A_670 = arith.cmpi sge, %add3A_454, %ge3A : i32
        %convert_element_type3A_671 = arith.extui %ge3A_670 : i1 to i32
        %cond3A_672 = arith.constant 0 : i32
        %cond3A_673 = arith.cmpi ne, %convert_element_type3A_671, %cond3A_672 : i32
        scf.if %cond3A_673 {
          %dma_wait3A_685 = arith.constant 9 : i32
          %dma_wait3A_686 = arith.constant 0 : i32
          %dma_wait3A_687 = arith.constant 0 : i32
          %dma_wait3A_688 = tpu.memref_slice %arg7[%dma_wait3A_685, %dma_wait3A_686, %dma_wait3A_687] : memref<10x40x64xf32, #tpu.memory_space<vmem>> -> memref<1x40x64xf32, #tpu.memory_space<vmem>>
          %dma_wait3A_689 = tpu.memref_squeeze %dma_wait3A_688 : memref<1x40x64xf32, #tpu.memory_space<vmem>> -> memref<40x64xf32, #tpu.memory_space<vmem>>
          %dma_wait3A_690 = arith.constant 0 : i32
          %dma_wait3A_691 = arith.constant 0 : i32
          %dma_wait3A_692 = tpu.memref_slice %arg9[%dma_wait3A_690, %dma_wait3A_691] : memref<10240x64xf32, #tpu.memory_space<vmem_shared>> -> memref<40x64xf32, #tpu.memory_space<vmem_shared>>
          %dma_wait3A_693 = arith.constant 0 : i32
          %dma_wait3A_694 = arith.constant 0 : i32
          %dma_wait3A_695 = tpu.memref_slice %arg9[%dma_wait3A_693, %dma_wait3A_694] : memref<10240x64xf32, #tpu.memory_space<vmem_shared>> -> memref<40x64xf32, #tpu.memory_space<vmem_shared>>
          %dma_wait3A_696 = arith.constant 0 : i32
          %dma_wait3A_697 = arith.constant 0 : i32
          %dma_wait3A_698 = tpu.memref_slice %arg7[%dma_wait3A_685, %dma_wait3A_696, %dma_wait3A_697] : memref<10x40x64xf32, #tpu.memory_space<vmem>> -> memref<1x40x64xf32, #tpu.memory_space<vmem>>
          %dma_wait3A_699 = tpu.memref_squeeze %dma_wait3A_698 : memref<1x40x64xf32, #tpu.memory_space<vmem>> -> memref<40x64xf32, #tpu.memory_space<vmem>>
          tpu.wait_dma2 semaphore(%arg31 : memref<!tpu.dma_semaphore, #tpu.memory_space<semaphore_mem>>) src(%dma_wait3A_699 : memref<40x64xf32, #tpu.memory_space<vmem>>) dst(%dma_wait3A_695 : memref<40x64xf32, #tpu.memory_space<vmem_shared>>)
        } else {
        }
        %dma_start3A_674 = arith.constant 9 : i32
        %dma_start3A_675 = arith.constant 0 : i32
        %dma_start3A_676 = arith.constant 0 : i32
        %dma_start3A_677 = tpu.memref_slice %arg7[%dma_start3A_674, %dma_start3A_675, %dma_start3A_676] : memref<10x40x64xf32, #tpu.memory_space<vmem>> -> memref<1x40x64xf32, #tpu.memory_space<vmem>>
        %dma_start3A_678 = tpu.memref_squeeze %dma_start3A_677 : memref<1x40x64xf32, #tpu.memory_space<vmem>> -> memref<40x64xf32, #tpu.memory_space<vmem>>
        %dma_start3A_679 = arith.constant 0 : i32
        %dma_start3A_680 = tpu.memref_slice %arg5[%add3A_454, %dma_start3A_679] : memref<250x40xi32, #tpu.memory_space<vmem>> -> memref<1x40xi32, #tpu.memory_space<vmem>>
        %dma_start3A_681 = tpu.memref_squeeze %dma_start3A_680 : memref<1x40xi32, #tpu.memory_space<vmem>> -> memref<40xi32, #tpu.memory_space<vmem>>
        %dma_start3A_682 = arith.constant 0 : i32
        %dma_start3A_683 = arith.constant 0 : i32
        %dma_start3A_684 = tpu.memref_slice %arg2[%dma_start3A_682, %dma_start3A_683] : memref<10240x64xf32, #tpu.memory_space<hbm>> -> memref<10240x64xf32, #tpu.memory_space<hbm>>
        tpu.enqueue_indirect_dma source(%dma_start3A_684 : memref<10240x64xf32, #tpu.memory_space<hbm>>) target(%dma_start3A_678 : memref<40x64xf32, #tpu.memory_space<vmem>>) offsets(%dma_start3A_681 : memref<40xi32, #tpu.memory_space<vmem>>) semaphore(%arg21 : memref<!tpu.dma_semaphore, #tpu.memory_space<semaphore_mem>>)
      } else {
      }
      %add3A_460 = arith.constant 4 : i32
      %add3A_461 = arith.addi %mul3A_322, %add3A_460 : i32
      %dma_wait3A_462 = arith.constant 4 : i32
      %dma_wait3A_463 = arith.constant 0 : i32
      %dma_wait3A_464 = arith.constant 0 : i32
      %dma_wait3A_465 = tpu.memref_slice %arg7[%dma_wait3A_462, %dma_wait3A_463, %dma_wait3A_464] : memref<10x40x64xf32, #tpu.memory_space<vmem>> -> memref<1x40x64xf32, #tpu.memory_space<vmem>>
      %dma_wait3A_466 = tpu.memref_squeeze %dma_wait3A_465 : memref<1x40x64xf32, #tpu.memory_space<vmem>> -> memref<40x64xf32, #tpu.memory_space<vmem>>
      %dma_wait3A_467 = arith.constant 0 : i32
      %dma_wait3A_468 = arith.constant 0 : i32
      %dma_wait3A_469 = tpu.memref_slice %arg2[%dma_wait3A_467, %dma_wait3A_468] : memref<10240x64xf32, #tpu.memory_space<hbm>> -> memref<40x64xf32, #tpu.memory_space<hbm>>
      %dma_wait3A_470 = arith.constant 0 : i32
      %dma_wait3A_471 = arith.constant 0 : i32
      %dma_wait3A_472 = tpu.memref_slice %arg7[%dma_wait3A_462, %dma_wait3A_470, %dma_wait3A_471] : memref<10x40x64xf32, #tpu.memory_space<vmem>> -> memref<1x40x64xf32, #tpu.memory_space<vmem>>
      %dma_wait3A_473 = tpu.memref_squeeze %dma_wait3A_472 : memref<1x40x64xf32, #tpu.memory_space<vmem>> -> memref<40x64xf32, #tpu.memory_space<vmem>>
      %dma_wait3A_474 = arith.constant 0 : i32
      %dma_wait3A_475 = arith.constant 0 : i32
      %dma_wait3A_476 = tpu.memref_slice %arg2[%dma_wait3A_474, %dma_wait3A_475] : memref<10240x64xf32, #tpu.memory_space<hbm>> -> memref<40x64xf32, #tpu.memory_space<hbm>>
      tpu.wait_dma2 semaphore(%arg16 : memref<!tpu.dma_semaphore, #tpu.memory_space<semaphore_mem>>) src(%dma_wait3A_476 : memref<40x64xf32, #tpu.memory_space<hbm>>) dst(%dma_wait3A_473 : memref<40x64xf32, #tpu.memory_space<vmem>>)
      %dma_start3A_477 = arith.constant 4 : i32
      %dma_start3A_478 = arith.constant 0 : i32
      %dma_start3A_479 = arith.constant 0 : i32
      %dma_start3A_480 = tpu.memref_slice %arg7[%dma_start3A_477, %dma_start3A_478, %dma_start3A_479] : memref<10x40x64xf32, #tpu.memory_space<vmem>> -> memref<1x40x64xf32, #tpu.memory_space<vmem>>
      %dma_start3A_481 = tpu.memref_squeeze %dma_start3A_480 : memref<1x40x64xf32, #tpu.memory_space<vmem>> -> memref<40x64xf32, #tpu.memory_space<vmem>>
      %dma_start3A_482 = arith.constant 0 : i32
      %dma_start3A_483 = tpu.memref_slice %arg6[%add3A_461, %dma_start3A_482] : memref<250x40xi32, #tpu.memory_space<vmem>> -> memref<1x40xi32, #tpu.memory_space<vmem>>
      %dma_start3A_484 = tpu.memref_squeeze %dma_start3A_483 : memref<1x40xi32, #tpu.memory_space<vmem>> -> memref<40xi32, #tpu.memory_space<vmem>>
      %dma_start3A_485 = arith.constant 0 : i32
      %dma_start3A_486 = arith.constant 0 : i32
      %dma_start3A_487 = tpu.memref_slice %arg9[%dma_start3A_485, %dma_start3A_486] : memref<10240x64xf32, #tpu.memory_space<vmem_shared>> -> memref<10240x64xf32, #tpu.memory_space<vmem_shared>>
      tpu.enqueue_indirect_dma source(%dma_start3A_481 : memref<40x64xf32, #tpu.memory_space<vmem>>) target(%dma_start3A_487 : memref<10240x64xf32, #tpu.memory_space<vmem_shared>>) offsets(%dma_start3A_484 : memref<40xi32, #tpu.memory_space<vmem>>) semaphore(%arg26 : memref<!tpu.dma_semaphore, #tpu.memory_space<semaphore_mem>>) {add = true}
      %add3A_488 = arith.constant 6 : i32
      %add3A_489 = arith.addi %add3A_461, %add3A_488 : i32
      %lt3A_490 = arith.constant 250 : i32
      %lt3A_491 = arith.cmpi slt, %add3A_489, %lt3A_490 : i32
      %convert_element_type3A_492 = arith.extui %lt3A_491 : i1 to i32
      %cond3A_493 = arith.constant 0 : i32
      %cond3A_494 = arith.cmpi ne, %convert_element_type3A_492, %cond3A_493 : i32
      scf.if %cond3A_494 {
        %ge3A = arith.constant 10 : i32
        %ge3A_670 = arith.cmpi sge, %add3A_489, %ge3A : i32
        %convert_element_type3A_671 = arith.extui %ge3A_670 : i1 to i32
        %cond3A_672 = arith.constant 0 : i32
        %cond3A_673 = arith.cmpi ne, %convert_element_type3A_671, %cond3A_672 : i32
        scf.if %cond3A_673 {
          %dma_wait3A_685 = arith.constant 0 : i32
          %dma_wait3A_686 = arith.constant 0 : i32
          %dma_wait3A_687 = arith.constant 0 : i32
          %dma_wait3A_688 = tpu.memref_slice %arg7[%dma_wait3A_685, %dma_wait3A_686, %dma_wait3A_687] : memref<10x40x64xf32, #tpu.memory_space<vmem>> -> memref<1x40x64xf32, #tpu.memory_space<vmem>>
          %dma_wait3A_689 = tpu.memref_squeeze %dma_wait3A_688 : memref<1x40x64xf32, #tpu.memory_space<vmem>> -> memref<40x64xf32, #tpu.memory_space<vmem>>
          %dma_wait3A_690 = arith.constant 0 : i32
          %dma_wait3A_691 = arith.constant 0 : i32
          %dma_wait3A_692 = tpu.memref_slice %arg9[%dma_wait3A_690, %dma_wait3A_691] : memref<10240x64xf32, #tpu.memory_space<vmem_shared>> -> memref<40x64xf32, #tpu.memory_space<vmem_shared>>
          %dma_wait3A_693 = arith.constant 0 : i32
          %dma_wait3A_694 = arith.constant 0 : i32
          %dma_wait3A_695 = tpu.memref_slice %arg9[%dma_wait3A_693, %dma_wait3A_694] : memref<10240x64xf32, #tpu.memory_space<vmem_shared>> -> memref<40x64xf32, #tpu.memory_space<vmem_shared>>
          %dma_wait3A_696 = arith.constant 0 : i32
          %dma_wait3A_697 = arith.constant 0 : i32
          %dma_wait3A_698 = tpu.memref_slice %arg7[%dma_wait3A_685, %dma_wait3A_696, %dma_wait3A_697] : memref<10x40x64xf32, #tpu.memory_space<vmem>> -> memref<1x40x64xf32, #tpu.memory_space<vmem>>
          %dma_wait3A_699 = tpu.memref_squeeze %dma_wait3A_698 : memref<1x40x64xf32, #tpu.memory_space<vmem>> -> memref<40x64xf32, #tpu.memory_space<vmem>>
          tpu.wait_dma2 semaphore(%arg22 : memref<!tpu.dma_semaphore, #tpu.memory_space<semaphore_mem>>) src(%dma_wait3A_699 : memref<40x64xf32, #tpu.memory_space<vmem>>) dst(%dma_wait3A_695 : memref<40x64xf32, #tpu.memory_space<vmem_shared>>)
        } else {
        }
        %dma_start3A_674 = arith.constant 0 : i32
        %dma_start3A_675 = arith.constant 0 : i32
        %dma_start3A_676 = arith.constant 0 : i32
        %dma_start3A_677 = tpu.memref_slice %arg7[%dma_start3A_674, %dma_start3A_675, %dma_start3A_676] : memref<10x40x64xf32, #tpu.memory_space<vmem>> -> memref<1x40x64xf32, #tpu.memory_space<vmem>>
        %dma_start3A_678 = tpu.memref_squeeze %dma_start3A_677 : memref<1x40x64xf32, #tpu.memory_space<vmem>> -> memref<40x64xf32, #tpu.memory_space<vmem>>
        %dma_start3A_679 = arith.constant 0 : i32
        %dma_start3A_680 = tpu.memref_slice %arg5[%add3A_489, %dma_start3A_679] : memref<250x40xi32, #tpu.memory_space<vmem>> -> memref<1x40xi32, #tpu.memory_space<vmem>>
        %dma_start3A_681 = tpu.memref_squeeze %dma_start3A_680 : memref<1x40xi32, #tpu.memory_space<vmem>> -> memref<40xi32, #tpu.memory_space<vmem>>
        %dma_start3A_682 = arith.constant 0 : i32
        %dma_start3A_683 = arith.constant 0 : i32
        %dma_start3A_684 = tpu.memref_slice %arg2[%dma_start3A_682, %dma_start3A_683] : memref<10240x64xf32, #tpu.memory_space<hbm>> -> memref<10240x64xf32, #tpu.memory_space<hbm>>
        tpu.enqueue_indirect_dma source(%dma_start3A_684 : memref<10240x64xf32, #tpu.memory_space<hbm>>) target(%dma_start3A_678 : memref<40x64xf32, #tpu.memory_space<vmem>>) offsets(%dma_start3A_681 : memref<40xi32, #tpu.memory_space<vmem>>) semaphore(%arg12 : memref<!tpu.dma_semaphore, #tpu.memory_space<semaphore_mem>>)
      } else {
      }
      %add3A_495 = arith.constant 5 : i32
      %add3A_496 = arith.addi %mul3A_322, %add3A_495 : i32
      %dma_wait3A_497 = arith.constant 5 : i32
      %dma_wait3A_498 = arith.constant 0 : i32
      %dma_wait3A_499 = arith.constant 0 : i32
      %dma_wait3A_500 = tpu.memref_slice %arg7[%dma_wait3A_497, %dma_wait3A_498, %dma_wait3A_499] : memref<10x40x64xf32, #tpu.memory_space<vmem>> -> memref<1x40x64xf32, #tpu.memory_space<vmem>>
      %dma_wait3A_501 = tpu.memref_squeeze %dma_wait3A_500 : memref<1x40x64xf32, #tpu.memory_space<vmem>> -> memref<40x64xf32, #tpu.memory_space<vmem>>
      %dma_wait3A_502 = arith.constant 0 : i32
      %dma_wait3A_503 = arith.constant 0 : i32
      %dma_wait3A_504 = tpu.memref_slice %arg2[%dma_wait3A_502, %dma_wait3A_503] : memref<10240x64xf32, #tpu.memory_space<hbm>> -> memref<40x64xf32, #tpu.memory_space<hbm>>
      %dma_wait3A_505 = arith.constant 0 : i32
      %dma_wait3A_506 = arith.constant 0 : i32
      %dma_wait3A_507 = tpu.memref_slice %arg7[%dma_wait3A_497, %dma_wait3A_505, %dma_wait3A_506] : memref<10x40x64xf32, #tpu.memory_space<vmem>> -> memref<1x40x64xf32, #tpu.memory_space<vmem>>
      %dma_wait3A_508 = tpu.memref_squeeze %dma_wait3A_507 : memref<1x40x64xf32, #tpu.memory_space<vmem>> -> memref<40x64xf32, #tpu.memory_space<vmem>>
      %dma_wait3A_509 = arith.constant 0 : i32
      %dma_wait3A_510 = arith.constant 0 : i32
      %dma_wait3A_511 = tpu.memref_slice %arg2[%dma_wait3A_509, %dma_wait3A_510] : memref<10240x64xf32, #tpu.memory_space<hbm>> -> memref<40x64xf32, #tpu.memory_space<hbm>>
      tpu.wait_dma2 semaphore(%arg17 : memref<!tpu.dma_semaphore, #tpu.memory_space<semaphore_mem>>) src(%dma_wait3A_511 : memref<40x64xf32, #tpu.memory_space<hbm>>) dst(%dma_wait3A_508 : memref<40x64xf32, #tpu.memory_space<vmem>>)
      %dma_start3A_512 = arith.constant 5 : i32
      %dma_start3A_513 = arith.constant 0 : i32
      %dma_start3A_514 = arith.constant 0 : i32
      %dma_start3A_515 = tpu.memref_slice %arg7[%dma_start3A_512, %dma_start3A_513, %dma_start3A_514] : memref<10x40x64xf32, #tpu.memory_space<vmem>> -> memref<1x40x64xf32, #tpu.memory_space<vmem>>
      %dma_start3A_516 = tpu.memref_squeeze %dma_start3A_515 : memref<1x40x64xf32, #tpu.memory_space<vmem>> -> memref<40x64xf32, #tpu.memory_space<vmem>>
      %dma_start3A_517 = arith.constant 0 : i32
      %dma_start3A_518 = tpu.memref_slice %arg6[%add3A_496, %dma_start3A_517] : memref<250x40xi32, #tpu.memory_space<vmem>> -> memref<1x40xi32, #tpu.memory_space<vmem>>
      %dma_start3A_519 = tpu.memref_squeeze %dma_start3A_518 : memref<1x40xi32, #tpu.memory_space<vmem>> -> memref<40xi32, #tpu.memory_space<vmem>>
      %dma_start3A_520 = arith.constant 0 : i32
      %dma_start3A_521 = arith.constant 0 : i32
      %dma_start3A_522 = tpu.memref_slice %arg9[%dma_start3A_520, %dma_start3A_521] : memref<10240x64xf32, #tpu.memory_space<vmem_shared>> -> memref<10240x64xf32, #tpu.memory_space<vmem_shared>>
      tpu.enqueue_indirect_dma source(%dma_start3A_516 : memref<40x64xf32, #tpu.memory_space<vmem>>) target(%dma_start3A_522 : memref<10240x64xf32, #tpu.memory_space<vmem_shared>>) offsets(%dma_start3A_519 : memref<40xi32, #tpu.memory_space<vmem>>) semaphore(%arg27 : memref<!tpu.dma_semaphore, #tpu.memory_space<semaphore_mem>>) {add = true}
      %add3A_523 = arith.constant 6 : i32
      %add3A_524 = arith.addi %add3A_496, %add3A_523 : i32
      %lt3A_525 = arith.constant 250 : i32
      %lt3A_526 = arith.cmpi slt, %add3A_524, %lt3A_525 : i32
      %convert_element_type3A_527 = arith.extui %lt3A_526 : i1 to i32
      %cond3A_528 = arith.constant 0 : i32
      %cond3A_529 = arith.cmpi ne, %convert_element_type3A_527, %cond3A_528 : i32
      scf.if %cond3A_529 {
        %ge3A = arith.constant 10 : i32
        %ge3A_670 = arith.cmpi sge, %add3A_524, %ge3A : i32
        %convert_element_type3A_671 = arith.extui %ge3A_670 : i1 to i32
        %cond3A_672 = arith.constant 0 : i32
        %cond3A_673 = arith.cmpi ne, %convert_element_type3A_671, %cond3A_672 : i32
        scf.if %cond3A_673 {
          %dma_wait3A_685 = arith.constant 1 : i32
          %dma_wait3A_686 = arith.constant 0 : i32
          %dma_wait3A_687 = arith.constant 0 : i32
          %dma_wait3A_688 = tpu.memref_slice %arg7[%dma_wait3A_685, %dma_wait3A_686, %dma_wait3A_687] : memref<10x40x64xf32, #tpu.memory_space<vmem>> -> memref<1x40x64xf32, #tpu.memory_space<vmem>>
          %dma_wait3A_689 = tpu.memref_squeeze %dma_wait3A_688 : memref<1x40x64xf32, #tpu.memory_space<vmem>> -> memref<40x64xf32, #tpu.memory_space<vmem>>
          %dma_wait3A_690 = arith.constant 0 : i32
          %dma_wait3A_691 = arith.constant 0 : i32
          %dma_wait3A_692 = tpu.memref_slice %arg9[%dma_wait3A_690, %dma_wait3A_691] : memref<10240x64xf32, #tpu.memory_space<vmem_shared>> -> memref<40x64xf32, #tpu.memory_space<vmem_shared>>
          %dma_wait3A_693 = arith.constant 0 : i32
          %dma_wait3A_694 = arith.constant 0 : i32
          %dma_wait3A_695 = tpu.memref_slice %arg9[%dma_wait3A_693, %dma_wait3A_694] : memref<10240x64xf32, #tpu.memory_space<vmem_shared>> -> memref<40x64xf32, #tpu.memory_space<vmem_shared>>
          %dma_wait3A_696 = arith.constant 0 : i32
          %dma_wait3A_697 = arith.constant 0 : i32
          %dma_wait3A_698 = tpu.memref_slice %arg7[%dma_wait3A_685, %dma_wait3A_696, %dma_wait3A_697] : memref<10x40x64xf32, #tpu.memory_space<vmem>> -> memref<1x40x64xf32, #tpu.memory_space<vmem>>
          %dma_wait3A_699 = tpu.memref_squeeze %dma_wait3A_698 : memref<1x40x64xf32, #tpu.memory_space<vmem>> -> memref<40x64xf32, #tpu.memory_space<vmem>>
          tpu.wait_dma2 semaphore(%arg23 : memref<!tpu.dma_semaphore, #tpu.memory_space<semaphore_mem>>) src(%dma_wait3A_699 : memref<40x64xf32, #tpu.memory_space<vmem>>) dst(%dma_wait3A_695 : memref<40x64xf32, #tpu.memory_space<vmem_shared>>)
        } else {
        }
        %dma_start3A_674 = arith.constant 1 : i32
        %dma_start3A_675 = arith.constant 0 : i32
        %dma_start3A_676 = arith.constant 0 : i32
        %dma_start3A_677 = tpu.memref_slice %arg7[%dma_start3A_674, %dma_start3A_675, %dma_start3A_676] : memref<10x40x64xf32, #tpu.memory_space<vmem>> -> memref<1x40x64xf32, #tpu.memory_space<vmem>>
        %dma_start3A_678 = tpu.memref_squeeze %dma_start3A_677 : memref<1x40x64xf32, #tpu.memory_space<vmem>> -> memref<40x64xf32, #tpu.memory_space<vmem>>
        %dma_start3A_679 = arith.constant 0 : i32
        %dma_start3A_680 = tpu.memref_slice %arg5[%add3A_524, %dma_start3A_679] : memref<250x40xi32, #tpu.memory_space<vmem>> -> memref<1x40xi32, #tpu.memory_space<vmem>>
        %dma_start3A_681 = tpu.memref_squeeze %dma_start3A_680 : memref<1x40xi32, #tpu.memory_space<vmem>> -> memref<40xi32, #tpu.memory_space<vmem>>
        %dma_start3A_682 = arith.constant 0 : i32
        %dma_start3A_683 = arith.constant 0 : i32
        %dma_start3A_684 = tpu.memref_slice %arg2[%dma_start3A_682, %dma_start3A_683] : memref<10240x64xf32, #tpu.memory_space<hbm>> -> memref<10240x64xf32, #tpu.memory_space<hbm>>
        tpu.enqueue_indirect_dma source(%dma_start3A_684 : memref<10240x64xf32, #tpu.memory_space<hbm>>) target(%dma_start3A_678 : memref<40x64xf32, #tpu.memory_space<vmem>>) offsets(%dma_start3A_681 : memref<40xi32, #tpu.memory_space<vmem>>) semaphore(%arg13 : memref<!tpu.dma_semaphore, #tpu.memory_space<semaphore_mem>>)
      } else {
      }
      %add3A_530 = arith.constant 6 : i32
      %add3A_531 = arith.addi %mul3A_322, %add3A_530 : i32
      %dma_wait3A_532 = arith.constant 6 : i32
      %dma_wait3A_533 = arith.constant 0 : i32
      %dma_wait3A_534 = arith.constant 0 : i32
      %dma_wait3A_535 = tpu.memref_slice %arg7[%dma_wait3A_532, %dma_wait3A_533, %dma_wait3A_534] : memref<10x40x64xf32, #tpu.memory_space<vmem>> -> memref<1x40x64xf32, #tpu.memory_space<vmem>>
      %dma_wait3A_536 = tpu.memref_squeeze %dma_wait3A_535 : memref<1x40x64xf32, #tpu.memory_space<vmem>> -> memref<40x64xf32, #tpu.memory_space<vmem>>
      %dma_wait3A_537 = arith.constant 0 : i32
      %dma_wait3A_538 = arith.constant 0 : i32
      %dma_wait3A_539 = tpu.memref_slice %arg2[%dma_wait3A_537, %dma_wait3A_538] : memref<10240x64xf32, #tpu.memory_space<hbm>> -> memref<40x64xf32, #tpu.memory_space<hbm>>
      %dma_wait3A_540 = arith.constant 0 : i32
      %dma_wait3A_541 = arith.constant 0 : i32
      %dma_wait3A_542 = tpu.memref_slice %arg7[%dma_wait3A_532, %dma_wait3A_540, %dma_wait3A_541] : memref<10x40x64xf32, #tpu.memory_space<vmem>> -> memref<1x40x64xf32, #tpu.memory_space<vmem>>
      %dma_wait3A_543 = tpu.memref_squeeze %dma_wait3A_542 : memref<1x40x64xf32, #tpu.memory_space<vmem>> -> memref<40x64xf32, #tpu.memory_space<vmem>>
      %dma_wait3A_544 = arith.constant 0 : i32
      %dma_wait3A_545 = arith.constant 0 : i32
      %dma_wait3A_546 = tpu.memref_slice %arg2[%dma_wait3A_544, %dma_wait3A_545] : memref<10240x64xf32, #tpu.memory_space<hbm>> -> memref<40x64xf32, #tpu.memory_space<hbm>>
      tpu.wait_dma2 semaphore(%arg18 : memref<!tpu.dma_semaphore, #tpu.memory_space<semaphore_mem>>) src(%dma_wait3A_546 : memref<40x64xf32, #tpu.memory_space<hbm>>) dst(%dma_wait3A_543 : memref<40x64xf32, #tpu.memory_space<vmem>>)
      %dma_start3A_547 = arith.constant 6 : i32
      %dma_start3A_548 = arith.constant 0 : i32
      %dma_start3A_549 = arith.constant 0 : i32
      %dma_start3A_550 = tpu.memref_slice %arg7[%dma_start3A_547, %dma_start3A_548, %dma_start3A_549] : memref<10x40x64xf32, #tpu.memory_space<vmem>> -> memref<1x40x64xf32, #tpu.memory_space<vmem>>
      %dma_start3A_551 = tpu.memref_squeeze %dma_start3A_550 : memref<1x40x64xf32, #tpu.memory_space<vmem>> -> memref<40x64xf32, #tpu.memory_space<vmem>>
      %dma_start3A_552 = arith.constant 0 : i32
      %dma_start3A_553 = tpu.memref_slice %arg6[%add3A_531, %dma_start3A_552] : memref<250x40xi32, #tpu.memory_space<vmem>> -> memref<1x40xi32, #tpu.memory_space<vmem>>
      %dma_start3A_554 = tpu.memref_squeeze %dma_start3A_553 : memref<1x40xi32, #tpu.memory_space<vmem>> -> memref<40xi32, #tpu.memory_space<vmem>>
      %dma_start3A_555 = arith.constant 0 : i32
      %dma_start3A_556 = arith.constant 0 : i32
      %dma_start3A_557 = tpu.memref_slice %arg9[%dma_start3A_555, %dma_start3A_556] : memref<10240x64xf32, #tpu.memory_space<vmem_shared>> -> memref<10240x64xf32, #tpu.memory_space<vmem_shared>>
      tpu.enqueue_indirect_dma source(%dma_start3A_551 : memref<40x64xf32, #tpu.memory_space<vmem>>) target(%dma_start3A_557 : memref<10240x64xf32, #tpu.memory_space<vmem_shared>>) offsets(%dma_start3A_554 : memref<40xi32, #tpu.memory_space<vmem>>) semaphore(%arg28 : memref<!tpu.dma_semaphore, #tpu.memory_space<semaphore_mem>>) {add = true}
      %add3A_558 = arith.constant 6 : i32
      %add3A_559 = arith.addi %add3A_531, %add3A_558 : i32
      %lt3A_560 = arith.constant 250 : i32
      %lt3A_561 = arith.cmpi slt, %add3A_559, %lt3A_560 : i32
      %convert_element_type3A_562 = arith.extui %lt3A_561 : i1 to i32
      %cond3A_563 = arith.constant 0 : i32
      %cond3A_564 = arith.cmpi ne, %convert_element_type3A_562, %cond3A_563 : i32
      scf.if %cond3A_564 {
        %ge3A = arith.constant 10 : i32
        %ge3A_670 = arith.cmpi sge, %add3A_559, %ge3A : i32
        %convert_element_type3A_671 = arith.extui %ge3A_670 : i1 to i32
        %cond3A_672 = arith.constant 0 : i32
        %cond3A_673 = arith.cmpi ne, %convert_element_type3A_671, %cond3A_672 : i32
        scf.if %cond3A_673 {
          %dma_wait3A_685 = arith.constant 2 : i32
          %dma_wait3A_686 = arith.constant 0 : i32
          %dma_wait3A_687 = arith.constant 0 : i32
          %dma_wait3A_688 = tpu.memref_slice %arg7[%dma_wait3A_685, %dma_wait3A_686, %dma_wait3A_687] : memref<10x40x64xf32, #tpu.memory_space<vmem>> -> memref<1x40x64xf32, #tpu.memory_space<vmem>>
          %dma_wait3A_689 = tpu.memref_squeeze %dma_wait3A_688 : memref<1x40x64xf32, #tpu.memory_space<vmem>> -> memref<40x64xf32, #tpu.memory_space<vmem>>
          %dma_wait3A_690 = arith.constant 0 : i32
          %dma_wait3A_691 = arith.constant 0 : i32
          %dma_wait3A_692 = tpu.memref_slice %arg9[%dma_wait3A_690, %dma_wait3A_691] : memref<10240x64xf32, #tpu.memory_space<vmem_shared>> -> memref<40x64xf32, #tpu.memory_space<vmem_shared>>
          %dma_wait3A_693 = arith.constant 0 : i32
          %dma_wait3A_694 = arith.constant 0 : i32
          %dma_wait3A_695 = tpu.memref_slice %arg9[%dma_wait3A_693, %dma_wait3A_694] : memref<10240x64xf32, #tpu.memory_space<vmem_shared>> -> memref<40x64xf32, #tpu.memory_space<vmem_shared>>
          %dma_wait3A_696 = arith.constant 0 : i32
          %dma_wait3A_697 = arith.constant 0 : i32
          %dma_wait3A_698 = tpu.memref_slice %arg7[%dma_wait3A_685, %dma_wait3A_696, %dma_wait3A_697] : memref<10x40x64xf32, #tpu.memory_space<vmem>> -> memref<1x40x64xf32, #tpu.memory_space<vmem>>
          %dma_wait3A_699 = tpu.memref_squeeze %dma_wait3A_698 : memref<1x40x64xf32, #tpu.memory_space<vmem>> -> memref<40x64xf32, #tpu.memory_space<vmem>>
          tpu.wait_dma2 semaphore(%arg24 : memref<!tpu.dma_semaphore, #tpu.memory_space<semaphore_mem>>) src(%dma_wait3A_699 : memref<40x64xf32, #tpu.memory_space<vmem>>) dst(%dma_wait3A_695 : memref<40x64xf32, #tpu.memory_space<vmem_shared>>)
        } else {
        }
        %dma_start3A_674 = arith.constant 2 : i32
        %dma_start3A_675 = arith.constant 0 : i32
        %dma_start3A_676 = arith.constant 0 : i32
        %dma_start3A_677 = tpu.memref_slice %arg7[%dma_start3A_674, %dma_start3A_675, %dma_start3A_676] : memref<10x40x64xf32, #tpu.memory_space<vmem>> -> memref<1x40x64xf32, #tpu.memory_space<vmem>>
        %dma_start3A_678 = tpu.memref_squeeze %dma_start3A_677 : memref<1x40x64xf32, #tpu.memory_space<vmem>> -> memref<40x64xf32, #tpu.memory_space<vmem>>
        %dma_start3A_679 = arith.constant 0 : i32
        %dma_start3A_680 = tpu.memref_slice %arg5[%add3A_559, %dma_start3A_679] : memref<250x40xi32, #tpu.memory_space<vmem>> -> memref<1x40xi32, #tpu.memory_space<vmem>>
        %dma_start3A_681 = tpu.memref_squeeze %dma_start3A_680 : memref<1x40xi32, #tpu.memory_space<vmem>> -> memref<40xi32, #tpu.memory_space<vmem>>
        %dma_start3A_682 = arith.constant 0 : i32
        %dma_start3A_683 = arith.constant 0 : i32
        %dma_start3A_684 = tpu.memref_slice %arg2[%dma_start3A_682, %dma_start3A_683] : memref<10240x64xf32, #tpu.memory_space<hbm>> -> memref<10240x64xf32, #tpu.memory_space<hbm>>
        tpu.enqueue_indirect_dma source(%dma_start3A_684 : memref<10240x64xf32, #tpu.memory_space<hbm>>) target(%dma_start3A_678 : memref<40x64xf32, #tpu.memory_space<vmem>>) offsets(%dma_start3A_681 : memref<40xi32, #tpu.memory_space<vmem>>) semaphore(%arg14 : memref<!tpu.dma_semaphore, #tpu.memory_space<semaphore_mem>>)
      } else {
      }
      %add3A_565 = arith.constant 7 : i32
      %add3A_566 = arith.addi %mul3A_322, %add3A_565 : i32
      %dma_wait3A_567 = arith.constant 7 : i32
      %dma_wait3A_568 = arith.constant 0 : i32
      %dma_wait3A_569 = arith.constant 0 : i32
      %dma_wait3A_570 = tpu.memref_slice %arg7[%dma_wait3A_567, %dma_wait3A_568, %dma_wait3A_569] : memref<10x40x64xf32, #tpu.memory_space<vmem>> -> memref<1x40x64xf32, #tpu.memory_space<vmem>>
      %dma_wait3A_571 = tpu.memref_squeeze %dma_wait3A_570 : memref<1x40x64xf32, #tpu.memory_space<vmem>> -> memref<40x64xf32, #tpu.memory_space<vmem>>
      %dma_wait3A_572 = arith.constant 0 : i32
      %dma_wait3A_573 = arith.constant 0 : i32
      %dma_wait3A_574 = tpu.memref_slice %arg2[%dma_wait3A_572, %dma_wait3A_573] : memref<10240x64xf32, #tpu.memory_space<hbm>> -> memref<40x64xf32, #tpu.memory_space<hbm>>
      %dma_wait3A_575 = arith.constant 0 : i32
      %dma_wait3A_576 = arith.constant 0 : i32
      %dma_wait3A_577 = tpu.memref_slice %arg7[%dma_wait3A_567, %dma_wait3A_575, %dma_wait3A_576] : memref<10x40x64xf32, #tpu.memory_space<vmem>> -> memref<1x40x64xf32, #tpu.memory_space<vmem>>
      %dma_wait3A_578 = tpu.memref_squeeze %dma_wait3A_577 : memref<1x40x64xf32, #tpu.memory_space<vmem>> -> memref<40x64xf32, #tpu.memory_space<vmem>>
      %dma_wait3A_579 = arith.constant 0 : i32
      %dma_wait3A_580 = arith.constant 0 : i32
      %dma_wait3A_581 = tpu.memref_slice %arg2[%dma_wait3A_579, %dma_wait3A_580] : memref<10240x64xf32, #tpu.memory_space<hbm>> -> memref<40x64xf32, #tpu.memory_space<hbm>>
      tpu.wait_dma2 semaphore(%arg19 : memref<!tpu.dma_semaphore, #tpu.memory_space<semaphore_mem>>) src(%dma_wait3A_581 : memref<40x64xf32, #tpu.memory_space<hbm>>) dst(%dma_wait3A_578 : memref<40x64xf32, #tpu.memory_space<vmem>>)
      %dma_start3A_582 = arith.constant 7 : i32
      %dma_start3A_583 = arith.constant 0 : i32
      %dma_start3A_584 = arith.constant 0 : i32
      %dma_start3A_585 = tpu.memref_slice %arg7[%dma_start3A_582, %dma_start3A_583, %dma_start3A_584] : memref<10x40x64xf32, #tpu.memory_space<vmem>> -> memref<1x40x64xf32, #tpu.memory_space<vmem>>
      %dma_start3A_586 = tpu.memref_squeeze %dma_start3A_585 : memref<1x40x64xf32, #tpu.memory_space<vmem>> -> memref<40x64xf32, #tpu.memory_space<vmem>>
      %dma_start3A_587 = arith.constant 0 : i32
      %dma_start3A_588 = tpu.memref_slice %arg6[%add3A_566, %dma_start3A_587] : memref<250x40xi32, #tpu.memory_space<vmem>> -> memref<1x40xi32, #tpu.memory_space<vmem>>
      %dma_start3A_589 = tpu.memref_squeeze %dma_start3A_588 : memref<1x40xi32, #tpu.memory_space<vmem>> -> memref<40xi32, #tpu.memory_space<vmem>>
      %dma_start3A_590 = arith.constant 0 : i32
      %dma_start3A_591 = arith.constant 0 : i32
      %dma_start3A_592 = tpu.memref_slice %arg9[%dma_start3A_590, %dma_start3A_591] : memref<10240x64xf32, #tpu.memory_space<vmem_shared>> -> memref<10240x64xf32, #tpu.memory_space<vmem_shared>>
      tpu.enqueue_indirect_dma source(%dma_start3A_586 : memref<40x64xf32, #tpu.memory_space<vmem>>) target(%dma_start3A_592 : memref<10240x64xf32, #tpu.memory_space<vmem_shared>>) offsets(%dma_start3A_589 : memref<40xi32, #tpu.memory_space<vmem>>) semaphore(%arg29 : memref<!tpu.dma_semaphore, #tpu.memory_space<semaphore_mem>>) {add = true}
      %add3A_593 = arith.constant 6 : i32
      %add3A_594 = arith.addi %add3A_566, %add3A_593 : i32
      %lt3A_595 = arith.constant 250 : i32
      %lt3A_596 = arith.cmpi slt, %add3A_594, %lt3A_595 : i32
      %convert_element_type3A_597 = arith.extui %lt3A_596 : i1 to i32
      %cond3A_598 = arith.constant 0 : i32
      %cond3A_599 = arith.cmpi ne, %convert_element_type3A_597, %cond3A_598 : i32
      scf.if %cond3A_599 {
        %ge3A = arith.constant 10 : i32
        %ge3A_670 = arith.cmpi sge, %add3A_594, %ge3A : i32
        %convert_element_type3A_671 = arith.extui %ge3A_670 : i1 to i32
        %cond3A_672 = arith.constant 0 : i32
        %cond3A_673 = arith.cmpi ne, %convert_element_type3A_671, %cond3A_672 : i32
        scf.if %cond3A_673 {
          %dma_wait3A_685 = arith.constant 3 : i32
          %dma_wait3A_686 = arith.constant 0 : i32
          %dma_wait3A_687 = arith.constant 0 : i32
          %dma_wait3A_688 = tpu.memref_slice %arg7[%dma_wait3A_685, %dma_wait3A_686, %dma_wait3A_687] : memref<10x40x64xf32, #tpu.memory_space<vmem>> -> memref<1x40x64xf32, #tpu.memory_space<vmem>>
          %dma_wait3A_689 = tpu.memref_squeeze %dma_wait3A_688 : memref<1x40x64xf32, #tpu.memory_space<vmem>> -> memref<40x64xf32, #tpu.memory_space<vmem>>
          %dma_wait3A_690 = arith.constant 0 : i32
          %dma_wait3A_691 = arith.constant 0 : i32
          %dma_wait3A_692 = tpu.memref_slice %arg9[%dma_wait3A_690, %dma_wait3A_691] : memref<10240x64xf32, #tpu.memory_space<vmem_shared>> -> memref<40x64xf32, #tpu.memory_space<vmem_shared>>
          %dma_wait3A_693 = arith.constant 0 : i32
          %dma_wait3A_694 = arith.constant 0 : i32
          %dma_wait3A_695 = tpu.memref_slice %arg9[%dma_wait3A_693, %dma_wait3A_694] : memref<10240x64xf32, #tpu.memory_space<vmem_shared>> -> memref<40x64xf32, #tpu.memory_space<vmem_shared>>
          %dma_wait3A_696 = arith.constant 0 : i32
          %dma_wait3A_697 = arith.constant 0 : i32
          %dma_wait3A_698 = tpu.memref_slice %arg7[%dma_wait3A_685, %dma_wait3A_696, %dma_wait3A_697] : memref<10x40x64xf32, #tpu.memory_space<vmem>> -> memref<1x40x64xf32, #tpu.memory_space<vmem>>
          %dma_wait3A_699 = tpu.memref_squeeze %dma_wait3A_698 : memref<1x40x64xf32, #tpu.memory_space<vmem>> -> memref<40x64xf32, #tpu.memory_space<vmem>>
          tpu.wait_dma2 semaphore(%arg25 : memref<!tpu.dma_semaphore, #tpu.memory_space<semaphore_mem>>) src(%dma_wait3A_699 : memref<40x64xf32, #tpu.memory_space<vmem>>) dst(%dma_wait3A_695 : memref<40x64xf32, #tpu.memory_space<vmem_shared>>)
        } else {
        }
        %dma_start3A_674 = arith.constant 3 : i32
        %dma_start3A_675 = arith.constant 0 : i32
        %dma_start3A_676 = arith.constant 0 : i32
        %dma_start3A_677 = tpu.memref_slice %arg7[%dma_start3A_674, %dma_start3A_675, %dma_start3A_676] : memref<10x40x64xf32, #tpu.memory_space<vmem>> -> memref<1x40x64xf32, #tpu.memory_space<vmem>>
        %dma_start3A_678 = tpu.memref_squeeze %dma_start3A_677 : memref<1x40x64xf32, #tpu.memory_space<vmem>> -> memref<40x64xf32, #tpu.memory_space<vmem>>
        %dma_start3A_679 = arith.constant 0 : i32
        %dma_start3A_680 = tpu.memref_slice %arg5[%add3A_594, %dma_start3A_679] : memref<250x40xi32, #tpu.memory_space<vmem>> -> memref<1x40xi32, #tpu.memory_space<vmem>>
        %dma_start3A_681 = tpu.memref_squeeze %dma_start3A_680 : memref<1x40xi32, #tpu.memory_space<vmem>> -> memref<40xi32, #tpu.memory_space<vmem>>
        %dma_start3A_682 = arith.constant 0 : i32
        %dma_start3A_683 = arith.constant 0 : i32
        %dma_start3A_684 = tpu.memref_slice %arg2[%dma_start3A_682, %dma_start3A_683] : memref<10240x64xf32, #tpu.memory_space<hbm>> -> memref<10240x64xf32, #tpu.memory_space<hbm>>
        tpu.enqueue_indirect_dma source(%dma_start3A_684 : memref<10240x64xf32, #tpu.memory_space<hbm>>) target(%dma_start3A_678 : memref<40x64xf32, #tpu.memory_space<vmem>>) offsets(%dma_start3A_681 : memref<40xi32, #tpu.memory_space<vmem>>) semaphore(%arg15 : memref<!tpu.dma_semaphore, #tpu.memory_space<semaphore_mem>>)
      } else {
      }
      %add3A_600 = arith.constant 8 : i32
      %add3A_601 = arith.addi %mul3A_322, %add3A_600 : i32
      %dma_wait3A_602 = arith.constant 8 : i32
      %dma_wait3A_603 = arith.constant 0 : i32
      %dma_wait3A_604 = arith.constant 0 : i32
      %dma_wait3A_605 = tpu.memref_slice %arg7[%dma_wait3A_602, %dma_wait3A_603, %dma_wait3A_604] : memref<10x40x64xf32, #tpu.memory_space<vmem>> -> memref<1x40x64xf32, #tpu.memory_space<vmem>>
      %dma_wait3A_606 = tpu.memref_squeeze %dma_wait3A_605 : memref<1x40x64xf32, #tpu.memory_space<vmem>> -> memref<40x64xf32, #tpu.memory_space<vmem>>
      %dma_wait3A_607 = arith.constant 0 : i32
      %dma_wait3A_608 = arith.constant 0 : i32
      %dma_wait3A_609 = tpu.memref_slice %arg2[%dma_wait3A_607, %dma_wait3A_608] : memref<10240x64xf32, #tpu.memory_space<hbm>> -> memref<40x64xf32, #tpu.memory_space<hbm>>
      %dma_wait3A_610 = arith.constant 0 : i32
      %dma_wait3A_611 = arith.constant 0 : i32
      %dma_wait3A_612 = tpu.memref_slice %arg7[%dma_wait3A_602, %dma_wait3A_610, %dma_wait3A_611] : memref<10x40x64xf32, #tpu.memory_space<vmem>> -> memref<1x40x64xf32, #tpu.memory_space<vmem>>
      %dma_wait3A_613 = tpu.memref_squeeze %dma_wait3A_612 : memref<1x40x64xf32, #tpu.memory_space<vmem>> -> memref<40x64xf32, #tpu.memory_space<vmem>>
      %dma_wait3A_614 = arith.constant 0 : i32
      %dma_wait3A_615 = arith.constant 0 : i32
      %dma_wait3A_616 = tpu.memref_slice %arg2[%dma_wait3A_614, %dma_wait3A_615] : memref<10240x64xf32, #tpu.memory_space<hbm>> -> memref<40x64xf32, #tpu.memory_space<hbm>>
      tpu.wait_dma2 semaphore(%arg20 : memref<!tpu.dma_semaphore, #tpu.memory_space<semaphore_mem>>) src(%dma_wait3A_616 : memref<40x64xf32, #tpu.memory_space<hbm>>) dst(%dma_wait3A_613 : memref<40x64xf32, #tpu.memory_space<vmem>>)
      %dma_start3A_617 = arith.constant 8 : i32
      %dma_start3A_618 = arith.constant 0 : i32
      %dma_start3A_619 = arith.constant 0 : i32
      %dma_start3A_620 = tpu.memref_slice %arg7[%dma_start3A_617, %dma_start3A_618, %dma_start3A_619] : memref<10x40x64xf32, #tpu.memory_space<vmem>> -> memref<1x40x64xf32, #tpu.memory_space<vmem>>
      %dma_start3A_621 = tpu.memref_squeeze %dma_start3A_620 : memref<1x40x64xf32, #tpu.memory_space<vmem>> -> memref<40x64xf32, #tpu.memory_space<vmem>>
      %dma_start3A_622 = arith.constant 0 : i32
      %dma_start3A_623 = tpu.memref_slice %arg6[%add3A_601, %dma_start3A_622] : memref<250x40xi32, #tpu.memory_space<vmem>> -> memref<1x40xi32, #tpu.memory_space<vmem>>
      %dma_start3A_624 = tpu.memref_squeeze %dma_start3A_623 : memref<1x40xi32, #tpu.memory_space<vmem>> -> memref<40xi32, #tpu.memory_space<vmem>>
      %dma_start3A_625 = arith.constant 0 : i32
      %dma_start3A_626 = arith.constant 0 : i32
      %dma_start3A_627 = tpu.memref_slice %arg9[%dma_start3A_625, %dma_start3A_626] : memref<10240x64xf32, #tpu.memory_space<vmem_shared>> -> memref<10240x64xf32, #tpu.memory_space<vmem_shared>>
      tpu.enqueue_indirect_dma source(%dma_start3A_621 : memref<40x64xf32, #tpu.memory_space<vmem>>) target(%dma_start3A_627 : memref<10240x64xf32, #tpu.memory_space<vmem_shared>>) offsets(%dma_start3A_624 : memref<40xi32, #tpu.memory_space<vmem>>) semaphore(%arg30 : memref<!tpu.dma_semaphore, #tpu.memory_space<semaphore_mem>>) {add = true}
      %add3A_628 = arith.constant 6 : i32
      %add3A_629 = arith.addi %add3A_601, %add3A_628 : i32
      %lt3A_630 = arith.constant 250 : i32
      %lt3A_631 = arith.cmpi slt, %add3A_629, %lt3A_630 : i32
      %convert_element_type3A_632 = arith.extui %lt3A_631 : i1 to i32
      %cond3A_633 = arith.constant 0 : i32
      %cond3A_634 = arith.cmpi ne, %convert_element_type3A_632, %cond3A_633 : i32
      scf.if %cond3A_634 {
        %ge3A = arith.constant 10 : i32
        %ge3A_670 = arith.cmpi sge, %add3A_629, %ge3A : i32
        %convert_element_type3A_671 = arith.extui %ge3A_670 : i1 to i32
        %cond3A_672 = arith.constant 0 : i32
        %cond3A_673 = arith.cmpi ne, %convert_element_type3A_671, %cond3A_672 : i32
        scf.if %cond3A_673 {
          %dma_wait3A_685 = arith.constant 4 : i32
          %dma_wait3A_686 = arith.constant 0 : i32
          %dma_wait3A_687 = arith.constant 0 : i32
          %dma_wait3A_688 = tpu.memref_slice %arg7[%dma_wait3A_685, %dma_wait3A_686, %dma_wait3A_687] : memref<10x40x64xf32, #tpu.memory_space<vmem>> -> memref<1x40x64xf32, #tpu.memory_space<vmem>>
          %dma_wait3A_689 = tpu.memref_squeeze %dma_wait3A_688 : memref<1x40x64xf32, #tpu.memory_space<vmem>> -> memref<40x64xf32, #tpu.memory_space<vmem>>
          %dma_wait3A_690 = arith.constant 0 : i32
          %dma_wait3A_691 = arith.constant 0 : i32
          %dma_wait3A_692 = tpu.memref_slice %arg9[%dma_wait3A_690, %dma_wait3A_691] : memref<10240x64xf32, #tpu.memory_space<vmem_shared>> -> memref<40x64xf32, #tpu.memory_space<vmem_shared>>
          %dma_wait3A_693 = arith.constant 0 : i32
          %dma_wait3A_694 = arith.constant 0 : i32
          %dma_wait3A_695 = tpu.memref_slice %arg9[%dma_wait3A_693, %dma_wait3A_694] : memref<10240x64xf32, #tpu.memory_space<vmem_shared>> -> memref<40x64xf32, #tpu.memory_space<vmem_shared>>
          %dma_wait3A_696 = arith.constant 0 : i32
          %dma_wait3A_697 = arith.constant 0 : i32
          %dma_wait3A_698 = tpu.memref_slice %arg7[%dma_wait3A_685, %dma_wait3A_696, %dma_wait3A_697] : memref<10x40x64xf32, #tpu.memory_space<vmem>> -> memref<1x40x64xf32, #tpu.memory_space<vmem>>
          %dma_wait3A_699 = tpu.memref_squeeze %dma_wait3A_698 : memref<1x40x64xf32, #tpu.memory_space<vmem>> -> memref<40x64xf32, #tpu.memory_space<vmem>>
          tpu.wait_dma2 semaphore(%arg26 : memref<!tpu.dma_semaphore, #tpu.memory_space<semaphore_mem>>) src(%dma_wait3A_699 : memref<40x64xf32, #tpu.memory_space<vmem>>) dst(%dma_wait3A_695 : memref<40x64xf32, #tpu.memory_space<vmem_shared>>)
        } else {
        }
        %dma_start3A_674 = arith.constant 4 : i32
        %dma_start3A_675 = arith.constant 0 : i32
        %dma_start3A_676 = arith.constant 0 : i32
        %dma_start3A_677 = tpu.memref_slice %arg7[%dma_start3A_674, %dma_start3A_675, %dma_start3A_676] : memref<10x40x64xf32, #tpu.memory_space<vmem>> -> memref<1x40x64xf32, #tpu.memory_space<vmem>>
        %dma_start3A_678 = tpu.memref_squeeze %dma_start3A_677 : memref<1x40x64xf32, #tpu.memory_space<vmem>> -> memref<40x64xf32, #tpu.memory_space<vmem>>
        %dma_start3A_679 = arith.constant 0 : i32
        %dma_start3A_680 = tpu.memref_slice %arg5[%add3A_629, %dma_start3A_679] : memref<250x40xi32, #tpu.memory_space<vmem>> -> memref<1x40xi32, #tpu.memory_space<vmem>>
        %dma_start3A_681 = tpu.memref_squeeze %dma_start3A_680 : memref<1x40xi32, #tpu.memory_space<vmem>> -> memref<40xi32, #tpu.memory_space<vmem>>
        %dma_start3A_682 = arith.constant 0 : i32
        %dma_start3A_683 = arith.constant 0 : i32
        %dma_start3A_684 = tpu.memref_slice %arg2[%dma_start3A_682, %dma_start3A_683] : memref<10240x64xf32, #tpu.memory_space<hbm>> -> memref<10240x64xf32, #tpu.memory_space<hbm>>
        tpu.enqueue_indirect_dma source(%dma_start3A_684 : memref<10240x64xf32, #tpu.memory_space<hbm>>) target(%dma_start3A_678 : memref<40x64xf32, #tpu.memory_space<vmem>>) offsets(%dma_start3A_681 : memref<40xi32, #tpu.memory_space<vmem>>) semaphore(%arg16 : memref<!tpu.dma_semaphore, #tpu.memory_space<semaphore_mem>>)
      } else {
      }
      %add3A_635 = arith.constant 9 : i32
      %add3A_636 = arith.addi %mul3A_322, %add3A_635 : i32
      %dma_wait3A_637 = arith.constant 9 : i32
      %dma_wait3A_638 = arith.constant 0 : i32
      %dma_wait3A_639 = arith.constant 0 : i32
      %dma_wait3A_640 = tpu.memref_slice %arg7[%dma_wait3A_637, %dma_wait3A_638, %dma_wait3A_639] : memref<10x40x64xf32, #tpu.memory_space<vmem>> -> memref<1x40x64xf32, #tpu.memory_space<vmem>>
      %dma_wait3A_641 = tpu.memref_squeeze %dma_wait3A_640 : memref<1x40x64xf32, #tpu.memory_space<vmem>> -> memref<40x64xf32, #tpu.memory_space<vmem>>
      %dma_wait3A_642 = arith.constant 0 : i32
      %dma_wait3A_643 = arith.constant 0 : i32
      %dma_wait3A_644 = tpu.memref_slice %arg2[%dma_wait3A_642, %dma_wait3A_643] : memref<10240x64xf32, #tpu.memory_space<hbm>> -> memref<40x64xf32, #tpu.memory_space<hbm>>
      %dma_wait3A_645 = arith.constant 0 : i32
      %dma_wait3A_646 = arith.constant 0 : i32
      %dma_wait3A_647 = tpu.memref_slice %arg7[%dma_wait3A_637, %dma_wait3A_645, %dma_wait3A_646] : memref<10x40x64xf32, #tpu.memory_space<vmem>> -> memref<1x40x64xf32, #tpu.memory_space<vmem>>
      %dma_wait3A_648 = tpu.memref_squeeze %dma_wait3A_647 : memref<1x40x64xf32, #tpu.memory_space<vmem>> -> memref<40x64xf32, #tpu.memory_space<vmem>>
      %dma_wait3A_649 = arith.constant 0 : i32
      %dma_wait3A_650 = arith.constant 0 : i32
      %dma_wait3A_651 = tpu.memref_slice %arg2[%dma_wait3A_649, %dma_wait3A_650] : memref<10240x64xf32, #tpu.memory_space<hbm>> -> memref<40x64xf32, #tpu.memory_space<hbm>>
      tpu.wait_dma2 semaphore(%arg21 : memref<!tpu.dma_semaphore, #tpu.memory_space<semaphore_mem>>) src(%dma_wait3A_651 : memref<40x64xf32, #tpu.memory_space<hbm>>) dst(%dma_wait3A_648 : memref<40x64xf32, #tpu.memory_space<vmem>>)
      %dma_start3A_652 = arith.constant 9 : i32
      %dma_start3A_653 = arith.constant 0 : i32
      %dma_start3A_654 = arith.constant 0 : i32
      %dma_start3A_655 = tpu.memref_slice %arg7[%dma_start3A_652, %dma_start3A_653, %dma_start3A_654] : memref<10x40x64xf32, #tpu.memory_space<vmem>> -> memref<1x40x64xf32, #tpu.memory_space<vmem>>
      %dma_start3A_656 = tpu.memref_squeeze %dma_start3A_655 : memref<1x40x64xf32, #tpu.memory_space<vmem>> -> memref<40x64xf32, #tpu.memory_space<vmem>>
      %dma_start3A_657 = arith.constant 0 : i32
      %dma_start3A_658 = tpu.memref_slice %arg6[%add3A_636, %dma_start3A_657] : memref<250x40xi32, #tpu.memory_space<vmem>> -> memref<1x40xi32, #tpu.memory_space<vmem>>
      %dma_start3A_659 = tpu.memref_squeeze %dma_start3A_658 : memref<1x40xi32, #tpu.memory_space<vmem>> -> memref<40xi32, #tpu.memory_space<vmem>>
      %dma_start3A_660 = arith.constant 0 : i32
      %dma_start3A_661 = arith.constant 0 : i32
      %dma_start3A_662 = tpu.memref_slice %arg9[%dma_start3A_660, %dma_start3A_661] : memref<10240x64xf32, #tpu.memory_space<vmem_shared>> -> memref<10240x64xf32, #tpu.memory_space<vmem_shared>>
      tpu.enqueue_indirect_dma source(%dma_start3A_656 : memref<40x64xf32, #tpu.memory_space<vmem>>) target(%dma_start3A_662 : memref<10240x64xf32, #tpu.memory_space<vmem_shared>>) offsets(%dma_start3A_659 : memref<40xi32, #tpu.memory_space<vmem>>) semaphore(%arg31 : memref<!tpu.dma_semaphore, #tpu.memory_space<semaphore_mem>>) {add = true}
      %add3A_663 = arith.constant 6 : i32
      %add3A_664 = arith.addi %add3A_636, %add3A_663 : i32
      %lt3A_665 = arith.constant 250 : i32
      %lt3A_666 = arith.cmpi slt, %add3A_664, %lt3A_665 : i32
      %convert_element_type3A_667 = arith.extui %lt3A_666 : i1 to i32
      %cond3A_668 = arith.constant 0 : i32
      %cond3A_669 = arith.cmpi ne, %convert_element_type3A_667, %cond3A_668 : i32
      scf.if %cond3A_669 {
        %ge3A = arith.constant 10 : i32
        %ge3A_670 = arith.cmpi sge, %add3A_664, %ge3A : i32
        %convert_element_type3A_671 = arith.extui %ge3A_670 : i1 to i32
        %cond3A_672 = arith.constant 0 : i32
        %cond3A_673 = arith.cmpi ne, %convert_element_type3A_671, %cond3A_672 : i32
        scf.if %cond3A_673 {
          %dma_wait3A_685 = arith.constant 5 : i32
          %dma_wait3A_686 = arith.constant 0 : i32
          %dma_wait3A_687 = arith.constant 0 : i32
          %dma_wait3A_688 = tpu.memref_slice %arg7[%dma_wait3A_685, %dma_wait3A_686, %dma_wait3A_687] : memref<10x40x64xf32, #tpu.memory_space<vmem>> -> memref<1x40x64xf32, #tpu.memory_space<vmem>>
          %dma_wait3A_689 = tpu.memref_squeeze %dma_wait3A_688 : memref<1x40x64xf32, #tpu.memory_space<vmem>> -> memref<40x64xf32, #tpu.memory_space<vmem>>
          %dma_wait3A_690 = arith.constant 0 : i32
          %dma_wait3A_691 = arith.constant 0 : i32
          %dma_wait3A_692 = tpu.memref_slice %arg9[%dma_wait3A_690, %dma_wait3A_691] : memref<10240x64xf32, #tpu.memory_space<vmem_shared>> -> memref<40x64xf32, #tpu.memory_space<vmem_shared>>
          %dma_wait3A_693 = arith.constant 0 : i32
          %dma_wait3A_694 = arith.constant 0 : i32
          %dma_wait3A_695 = tpu.memref_slice %arg9[%dma_wait3A_693, %dma_wait3A_694] : memref<10240x64xf32, #tpu.memory_space<vmem_shared>> -> memref<40x64xf32, #tpu.memory_space<vmem_shared>>
          %dma_wait3A_696 = arith.constant 0 : i32
          %dma_wait3A_697 = arith.constant 0 : i32
          %dma_wait3A_698 = tpu.memref_slice %arg7[%dma_wait3A_685, %dma_wait3A_696, %dma_wait3A_697] : memref<10x40x64xf32, #tpu.memory_space<vmem>> -> memref<1x40x64xf32, #tpu.memory_space<vmem>>
          %dma_wait3A_699 = tpu.memref_squeeze %dma_wait3A_698 : memref<1x40x64xf32, #tpu.memory_space<vmem>> -> memref<40x64xf32, #tpu.memory_space<vmem>>
          tpu.wait_dma2 semaphore(%arg27 : memref<!tpu.dma_semaphore, #tpu.memory_space<semaphore_mem>>) src(%dma_wait3A_699 : memref<40x64xf32, #tpu.memory_space<vmem>>) dst(%dma_wait3A_695 : memref<40x64xf32, #tpu.memory_space<vmem_shared>>)
        } else {
        }
        %dma_start3A_674 = arith.constant 5 : i32
        %dma_start3A_675 = arith.constant 0 : i32
        %dma_start3A_676 = arith.constant 0 : i32
        %dma_start3A_677 = tpu.memref_slice %arg7[%dma_start3A_674, %dma_start3A_675, %dma_start3A_676] : memref<10x40x64xf32, #tpu.memory_space<vmem>> -> memref<1x40x64xf32, #tpu.memory_space<vmem>>
        %dma_start3A_678 = tpu.memref_squeeze %dma_start3A_677 : memref<1x40x64xf32, #tpu.memory_space<vmem>> -> memref<40x64xf32, #tpu.memory_space<vmem>>
        %dma_start3A_679 = arith.constant 0 : i32
        %dma_start3A_680 = tpu.memref_slice %arg5[%add3A_664, %dma_start3A_679] : memref<250x40xi32, #tpu.memory_space<vmem>> -> memref<1x40xi32, #tpu.memory_space<vmem>>
        %dma_start3A_681 = tpu.memref_squeeze %dma_start3A_680 : memref<1x40xi32, #tpu.memory_space<vmem>> -> memref<40xi32, #tpu.memory_space<vmem>>
        %dma_start3A_682 = arith.constant 0 : i32
        %dma_start3A_683 = arith.constant 0 : i32
        %dma_start3A_684 = tpu.memref_slice %arg2[%dma_start3A_682, %dma_start3A_683] : memref<10240x64xf32, #tpu.memory_space<hbm>> -> memref<10240x64xf32, #tpu.memory_space<hbm>>
        tpu.enqueue_indirect_dma source(%dma_start3A_684 : memref<10240x64xf32, #tpu.memory_space<hbm>>) target(%dma_start3A_678 : memref<40x64xf32, #tpu.memory_space<vmem>>) offsets(%dma_start3A_681 : memref<40xi32, #tpu.memory_space<vmem>>) semaphore(%arg17 : memref<!tpu.dma_semaphore, #tpu.memory_space<semaphore_mem>>)
      } else {
      }
    }
    %scan3A_162 = arith.constant 25 : i32
    %dma_wait3A_163 = arith.constant 0 : i32
    %dma_wait3A_164 = arith.constant 0 : i32
    %dma_wait3A_165 = arith.constant 0 : i32
    %dma_wait3A_166 = tpu.memref_slice %arg7[%dma_wait3A_163, %dma_wait3A_164, %dma_wait3A_165] : memref<10x40x64xf32, #tpu.memory_space<vmem>> -> memref<1x40x64xf32, #tpu.memory_space<vmem>>
    %dma_wait3A_167 = tpu.memref_squeeze %dma_wait3A_166 : memref<1x40x64xf32, #tpu.memory_space<vmem>> -> memref<40x64xf32, #tpu.memory_space<vmem>>
    %dma_wait3A_168 = arith.constant 0 : i32
    %dma_wait3A_169 = arith.constant 0 : i32
    %dma_wait3A_170 = tpu.memref_slice %arg9[%dma_wait3A_168, %dma_wait3A_169] : memref<10240x64xf32, #tpu.memory_space<vmem_shared>> -> memref<40x64xf32, #tpu.memory_space<vmem_shared>>
    %dma_wait3A_171 = arith.constant 0 : i32
    %dma_wait3A_172 = arith.constant 0 : i32
    %dma_wait3A_173 = tpu.memref_slice %arg9[%dma_wait3A_171, %dma_wait3A_172] : memref<10240x64xf32, #tpu.memory_space<vmem_shared>> -> memref<40x64xf32, #tpu.memory_space<vmem_shared>>
    %dma_wait3A_174 = arith.constant 0 : i32
    %dma_wait3A_175 = arith.constant 0 : i32
    %dma_wait3A_176 = tpu.memref_slice %arg7[%dma_wait3A_163, %dma_wait3A_174, %dma_wait3A_175] : memref<10x40x64xf32, #tpu.memory_space<vmem>> -> memref<1x40x64xf32, #tpu.memory_space<vmem>>
    %dma_wait3A_177 = tpu.memref_squeeze %dma_wait3A_176 : memref<1x40x64xf32, #tpu.memory_space<vmem>> -> memref<40x64xf32, #tpu.memory_space<vmem>>
    tpu.wait_dma2 semaphore(%arg22 : memref<!tpu.dma_semaphore, #tpu.memory_space<semaphore_mem>>) src(%dma_wait3A_177 : memref<40x64xf32, #tpu.memory_space<vmem>>) dst(%dma_wait3A_173 : memref<40x64xf32, #tpu.memory_space<vmem_shared>>)
    %dma_wait3A_178 = arith.constant 1 : i32
    %dma_wait3A_179 = arith.constant 0 : i32
    %dma_wait3A_180 = arith.constant 0 : i32
    %dma_wait3A_181 = tpu.memref_slice %arg7[%dma_wait3A_178, %dma_wait3A_179, %dma_wait3A_180] : memref<10x40x64xf32, #tpu.memory_space<vmem>> -> memref<1x40x64xf32, #tpu.memory_space<vmem>>
    %dma_wait3A_182 = tpu.memref_squeeze %dma_wait3A_181 : memref<1x40x64xf32, #tpu.memory_space<vmem>> -> memref<40x64xf32, #tpu.memory_space<vmem>>
    %dma_wait3A_183 = arith.constant 0 : i32
    %dma_wait3A_184 = arith.constant 0 : i32
    %dma_wait3A_185 = tpu.memref_slice %arg9[%dma_wait3A_183, %dma_wait3A_184] : memref<10240x64xf32, #tpu.memory_space<vmem_shared>> -> memref<40x64xf32, #tpu.memory_space<vmem_shared>>
    %dma_wait3A_186 = arith.constant 0 : i32
    %dma_wait3A_187 = arith.constant 0 : i32
    %dma_wait3A_188 = tpu.memref_slice %arg9[%dma_wait3A_186, %dma_wait3A_187] : memref<10240x64xf32, #tpu.memory_space<vmem_shared>> -> memref<40x64xf32, #tpu.memory_space<vmem_shared>>
    %dma_wait3A_189 = arith.constant 0 : i32
    %dma_wait3A_190 = arith.constant 0 : i32
    %dma_wait3A_191 = tpu.memref_slice %arg7[%dma_wait3A_178, %dma_wait3A_189, %dma_wait3A_190] : memref<10x40x64xf32, #tpu.memory_space<vmem>> -> memref<1x40x64xf32, #tpu.memory_space<vmem>>
    %dma_wait3A_192 = tpu.memref_squeeze %dma_wait3A_191 : memref<1x40x64xf32, #tpu.memory_space<vmem>> -> memref<40x64xf32, #tpu.memory_space<vmem>>
    tpu.wait_dma2 semaphore(%arg23 : memref<!tpu.dma_semaphore, #tpu.memory_space<semaphore_mem>>) src(%dma_wait3A_192 : memref<40x64xf32, #tpu.memory_space<vmem>>) dst(%dma_wait3A_188 : memref<40x64xf32, #tpu.memory_space<vmem_shared>>)
    %dma_wait3A_193 = arith.constant 2 : i32
    %dma_wait3A_194 = arith.constant 0 : i32
    %dma_wait3A_195 = arith.constant 0 : i32
    %dma_wait3A_196 = tpu.memref_slice %arg7[%dma_wait3A_193, %dma_wait3A_194, %dma_wait3A_195] : memref<10x40x64xf32, #tpu.memory_space<vmem>> -> memref<1x40x64xf32, #tpu.memory_space<vmem>>
    %dma_wait3A_197 = tpu.memref_squeeze %dma_wait3A_196 : memref<1x40x64xf32, #tpu.memory_space<vmem>> -> memref<40x64xf32, #tpu.memory_space<vmem>>
    %dma_wait3A_198 = arith.constant 0 : i32
    %dma_wait3A_199 = arith.constant 0 : i32
    %dma_wait3A_200 = tpu.memref_slice %arg9[%dma_wait3A_198, %dma_wait3A_199] : memref<10240x64xf32, #tpu.memory_space<vmem_shared>> -> memref<40x64xf32, #tpu.memory_space<vmem_shared>>
    %dma_wait3A_201 = arith.constant 0 : i32
    %dma_wait3A_202 = arith.constant 0 : i32
    %dma_wait3A_203 = tpu.memref_slice %arg9[%dma_wait3A_201, %dma_wait3A_202] : memref<10240x64xf32, #tpu.memory_space<vmem_shared>> -> memref<40x64xf32, #tpu.memory_space<vmem_shared>>
    %dma_wait3A_204 = arith.constant 0 : i32
    %dma_wait3A_205 = arith.constant 0 : i32
    %dma_wait3A_206 = tpu.memref_slice %arg7[%dma_wait3A_193, %dma_wait3A_204, %dma_wait3A_205] : memref<10x40x64xf32, #tpu.memory_space<vmem>> -> memref<1x40x64xf32, #tpu.memory_space<vmem>>
    %dma_wait3A_207 = tpu.memref_squeeze %dma_wait3A_206 : memref<1x40x64xf32, #tpu.memory_space<vmem>> -> memref<40x64xf32, #tpu.memory_space<vmem>>
    tpu.wait_dma2 semaphore(%arg24 : memref<!tpu.dma_semaphore, #tpu.memory_space<semaphore_mem>>) src(%dma_wait3A_207 : memref<40x64xf32, #tpu.memory_space<vmem>>) dst(%dma_wait3A_203 : memref<40x64xf32, #tpu.memory_space<vmem_shared>>)
    %dma_wait3A_208 = arith.constant 3 : i32
    %dma_wait3A_209 = arith.constant 0 : i32
    %dma_wait3A_210 = arith.constant 0 : i32
    %dma_wait3A_211 = tpu.memref_slice %arg7[%dma_wait3A_208, %dma_wait3A_209, %dma_wait3A_210] : memref<10x40x64xf32, #tpu.memory_space<vmem>> -> memref<1x40x64xf32, #tpu.memory_space<vmem>>
    %dma_wait3A_212 = tpu.memref_squeeze %dma_wait3A_211 : memref<1x40x64xf32, #tpu.memory_space<vmem>> -> memref<40x64xf32, #tpu.memory_space<vmem>>
    %dma_wait3A_213 = arith.constant 0 : i32
    %dma_wait3A_214 = arith.constant 0 : i32
    %dma_wait3A_215 = tpu.memref_slice %arg9[%dma_wait3A_213, %dma_wait3A_214] : memref<10240x64xf32, #tpu.memory_space<vmem_shared>> -> memref<40x64xf32, #tpu.memory_space<vmem_shared>>
    %dma_wait3A_216 = arith.constant 0 : i32
    %dma_wait3A_217 = arith.constant 0 : i32
    %dma_wait3A_218 = tpu.memref_slice %arg9[%dma_wait3A_216, %dma_wait3A_217] : memref<10240x64xf32, #tpu.memory_space<vmem_shared>> -> memref<40x64xf32, #tpu.memory_space<vmem_shared>>
    %dma_wait3A_219 = arith.constant 0 : i32
    %dma_wait3A_220 = arith.constant 0 : i32
    %dma_wait3A_221 = tpu.memref_slice %arg7[%dma_wait3A_208, %dma_wait3A_219, %dma_wait3A_220] : memref<10x40x64xf32, #tpu.memory_space<vmem>> -> memref<1x40x64xf32, #tpu.memory_space<vmem>>
    %dma_wait3A_222 = tpu.memref_squeeze %dma_wait3A_221 : memref<1x40x64xf32, #tpu.memory_space<vmem>> -> memref<40x64xf32, #tpu.memory_space<vmem>>
    tpu.wait_dma2 semaphore(%arg25 : memref<!tpu.dma_semaphore, #tpu.memory_space<semaphore_mem>>) src(%dma_wait3A_222 : memref<40x64xf32, #tpu.memory_space<vmem>>) dst(%dma_wait3A_218 : memref<40x64xf32, #tpu.memory_space<vmem_shared>>)
    %dma_wait3A_223 = arith.constant 4 : i32
    %dma_wait3A_224 = arith.constant 0 : i32
    %dma_wait3A_225 = arith.constant 0 : i32
    %dma_wait3A_226 = tpu.memref_slice %arg7[%dma_wait3A_223, %dma_wait3A_224, %dma_wait3A_225] : memref<10x40x64xf32, #tpu.memory_space<vmem>> -> memref<1x40x64xf32, #tpu.memory_space<vmem>>
    %dma_wait3A_227 = tpu.memref_squeeze %dma_wait3A_226 : memref<1x40x64xf32, #tpu.memory_space<vmem>> -> memref<40x64xf32, #tpu.memory_space<vmem>>
    %dma_wait3A_228 = arith.constant 0 : i32
    %dma_wait3A_229 = arith.constant 0 : i32
    %dma_wait3A_230 = tpu.memref_slice %arg9[%dma_wait3A_228, %dma_wait3A_229] : memref<10240x64xf32, #tpu.memory_space<vmem_shared>> -> memref<40x64xf32, #tpu.memory_space<vmem_shared>>
    %dma_wait3A_231 = arith.constant 0 : i32
    %dma_wait3A_232 = arith.constant 0 : i32
    %dma_wait3A_233 = tpu.memref_slice %arg9[%dma_wait3A_231, %dma_wait3A_232] : memref<10240x64xf32, #tpu.memory_space<vmem_shared>> -> memref<40x64xf32, #tpu.memory_space<vmem_shared>>
    %dma_wait3A_234 = arith.constant 0 : i32
    %dma_wait3A_235 = arith.constant 0 : i32
    %dma_wait3A_236 = tpu.memref_slice %arg7[%dma_wait3A_223, %dma_wait3A_234, %dma_wait3A_235] : memref<10x40x64xf32, #tpu.memory_space<vmem>> -> memref<1x40x64xf32, #tpu.memory_space<vmem>>
    %dma_wait3A_237 = tpu.memref_squeeze %dma_wait3A_236 : memref<1x40x64xf32, #tpu.memory_space<vmem>> -> memref<40x64xf32, #tpu.memory_space<vmem>>
    tpu.wait_dma2 semaphore(%arg26 : memref<!tpu.dma_semaphore, #tpu.memory_space<semaphore_mem>>) src(%dma_wait3A_237 : memref<40x64xf32, #tpu.memory_space<vmem>>) dst(%dma_wait3A_233 : memref<40x64xf32, #tpu.memory_space<vmem_shared>>)
    %dma_wait3A_238 = arith.constant 5 : i32
    %dma_wait3A_239 = arith.constant 0 : i32
    %dma_wait3A_240 = arith.constant 0 : i32
    %dma_wait3A_241 = tpu.memref_slice %arg7[%dma_wait3A_238, %dma_wait3A_239, %dma_wait3A_240] : memref<10x40x64xf32, #tpu.memory_space<vmem>> -> memref<1x40x64xf32, #tpu.memory_space<vmem>>
    %dma_wait3A_242 = tpu.memref_squeeze %dma_wait3A_241 : memref<1x40x64xf32, #tpu.memory_space<vmem>> -> memref<40x64xf32, #tpu.memory_space<vmem>>
    %dma_wait3A_243 = arith.constant 0 : i32
    %dma_wait3A_244 = arith.constant 0 : i32
    %dma_wait3A_245 = tpu.memref_slice %arg9[%dma_wait3A_243, %dma_wait3A_244] : memref<10240x64xf32, #tpu.memory_space<vmem_shared>> -> memref<40x64xf32, #tpu.memory_space<vmem_shared>>
    %dma_wait3A_246 = arith.constant 0 : i32
    %dma_wait3A_247 = arith.constant 0 : i32
    %dma_wait3A_248 = tpu.memref_slice %arg9[%dma_wait3A_246, %dma_wait3A_247] : memref<10240x64xf32, #tpu.memory_space<vmem_shared>> -> memref<40x64xf32, #tpu.memory_space<vmem_shared>>
    %dma_wait3A_249 = arith.constant 0 : i32
    %dma_wait3A_250 = arith.constant 0 : i32
    %dma_wait3A_251 = tpu.memref_slice %arg7[%dma_wait3A_238, %dma_wait3A_249, %dma_wait3A_250] : memref<10x40x64xf32, #tpu.memory_space<vmem>> -> memref<1x40x64xf32, #tpu.memory_space<vmem>>
    %dma_wait3A_252 = tpu.memref_squeeze %dma_wait3A_251 : memref<1x40x64xf32, #tpu.memory_space<vmem>> -> memref<40x64xf32, #tpu.memory_space<vmem>>
    tpu.wait_dma2 semaphore(%arg27 : memref<!tpu.dma_semaphore, #tpu.memory_space<semaphore_mem>>) src(%dma_wait3A_252 : memref<40x64xf32, #tpu.memory_space<vmem>>) dst(%dma_wait3A_248 : memref<40x64xf32, #tpu.memory_space<vmem_shared>>)
    %dma_wait3A_253 = arith.constant 6 : i32
    %dma_wait3A_254 = arith.constant 0 : i32
    %dma_wait3A_255 = arith.constant 0 : i32
    %dma_wait3A_256 = tpu.memref_slice %arg7[%dma_wait3A_253, %dma_wait3A_254, %dma_wait3A_255] : memref<10x40x64xf32, #tpu.memory_space<vmem>> -> memref<1x40x64xf32, #tpu.memory_space<vmem>>
    %dma_wait3A_257 = tpu.memref_squeeze %dma_wait3A_256 : memref<1x40x64xf32, #tpu.memory_space<vmem>> -> memref<40x64xf32, #tpu.memory_space<vmem>>
    %dma_wait3A_258 = arith.constant 0 : i32
    %dma_wait3A_259 = arith.constant 0 : i32
    %dma_wait3A_260 = tpu.memref_slice %arg9[%dma_wait3A_258, %dma_wait3A_259] : memref<10240x64xf32, #tpu.memory_space<vmem_shared>> -> memref<40x64xf32, #tpu.memory_space<vmem_shared>>
    %dma_wait3A_261 = arith.constant 0 : i32
    %dma_wait3A_262 = arith.constant 0 : i32
    %dma_wait3A_263 = tpu.memref_slice %arg9[%dma_wait3A_261, %dma_wait3A_262] : memref<10240x64xf32, #tpu.memory_space<vmem_shared>> -> memref<40x64xf32, #tpu.memory_space<vmem_shared>>
    %dma_wait3A_264 = arith.constant 0 : i32
    %dma_wait3A_265 = arith.constant 0 : i32
    %dma_wait3A_266 = tpu.memref_slice %arg7[%dma_wait3A_253, %dma_wait3A_264, %dma_wait3A_265] : memref<10x40x64xf32, #tpu.memory_space<vmem>> -> memref<1x40x64xf32, #tpu.memory_space<vmem>>
    %dma_wait3A_267 = tpu.memref_squeeze %dma_wait3A_266 : memref<1x40x64xf32, #tpu.memory_space<vmem>> -> memref<40x64xf32, #tpu.memory_space<vmem>>
    tpu.wait_dma2 semaphore(%arg28 : memref<!tpu.dma_semaphore, #tpu.memory_space<semaphore_mem>>) src(%dma_wait3A_267 : memref<40x64xf32, #tpu.memory_space<vmem>>) dst(%dma_wait3A_263 : memref<40x64xf32, #tpu.memory_space<vmem_shared>>)
    %dma_wait3A_268 = arith.constant 7 : i32
    %dma_wait3A_269 = arith.constant 0 : i32
    %dma_wait3A_270 = arith.constant 0 : i32
    %dma_wait3A_271 = tpu.memref_slice %arg7[%dma_wait3A_268, %dma_wait3A_269, %dma_wait3A_270] : memref<10x40x64xf32, #tpu.memory_space<vmem>> -> memref<1x40x64xf32, #tpu.memory_space<vmem>>
    %dma_wait3A_272 = tpu.memref_squeeze %dma_wait3A_271 : memref<1x40x64xf32, #tpu.memory_space<vmem>> -> memref<40x64xf32, #tpu.memory_space<vmem>>
    %dma_wait3A_273 = arith.constant 0 : i32
    %dma_wait3A_274 = arith.constant 0 : i32
    %dma_wait3A_275 = tpu.memref_slice %arg9[%dma_wait3A_273, %dma_wait3A_274] : memref<10240x64xf32, #tpu.memory_space<vmem_shared>> -> memref<40x64xf32, #tpu.memory_space<vmem_shared>>
    %dma_wait3A_276 = arith.constant 0 : i32
    %dma_wait3A_277 = arith.constant 0 : i32
    %dma_wait3A_278 = tpu.memref_slice %arg9[%dma_wait3A_276, %dma_wait3A_277] : memref<10240x64xf32, #tpu.memory_space<vmem_shared>> -> memref<40x64xf32, #tpu.memory_space<vmem_shared>>
    %dma_wait3A_279 = arith.constant 0 : i32
    %dma_wait3A_280 = arith.constant 0 : i32
    %dma_wait3A_281 = tpu.memref_slice %arg7[%dma_wait3A_268, %dma_wait3A_279, %dma_wait3A_280] : memref<10x40x64xf32, #tpu.memory_space<vmem>> -> memref<1x40x64xf32, #tpu.memory_space<vmem>>
    %dma_wait3A_282 = tpu.memref_squeeze %dma_wait3A_281 : memref<1x40x64xf32, #tpu.memory_space<vmem>> -> memref<40x64xf32, #tpu.memory_space<vmem>>
    tpu.wait_dma2 semaphore(%arg29 : memref<!tpu.dma_semaphore, #tpu.memory_space<semaphore_mem>>) src(%dma_wait3A_282 : memref<40x64xf32, #tpu.memory_space<vmem>>) dst(%dma_wait3A_278 : memref<40x64xf32, #tpu.memory_space<vmem_shared>>)
    %dma_wait3A_283 = arith.constant 8 : i32
    %dma_wait3A_284 = arith.constant 0 : i32
    %dma_wait3A_285 = arith.constant 0 : i32
    %dma_wait3A_286 = tpu.memref_slice %arg7[%dma_wait3A_283, %dma_wait3A_284, %dma_wait3A_285] : memref<10x40x64xf32, #tpu.memory_space<vmem>> -> memref<1x40x64xf32, #tpu.memory_space<vmem>>
    %dma_wait3A_287 = tpu.memref_squeeze %dma_wait3A_286 : memref<1x40x64xf32, #tpu.memory_space<vmem>> -> memref<40x64xf32, #tpu.memory_space<vmem>>
    %dma_wait3A_288 = arith.constant 0 : i32
    %dma_wait3A_289 = arith.constant 0 : i32
    %dma_wait3A_290 = tpu.memref_slice %arg9[%dma_wait3A_288, %dma_wait3A_289] : memref<10240x64xf32, #tpu.memory_space<vmem_shared>> -> memref<40x64xf32, #tpu.memory_space<vmem_shared>>
    %dma_wait3A_291 = arith.constant 0 : i32
    %dma_wait3A_292 = arith.constant 0 : i32
    %dma_wait3A_293 = tpu.memref_slice %arg9[%dma_wait3A_291, %dma_wait3A_292] : memref<10240x64xf32, #tpu.memory_space<vmem_shared>> -> memref<40x64xf32, #tpu.memory_space<vmem_shared>>
    %dma_wait3A_294 = arith.constant 0 : i32
    %dma_wait3A_295 = arith.constant 0 : i32
    %dma_wait3A_296 = tpu.memref_slice %arg7[%dma_wait3A_283, %dma_wait3A_294, %dma_wait3A_295] : memref<10x40x64xf32, #tpu.memory_space<vmem>> -> memref<1x40x64xf32, #tpu.memory_space<vmem>>
    %dma_wait3A_297 = tpu.memref_squeeze %dma_wait3A_296 : memref<1x40x64xf32, #tpu.memory_space<vmem>> -> memref<40x64xf32, #tpu.memory_space<vmem>>
    tpu.wait_dma2 semaphore(%arg30 : memref<!tpu.dma_semaphore, #tpu.memory_space<semaphore_mem>>) src(%dma_wait3A_297 : memref<40x64xf32, #tpu.memory_space<vmem>>) dst(%dma_wait3A_293 : memref<40x64xf32, #tpu.memory_space<vmem_shared>>)
    %dma_wait3A_298 = arith.constant 9 : i32
    %dma_wait3A_299 = arith.constant 0 : i32
    %dma_wait3A_300 = arith.constant 0 : i32
    %dma_wait3A_301 = tpu.memref_slice %arg7[%dma_wait3A_298, %dma_wait3A_299, %dma_wait3A_300] : memref<10x40x64xf32, #tpu.memory_space<vmem>> -> memref<1x40x64xf32, #tpu.memory_space<vmem>>
    %dma_wait3A_302 = tpu.memref_squeeze %dma_wait3A_301 : memref<1x40x64xf32, #tpu.memory_space<vmem>> -> memref<40x64xf32, #tpu.memory_space<vmem>>
    %dma_wait3A_303 = arith.constant 0 : i32
    %dma_wait3A_304 = arith.constant 0 : i32
    %dma_wait3A_305 = tpu.memref_slice %arg9[%dma_wait3A_303, %dma_wait3A_304] : memref<10240x64xf32, #tpu.memory_space<vmem_shared>> -> memref<40x64xf32, #tpu.memory_space<vmem_shared>>
    %dma_wait3A_306 = arith.constant 0 : i32
    %dma_wait3A_307 = arith.constant 0 : i32
    %dma_wait3A_308 = tpu.memref_slice %arg9[%dma_wait3A_306, %dma_wait3A_307] : memref<10240x64xf32, #tpu.memory_space<vmem_shared>> -> memref<40x64xf32, #tpu.memory_space<vmem_shared>>
    %dma_wait3A_309 = arith.constant 0 : i32
    %dma_wait3A_310 = arith.constant 0 : i32
    %dma_wait3A_311 = tpu.memref_slice %arg7[%dma_wait3A_298, %dma_wait3A_309, %dma_wait3A_310] : memref<10x40x64xf32, #tpu.memory_space<vmem>> -> memref<1x40x64xf32, #tpu.memory_space<vmem>>
    %dma_wait3A_312 = tpu.memref_squeeze %dma_wait3A_311 : memref<1x40x64xf32, #tpu.memory_space<vmem>> -> memref<40x64xf32, #tpu.memory_space<vmem>>
    tpu.wait_dma2 semaphore(%arg31 : memref<!tpu.dma_semaphore, #tpu.memory_space<semaphore_mem>>) src(%dma_wait3A_312 : memref<40x64xf32, #tpu.memory_space<vmem>>) dst(%dma_wait3A_308 : memref<40x64xf32, #tpu.memory_space<vmem_shared>>)
    %barrier3A_313 = arith.constant 0 : index
    tpu.barrier barrier_id(%barrier3A_313)
    %mul3A_314 = arith.constant 640 : i32
    %mul3A_315 = arith.muli %arg1, %mul3A_314 : i32
    %mul3A_316 = arith.constant 640 : i32
    %mul3A_317 = arith.muli %arg1, %mul3A_316 : i32
    %mul3A_318 = arith.constant 64 : i32
    %mul3A_319 = arith.muli %arg0, %mul3A_318 : i32
    "tpu.region"() ({
      %run_scoped3A = tpu.sem_alloc : memref<!tpu.dma_semaphore, #tpu.memory_space<semaphore_mem>>
      %dma_start3A_320 = tpu.memref_slice %arg4[%mul3A_317, %mul3A_319] : memref<10240x128xf32, #tpu.memory_space<hbm>> -> memref<640x64xf32, #tpu.memory_space<hbm>>
      %dma_start3A_321 = arith.constant 0 : i32
      %dma_start3A_322 = tpu.memref_slice %arg9[%mul3A_315, %dma_start3A_321] : memref<10240x64xf32, #tpu.memory_space<vmem_shared>> -> memref<640x64xf32, #tpu.memory_space<vmem_shared>>
      tpu.enqueue_dma source(%dma_start3A_322 : memref<640x64xf32, #tpu.memory_space<vmem_shared>>) target(%dma_start3A_320 : memref<640x64xf32, #tpu.memory_space<hbm>>) target_semaphore(%run_scoped3A : memref<!tpu.dma_semaphore, #tpu.memory_space<semaphore_mem>>)
      %dma_wait3A_323 = tpu.memref_slice %arg4[%mul3A_317, %mul3A_319] : memref<10240x128xf32, #tpu.memory_space<hbm>> -> memref<640x64xf32, #tpu.memory_space<hbm>>
      %dma_wait3A_324 = arith.constant 0 : i32
      %dma_wait3A_325 = tpu.memref_slice %arg9[%mul3A_315, %dma_wait3A_324] : memref<10240x64xf32, #tpu.memory_space<vmem_shared>> -> memref<640x64xf32, #tpu.memory_space<vmem_shared>>
      tpu.wait_dma2 semaphore(%run_scoped3A : memref<!tpu.dma_semaphore, #tpu.memory_space<semaphore_mem>>) src(%dma_wait3A_325 : memref<640x64xf32, #tpu.memory_space<vmem_shared>>) dst(%dma_wait3A_323 : memref<640x64xf32, #tpu.memory_space<hbm>>)
      tpu.yield
    }) : () -> ()
    return
  }
}

#map = affine_map<(d0, d1) -> (0, 0)>
module attributes {stable_mosaic.version = 14 : i64} {
  func.func @k(%arg0: i32, %arg1: i32, %arg2: memref<10240x128xf32, #tpu.memory_space<hbm>>, %arg3: memref<16000x40xi32, #tpu.memory_space<hbm>>, %arg4: memref<20480x128xf32, #tpu.memory_space<hbm>>, %arg5: memref<250x40xi32, #tpu.memory_space<vmem>>, %arg6: memref<250x40xi32, #tpu.memory_space<vmem>>, %arg7: memref<5x40x128xf32, #tpu.memory_space<vmem>>, %arg8: memref<16x128xf32, #tpu.memory_space<vmem>>, %arg9: memref<10240x128xf32, #tpu.memory_space<vmem_shared>>, %arg10: memref<!tpu.dma_semaphore, #tpu.memory_space<semaphore_mem>>, %arg11: memref<!tpu.dma_semaphore, #tpu.memory_space<semaphore_mem>>, %arg12: memref<!tpu.dma_semaphore, #tpu.memory_space<semaphore_mem>>, %arg13: memref<!tpu.dma_semaphore, #tpu.memory_space<semaphore_mem>>, %arg14: memref<!tpu.dma_semaphore, #tpu.memory_space<semaphore_mem>>, %arg15: memref<!tpu.dma_semaphore, #tpu.memory_space<semaphore_mem>>, %arg16: memref<!tpu.dma_semaphore, #tpu.memory_space<semaphore_mem>>, %arg17: memref<!tpu.dma_semaphore, #tpu.memory_space<semaphore_mem>>, %arg18: memref<!tpu.dma_semaphore, #tpu.memory_space<semaphore_mem>>, %arg19: memref<!tpu.dma_semaphore, #tpu.memory_space<semaphore_mem>>, %arg20: memref<!tpu.dma_semaphore, #tpu.memory_space<semaphore_mem>>, %arg21: memref<!tpu.dma_semaphore, #tpu.memory_space<semaphore_mem>>) attributes {dimension_semantics = [#tpu.dimension_semantics<core_parallel>, #tpu.dimension_semantics<subcore_parallel>], iteration_bounds = array<i64: 2, 16>, scalar_prefetch = 0 : i64, scratch_operands = 17 : i64, tpu.core_type = #tpu.core_type<sc_vector_subcore>, window_params = [{transform_indices = #map}, {transform_indices = #map}, {transform_indices = #map}]} {
    %mul3A = arith.constant 16 : i32
    %mul3A_0 = arith.muli %arg0, %mul3A : i32
    %add3A = arith.addi %mul3A_0, %arg1 : i32
    %mul3A_1 = arith.constant 10000 : i32
    %mul3A_2 = arith.muli %add3A, %mul3A_1 : i32
    %jit3A = arith.constant 40 : i32
    %div3A = arith.divsi %mul3A_2, %jit3A : i32
    %sign3A = arith.constant 0 : i32
    %sign3A_3 = arith.cmpi sgt, %mul3A_2, %sign3A : i32
    %sign3A_4 = arith.extui %sign3A_3 : i1 to i32
    %sign3A_5 = arith.constant 0 : i32
    %sign3A_6 = arith.cmpi slt, %mul3A_2, %sign3A_5 : i32
    %sign3A_7 = arith.extui %sign3A_6 : i1 to i32
    %sign3A_8 = arith.subi %sign3A_4, %sign3A_7 : i32
    %sign3A_9 = arith.constant 0 : i32
    %sign3A_10 = arith.cmpi sgt, %jit3A, %sign3A_9 : i32
    %sign3A_11 = arith.extui %sign3A_10 : i1 to i32
    %sign3A_12 = arith.constant 0 : i32
    %sign3A_13 = arith.cmpi slt, %jit3A, %sign3A_12 : i32
    %sign3A_14 = arith.extui %sign3A_13 : i1 to i32
    %sign3A_15 = arith.subi %sign3A_11, %sign3A_14 : i32
    %ne3A = arith.cmpi ne, %sign3A_8, %sign3A_15 : i32
    %rem3A = arith.remsi %mul3A_2, %jit3A : i32
    %ne3A_16 = arith.constant 0 : i32
    %ne3A_17 = arith.cmpi ne, %rem3A, %ne3A_16 : i32
    %and3A = arith.andi %ne3A, %ne3A_17 : i1
    %sub3A = arith.constant 1 : i32
    %sub3A_18 = arith.subi %div3A, %sub3A : i32
    %select_n3A = arith.select %and3A, %sub3A_18, %div3A : i32
    %add3A_19 = arith.constant 320000 : i32
    %add3A_20 = arith.addi %add3A_19, %mul3A_2 : i32
    %jit3A_21 = arith.constant 40 : i32
    %div3A_22 = arith.divsi %add3A_20, %jit3A_21 : i32
    %sign3A_23 = arith.constant 0 : i32
    %sign3A_24 = arith.cmpi sgt, %add3A_20, %sign3A_23 : i32
    %sign3A_25 = arith.extui %sign3A_24 : i1 to i32
    %sign3A_26 = arith.constant 0 : i32
    %sign3A_27 = arith.cmpi slt, %add3A_20, %sign3A_26 : i32
    %sign3A_28 = arith.extui %sign3A_27 : i1 to i32
    %sign3A_29 = arith.subi %sign3A_25, %sign3A_28 : i32
    %sign3A_30 = arith.constant 0 : i32
    %sign3A_31 = arith.cmpi sgt, %jit3A_21, %sign3A_30 : i32
    %sign3A_32 = arith.extui %sign3A_31 : i1 to i32
    %sign3A_33 = arith.constant 0 : i32
    %sign3A_34 = arith.cmpi slt, %jit3A_21, %sign3A_33 : i32
    %sign3A_35 = arith.extui %sign3A_34 : i1 to i32
    %sign3A_36 = arith.subi %sign3A_32, %sign3A_35 : i32
    %ne3A_37 = arith.cmpi ne, %sign3A_29, %sign3A_36 : i32
    %rem3A_38 = arith.remsi %add3A_20, %jit3A_21 : i32
    %ne3A_39 = arith.constant 0 : i32
    %ne3A_40 = arith.cmpi ne, %rem3A_38, %ne3A_39 : i32
    %and3A_41 = arith.andi %ne3A_37, %ne3A_40 : i1
    %sub3A_42 = arith.constant 1 : i32
    %sub3A_43 = arith.subi %div3A_22, %sub3A_42 : i32
    %select_n3A_44 = arith.select %and3A_41, %sub3A_43, %div3A_22 : i32
    %dma_start3A = arith.constant 0 : i32
    %dma_start3A_45 = tpu.memref_slice %arg3[%select_n3A, %dma_start3A] : memref<16000x40xi32, #tpu.memory_space<hbm>> -> memref<250x40xi32, #tpu.memory_space<hbm>>
    %dma_start3A_46 = arith.constant 0 : i32
    %dma_start3A_47 = tpu.memref_slice %arg3[%select_n3A, %dma_start3A_46] : memref<16000x40xi32, #tpu.memory_space<hbm>> -> memref<250x40xi32, #tpu.memory_space<hbm>>
    tpu.enqueue_dma source(%dma_start3A_47 : memref<250x40xi32, #tpu.memory_space<hbm>>) target(%arg5 : memref<250x40xi32, #tpu.memory_space<vmem>>) target_semaphore(%arg10 : memref<!tpu.dma_semaphore, #tpu.memory_space<semaphore_mem>>)
    %dma_start3A_48 = arith.constant 0 : i32
    %dma_start3A_49 = tpu.memref_slice %arg3[%select_n3A_44, %dma_start3A_48] : memref<16000x40xi32, #tpu.memory_space<hbm>> -> memref<250x40xi32, #tpu.memory_space<hbm>>
    %dma_start3A_50 = arith.constant 0 : i32
    %dma_start3A_51 = tpu.memref_slice %arg3[%select_n3A_44, %dma_start3A_50] : memref<16000x40xi32, #tpu.memory_space<hbm>> -> memref<250x40xi32, #tpu.memory_space<hbm>>
    tpu.enqueue_dma source(%dma_start3A_51 : memref<250x40xi32, #tpu.memory_space<hbm>>) target(%arg6 : memref<250x40xi32, #tpu.memory_space<vmem>>) target_semaphore(%arg11 : memref<!tpu.dma_semaphore, #tpu.memory_space<semaphore_mem>>)
    %broadcast_in_dim3A = arith.constant 0.000000e+00 : f32
    %broadcast_in_dim3A_52 = vector.broadcast %broadcast_in_dim3A : f32 to vector<16xf32>
    %scan3A = arith.constant 0 : i32
    %scan3A_53 = arith.constant 0 : i32
    %scan3A_54 = arith.constant 128 : i32
    %scan3A_55 = arith.addi %scan3A_53, %scan3A_54 : i32
    %scan3A_56 = arith.constant 1 : i32
    scf.for %scan3A_362 = %scan3A_53 to %scan3A_55 step %scan3A_56  : i32 {
      %jit3A_363 = arith.constant 8 : i32
      %div3A_364 = arith.divsi %scan3A_362, %jit3A_363 : i32
      %sign3A_365 = arith.constant 0 : i32
      %sign3A_366 = arith.cmpi sgt, %scan3A_362, %sign3A_365 : i32
      %sign3A_367 = arith.extui %sign3A_366 : i1 to i32
      %sign3A_368 = arith.constant 0 : i32
      %sign3A_369 = arith.cmpi slt, %scan3A_362, %sign3A_368 : i32
      %sign3A_370 = arith.extui %sign3A_369 : i1 to i32
      %sign3A_371 = arith.subi %sign3A_367, %sign3A_370 : i32
      %sign3A_372 = arith.constant 0 : i32
      %sign3A_373 = arith.cmpi sgt, %jit3A_363, %sign3A_372 : i32
      %sign3A_374 = arith.extui %sign3A_373 : i1 to i32
      %sign3A_375 = arith.constant 0 : i32
      %sign3A_376 = arith.cmpi slt, %jit3A_363, %sign3A_375 : i32
      %sign3A_377 = arith.extui %sign3A_376 : i1 to i32
      %sign3A_378 = arith.subi %sign3A_374, %sign3A_377 : i32
      %ne3A_379 = arith.cmpi ne, %sign3A_371, %sign3A_378 : i32
      %rem3A_380 = arith.remsi %scan3A_362, %jit3A_363 : i32
      %ne3A_381 = arith.constant 0 : i32
      %ne3A_382 = arith.cmpi ne, %rem3A_380, %ne3A_381 : i32
      %and3A_383 = arith.andi %ne3A_379, %ne3A_382 : i1
      %sub3A_384 = arith.constant 1 : i32
      %sub3A_385 = arith.subi %div3A_364, %sub3A_384 : i32
      %select_n3A_386 = arith.select %and3A_383, %sub3A_385, %div3A_364 : i32
      %jit3A_387 = arith.constant 8 : i32
      %eq3A = arith.constant 0 : i32
      %eq3A_388 = arith.cmpi eq, %jit3A_387, %eq3A : i32
      %jit3A_389 = arith.constant 1 : i32
      %select_n3A_390 = arith.select %eq3A_388, %jit3A_389, %jit3A_387 : i32
      %rem3A_391 = arith.remsi %scan3A_362, %select_n3A_390 : i32
      %ne3A_392 = arith.constant 0 : i32
      %ne3A_393 = arith.cmpi ne, %rem3A_391, %ne3A_392 : i32
      %lt3A = arith.constant 0 : i32
      %lt3A_394 = arith.cmpi slt, %rem3A_391, %lt3A : i32
      %lt3A_395 = arith.constant 0 : i32
      %lt3A_396 = arith.cmpi slt, %select_n3A_390, %lt3A_395 : i32
      %ne3A_397 = arith.xori %lt3A_394, %lt3A_396 : i1
      %and3A_398 = arith.andi %ne3A_397, %ne3A_393 : i1
      %add3A_399 = arith.addi %rem3A_391, %select_n3A_390 : i32
      %select_n3A_400 = arith.select %and3A_398, %add3A_399, %rem3A_391 : i32
      %mul3A_401 = arith.constant 16 : i32
      %mul3A_402 = arith.muli %select_n3A_400, %mul3A_401 : i32
      %swap3A = arith.index_cast %select_n3A_386 : i32 to index
      %swap3A_403 = arith.index_cast %mul3A_402 : i32 to index
      %swap3A_404 = tpu.vector_load %arg8[%swap3A, %swap3A_403] {strides = array<i32>} : memref<16x128xf32, #tpu.memory_space<vmem>>, vector<16xf32>,
      tpu.vector_store %arg8[%swap3A, %swap3A_403], %broadcast_in_dim3A_52 {strides = array<i32>} : memref<16x128xf32, #tpu.memory_space<vmem>>, vector<16xf32>,
    }
    %scan3A_57 = arith.constant 128 : i32
    %mul3A_58 = arith.constant 640 : i32
    %mul3A_59 = arith.muli %arg1, %mul3A_58 : i32
    %add3A_60 = arith.constant 0 : i32
    %add3A_61 = arith.addi %mul3A_59, %add3A_60 : i32
    "tpu.region"() ({
      %run_scoped3A = tpu.sem_alloc : memref<!tpu.dma_semaphore, #tpu.memory_space<semaphore_mem>>
      %dma_start3A_362 = arith.constant 0 : i32
      %dma_start3A_363 = tpu.memref_slice %arg9[%add3A_61, %dma_start3A_362] : memref<10240x128xf32, #tpu.memory_space<vmem_shared>> -> memref<16x128xf32, #tpu.memory_space<vmem_shared>>
      %dma_start3A_364 = arith.constant 0 : i32
      %dma_start3A_365 = tpu.memref_slice %arg9[%add3A_61, %dma_start3A_364] : memref<10240x128xf32, #tpu.memory_space<vmem_shared>> -> memref<16x128xf32, #tpu.memory_space<vmem_shared>>
      tpu.enqueue_dma source(%arg8 : memref<16x128xf32, #tpu.memory_space<vmem>>) target(%dma_start3A_365 : memref<16x128xf32, #tpu.memory_space<vmem_shared>>) target_semaphore(%run_scoped3A : memref<!tpu.dma_semaphore, #tpu.memory_space<semaphore_mem>>)
      %dma_wait3A_366 = arith.constant 0 : i32
      %dma_wait3A_367 = tpu.memref_slice %arg9[%add3A_61, %dma_wait3A_366] : memref<10240x128xf32, #tpu.memory_space<vmem_shared>> -> memref<16x128xf32, #tpu.memory_space<vmem_shared>>
      %dma_wait3A_368 = arith.constant 0 : i32
      %dma_wait3A_369 = tpu.memref_slice %arg9[%add3A_61, %dma_wait3A_368] : memref<10240x128xf32, #tpu.memory_space<vmem_shared>> -> memref<16x128xf32, #tpu.memory_space<vmem_shared>>
      tpu.wait_dma2 semaphore(%run_scoped3A : memref<!tpu.dma_semaphore, #tpu.memory_space<semaphore_mem>>) src(%arg8 : memref<16x128xf32, #tpu.memory_space<vmem>>) dst(%dma_wait3A_369 : memref<16x128xf32, #tpu.memory_space<vmem_shared>>)
      tpu.yield
    }) : () -> ()
    %mul3A_62 = arith.constant 640 : i32
    %mul3A_63 = arith.muli %arg1, %mul3A_62 : i32
    %add3A_64 = arith.constant 16 : i32
    %add3A_65 = arith.addi %mul3A_63, %add3A_64 : i32
    "tpu.region"() ({
      %run_scoped3A = tpu.sem_alloc : memref<!tpu.dma_semaphore, #tpu.memory_space<semaphore_mem>>
      %dma_start3A_362 = arith.constant 0 : i32
      %dma_start3A_363 = tpu.memref_slice %arg9[%add3A_65, %dma_start3A_362] : memref<10240x128xf32, #tpu.memory_space<vmem_shared>> -> memref<16x128xf32, #tpu.memory_space<vmem_shared>>
      %dma_start3A_364 = arith.constant 0 : i32
      %dma_start3A_365 = tpu.memref_slice %arg9[%add3A_65, %dma_start3A_364] : memref<10240x128xf32, #tpu.memory_space<vmem_shared>> -> memref<16x128xf32, #tpu.memory_space<vmem_shared>>
      tpu.enqueue_dma source(%arg8 : memref<16x128xf32, #tpu.memory_space<vmem>>) target(%dma_start3A_365 : memref<16x128xf32, #tpu.memory_space<vmem_shared>>) target_semaphore(%run_scoped3A : memref<!tpu.dma_semaphore, #tpu.memory_space<semaphore_mem>>)
      %dma_wait3A_366 = arith.constant 0 : i32
      %dma_wait3A_367 = tpu.memref_slice %arg9[%add3A_65, %dma_wait3A_366] : memref<10240x128xf32, #tpu.memory_space<vmem_shared>> -> memref<16x128xf32, #tpu.memory_space<vmem_shared>>
      %dma_wait3A_368 = arith.constant 0 : i32
      %dma_wait3A_369 = tpu.memref_slice %arg9[%add3A_65, %dma_wait3A_368] : memref<10240x128xf32, #tpu.memory_space<vmem_shared>> -> memref<16x128xf32, #tpu.memory_space<vmem_shared>>
      tpu.wait_dma2 semaphore(%run_scoped3A : memref<!tpu.dma_semaphore, #tpu.memory_space<semaphore_mem>>) src(%arg8 : memref<16x128xf32, #tpu.memory_space<vmem>>) dst(%dma_wait3A_369 : memref<16x128xf32, #tpu.memory_space<vmem_shared>>)
      tpu.yield
    }) : () -> ()
    %mul3A_66 = arith.constant 640 : i32
    %mul3A_67 = arith.muli %arg1, %mul3A_66 : i32
    %add3A_68 = arith.constant 32 : i32
    %add3A_69 = arith.addi %mul3A_67, %add3A_68 : i32
    "tpu.region"() ({
      %run_scoped3A = tpu.sem_alloc : memref<!tpu.dma_semaphore, #tpu.memory_space<semaphore_mem>>
      %dma_start3A_362 = arith.constant 0 : i32
      %dma_start3A_363 = tpu.memref_slice %arg9[%add3A_69, %dma_start3A_362] : memref<10240x128xf32, #tpu.memory_space<vmem_shared>> -> memref<16x128xf32, #tpu.memory_space<vmem_shared>>
      %dma_start3A_364 = arith.constant 0 : i32
      %dma_start3A_365 = tpu.memref_slice %arg9[%add3A_69, %dma_start3A_364] : memref<10240x128xf32, #tpu.memory_space<vmem_shared>> -> memref<16x128xf32, #tpu.memory_space<vmem_shared>>
      tpu.enqueue_dma source(%arg8 : memref<16x128xf32, #tpu.memory_space<vmem>>) target(%dma_start3A_365 : memref<16x128xf32, #tpu.memory_space<vmem_shared>>) target_semaphore(%run_scoped3A : memref<!tpu.dma_semaphore, #tpu.memory_space<semaphore_mem>>)
      %dma_wait3A_366 = arith.constant 0 : i32
      %dma_wait3A_367 = tpu.memref_slice %arg9[%add3A_69, %dma_wait3A_366] : memref<10240x128xf32, #tpu.memory_space<vmem_shared>> -> memref<16x128xf32, #tpu.memory_space<vmem_shared>>
      %dma_wait3A_368 = arith.constant 0 : i32
      %dma_wait3A_369 = tpu.memref_slice %arg9[%add3A_69, %dma_wait3A_368] : memref<10240x128xf32, #tpu.memory_space<vmem_shared>> -> memref<16x128xf32, #tpu.memory_space<vmem_shared>>
      tpu.wait_dma2 semaphore(%run_scoped3A : memref<!tpu.dma_semaphore, #tpu.memory_space<semaphore_mem>>) src(%arg8 : memref<16x128xf32, #tpu.memory_space<vmem>>) dst(%dma_wait3A_369 : memref<16x128xf32, #tpu.memory_space<vmem_shared>>)
      tpu.yield
    }) : () -> ()
    %mul3A_70 = arith.constant 640 : i32
    %mul3A_71 = arith.muli %arg1, %mul3A_70 : i32
    %add3A_72 = arith.constant 48 : i32
    %add3A_73 = arith.addi %mul3A_71, %add3A_72 : i32
    "tpu.region"() ({
      %run_scoped3A = tpu.sem_alloc : memref<!tpu.dma_semaphore, #tpu.memory_space<semaphore_mem>>
      %dma_start3A_362 = arith.constant 0 : i32
      %dma_start3A_363 = tpu.memref_slice %arg9[%add3A_73, %dma_start3A_362] : memref<10240x128xf32, #tpu.memory_space<vmem_shared>> -> memref<16x128xf32, #tpu.memory_space<vmem_shared>>
      %dma_start3A_364 = arith.constant 0 : i32
      %dma_start3A_365 = tpu.memref_slice %arg9[%add3A_73, %dma_start3A_364] : memref<10240x128xf32, #tpu.memory_space<vmem_shared>> -> memref<16x128xf32, #tpu.memory_space<vmem_shared>>
      tpu.enqueue_dma source(%arg8 : memref<16x128xf32, #tpu.memory_space<vmem>>) target(%dma_start3A_365 : memref<16x128xf32, #tpu.memory_space<vmem_shared>>) target_semaphore(%run_scoped3A : memref<!tpu.dma_semaphore, #tpu.memory_space<semaphore_mem>>)
      %dma_wait3A_366 = arith.constant 0 : i32
      %dma_wait3A_367 = tpu.memref_slice %arg9[%add3A_73, %dma_wait3A_366] : memref<10240x128xf32, #tpu.memory_space<vmem_shared>> -> memref<16x128xf32, #tpu.memory_space<vmem_shared>>
      %dma_wait3A_368 = arith.constant 0 : i32
      %dma_wait3A_369 = tpu.memref_slice %arg9[%add3A_73, %dma_wait3A_368] : memref<10240x128xf32, #tpu.memory_space<vmem_shared>> -> memref<16x128xf32, #tpu.memory_space<vmem_shared>>
      tpu.wait_dma2 semaphore(%run_scoped3A : memref<!tpu.dma_semaphore, #tpu.memory_space<semaphore_mem>>) src(%arg8 : memref<16x128xf32, #tpu.memory_space<vmem>>) dst(%dma_wait3A_369 : memref<16x128xf32, #tpu.memory_space<vmem_shared>>)
      tpu.yield
    }) : () -> ()
    %mul3A_74 = arith.constant 640 : i32
    %mul3A_75 = arith.muli %arg1, %mul3A_74 : i32
    %add3A_76 = arith.constant 64 : i32
    %add3A_77 = arith.addi %mul3A_75, %add3A_76 : i32
    "tpu.region"() ({
      %run_scoped3A = tpu.sem_alloc : memref<!tpu.dma_semaphore, #tpu.memory_space<semaphore_mem>>
      %dma_start3A_362 = arith.constant 0 : i32
      %dma_start3A_363 = tpu.memref_slice %arg9[%add3A_77, %dma_start3A_362] : memref<10240x128xf32, #tpu.memory_space<vmem_shared>> -> memref<16x128xf32, #tpu.memory_space<vmem_shared>>
      %dma_start3A_364 = arith.constant 0 : i32
      %dma_start3A_365 = tpu.memref_slice %arg9[%add3A_77, %dma_start3A_364] : memref<10240x128xf32, #tpu.memory_space<vmem_shared>> -> memref<16x128xf32, #tpu.memory_space<vmem_shared>>
      tpu.enqueue_dma source(%arg8 : memref<16x128xf32, #tpu.memory_space<vmem>>) target(%dma_start3A_365 : memref<16x128xf32, #tpu.memory_space<vmem_shared>>) target_semaphore(%run_scoped3A : memref<!tpu.dma_semaphore, #tpu.memory_space<semaphore_mem>>)
      %dma_wait3A_366 = arith.constant 0 : i32
      %dma_wait3A_367 = tpu.memref_slice %arg9[%add3A_77, %dma_wait3A_366] : memref<10240x128xf32, #tpu.memory_space<vmem_shared>> -> memref<16x128xf32, #tpu.memory_space<vmem_shared>>
      %dma_wait3A_368 = arith.constant 0 : i32
      %dma_wait3A_369 = tpu.memref_slice %arg9[%add3A_77, %dma_wait3A_368] : memref<10240x128xf32, #tpu.memory_space<vmem_shared>> -> memref<16x128xf32, #tpu.memory_space<vmem_shared>>
      tpu.wait_dma2 semaphore(%run_scoped3A : memref<!tpu.dma_semaphore, #tpu.memory_space<semaphore_mem>>) src(%arg8 : memref<16x128xf32, #tpu.memory_space<vmem>>) dst(%dma_wait3A_369 : memref<16x128xf32, #tpu.memory_space<vmem_shared>>)
      tpu.yield
    }) : () -> ()
    %mul3A_78 = arith.constant 640 : i32
    %mul3A_79 = arith.muli %arg1, %mul3A_78 : i32
    %add3A_80 = arith.constant 80 : i32
    %add3A_81 = arith.addi %mul3A_79, %add3A_80 : i32
    "tpu.region"() ({
      %run_scoped3A = tpu.sem_alloc : memref<!tpu.dma_semaphore, #tpu.memory_space<semaphore_mem>>
      %dma_start3A_362 = arith.constant 0 : i32
      %dma_start3A_363 = tpu.memref_slice %arg9[%add3A_81, %dma_start3A_362] : memref<10240x128xf32, #tpu.memory_space<vmem_shared>> -> memref<16x128xf32, #tpu.memory_space<vmem_shared>>
      %dma_start3A_364 = arith.constant 0 : i32
      %dma_start3A_365 = tpu.memref_slice %arg9[%add3A_81, %dma_start3A_364] : memref<10240x128xf32, #tpu.memory_space<vmem_shared>> -> memref<16x128xf32, #tpu.memory_space<vmem_shared>>
      tpu.enqueue_dma source(%arg8 : memref<16x128xf32, #tpu.memory_space<vmem>>) target(%dma_start3A_365 : memref<16x128xf32, #tpu.memory_space<vmem_shared>>) target_semaphore(%run_scoped3A : memref<!tpu.dma_semaphore, #tpu.memory_space<semaphore_mem>>)
      %dma_wait3A_366 = arith.constant 0 : i32
      %dma_wait3A_367 = tpu.memref_slice %arg9[%add3A_81, %dma_wait3A_366] : memref<10240x128xf32, #tpu.memory_space<vmem_shared>> -> memref<16x128xf32, #tpu.memory_space<vmem_shared>>
      %dma_wait3A_368 = arith.constant 0 : i32
      %dma_wait3A_369 = tpu.memref_slice %arg9[%add3A_81, %dma_wait3A_368] : memref<10240x128xf32, #tpu.memory_space<vmem_shared>> -> memref<16x128xf32, #tpu.memory_space<vmem_shared>>
      tpu.wait_dma2 semaphore(%run_scoped3A : memref<!tpu.dma_semaphore, #tpu.memory_space<semaphore_mem>>) src(%arg8 : memref<16x128xf32, #tpu.memory_space<vmem>>) dst(%dma_wait3A_369 : memref<16x128xf32, #tpu.memory_space<vmem_shared>>)
      tpu.yield
    }) : () -> ()
    %mul3A_82 = arith.constant 640 : i32
    %mul3A_83 = arith.muli %arg1, %mul3A_82 : i32
    %add3A_84 = arith.constant 96 : i32
    %add3A_85 = arith.addi %mul3A_83, %add3A_84 : i32
    "tpu.region"() ({
      %run_scoped3A = tpu.sem_alloc : memref<!tpu.dma_semaphore, #tpu.memory_space<semaphore_mem>>
      %dma_start3A_362 = arith.constant 0 : i32
      %dma_start3A_363 = tpu.memref_slice %arg9[%add3A_85, %dma_start3A_362] : memref<10240x128xf32, #tpu.memory_space<vmem_shared>> -> memref<16x128xf32, #tpu.memory_space<vmem_shared>>
      %dma_start3A_364 = arith.constant 0 : i32
      %dma_start3A_365 = tpu.memref_slice %arg9[%add3A_85, %dma_start3A_364] : memref<10240x128xf32, #tpu.memory_space<vmem_shared>> -> memref<16x128xf32, #tpu.memory_space<vmem_shared>>
      tpu.enqueue_dma source(%arg8 : memref<16x128xf32, #tpu.memory_space<vmem>>) target(%dma_start3A_365 : memref<16x128xf32, #tpu.memory_space<vmem_shared>>) target_semaphore(%run_scoped3A : memref<!tpu.dma_semaphore, #tpu.memory_space<semaphore_mem>>)
      %dma_wait3A_366 = arith.constant 0 : i32
      %dma_wait3A_367 = tpu.memref_slice %arg9[%add3A_85, %dma_wait3A_366] : memref<10240x128xf32, #tpu.memory_space<vmem_shared>> -> memref<16x128xf32, #tpu.memory_space<vmem_shared>>
      %dma_wait3A_368 = arith.constant 0 : i32
      %dma_wait3A_369 = tpu.memref_slice %arg9[%add3A_85, %dma_wait3A_368] : memref<10240x128xf32, #tpu.memory_space<vmem_shared>> -> memref<16x128xf32, #tpu.memory_space<vmem_shared>>
      tpu.wait_dma2 semaphore(%run_scoped3A : memref<!tpu.dma_semaphore, #tpu.memory_space<semaphore_mem>>) src(%arg8 : memref<16x128xf32, #tpu.memory_space<vmem>>) dst(%dma_wait3A_369 : memref<16x128xf32, #tpu.memory_space<vmem_shared>>)
      tpu.yield
    }) : () -> ()
    %mul3A_86 = arith.constant 640 : i32
    %mul3A_87 = arith.muli %arg1, %mul3A_86 : i32
    %add3A_88 = arith.constant 112 : i32
    %add3A_89 = arith.addi %mul3A_87, %add3A_88 : i32
    "tpu.region"() ({
      %run_scoped3A = tpu.sem_alloc : memref<!tpu.dma_semaphore, #tpu.memory_space<semaphore_mem>>
      %dma_start3A_362 = arith.constant 0 : i32
      %dma_start3A_363 = tpu.memref_slice %arg9[%add3A_89, %dma_start3A_362] : memref<10240x128xf32, #tpu.memory_space<vmem_shared>> -> memref<16x128xf32, #tpu.memory_space<vmem_shared>>
      %dma_start3A_364 = arith.constant 0 : i32
      %dma_start3A_365 = tpu.memref_slice %arg9[%add3A_89, %dma_start3A_364] : memref<10240x128xf32, #tpu.memory_space<vmem_shared>> -> memref<16x128xf32, #tpu.memory_space<vmem_shared>>
      tpu.enqueue_dma source(%arg8 : memref<16x128xf32, #tpu.memory_space<vmem>>) target(%dma_start3A_365 : memref<16x128xf32, #tpu.memory_space<vmem_shared>>) target_semaphore(%run_scoped3A : memref<!tpu.dma_semaphore, #tpu.memory_space<semaphore_mem>>)
      %dma_wait3A_366 = arith.constant 0 : i32
      %dma_wait3A_367 = tpu.memref_slice %arg9[%add3A_89, %dma_wait3A_366] : memref<10240x128xf32, #tpu.memory_space<vmem_shared>> -> memref<16x128xf32, #tpu.memory_space<vmem_shared>>
      %dma_wait3A_368 = arith.constant 0 : i32
      %dma_wait3A_369 = tpu.memref_slice %arg9[%add3A_89, %dma_wait3A_368] : memref<10240x128xf32, #tpu.memory_space<vmem_shared>> -> memref<16x128xf32, #tpu.memory_space<vmem_shared>>
      tpu.wait_dma2 semaphore(%run_scoped3A : memref<!tpu.dma_semaphore, #tpu.memory_space<semaphore_mem>>) src(%arg8 : memref<16x128xf32, #tpu.memory_space<vmem>>) dst(%dma_wait3A_369 : memref<16x128xf32, #tpu.memory_space<vmem_shared>>)
      tpu.yield
    }) : () -> ()
    %mul3A_90 = arith.constant 640 : i32
    %mul3A_91 = arith.muli %arg1, %mul3A_90 : i32
    %add3A_92 = arith.constant 128 : i32
    %add3A_93 = arith.addi %mul3A_91, %add3A_92 : i32
    "tpu.region"() ({
      %run_scoped3A = tpu.sem_alloc : memref<!tpu.dma_semaphore, #tpu.memory_space<semaphore_mem>>
      %dma_start3A_362 = arith.constant 0 : i32
      %dma_start3A_363 = tpu.memref_slice %arg9[%add3A_93, %dma_start3A_362] : memref<10240x128xf32, #tpu.memory_space<vmem_shared>> -> memref<16x128xf32, #tpu.memory_space<vmem_shared>>
      %dma_start3A_364 = arith.constant 0 : i32
      %dma_start3A_365 = tpu.memref_slice %arg9[%add3A_93, %dma_start3A_364] : memref<10240x128xf32, #tpu.memory_space<vmem_shared>> -> memref<16x128xf32, #tpu.memory_space<vmem_shared>>
      tpu.enqueue_dma source(%arg8 : memref<16x128xf32, #tpu.memory_space<vmem>>) target(%dma_start3A_365 : memref<16x128xf32, #tpu.memory_space<vmem_shared>>) target_semaphore(%run_scoped3A : memref<!tpu.dma_semaphore, #tpu.memory_space<semaphore_mem>>)
      %dma_wait3A_366 = arith.constant 0 : i32
      %dma_wait3A_367 = tpu.memref_slice %arg9[%add3A_93, %dma_wait3A_366] : memref<10240x128xf32, #tpu.memory_space<vmem_shared>> -> memref<16x128xf32, #tpu.memory_space<vmem_shared>>
      %dma_wait3A_368 = arith.constant 0 : i32
      %dma_wait3A_369 = tpu.memref_slice %arg9[%add3A_93, %dma_wait3A_368] : memref<10240x128xf32, #tpu.memory_space<vmem_shared>> -> memref<16x128xf32, #tpu.memory_space<vmem_shared>>
      tpu.wait_dma2 semaphore(%run_scoped3A : memref<!tpu.dma_semaphore, #tpu.memory_space<semaphore_mem>>) src(%arg8 : memref<16x128xf32, #tpu.memory_space<vmem>>) dst(%dma_wait3A_369 : memref<16x128xf32, #tpu.memory_space<vmem_shared>>)
      tpu.yield
    }) : () -> ()
    %mul3A_94 = arith.constant 640 : i32
    %mul3A_95 = arith.muli %arg1, %mul3A_94 : i32
    %add3A_96 = arith.constant 144 : i32
    %add3A_97 = arith.addi %mul3A_95, %add3A_96 : i32
    "tpu.region"() ({
      %run_scoped3A = tpu.sem_alloc : memref<!tpu.dma_semaphore, #tpu.memory_space<semaphore_mem>>
      %dma_start3A_362 = arith.constant 0 : i32
      %dma_start3A_363 = tpu.memref_slice %arg9[%add3A_97, %dma_start3A_362] : memref<10240x128xf32, #tpu.memory_space<vmem_shared>> -> memref<16x128xf32, #tpu.memory_space<vmem_shared>>
      %dma_start3A_364 = arith.constant 0 : i32
      %dma_start3A_365 = tpu.memref_slice %arg9[%add3A_97, %dma_start3A_364] : memref<10240x128xf32, #tpu.memory_space<vmem_shared>> -> memref<16x128xf32, #tpu.memory_space<vmem_shared>>
      tpu.enqueue_dma source(%arg8 : memref<16x128xf32, #tpu.memory_space<vmem>>) target(%dma_start3A_365 : memref<16x128xf32, #tpu.memory_space<vmem_shared>>) target_semaphore(%run_scoped3A : memref<!tpu.dma_semaphore, #tpu.memory_space<semaphore_mem>>)
      %dma_wait3A_366 = arith.constant 0 : i32
      %dma_wait3A_367 = tpu.memref_slice %arg9[%add3A_97, %dma_wait3A_366] : memref<10240x128xf32, #tpu.memory_space<vmem_shared>> -> memref<16x128xf32, #tpu.memory_space<vmem_shared>>
      %dma_wait3A_368 = arith.constant 0 : i32
      %dma_wait3A_369 = tpu.memref_slice %arg9[%add3A_97, %dma_wait3A_368] : memref<10240x128xf32, #tpu.memory_space<vmem_shared>> -> memref<16x128xf32, #tpu.memory_space<vmem_shared>>
      tpu.wait_dma2 semaphore(%run_scoped3A : memref<!tpu.dma_semaphore, #tpu.memory_space<semaphore_mem>>) src(%arg8 : memref<16x128xf32, #tpu.memory_space<vmem>>) dst(%dma_wait3A_369 : memref<16x128xf32, #tpu.memory_space<vmem_shared>>)
      tpu.yield
    }) : () -> ()
    %mul3A_98 = arith.constant 640 : i32
    %mul3A_99 = arith.muli %arg1, %mul3A_98 : i32
    %add3A_100 = arith.constant 160 : i32
    %add3A_101 = arith.addi %mul3A_99, %add3A_100 : i32
    "tpu.region"() ({
      %run_scoped3A = tpu.sem_alloc : memref<!tpu.dma_semaphore, #tpu.memory_space<semaphore_mem>>
      %dma_start3A_362 = arith.constant 0 : i32
      %dma_start3A_363 = tpu.memref_slice %arg9[%add3A_101, %dma_start3A_362] : memref<10240x128xf32, #tpu.memory_space<vmem_shared>> -> memref<16x128xf32, #tpu.memory_space<vmem_shared>>
      %dma_start3A_364 = arith.constant 0 : i32
      %dma_start3A_365 = tpu.memref_slice %arg9[%add3A_101, %dma_start3A_364] : memref<10240x128xf32, #tpu.memory_space<vmem_shared>> -> memref<16x128xf32, #tpu.memory_space<vmem_shared>>
      tpu.enqueue_dma source(%arg8 : memref<16x128xf32, #tpu.memory_space<vmem>>) target(%dma_start3A_365 : memref<16x128xf32, #tpu.memory_space<vmem_shared>>) target_semaphore(%run_scoped3A : memref<!tpu.dma_semaphore, #tpu.memory_space<semaphore_mem>>)
      %dma_wait3A_366 = arith.constant 0 : i32
      %dma_wait3A_367 = tpu.memref_slice %arg9[%add3A_101, %dma_wait3A_366] : memref<10240x128xf32, #tpu.memory_space<vmem_shared>> -> memref<16x128xf32, #tpu.memory_space<vmem_shared>>
      %dma_wait3A_368 = arith.constant 0 : i32
      %dma_wait3A_369 = tpu.memref_slice %arg9[%add3A_101, %dma_wait3A_368] : memref<10240x128xf32, #tpu.memory_space<vmem_shared>> -> memref<16x128xf32, #tpu.memory_space<vmem_shared>>
      tpu.wait_dma2 semaphore(%run_scoped3A : memref<!tpu.dma_semaphore, #tpu.memory_space<semaphore_mem>>) src(%arg8 : memref<16x128xf32, #tpu.memory_space<vmem>>) dst(%dma_wait3A_369 : memref<16x128xf32, #tpu.memory_space<vmem_shared>>)
      tpu.yield
    }) : () -> ()
    %mul3A_102 = arith.constant 640 : i32
    %mul3A_103 = arith.muli %arg1, %mul3A_102 : i32
    %add3A_104 = arith.constant 176 : i32
    %add3A_105 = arith.addi %mul3A_103, %add3A_104 : i32
    "tpu.region"() ({
      %run_scoped3A = tpu.sem_alloc : memref<!tpu.dma_semaphore, #tpu.memory_space<semaphore_mem>>
      %dma_start3A_362 = arith.constant 0 : i32
      %dma_start3A_363 = tpu.memref_slice %arg9[%add3A_105, %dma_start3A_362] : memref<10240x128xf32, #tpu.memory_space<vmem_shared>> -> memref<16x128xf32, #tpu.memory_space<vmem_shared>>
      %dma_start3A_364 = arith.constant 0 : i32
      %dma_start3A_365 = tpu.memref_slice %arg9[%add3A_105, %dma_start3A_364] : memref<10240x128xf32, #tpu.memory_space<vmem_shared>> -> memref<16x128xf32, #tpu.memory_space<vmem_shared>>
      tpu.enqueue_dma source(%arg8 : memref<16x128xf32, #tpu.memory_space<vmem>>) target(%dma_start3A_365 : memref<16x128xf32, #tpu.memory_space<vmem_shared>>) target_semaphore(%run_scoped3A : memref<!tpu.dma_semaphore, #tpu.memory_space<semaphore_mem>>)
      %dma_wait3A_366 = arith.constant 0 : i32
      %dma_wait3A_367 = tpu.memref_slice %arg9[%add3A_105, %dma_wait3A_366] : memref<10240x128xf32, #tpu.memory_space<vmem_shared>> -> memref<16x128xf32, #tpu.memory_space<vmem_shared>>
      %dma_wait3A_368 = arith.constant 0 : i32
      %dma_wait3A_369 = tpu.memref_slice %arg9[%add3A_105, %dma_wait3A_368] : memref<10240x128xf32, #tpu.memory_space<vmem_shared>> -> memref<16x128xf32, #tpu.memory_space<vmem_shared>>
      tpu.wait_dma2 semaphore(%run_scoped3A : memref<!tpu.dma_semaphore, #tpu.memory_space<semaphore_mem>>) src(%arg8 : memref<16x128xf32, #tpu.memory_space<vmem>>) dst(%dma_wait3A_369 : memref<16x128xf32, #tpu.memory_space<vmem_shared>>)
      tpu.yield
    }) : () -> ()
    %mul3A_106 = arith.constant 640 : i32
    %mul3A_107 = arith.muli %arg1, %mul3A_106 : i32
    %add3A_108 = arith.constant 192 : i32
    %add3A_109 = arith.addi %mul3A_107, %add3A_108 : i32
    "tpu.region"() ({
      %run_scoped3A = tpu.sem_alloc : memref<!tpu.dma_semaphore, #tpu.memory_space<semaphore_mem>>
      %dma_start3A_362 = arith.constant 0 : i32
      %dma_start3A_363 = tpu.memref_slice %arg9[%add3A_109, %dma_start3A_362] : memref<10240x128xf32, #tpu.memory_space<vmem_shared>> -> memref<16x128xf32, #tpu.memory_space<vmem_shared>>
      %dma_start3A_364 = arith.constant 0 : i32
      %dma_start3A_365 = tpu.memref_slice %arg9[%add3A_109, %dma_start3A_364] : memref<10240x128xf32, #tpu.memory_space<vmem_shared>> -> memref<16x128xf32, #tpu.memory_space<vmem_shared>>
      tpu.enqueue_dma source(%arg8 : memref<16x128xf32, #tpu.memory_space<vmem>>) target(%dma_start3A_365 : memref<16x128xf32, #tpu.memory_space<vmem_shared>>) target_semaphore(%run_scoped3A : memref<!tpu.dma_semaphore, #tpu.memory_space<semaphore_mem>>)
      %dma_wait3A_366 = arith.constant 0 : i32
      %dma_wait3A_367 = tpu.memref_slice %arg9[%add3A_109, %dma_wait3A_366] : memref<10240x128xf32, #tpu.memory_space<vmem_shared>> -> memref<16x128xf32, #tpu.memory_space<vmem_shared>>
      %dma_wait3A_368 = arith.constant 0 : i32
      %dma_wait3A_369 = tpu.memref_slice %arg9[%add3A_109, %dma_wait3A_368] : memref<10240x128xf32, #tpu.memory_space<vmem_shared>> -> memref<16x128xf32, #tpu.memory_space<vmem_shared>>
      tpu.wait_dma2 semaphore(%run_scoped3A : memref<!tpu.dma_semaphore, #tpu.memory_space<semaphore_mem>>) src(%arg8 : memref<16x128xf32, #tpu.memory_space<vmem>>) dst(%dma_wait3A_369 : memref<16x128xf32, #tpu.memory_space<vmem_shared>>)
      tpu.yield
    }) : () -> ()
    %mul3A_110 = arith.constant 640 : i32
    %mul3A_111 = arith.muli %arg1, %mul3A_110 : i32
    %add3A_112 = arith.constant 208 : i32
    %add3A_113 = arith.addi %mul3A_111, %add3A_112 : i32
    "tpu.region"() ({
      %run_scoped3A = tpu.sem_alloc : memref<!tpu.dma_semaphore, #tpu.memory_space<semaphore_mem>>
      %dma_start3A_362 = arith.constant 0 : i32
      %dma_start3A_363 = tpu.memref_slice %arg9[%add3A_113, %dma_start3A_362] : memref<10240x128xf32, #tpu.memory_space<vmem_shared>> -> memref<16x128xf32, #tpu.memory_space<vmem_shared>>
      %dma_start3A_364 = arith.constant 0 : i32
      %dma_start3A_365 = tpu.memref_slice %arg9[%add3A_113, %dma_start3A_364] : memref<10240x128xf32, #tpu.memory_space<vmem_shared>> -> memref<16x128xf32, #tpu.memory_space<vmem_shared>>
      tpu.enqueue_dma source(%arg8 : memref<16x128xf32, #tpu.memory_space<vmem>>) target(%dma_start3A_365 : memref<16x128xf32, #tpu.memory_space<vmem_shared>>) target_semaphore(%run_scoped3A : memref<!tpu.dma_semaphore, #tpu.memory_space<semaphore_mem>>)
      %dma_wait3A_366 = arith.constant 0 : i32
      %dma_wait3A_367 = tpu.memref_slice %arg9[%add3A_113, %dma_wait3A_366] : memref<10240x128xf32, #tpu.memory_space<vmem_shared>> -> memref<16x128xf32, #tpu.memory_space<vmem_shared>>
      %dma_wait3A_368 = arith.constant 0 : i32
      %dma_wait3A_369 = tpu.memref_slice %arg9[%add3A_113, %dma_wait3A_368] : memref<10240x128xf32, #tpu.memory_space<vmem_shared>> -> memref<16x128xf32, #tpu.memory_space<vmem_shared>>
      tpu.wait_dma2 semaphore(%run_scoped3A : memref<!tpu.dma_semaphore, #tpu.memory_space<semaphore_mem>>) src(%arg8 : memref<16x128xf32, #tpu.memory_space<vmem>>) dst(%dma_wait3A_369 : memref<16x128xf32, #tpu.memory_space<vmem_shared>>)
      tpu.yield
    }) : () -> ()
    %mul3A_114 = arith.constant 640 : i32
    %mul3A_115 = arith.muli %arg1, %mul3A_114 : i32
    %add3A_116 = arith.constant 224 : i32
    %add3A_117 = arith.addi %mul3A_115, %add3A_116 : i32
    "tpu.region"() ({
      %run_scoped3A = tpu.sem_alloc : memref<!tpu.dma_semaphore, #tpu.memory_space<semaphore_mem>>
      %dma_start3A_362 = arith.constant 0 : i32
      %dma_start3A_363 = tpu.memref_slice %arg9[%add3A_117, %dma_start3A_362] : memref<10240x128xf32, #tpu.memory_space<vmem_shared>> -> memref<16x128xf32, #tpu.memory_space<vmem_shared>>
      %dma_start3A_364 = arith.constant 0 : i32
      %dma_start3A_365 = tpu.memref_slice %arg9[%add3A_117, %dma_start3A_364] : memref<10240x128xf32, #tpu.memory_space<vmem_shared>> -> memref<16x128xf32, #tpu.memory_space<vmem_shared>>
      tpu.enqueue_dma source(%arg8 : memref<16x128xf32, #tpu.memory_space<vmem>>) target(%dma_start3A_365 : memref<16x128xf32, #tpu.memory_space<vmem_shared>>) target_semaphore(%run_scoped3A : memref<!tpu.dma_semaphore, #tpu.memory_space<semaphore_mem>>)
      %dma_wait3A_366 = arith.constant 0 : i32
      %dma_wait3A_367 = tpu.memref_slice %arg9[%add3A_117, %dma_wait3A_366] : memref<10240x128xf32, #tpu.memory_space<vmem_shared>> -> memref<16x128xf32, #tpu.memory_space<vmem_shared>>
      %dma_wait3A_368 = arith.constant 0 : i32
      %dma_wait3A_369 = tpu.memref_slice %arg9[%add3A_117, %dma_wait3A_368] : memref<10240x128xf32, #tpu.memory_space<vmem_shared>> -> memref<16x128xf32, #tpu.memory_space<vmem_shared>>
      tpu.wait_dma2 semaphore(%run_scoped3A : memref<!tpu.dma_semaphore, #tpu.memory_space<semaphore_mem>>) src(%arg8 : memref<16x128xf32, #tpu.memory_space<vmem>>) dst(%dma_wait3A_369 : memref<16x128xf32, #tpu.memory_space<vmem_shared>>)
      tpu.yield
    }) : () -> ()
    %mul3A_118 = arith.constant 640 : i32
    %mul3A_119 = arith.muli %arg1, %mul3A_118 : i32
    %add3A_120 = arith.constant 240 : i32
    %add3A_121 = arith.addi %mul3A_119, %add3A_120 : i32
    "tpu.region"() ({
      %run_scoped3A = tpu.sem_alloc : memref<!tpu.dma_semaphore, #tpu.memory_space<semaphore_mem>>
      %dma_start3A_362 = arith.constant 0 : i32
      %dma_start3A_363 = tpu.memref_slice %arg9[%add3A_121, %dma_start3A_362] : memref<10240x128xf32, #tpu.memory_space<vmem_shared>> -> memref<16x128xf32, #tpu.memory_space<vmem_shared>>
      %dma_start3A_364 = arith.constant 0 : i32
      %dma_start3A_365 = tpu.memref_slice %arg9[%add3A_121, %dma_start3A_364] : memref<10240x128xf32, #tpu.memory_space<vmem_shared>> -> memref<16x128xf32, #tpu.memory_space<vmem_shared>>
      tpu.enqueue_dma source(%arg8 : memref<16x128xf32, #tpu.memory_space<vmem>>) target(%dma_start3A_365 : memref<16x128xf32, #tpu.memory_space<vmem_shared>>) target_semaphore(%run_scoped3A : memref<!tpu.dma_semaphore, #tpu.memory_space<semaphore_mem>>)
      %dma_wait3A_366 = arith.constant 0 : i32
      %dma_wait3A_367 = tpu.memref_slice %arg9[%add3A_121, %dma_wait3A_366] : memref<10240x128xf32, #tpu.memory_space<vmem_shared>> -> memref<16x128xf32, #tpu.memory_space<vmem_shared>>
      %dma_wait3A_368 = arith.constant 0 : i32
      %dma_wait3A_369 = tpu.memref_slice %arg9[%add3A_121, %dma_wait3A_368] : memref<10240x128xf32, #tpu.memory_space<vmem_shared>> -> memref<16x128xf32, #tpu.memory_space<vmem_shared>>
      tpu.wait_dma2 semaphore(%run_scoped3A : memref<!tpu.dma_semaphore, #tpu.memory_space<semaphore_mem>>) src(%arg8 : memref<16x128xf32, #tpu.memory_space<vmem>>) dst(%dma_wait3A_369 : memref<16x128xf32, #tpu.memory_space<vmem_shared>>)
      tpu.yield
    }) : () -> ()
    %mul3A_122 = arith.constant 640 : i32
    %mul3A_123 = arith.muli %arg1, %mul3A_122 : i32
    %add3A_124 = arith.constant 256 : i32
    %add3A_125 = arith.addi %mul3A_123, %add3A_124 : i32
    "tpu.region"() ({
      %run_scoped3A = tpu.sem_alloc : memref<!tpu.dma_semaphore, #tpu.memory_space<semaphore_mem>>
      %dma_start3A_362 = arith.constant 0 : i32
      %dma_start3A_363 = tpu.memref_slice %arg9[%add3A_125, %dma_start3A_362] : memref<10240x128xf32, #tpu.memory_space<vmem_shared>> -> memref<16x128xf32, #tpu.memory_space<vmem_shared>>
      %dma_start3A_364 = arith.constant 0 : i32
      %dma_start3A_365 = tpu.memref_slice %arg9[%add3A_125, %dma_start3A_364] : memref<10240x128xf32, #tpu.memory_space<vmem_shared>> -> memref<16x128xf32, #tpu.memory_space<vmem_shared>>
      tpu.enqueue_dma source(%arg8 : memref<16x128xf32, #tpu.memory_space<vmem>>) target(%dma_start3A_365 : memref<16x128xf32, #tpu.memory_space<vmem_shared>>) target_semaphore(%run_scoped3A : memref<!tpu.dma_semaphore, #tpu.memory_space<semaphore_mem>>)
      %dma_wait3A_366 = arith.constant 0 : i32
      %dma_wait3A_367 = tpu.memref_slice %arg9[%add3A_125, %dma_wait3A_366] : memref<10240x128xf32, #tpu.memory_space<vmem_shared>> -> memref<16x128xf32, #tpu.memory_space<vmem_shared>>
      %dma_wait3A_368 = arith.constant 0 : i32
      %dma_wait3A_369 = tpu.memref_slice %arg9[%add3A_125, %dma_wait3A_368] : memref<10240x128xf32, #tpu.memory_space<vmem_shared>> -> memref<16x128xf32, #tpu.memory_space<vmem_shared>>
      tpu.wait_dma2 semaphore(%run_scoped3A : memref<!tpu.dma_semaphore, #tpu.memory_space<semaphore_mem>>) src(%arg8 : memref<16x128xf32, #tpu.memory_space<vmem>>) dst(%dma_wait3A_369 : memref<16x128xf32, #tpu.memory_space<vmem_shared>>)
      tpu.yield
    }) : () -> ()
    %mul3A_126 = arith.constant 640 : i32
    %mul3A_127 = arith.muli %arg1, %mul3A_126 : i32
    %add3A_128 = arith.constant 272 : i32
    %add3A_129 = arith.addi %mul3A_127, %add3A_128 : i32
    "tpu.region"() ({
      %run_scoped3A = tpu.sem_alloc : memref<!tpu.dma_semaphore, #tpu.memory_space<semaphore_mem>>
      %dma_start3A_362 = arith.constant 0 : i32
      %dma_start3A_363 = tpu.memref_slice %arg9[%add3A_129, %dma_start3A_362] : memref<10240x128xf32, #tpu.memory_space<vmem_shared>> -> memref<16x128xf32, #tpu.memory_space<vmem_shared>>
      %dma_start3A_364 = arith.constant 0 : i32
      %dma_start3A_365 = tpu.memref_slice %arg9[%add3A_129, %dma_start3A_364] : memref<10240x128xf32, #tpu.memory_space<vmem_shared>> -> memref<16x128xf32, #tpu.memory_space<vmem_shared>>
      tpu.enqueue_dma source(%arg8 : memref<16x128xf32, #tpu.memory_space<vmem>>) target(%dma_start3A_365 : memref<16x128xf32, #tpu.memory_space<vmem_shared>>) target_semaphore(%run_scoped3A : memref<!tpu.dma_semaphore, #tpu.memory_space<semaphore_mem>>)
      %dma_wait3A_366 = arith.constant 0 : i32
      %dma_wait3A_367 = tpu.memref_slice %arg9[%add3A_129, %dma_wait3A_366] : memref<10240x128xf32, #tpu.memory_space<vmem_shared>> -> memref<16x128xf32, #tpu.memory_space<vmem_shared>>
      %dma_wait3A_368 = arith.constant 0 : i32
      %dma_wait3A_369 = tpu.memref_slice %arg9[%add3A_129, %dma_wait3A_368] : memref<10240x128xf32, #tpu.memory_space<vmem_shared>> -> memref<16x128xf32, #tpu.memory_space<vmem_shared>>
      tpu.wait_dma2 semaphore(%run_scoped3A : memref<!tpu.dma_semaphore, #tpu.memory_space<semaphore_mem>>) src(%arg8 : memref<16x128xf32, #tpu.memory_space<vmem>>) dst(%dma_wait3A_369 : memref<16x128xf32, #tpu.memory_space<vmem_shared>>)
      tpu.yield
    }) : () -> ()
    %mul3A_130 = arith.constant 640 : i32
    %mul3A_131 = arith.muli %arg1, %mul3A_130 : i32
    %add3A_132 = arith.constant 288 : i32
    %add3A_133 = arith.addi %mul3A_131, %add3A_132 : i32
    "tpu.region"() ({
      %run_scoped3A = tpu.sem_alloc : memref<!tpu.dma_semaphore, #tpu.memory_space<semaphore_mem>>
      %dma_start3A_362 = arith.constant 0 : i32
      %dma_start3A_363 = tpu.memref_slice %arg9[%add3A_133, %dma_start3A_362] : memref<10240x128xf32, #tpu.memory_space<vmem_shared>> -> memref<16x128xf32, #tpu.memory_space<vmem_shared>>
      %dma_start3A_364 = arith.constant 0 : i32
      %dma_start3A_365 = tpu.memref_slice %arg9[%add3A_133, %dma_start3A_364] : memref<10240x128xf32, #tpu.memory_space<vmem_shared>> -> memref<16x128xf32, #tpu.memory_space<vmem_shared>>
      tpu.enqueue_dma source(%arg8 : memref<16x128xf32, #tpu.memory_space<vmem>>) target(%dma_start3A_365 : memref<16x128xf32, #tpu.memory_space<vmem_shared>>) target_semaphore(%run_scoped3A : memref<!tpu.dma_semaphore, #tpu.memory_space<semaphore_mem>>)
      %dma_wait3A_366 = arith.constant 0 : i32
      %dma_wait3A_367 = tpu.memref_slice %arg9[%add3A_133, %dma_wait3A_366] : memref<10240x128xf32, #tpu.memory_space<vmem_shared>> -> memref<16x128xf32, #tpu.memory_space<vmem_shared>>
      %dma_wait3A_368 = arith.constant 0 : i32
      %dma_wait3A_369 = tpu.memref_slice %arg9[%add3A_133, %dma_wait3A_368] : memref<10240x128xf32, #tpu.memory_space<vmem_shared>> -> memref<16x128xf32, #tpu.memory_space<vmem_shared>>
      tpu.wait_dma2 semaphore(%run_scoped3A : memref<!tpu.dma_semaphore, #tpu.memory_space<semaphore_mem>>) src(%arg8 : memref<16x128xf32, #tpu.memory_space<vmem>>) dst(%dma_wait3A_369 : memref<16x128xf32, #tpu.memory_space<vmem_shared>>)
      tpu.yield
    }) : () -> ()
    %mul3A_134 = arith.constant 640 : i32
    %mul3A_135 = arith.muli %arg1, %mul3A_134 : i32
    %add3A_136 = arith.constant 304 : i32
    %add3A_137 = arith.addi %mul3A_135, %add3A_136 : i32
    "tpu.region"() ({
      %run_scoped3A = tpu.sem_alloc : memref<!tpu.dma_semaphore, #tpu.memory_space<semaphore_mem>>
      %dma_start3A_362 = arith.constant 0 : i32
      %dma_start3A_363 = tpu.memref_slice %arg9[%add3A_137, %dma_start3A_362] : memref<10240x128xf32, #tpu.memory_space<vmem_shared>> -> memref<16x128xf32, #tpu.memory_space<vmem_shared>>
      %dma_start3A_364 = arith.constant 0 : i32
      %dma_start3A_365 = tpu.memref_slice %arg9[%add3A_137, %dma_start3A_364] : memref<10240x128xf32, #tpu.memory_space<vmem_shared>> -> memref<16x128xf32, #tpu.memory_space<vmem_shared>>
      tpu.enqueue_dma source(%arg8 : memref<16x128xf32, #tpu.memory_space<vmem>>) target(%dma_start3A_365 : memref<16x128xf32, #tpu.memory_space<vmem_shared>>) target_semaphore(%run_scoped3A : memref<!tpu.dma_semaphore, #tpu.memory_space<semaphore_mem>>)
      %dma_wait3A_366 = arith.constant 0 : i32
      %dma_wait3A_367 = tpu.memref_slice %arg9[%add3A_137, %dma_wait3A_366] : memref<10240x128xf32, #tpu.memory_space<vmem_shared>> -> memref<16x128xf32, #tpu.memory_space<vmem_shared>>
      %dma_wait3A_368 = arith.constant 0 : i32
      %dma_wait3A_369 = tpu.memref_slice %arg9[%add3A_137, %dma_wait3A_368] : memref<10240x128xf32, #tpu.memory_space<vmem_shared>> -> memref<16x128xf32, #tpu.memory_space<vmem_shared>>
      tpu.wait_dma2 semaphore(%run_scoped3A : memref<!tpu.dma_semaphore, #tpu.memory_space<semaphore_mem>>) src(%arg8 : memref<16x128xf32, #tpu.memory_space<vmem>>) dst(%dma_wait3A_369 : memref<16x128xf32, #tpu.memory_space<vmem_shared>>)
      tpu.yield
    }) : () -> ()
    %mul3A_138 = arith.constant 640 : i32
    %mul3A_139 = arith.muli %arg1, %mul3A_138 : i32
    %add3A_140 = arith.constant 320 : i32
    %add3A_141 = arith.addi %mul3A_139, %add3A_140 : i32
    "tpu.region"() ({
      %run_scoped3A = tpu.sem_alloc : memref<!tpu.dma_semaphore, #tpu.memory_space<semaphore_mem>>
      %dma_start3A_362 = arith.constant 0 : i32
      %dma_start3A_363 = tpu.memref_slice %arg9[%add3A_141, %dma_start3A_362] : memref<10240x128xf32, #tpu.memory_space<vmem_shared>> -> memref<16x128xf32, #tpu.memory_space<vmem_shared>>
      %dma_start3A_364 = arith.constant 0 : i32
      %dma_start3A_365 = tpu.memref_slice %arg9[%add3A_141, %dma_start3A_364] : memref<10240x128xf32, #tpu.memory_space<vmem_shared>> -> memref<16x128xf32, #tpu.memory_space<vmem_shared>>
      tpu.enqueue_dma source(%arg8 : memref<16x128xf32, #tpu.memory_space<vmem>>) target(%dma_start3A_365 : memref<16x128xf32, #tpu.memory_space<vmem_shared>>) target_semaphore(%run_scoped3A : memref<!tpu.dma_semaphore, #tpu.memory_space<semaphore_mem>>)
      %dma_wait3A_366 = arith.constant 0 : i32
      %dma_wait3A_367 = tpu.memref_slice %arg9[%add3A_141, %dma_wait3A_366] : memref<10240x128xf32, #tpu.memory_space<vmem_shared>> -> memref<16x128xf32, #tpu.memory_space<vmem_shared>>
      %dma_wait3A_368 = arith.constant 0 : i32
      %dma_wait3A_369 = tpu.memref_slice %arg9[%add3A_141, %dma_wait3A_368] : memref<10240x128xf32, #tpu.memory_space<vmem_shared>> -> memref<16x128xf32, #tpu.memory_space<vmem_shared>>
      tpu.wait_dma2 semaphore(%run_scoped3A : memref<!tpu.dma_semaphore, #tpu.memory_space<semaphore_mem>>) src(%arg8 : memref<16x128xf32, #tpu.memory_space<vmem>>) dst(%dma_wait3A_369 : memref<16x128xf32, #tpu.memory_space<vmem_shared>>)
      tpu.yield
    }) : () -> ()
    %mul3A_142 = arith.constant 640 : i32
    %mul3A_143 = arith.muli %arg1, %mul3A_142 : i32
    %add3A_144 = arith.constant 336 : i32
    %add3A_145 = arith.addi %mul3A_143, %add3A_144 : i32
    "tpu.region"() ({
      %run_scoped3A = tpu.sem_alloc : memref<!tpu.dma_semaphore, #tpu.memory_space<semaphore_mem>>
      %dma_start3A_362 = arith.constant 0 : i32
      %dma_start3A_363 = tpu.memref_slice %arg9[%add3A_145, %dma_start3A_362] : memref<10240x128xf32, #tpu.memory_space<vmem_shared>> -> memref<16x128xf32, #tpu.memory_space<vmem_shared>>
      %dma_start3A_364 = arith.constant 0 : i32
      %dma_start3A_365 = tpu.memref_slice %arg9[%add3A_145, %dma_start3A_364] : memref<10240x128xf32, #tpu.memory_space<vmem_shared>> -> memref<16x128xf32, #tpu.memory_space<vmem_shared>>
      tpu.enqueue_dma source(%arg8 : memref<16x128xf32, #tpu.memory_space<vmem>>) target(%dma_start3A_365 : memref<16x128xf32, #tpu.memory_space<vmem_shared>>) target_semaphore(%run_scoped3A : memref<!tpu.dma_semaphore, #tpu.memory_space<semaphore_mem>>)
      %dma_wait3A_366 = arith.constant 0 : i32
      %dma_wait3A_367 = tpu.memref_slice %arg9[%add3A_145, %dma_wait3A_366] : memref<10240x128xf32, #tpu.memory_space<vmem_shared>> -> memref<16x128xf32, #tpu.memory_space<vmem_shared>>
      %dma_wait3A_368 = arith.constant 0 : i32
      %dma_wait3A_369 = tpu.memref_slice %arg9[%add3A_145, %dma_wait3A_368] : memref<10240x128xf32, #tpu.memory_space<vmem_shared>> -> memref<16x128xf32, #tpu.memory_space<vmem_shared>>
      tpu.wait_dma2 semaphore(%run_scoped3A : memref<!tpu.dma_semaphore, #tpu.memory_space<semaphore_mem>>) src(%arg8 : memref<16x128xf32, #tpu.memory_space<vmem>>) dst(%dma_wait3A_369 : memref<16x128xf32, #tpu.memory_space<vmem_shared>>)
      tpu.yield
    }) : () -> ()
    %mul3A_146 = arith.constant 640 : i32
    %mul3A_147 = arith.muli %arg1, %mul3A_146 : i32
    %add3A_148 = arith.constant 352 : i32
    %add3A_149 = arith.addi %mul3A_147, %add3A_148 : i32
    "tpu.region"() ({
      %run_scoped3A = tpu.sem_alloc : memref<!tpu.dma_semaphore, #tpu.memory_space<semaphore_mem>>
      %dma_start3A_362 = arith.constant 0 : i32
      %dma_start3A_363 = tpu.memref_slice %arg9[%add3A_149, %dma_start3A_362] : memref<10240x128xf32, #tpu.memory_space<vmem_shared>> -> memref<16x128xf32, #tpu.memory_space<vmem_shared>>
      %dma_start3A_364 = arith.constant 0 : i32
      %dma_start3A_365 = tpu.memref_slice %arg9[%add3A_149, %dma_start3A_364] : memref<10240x128xf32, #tpu.memory_space<vmem_shared>> -> memref<16x128xf32, #tpu.memory_space<vmem_shared>>
      tpu.enqueue_dma source(%arg8 : memref<16x128xf32, #tpu.memory_space<vmem>>) target(%dma_start3A_365 : memref<16x128xf32, #tpu.memory_space<vmem_shared>>) target_semaphore(%run_scoped3A : memref<!tpu.dma_semaphore, #tpu.memory_space<semaphore_mem>>)
      %dma_wait3A_366 = arith.constant 0 : i32
      %dma_wait3A_367 = tpu.memref_slice %arg9[%add3A_149, %dma_wait3A_366] : memref<10240x128xf32, #tpu.memory_space<vmem_shared>> -> memref<16x128xf32, #tpu.memory_space<vmem_shared>>
      %dma_wait3A_368 = arith.constant 0 : i32
      %dma_wait3A_369 = tpu.memref_slice %arg9[%add3A_149, %dma_wait3A_368] : memref<10240x128xf32, #tpu.memory_space<vmem_shared>> -> memref<16x128xf32, #tpu.memory_space<vmem_shared>>
      tpu.wait_dma2 semaphore(%run_scoped3A : memref<!tpu.dma_semaphore, #tpu.memory_space<semaphore_mem>>) src(%arg8 : memref<16x128xf32, #tpu.memory_space<vmem>>) dst(%dma_wait3A_369 : memref<16x128xf32, #tpu.memory_space<vmem_shared>>)
      tpu.yield
    }) : () -> ()
    %mul3A_150 = arith.constant 640 : i32
    %mul3A_151 = arith.muli %arg1, %mul3A_150 : i32
    %add3A_152 = arith.constant 368 : i32
    %add3A_153 = arith.addi %mul3A_151, %add3A_152 : i32
    "tpu.region"() ({
      %run_scoped3A = tpu.sem_alloc : memref<!tpu.dma_semaphore, #tpu.memory_space<semaphore_mem>>
      %dma_start3A_362 = arith.constant 0 : i32
      %dma_start3A_363 = tpu.memref_slice %arg9[%add3A_153, %dma_start3A_362] : memref<10240x128xf32, #tpu.memory_space<vmem_shared>> -> memref<16x128xf32, #tpu.memory_space<vmem_shared>>
      %dma_start3A_364 = arith.constant 0 : i32
      %dma_start3A_365 = tpu.memref_slice %arg9[%add3A_153, %dma_start3A_364] : memref<10240x128xf32, #tpu.memory_space<vmem_shared>> -> memref<16x128xf32, #tpu.memory_space<vmem_shared>>
      tpu.enqueue_dma source(%arg8 : memref<16x128xf32, #tpu.memory_space<vmem>>) target(%dma_start3A_365 : memref<16x128xf32, #tpu.memory_space<vmem_shared>>) target_semaphore(%run_scoped3A : memref<!tpu.dma_semaphore, #tpu.memory_space<semaphore_mem>>)
      %dma_wait3A_366 = arith.constant 0 : i32
      %dma_wait3A_367 = tpu.memref_slice %arg9[%add3A_153, %dma_wait3A_366] : memref<10240x128xf32, #tpu.memory_space<vmem_shared>> -> memref<16x128xf32, #tpu.memory_space<vmem_shared>>
      %dma_wait3A_368 = arith.constant 0 : i32
      %dma_wait3A_369 = tpu.memref_slice %arg9[%add3A_153, %dma_wait3A_368] : memref<10240x128xf32, #tpu.memory_space<vmem_shared>> -> memref<16x128xf32, #tpu.memory_space<vmem_shared>>
      tpu.wait_dma2 semaphore(%run_scoped3A : memref<!tpu.dma_semaphore, #tpu.memory_space<semaphore_mem>>) src(%arg8 : memref<16x128xf32, #tpu.memory_space<vmem>>) dst(%dma_wait3A_369 : memref<16x128xf32, #tpu.memory_space<vmem_shared>>)
      tpu.yield
    }) : () -> ()
    %mul3A_154 = arith.constant 640 : i32
    %mul3A_155 = arith.muli %arg1, %mul3A_154 : i32
    %add3A_156 = arith.constant 384 : i32
    %add3A_157 = arith.addi %mul3A_155, %add3A_156 : i32
    "tpu.region"() ({
      %run_scoped3A = tpu.sem_alloc : memref<!tpu.dma_semaphore, #tpu.memory_space<semaphore_mem>>
      %dma_start3A_362 = arith.constant 0 : i32
      %dma_start3A_363 = tpu.memref_slice %arg9[%add3A_157, %dma_start3A_362] : memref<10240x128xf32, #tpu.memory_space<vmem_shared>> -> memref<16x128xf32, #tpu.memory_space<vmem_shared>>
      %dma_start3A_364 = arith.constant 0 : i32
      %dma_start3A_365 = tpu.memref_slice %arg9[%add3A_157, %dma_start3A_364] : memref<10240x128xf32, #tpu.memory_space<vmem_shared>> -> memref<16x128xf32, #tpu.memory_space<vmem_shared>>
      tpu.enqueue_dma source(%arg8 : memref<16x128xf32, #tpu.memory_space<vmem>>) target(%dma_start3A_365 : memref<16x128xf32, #tpu.memory_space<vmem_shared>>) target_semaphore(%run_scoped3A : memref<!tpu.dma_semaphore, #tpu.memory_space<semaphore_mem>>)
      %dma_wait3A_366 = arith.constant 0 : i32
      %dma_wait3A_367 = tpu.memref_slice %arg9[%add3A_157, %dma_wait3A_366] : memref<10240x128xf32, #tpu.memory_space<vmem_shared>> -> memref<16x128xf32, #tpu.memory_space<vmem_shared>>
      %dma_wait3A_368 = arith.constant 0 : i32
      %dma_wait3A_369 = tpu.memref_slice %arg9[%add3A_157, %dma_wait3A_368] : memref<10240x128xf32, #tpu.memory_space<vmem_shared>> -> memref<16x128xf32, #tpu.memory_space<vmem_shared>>
      tpu.wait_dma2 semaphore(%run_scoped3A : memref<!tpu.dma_semaphore, #tpu.memory_space<semaphore_mem>>) src(%arg8 : memref<16x128xf32, #tpu.memory_space<vmem>>) dst(%dma_wait3A_369 : memref<16x128xf32, #tpu.memory_space<vmem_shared>>)
      tpu.yield
    }) : () -> ()
    %mul3A_158 = arith.constant 640 : i32
    %mul3A_159 = arith.muli %arg1, %mul3A_158 : i32
    %add3A_160 = arith.constant 400 : i32
    %add3A_161 = arith.addi %mul3A_159, %add3A_160 : i32
    "tpu.region"() ({
      %run_scoped3A = tpu.sem_alloc : memref<!tpu.dma_semaphore, #tpu.memory_space<semaphore_mem>>
      %dma_start3A_362 = arith.constant 0 : i32
      %dma_start3A_363 = tpu.memref_slice %arg9[%add3A_161, %dma_start3A_362] : memref<10240x128xf32, #tpu.memory_space<vmem_shared>> -> memref<16x128xf32, #tpu.memory_space<vmem_shared>>
      %dma_start3A_364 = arith.constant 0 : i32
      %dma_start3A_365 = tpu.memref_slice %arg9[%add3A_161, %dma_start3A_364] : memref<10240x128xf32, #tpu.memory_space<vmem_shared>> -> memref<16x128xf32, #tpu.memory_space<vmem_shared>>
      tpu.enqueue_dma source(%arg8 : memref<16x128xf32, #tpu.memory_space<vmem>>) target(%dma_start3A_365 : memref<16x128xf32, #tpu.memory_space<vmem_shared>>) target_semaphore(%run_scoped3A : memref<!tpu.dma_semaphore, #tpu.memory_space<semaphore_mem>>)
      %dma_wait3A_366 = arith.constant 0 : i32
      %dma_wait3A_367 = tpu.memref_slice %arg9[%add3A_161, %dma_wait3A_366] : memref<10240x128xf32, #tpu.memory_space<vmem_shared>> -> memref<16x128xf32, #tpu.memory_space<vmem_shared>>
      %dma_wait3A_368 = arith.constant 0 : i32
      %dma_wait3A_369 = tpu.memref_slice %arg9[%add3A_161, %dma_wait3A_368] : memref<10240x128xf32, #tpu.memory_space<vmem_shared>> -> memref<16x128xf32, #tpu.memory_space<vmem_shared>>
      tpu.wait_dma2 semaphore(%run_scoped3A : memref<!tpu.dma_semaphore, #tpu.memory_space<semaphore_mem>>) src(%arg8 : memref<16x128xf32, #tpu.memory_space<vmem>>) dst(%dma_wait3A_369 : memref<16x128xf32, #tpu.memory_space<vmem_shared>>)
      tpu.yield
    }) : () -> ()
    %mul3A_162 = arith.constant 640 : i32
    %mul3A_163 = arith.muli %arg1, %mul3A_162 : i32
    %add3A_164 = arith.constant 416 : i32
    %add3A_165 = arith.addi %mul3A_163, %add3A_164 : i32
    "tpu.region"() ({
      %run_scoped3A = tpu.sem_alloc : memref<!tpu.dma_semaphore, #tpu.memory_space<semaphore_mem>>
      %dma_start3A_362 = arith.constant 0 : i32
      %dma_start3A_363 = tpu.memref_slice %arg9[%add3A_165, %dma_start3A_362] : memref<10240x128xf32, #tpu.memory_space<vmem_shared>> -> memref<16x128xf32, #tpu.memory_space<vmem_shared>>
      %dma_start3A_364 = arith.constant 0 : i32
      %dma_start3A_365 = tpu.memref_slice %arg9[%add3A_165, %dma_start3A_364] : memref<10240x128xf32, #tpu.memory_space<vmem_shared>> -> memref<16x128xf32, #tpu.memory_space<vmem_shared>>
      tpu.enqueue_dma source(%arg8 : memref<16x128xf32, #tpu.memory_space<vmem>>) target(%dma_start3A_365 : memref<16x128xf32, #tpu.memory_space<vmem_shared>>) target_semaphore(%run_scoped3A : memref<!tpu.dma_semaphore, #tpu.memory_space<semaphore_mem>>)
      %dma_wait3A_366 = arith.constant 0 : i32
      %dma_wait3A_367 = tpu.memref_slice %arg9[%add3A_165, %dma_wait3A_366] : memref<10240x128xf32, #tpu.memory_space<vmem_shared>> -> memref<16x128xf32, #tpu.memory_space<vmem_shared>>
      %dma_wait3A_368 = arith.constant 0 : i32
      %dma_wait3A_369 = tpu.memref_slice %arg9[%add3A_165, %dma_wait3A_368] : memref<10240x128xf32, #tpu.memory_space<vmem_shared>> -> memref<16x128xf32, #tpu.memory_space<vmem_shared>>
      tpu.wait_dma2 semaphore(%run_scoped3A : memref<!tpu.dma_semaphore, #tpu.memory_space<semaphore_mem>>) src(%arg8 : memref<16x128xf32, #tpu.memory_space<vmem>>) dst(%dma_wait3A_369 : memref<16x128xf32, #tpu.memory_space<vmem_shared>>)
      tpu.yield
    }) : () -> ()
    %mul3A_166 = arith.constant 640 : i32
    %mul3A_167 = arith.muli %arg1, %mul3A_166 : i32
    %add3A_168 = arith.constant 432 : i32
    %add3A_169 = arith.addi %mul3A_167, %add3A_168 : i32
    "tpu.region"() ({
      %run_scoped3A = tpu.sem_alloc : memref<!tpu.dma_semaphore, #tpu.memory_space<semaphore_mem>>
      %dma_start3A_362 = arith.constant 0 : i32
      %dma_start3A_363 = tpu.memref_slice %arg9[%add3A_169, %dma_start3A_362] : memref<10240x128xf32, #tpu.memory_space<vmem_shared>> -> memref<16x128xf32, #tpu.memory_space<vmem_shared>>
      %dma_start3A_364 = arith.constant 0 : i32
      %dma_start3A_365 = tpu.memref_slice %arg9[%add3A_169, %dma_start3A_364] : memref<10240x128xf32, #tpu.memory_space<vmem_shared>> -> memref<16x128xf32, #tpu.memory_space<vmem_shared>>
      tpu.enqueue_dma source(%arg8 : memref<16x128xf32, #tpu.memory_space<vmem>>) target(%dma_start3A_365 : memref<16x128xf32, #tpu.memory_space<vmem_shared>>) target_semaphore(%run_scoped3A : memref<!tpu.dma_semaphore, #tpu.memory_space<semaphore_mem>>)
      %dma_wait3A_366 = arith.constant 0 : i32
      %dma_wait3A_367 = tpu.memref_slice %arg9[%add3A_169, %dma_wait3A_366] : memref<10240x128xf32, #tpu.memory_space<vmem_shared>> -> memref<16x128xf32, #tpu.memory_space<vmem_shared>>
      %dma_wait3A_368 = arith.constant 0 : i32
      %dma_wait3A_369 = tpu.memref_slice %arg9[%add3A_169, %dma_wait3A_368] : memref<10240x128xf32, #tpu.memory_space<vmem_shared>> -> memref<16x128xf32, #tpu.memory_space<vmem_shared>>
      tpu.wait_dma2 semaphore(%run_scoped3A : memref<!tpu.dma_semaphore, #tpu.memory_space<semaphore_mem>>) src(%arg8 : memref<16x128xf32, #tpu.memory_space<vmem>>) dst(%dma_wait3A_369 : memref<16x128xf32, #tpu.memory_space<vmem_shared>>)
      tpu.yield
    }) : () -> ()
    %mul3A_170 = arith.constant 640 : i32
    %mul3A_171 = arith.muli %arg1, %mul3A_170 : i32
    %add3A_172 = arith.constant 448 : i32
    %add3A_173 = arith.addi %mul3A_171, %add3A_172 : i32
    "tpu.region"() ({
      %run_scoped3A = tpu.sem_alloc : memref<!tpu.dma_semaphore, #tpu.memory_space<semaphore_mem>>
      %dma_start3A_362 = arith.constant 0 : i32
      %dma_start3A_363 = tpu.memref_slice %arg9[%add3A_173, %dma_start3A_362] : memref<10240x128xf32, #tpu.memory_space<vmem_shared>> -> memref<16x128xf32, #tpu.memory_space<vmem_shared>>
      %dma_start3A_364 = arith.constant 0 : i32
      %dma_start3A_365 = tpu.memref_slice %arg9[%add3A_173, %dma_start3A_364] : memref<10240x128xf32, #tpu.memory_space<vmem_shared>> -> memref<16x128xf32, #tpu.memory_space<vmem_shared>>
      tpu.enqueue_dma source(%arg8 : memref<16x128xf32, #tpu.memory_space<vmem>>) target(%dma_start3A_365 : memref<16x128xf32, #tpu.memory_space<vmem_shared>>) target_semaphore(%run_scoped3A : memref<!tpu.dma_semaphore, #tpu.memory_space<semaphore_mem>>)
      %dma_wait3A_366 = arith.constant 0 : i32
      %dma_wait3A_367 = tpu.memref_slice %arg9[%add3A_173, %dma_wait3A_366] : memref<10240x128xf32, #tpu.memory_space<vmem_shared>> -> memref<16x128xf32, #tpu.memory_space<vmem_shared>>
      %dma_wait3A_368 = arith.constant 0 : i32
      %dma_wait3A_369 = tpu.memref_slice %arg9[%add3A_173, %dma_wait3A_368] : memref<10240x128xf32, #tpu.memory_space<vmem_shared>> -> memref<16x128xf32, #tpu.memory_space<vmem_shared>>
      tpu.wait_dma2 semaphore(%run_scoped3A : memref<!tpu.dma_semaphore, #tpu.memory_space<semaphore_mem>>) src(%arg8 : memref<16x128xf32, #tpu.memory_space<vmem>>) dst(%dma_wait3A_369 : memref<16x128xf32, #tpu.memory_space<vmem_shared>>)
      tpu.yield
    }) : () -> ()
    %mul3A_174 = arith.constant 640 : i32
    %mul3A_175 = arith.muli %arg1, %mul3A_174 : i32
    %add3A_176 = arith.constant 464 : i32
    %add3A_177 = arith.addi %mul3A_175, %add3A_176 : i32
    "tpu.region"() ({
      %run_scoped3A = tpu.sem_alloc : memref<!tpu.dma_semaphore, #tpu.memory_space<semaphore_mem>>
      %dma_start3A_362 = arith.constant 0 : i32
      %dma_start3A_363 = tpu.memref_slice %arg9[%add3A_177, %dma_start3A_362] : memref<10240x128xf32, #tpu.memory_space<vmem_shared>> -> memref<16x128xf32, #tpu.memory_space<vmem_shared>>
      %dma_start3A_364 = arith.constant 0 : i32
      %dma_start3A_365 = tpu.memref_slice %arg9[%add3A_177, %dma_start3A_364] : memref<10240x128xf32, #tpu.memory_space<vmem_shared>> -> memref<16x128xf32, #tpu.memory_space<vmem_shared>>
      tpu.enqueue_dma source(%arg8 : memref<16x128xf32, #tpu.memory_space<vmem>>) target(%dma_start3A_365 : memref<16x128xf32, #tpu.memory_space<vmem_shared>>) target_semaphore(%run_scoped3A : memref<!tpu.dma_semaphore, #tpu.memory_space<semaphore_mem>>)
      %dma_wait3A_366 = arith.constant 0 : i32
      %dma_wait3A_367 = tpu.memref_slice %arg9[%add3A_177, %dma_wait3A_366] : memref<10240x128xf32, #tpu.memory_space<vmem_shared>> -> memref<16x128xf32, #tpu.memory_space<vmem_shared>>
      %dma_wait3A_368 = arith.constant 0 : i32
      %dma_wait3A_369 = tpu.memref_slice %arg9[%add3A_177, %dma_wait3A_368] : memref<10240x128xf32, #tpu.memory_space<vmem_shared>> -> memref<16x128xf32, #tpu.memory_space<vmem_shared>>
      tpu.wait_dma2 semaphore(%run_scoped3A : memref<!tpu.dma_semaphore, #tpu.memory_space<semaphore_mem>>) src(%arg8 : memref<16x128xf32, #tpu.memory_space<vmem>>) dst(%dma_wait3A_369 : memref<16x128xf32, #tpu.memory_space<vmem_shared>>)
      tpu.yield
    }) : () -> ()
    %mul3A_178 = arith.constant 640 : i32
    %mul3A_179 = arith.muli %arg1, %mul3A_178 : i32
    %add3A_180 = arith.constant 480 : i32
    %add3A_181 = arith.addi %mul3A_179, %add3A_180 : i32
    "tpu.region"() ({
      %run_scoped3A = tpu.sem_alloc : memref<!tpu.dma_semaphore, #tpu.memory_space<semaphore_mem>>
      %dma_start3A_362 = arith.constant 0 : i32
      %dma_start3A_363 = tpu.memref_slice %arg9[%add3A_181, %dma_start3A_362] : memref<10240x128xf32, #tpu.memory_space<vmem_shared>> -> memref<16x128xf32, #tpu.memory_space<vmem_shared>>
      %dma_start3A_364 = arith.constant 0 : i32
      %dma_start3A_365 = tpu.memref_slice %arg9[%add3A_181, %dma_start3A_364] : memref<10240x128xf32, #tpu.memory_space<vmem_shared>> -> memref<16x128xf32, #tpu.memory_space<vmem_shared>>
      tpu.enqueue_dma source(%arg8 : memref<16x128xf32, #tpu.memory_space<vmem>>) target(%dma_start3A_365 : memref<16x128xf32, #tpu.memory_space<vmem_shared>>) target_semaphore(%run_scoped3A : memref<!tpu.dma_semaphore, #tpu.memory_space<semaphore_mem>>)
      %dma_wait3A_366 = arith.constant 0 : i32
      %dma_wait3A_367 = tpu.memref_slice %arg9[%add3A_181, %dma_wait3A_366] : memref<10240x128xf32, #tpu.memory_space<vmem_shared>> -> memref<16x128xf32, #tpu.memory_space<vmem_shared>>
      %dma_wait3A_368 = arith.constant 0 : i32
      %dma_wait3A_369 = tpu.memref_slice %arg9[%add3A_181, %dma_wait3A_368] : memref<10240x128xf32, #tpu.memory_space<vmem_shared>> -> memref<16x128xf32, #tpu.memory_space<vmem_shared>>
      tpu.wait_dma2 semaphore(%run_scoped3A : memref<!tpu.dma_semaphore, #tpu.memory_space<semaphore_mem>>) src(%arg8 : memref<16x128xf32, #tpu.memory_space<vmem>>) dst(%dma_wait3A_369 : memref<16x128xf32, #tpu.memory_space<vmem_shared>>)
      tpu.yield
    }) : () -> ()
    %mul3A_182 = arith.constant 640 : i32
    %mul3A_183 = arith.muli %arg1, %mul3A_182 : i32
    %add3A_184 = arith.constant 496 : i32
    %add3A_185 = arith.addi %mul3A_183, %add3A_184 : i32
    "tpu.region"() ({
      %run_scoped3A = tpu.sem_alloc : memref<!tpu.dma_semaphore, #tpu.memory_space<semaphore_mem>>
      %dma_start3A_362 = arith.constant 0 : i32
      %dma_start3A_363 = tpu.memref_slice %arg9[%add3A_185, %dma_start3A_362] : memref<10240x128xf32, #tpu.memory_space<vmem_shared>> -> memref<16x128xf32, #tpu.memory_space<vmem_shared>>
      %dma_start3A_364 = arith.constant 0 : i32
      %dma_start3A_365 = tpu.memref_slice %arg9[%add3A_185, %dma_start3A_364] : memref<10240x128xf32, #tpu.memory_space<vmem_shared>> -> memref<16x128xf32, #tpu.memory_space<vmem_shared>>
      tpu.enqueue_dma source(%arg8 : memref<16x128xf32, #tpu.memory_space<vmem>>) target(%dma_start3A_365 : memref<16x128xf32, #tpu.memory_space<vmem_shared>>) target_semaphore(%run_scoped3A : memref<!tpu.dma_semaphore, #tpu.memory_space<semaphore_mem>>)
      %dma_wait3A_366 = arith.constant 0 : i32
      %dma_wait3A_367 = tpu.memref_slice %arg9[%add3A_185, %dma_wait3A_366] : memref<10240x128xf32, #tpu.memory_space<vmem_shared>> -> memref<16x128xf32, #tpu.memory_space<vmem_shared>>
      %dma_wait3A_368 = arith.constant 0 : i32
      %dma_wait3A_369 = tpu.memref_slice %arg9[%add3A_185, %dma_wait3A_368] : memref<10240x128xf32, #tpu.memory_space<vmem_shared>> -> memref<16x128xf32, #tpu.memory_space<vmem_shared>>
      tpu.wait_dma2 semaphore(%run_scoped3A : memref<!tpu.dma_semaphore, #tpu.memory_space<semaphore_mem>>) src(%arg8 : memref<16x128xf32, #tpu.memory_space<vmem>>) dst(%dma_wait3A_369 : memref<16x128xf32, #tpu.memory_space<vmem_shared>>)
      tpu.yield
    }) : () -> ()
    %mul3A_186 = arith.constant 640 : i32
    %mul3A_187 = arith.muli %arg1, %mul3A_186 : i32
    %add3A_188 = arith.constant 512 : i32
    %add3A_189 = arith.addi %mul3A_187, %add3A_188 : i32
    "tpu.region"() ({
      %run_scoped3A = tpu.sem_alloc : memref<!tpu.dma_semaphore, #tpu.memory_space<semaphore_mem>>
      %dma_start3A_362 = arith.constant 0 : i32
      %dma_start3A_363 = tpu.memref_slice %arg9[%add3A_189, %dma_start3A_362] : memref<10240x128xf32, #tpu.memory_space<vmem_shared>> -> memref<16x128xf32, #tpu.memory_space<vmem_shared>>
      %dma_start3A_364 = arith.constant 0 : i32
      %dma_start3A_365 = tpu.memref_slice %arg9[%add3A_189, %dma_start3A_364] : memref<10240x128xf32, #tpu.memory_space<vmem_shared>> -> memref<16x128xf32, #tpu.memory_space<vmem_shared>>
      tpu.enqueue_dma source(%arg8 : memref<16x128xf32, #tpu.memory_space<vmem>>) target(%dma_start3A_365 : memref<16x128xf32, #tpu.memory_space<vmem_shared>>) target_semaphore(%run_scoped3A : memref<!tpu.dma_semaphore, #tpu.memory_space<semaphore_mem>>)
      %dma_wait3A_366 = arith.constant 0 : i32
      %dma_wait3A_367 = tpu.memref_slice %arg9[%add3A_189, %dma_wait3A_366] : memref<10240x128xf32, #tpu.memory_space<vmem_shared>> -> memref<16x128xf32, #tpu.memory_space<vmem_shared>>
      %dma_wait3A_368 = arith.constant 0 : i32
      %dma_wait3A_369 = tpu.memref_slice %arg9[%add3A_189, %dma_wait3A_368] : memref<10240x128xf32, #tpu.memory_space<vmem_shared>> -> memref<16x128xf32, #tpu.memory_space<vmem_shared>>
      tpu.wait_dma2 semaphore(%run_scoped3A : memref<!tpu.dma_semaphore, #tpu.memory_space<semaphore_mem>>) src(%arg8 : memref<16x128xf32, #tpu.memory_space<vmem>>) dst(%dma_wait3A_369 : memref<16x128xf32, #tpu.memory_space<vmem_shared>>)
      tpu.yield
    }) : () -> ()
    %mul3A_190 = arith.constant 640 : i32
    %mul3A_191 = arith.muli %arg1, %mul3A_190 : i32
    %add3A_192 = arith.constant 528 : i32
    %add3A_193 = arith.addi %mul3A_191, %add3A_192 : i32
    "tpu.region"() ({
      %run_scoped3A = tpu.sem_alloc : memref<!tpu.dma_semaphore, #tpu.memory_space<semaphore_mem>>
      %dma_start3A_362 = arith.constant 0 : i32
      %dma_start3A_363 = tpu.memref_slice %arg9[%add3A_193, %dma_start3A_362] : memref<10240x128xf32, #tpu.memory_space<vmem_shared>> -> memref<16x128xf32, #tpu.memory_space<vmem_shared>>
      %dma_start3A_364 = arith.constant 0 : i32
      %dma_start3A_365 = tpu.memref_slice %arg9[%add3A_193, %dma_start3A_364] : memref<10240x128xf32, #tpu.memory_space<vmem_shared>> -> memref<16x128xf32, #tpu.memory_space<vmem_shared>>
      tpu.enqueue_dma source(%arg8 : memref<16x128xf32, #tpu.memory_space<vmem>>) target(%dma_start3A_365 : memref<16x128xf32, #tpu.memory_space<vmem_shared>>) target_semaphore(%run_scoped3A : memref<!tpu.dma_semaphore, #tpu.memory_space<semaphore_mem>>)
      %dma_wait3A_366 = arith.constant 0 : i32
      %dma_wait3A_367 = tpu.memref_slice %arg9[%add3A_193, %dma_wait3A_366] : memref<10240x128xf32, #tpu.memory_space<vmem_shared>> -> memref<16x128xf32, #tpu.memory_space<vmem_shared>>
      %dma_wait3A_368 = arith.constant 0 : i32
      %dma_wait3A_369 = tpu.memref_slice %arg9[%add3A_193, %dma_wait3A_368] : memref<10240x128xf32, #tpu.memory_space<vmem_shared>> -> memref<16x128xf32, #tpu.memory_space<vmem_shared>>
      tpu.wait_dma2 semaphore(%run_scoped3A : memref<!tpu.dma_semaphore, #tpu.memory_space<semaphore_mem>>) src(%arg8 : memref<16x128xf32, #tpu.memory_space<vmem>>) dst(%dma_wait3A_369 : memref<16x128xf32, #tpu.memory_space<vmem_shared>>)
      tpu.yield
    }) : () -> ()
    %mul3A_194 = arith.constant 640 : i32
    %mul3A_195 = arith.muli %arg1, %mul3A_194 : i32
    %add3A_196 = arith.constant 544 : i32
    %add3A_197 = arith.addi %mul3A_195, %add3A_196 : i32
    "tpu.region"() ({
      %run_scoped3A = tpu.sem_alloc : memref<!tpu.dma_semaphore, #tpu.memory_space<semaphore_mem>>
      %dma_start3A_362 = arith.constant 0 : i32
      %dma_start3A_363 = tpu.memref_slice %arg9[%add3A_197, %dma_start3A_362] : memref<10240x128xf32, #tpu.memory_space<vmem_shared>> -> memref<16x128xf32, #tpu.memory_space<vmem_shared>>
      %dma_start3A_364 = arith.constant 0 : i32
      %dma_start3A_365 = tpu.memref_slice %arg9[%add3A_197, %dma_start3A_364] : memref<10240x128xf32, #tpu.memory_space<vmem_shared>> -> memref<16x128xf32, #tpu.memory_space<vmem_shared>>
      tpu.enqueue_dma source(%arg8 : memref<16x128xf32, #tpu.memory_space<vmem>>) target(%dma_start3A_365 : memref<16x128xf32, #tpu.memory_space<vmem_shared>>) target_semaphore(%run_scoped3A : memref<!tpu.dma_semaphore, #tpu.memory_space<semaphore_mem>>)
      %dma_wait3A_366 = arith.constant 0 : i32
      %dma_wait3A_367 = tpu.memref_slice %arg9[%add3A_197, %dma_wait3A_366] : memref<10240x128xf32, #tpu.memory_space<vmem_shared>> -> memref<16x128xf32, #tpu.memory_space<vmem_shared>>
      %dma_wait3A_368 = arith.constant 0 : i32
      %dma_wait3A_369 = tpu.memref_slice %arg9[%add3A_197, %dma_wait3A_368] : memref<10240x128xf32, #tpu.memory_space<vmem_shared>> -> memref<16x128xf32, #tpu.memory_space<vmem_shared>>
      tpu.wait_dma2 semaphore(%run_scoped3A : memref<!tpu.dma_semaphore, #tpu.memory_space<semaphore_mem>>) src(%arg8 : memref<16x128xf32, #tpu.memory_space<vmem>>) dst(%dma_wait3A_369 : memref<16x128xf32, #tpu.memory_space<vmem_shared>>)
      tpu.yield
    }) : () -> ()
    %mul3A_198 = arith.constant 640 : i32
    %mul3A_199 = arith.muli %arg1, %mul3A_198 : i32
    %add3A_200 = arith.constant 560 : i32
    %add3A_201 = arith.addi %mul3A_199, %add3A_200 : i32
    "tpu.region"() ({
      %run_scoped3A = tpu.sem_alloc : memref<!tpu.dma_semaphore, #tpu.memory_space<semaphore_mem>>
      %dma_start3A_362 = arith.constant 0 : i32
      %dma_start3A_363 = tpu.memref_slice %arg9[%add3A_201, %dma_start3A_362] : memref<10240x128xf32, #tpu.memory_space<vmem_shared>> -> memref<16x128xf32, #tpu.memory_space<vmem_shared>>
      %dma_start3A_364 = arith.constant 0 : i32
      %dma_start3A_365 = tpu.memref_slice %arg9[%add3A_201, %dma_start3A_364] : memref<10240x128xf32, #tpu.memory_space<vmem_shared>> -> memref<16x128xf32, #tpu.memory_space<vmem_shared>>
      tpu.enqueue_dma source(%arg8 : memref<16x128xf32, #tpu.memory_space<vmem>>) target(%dma_start3A_365 : memref<16x128xf32, #tpu.memory_space<vmem_shared>>) target_semaphore(%run_scoped3A : memref<!tpu.dma_semaphore, #tpu.memory_space<semaphore_mem>>)
      %dma_wait3A_366 = arith.constant 0 : i32
      %dma_wait3A_367 = tpu.memref_slice %arg9[%add3A_201, %dma_wait3A_366] : memref<10240x128xf32, #tpu.memory_space<vmem_shared>> -> memref<16x128xf32, #tpu.memory_space<vmem_shared>>
      %dma_wait3A_368 = arith.constant 0 : i32
      %dma_wait3A_369 = tpu.memref_slice %arg9[%add3A_201, %dma_wait3A_368] : memref<10240x128xf32, #tpu.memory_space<vmem_shared>> -> memref<16x128xf32, #tpu.memory_space<vmem_shared>>
      tpu.wait_dma2 semaphore(%run_scoped3A : memref<!tpu.dma_semaphore, #tpu.memory_space<semaphore_mem>>) src(%arg8 : memref<16x128xf32, #tpu.memory_space<vmem>>) dst(%dma_wait3A_369 : memref<16x128xf32, #tpu.memory_space<vmem_shared>>)
      tpu.yield
    }) : () -> ()
    %mul3A_202 = arith.constant 640 : i32
    %mul3A_203 = arith.muli %arg1, %mul3A_202 : i32
    %add3A_204 = arith.constant 576 : i32
    %add3A_205 = arith.addi %mul3A_203, %add3A_204 : i32
    "tpu.region"() ({
      %run_scoped3A = tpu.sem_alloc : memref<!tpu.dma_semaphore, #tpu.memory_space<semaphore_mem>>
      %dma_start3A_362 = arith.constant 0 : i32
      %dma_start3A_363 = tpu.memref_slice %arg9[%add3A_205, %dma_start3A_362] : memref<10240x128xf32, #tpu.memory_space<vmem_shared>> -> memref<16x128xf32, #tpu.memory_space<vmem_shared>>
      %dma_start3A_364 = arith.constant 0 : i32
      %dma_start3A_365 = tpu.memref_slice %arg9[%add3A_205, %dma_start3A_364] : memref<10240x128xf32, #tpu.memory_space<vmem_shared>> -> memref<16x128xf32, #tpu.memory_space<vmem_shared>>
      tpu.enqueue_dma source(%arg8 : memref<16x128xf32, #tpu.memory_space<vmem>>) target(%dma_start3A_365 : memref<16x128xf32, #tpu.memory_space<vmem_shared>>) target_semaphore(%run_scoped3A : memref<!tpu.dma_semaphore, #tpu.memory_space<semaphore_mem>>)
      %dma_wait3A_366 = arith.constant 0 : i32
      %dma_wait3A_367 = tpu.memref_slice %arg9[%add3A_205, %dma_wait3A_366] : memref<10240x128xf32, #tpu.memory_space<vmem_shared>> -> memref<16x128xf32, #tpu.memory_space<vmem_shared>>
      %dma_wait3A_368 = arith.constant 0 : i32
      %dma_wait3A_369 = tpu.memref_slice %arg9[%add3A_205, %dma_wait3A_368] : memref<10240x128xf32, #tpu.memory_space<vmem_shared>> -> memref<16x128xf32, #tpu.memory_space<vmem_shared>>
      tpu.wait_dma2 semaphore(%run_scoped3A : memref<!tpu.dma_semaphore, #tpu.memory_space<semaphore_mem>>) src(%arg8 : memref<16x128xf32, #tpu.memory_space<vmem>>) dst(%dma_wait3A_369 : memref<16x128xf32, #tpu.memory_space<vmem_shared>>)
      tpu.yield
    }) : () -> ()
    %mul3A_206 = arith.constant 640 : i32
    %mul3A_207 = arith.muli %arg1, %mul3A_206 : i32
    %add3A_208 = arith.constant 592 : i32
    %add3A_209 = arith.addi %mul3A_207, %add3A_208 : i32
    "tpu.region"() ({
      %run_scoped3A = tpu.sem_alloc : memref<!tpu.dma_semaphore, #tpu.memory_space<semaphore_mem>>
      %dma_start3A_362 = arith.constant 0 : i32
      %dma_start3A_363 = tpu.memref_slice %arg9[%add3A_209, %dma_start3A_362] : memref<10240x128xf32, #tpu.memory_space<vmem_shared>> -> memref<16x128xf32, #tpu.memory_space<vmem_shared>>
      %dma_start3A_364 = arith.constant 0 : i32
      %dma_start3A_365 = tpu.memref_slice %arg9[%add3A_209, %dma_start3A_364] : memref<10240x128xf32, #tpu.memory_space<vmem_shared>> -> memref<16x128xf32, #tpu.memory_space<vmem_shared>>
      tpu.enqueue_dma source(%arg8 : memref<16x128xf32, #tpu.memory_space<vmem>>) target(%dma_start3A_365 : memref<16x128xf32, #tpu.memory_space<vmem_shared>>) target_semaphore(%run_scoped3A : memref<!tpu.dma_semaphore, #tpu.memory_space<semaphore_mem>>)
      %dma_wait3A_366 = arith.constant 0 : i32
      %dma_wait3A_367 = tpu.memref_slice %arg9[%add3A_209, %dma_wait3A_366] : memref<10240x128xf32, #tpu.memory_space<vmem_shared>> -> memref<16x128xf32, #tpu.memory_space<vmem_shared>>
      %dma_wait3A_368 = arith.constant 0 : i32
      %dma_wait3A_369 = tpu.memref_slice %arg9[%add3A_209, %dma_wait3A_368] : memref<10240x128xf32, #tpu.memory_space<vmem_shared>> -> memref<16x128xf32, #tpu.memory_space<vmem_shared>>
      tpu.wait_dma2 semaphore(%run_scoped3A : memref<!tpu.dma_semaphore, #tpu.memory_space<semaphore_mem>>) src(%arg8 : memref<16x128xf32, #tpu.memory_space<vmem>>) dst(%dma_wait3A_369 : memref<16x128xf32, #tpu.memory_space<vmem_shared>>)
      tpu.yield
    }) : () -> ()
    %mul3A_210 = arith.constant 640 : i32
    %mul3A_211 = arith.muli %arg1, %mul3A_210 : i32
    %add3A_212 = arith.constant 608 : i32
    %add3A_213 = arith.addi %mul3A_211, %add3A_212 : i32
    "tpu.region"() ({
      %run_scoped3A = tpu.sem_alloc : memref<!tpu.dma_semaphore, #tpu.memory_space<semaphore_mem>>
      %dma_start3A_362 = arith.constant 0 : i32
      %dma_start3A_363 = tpu.memref_slice %arg9[%add3A_213, %dma_start3A_362] : memref<10240x128xf32, #tpu.memory_space<vmem_shared>> -> memref<16x128xf32, #tpu.memory_space<vmem_shared>>
      %dma_start3A_364 = arith.constant 0 : i32
      %dma_start3A_365 = tpu.memref_slice %arg9[%add3A_213, %dma_start3A_364] : memref<10240x128xf32, #tpu.memory_space<vmem_shared>> -> memref<16x128xf32, #tpu.memory_space<vmem_shared>>
      tpu.enqueue_dma source(%arg8 : memref<16x128xf32, #tpu.memory_space<vmem>>) target(%dma_start3A_365 : memref<16x128xf32, #tpu.memory_space<vmem_shared>>) target_semaphore(%run_scoped3A : memref<!tpu.dma_semaphore, #tpu.memory_space<semaphore_mem>>)
      %dma_wait3A_366 = arith.constant 0 : i32
      %dma_wait3A_367 = tpu.memref_slice %arg9[%add3A_213, %dma_wait3A_366] : memref<10240x128xf32, #tpu.memory_space<vmem_shared>> -> memref<16x128xf32, #tpu.memory_space<vmem_shared>>
      %dma_wait3A_368 = arith.constant 0 : i32
      %dma_wait3A_369 = tpu.memref_slice %arg9[%add3A_213, %dma_wait3A_368] : memref<10240x128xf32, #tpu.memory_space<vmem_shared>> -> memref<16x128xf32, #tpu.memory_space<vmem_shared>>
      tpu.wait_dma2 semaphore(%run_scoped3A : memref<!tpu.dma_semaphore, #tpu.memory_space<semaphore_mem>>) src(%arg8 : memref<16x128xf32, #tpu.memory_space<vmem>>) dst(%dma_wait3A_369 : memref<16x128xf32, #tpu.memory_space<vmem_shared>>)
      tpu.yield
    }) : () -> ()
    %mul3A_214 = arith.constant 640 : i32
    %mul3A_215 = arith.muli %arg1, %mul3A_214 : i32
    %add3A_216 = arith.constant 624 : i32
    %add3A_217 = arith.addi %mul3A_215, %add3A_216 : i32
    "tpu.region"() ({
      %run_scoped3A = tpu.sem_alloc : memref<!tpu.dma_semaphore, #tpu.memory_space<semaphore_mem>>
      %dma_start3A_362 = arith.constant 0 : i32
      %dma_start3A_363 = tpu.memref_slice %arg9[%add3A_217, %dma_start3A_362] : memref<10240x128xf32, #tpu.memory_space<vmem_shared>> -> memref<16x128xf32, #tpu.memory_space<vmem_shared>>
      %dma_start3A_364 = arith.constant 0 : i32
      %dma_start3A_365 = tpu.memref_slice %arg9[%add3A_217, %dma_start3A_364] : memref<10240x128xf32, #tpu.memory_space<vmem_shared>> -> memref<16x128xf32, #tpu.memory_space<vmem_shared>>
      tpu.enqueue_dma source(%arg8 : memref<16x128xf32, #tpu.memory_space<vmem>>) target(%dma_start3A_365 : memref<16x128xf32, #tpu.memory_space<vmem_shared>>) target_semaphore(%run_scoped3A : memref<!tpu.dma_semaphore, #tpu.memory_space<semaphore_mem>>)
      %dma_wait3A_366 = arith.constant 0 : i32
      %dma_wait3A_367 = tpu.memref_slice %arg9[%add3A_217, %dma_wait3A_366] : memref<10240x128xf32, #tpu.memory_space<vmem_shared>> -> memref<16x128xf32, #tpu.memory_space<vmem_shared>>
      %dma_wait3A_368 = arith.constant 0 : i32
      %dma_wait3A_369 = tpu.memref_slice %arg9[%add3A_217, %dma_wait3A_368] : memref<10240x128xf32, #tpu.memory_space<vmem_shared>> -> memref<16x128xf32, #tpu.memory_space<vmem_shared>>
      tpu.wait_dma2 semaphore(%run_scoped3A : memref<!tpu.dma_semaphore, #tpu.memory_space<semaphore_mem>>) src(%arg8 : memref<16x128xf32, #tpu.memory_space<vmem>>) dst(%dma_wait3A_369 : memref<16x128xf32, #tpu.memory_space<vmem_shared>>)
      tpu.yield
    }) : () -> ()
    %dma_wait3A = arith.constant 0 : i32
    %dma_wait3A_218 = tpu.memref_slice %arg3[%select_n3A, %dma_wait3A] : memref<16000x40xi32, #tpu.memory_space<hbm>> -> memref<250x40xi32, #tpu.memory_space<hbm>>
    %dma_wait3A_219 = arith.constant 0 : i32
    %dma_wait3A_220 = tpu.memref_slice %arg3[%select_n3A, %dma_wait3A_219] : memref<16000x40xi32, #tpu.memory_space<hbm>> -> memref<250x40xi32, #tpu.memory_space<hbm>>
    tpu.wait_dma2 semaphore(%arg10 : memref<!tpu.dma_semaphore, #tpu.memory_space<semaphore_mem>>) src(%dma_wait3A_220 : memref<250x40xi32, #tpu.memory_space<hbm>>) dst(%arg5 : memref<250x40xi32, #tpu.memory_space<vmem>>)
    %dma_wait3A_221 = arith.constant 0 : i32
    %dma_wait3A_222 = tpu.memref_slice %arg3[%select_n3A_44, %dma_wait3A_221] : memref<16000x40xi32, #tpu.memory_space<hbm>> -> memref<250x40xi32, #tpu.memory_space<hbm>>
    %dma_wait3A_223 = arith.constant 0 : i32
    %dma_wait3A_224 = tpu.memref_slice %arg3[%select_n3A_44, %dma_wait3A_223] : memref<16000x40xi32, #tpu.memory_space<hbm>> -> memref<250x40xi32, #tpu.memory_space<hbm>>
    tpu.wait_dma2 semaphore(%arg11 : memref<!tpu.dma_semaphore, #tpu.memory_space<semaphore_mem>>) src(%dma_wait3A_224 : memref<250x40xi32, #tpu.memory_space<hbm>>) dst(%arg6 : memref<250x40xi32, #tpu.memory_space<vmem>>)
    %barrier3A = arith.constant 0 : index
    tpu.barrier barrier_id(%barrier3A)
    %dma_start3A_225 = arith.constant 0 : i32
    %dma_start3A_226 = arith.constant 0 : i32
    %dma_start3A_227 = arith.constant 0 : i32
    %dma_start3A_228 = arith.constant 0 : i32
    %dma_start3A_229 = tpu.memref_slice %arg7[%dma_start3A_226, %dma_start3A_227, %dma_start3A_228] : memref<5x40x128xf32, #tpu.memory_space<vmem>> -> memref<1x40x128xf32, #tpu.memory_space<vmem>>
    %dma_start3A_230 = tpu.memref_squeeze %dma_start3A_229 : memref<1x40x128xf32, #tpu.memory_space<vmem>> -> memref<40x128xf32, #tpu.memory_space<vmem>>
    %dma_start3A_231 = arith.constant 0 : i32
    %dma_start3A_232 = tpu.memref_slice %arg5[%dma_start3A_225, %dma_start3A_231] : memref<250x40xi32, #tpu.memory_space<vmem>> -> memref<1x40xi32, #tpu.memory_space<vmem>>
    %dma_start3A_233 = tpu.memref_squeeze %dma_start3A_232 : memref<1x40xi32, #tpu.memory_space<vmem>> -> memref<40xi32, #tpu.memory_space<vmem>>
    %dma_start3A_234 = arith.constant 0 : i32
    %dma_start3A_235 = arith.constant 0 : i32
    %dma_start3A_236 = tpu.memref_slice %arg2[%dma_start3A_234, %dma_start3A_235] : memref<10240x128xf32, #tpu.memory_space<hbm>> -> memref<10240x128xf32, #tpu.memory_space<hbm>>
    tpu.enqueue_indirect_dma source(%dma_start3A_236 : memref<10240x128xf32, #tpu.memory_space<hbm>>) target(%dma_start3A_230 : memref<40x128xf32, #tpu.memory_space<vmem>>) offsets(%dma_start3A_233 : memref<40xi32, #tpu.memory_space<vmem>>) semaphore(%arg12 : memref<!tpu.dma_semaphore, #tpu.memory_space<semaphore_mem>>)
    %dma_start3A_237 = arith.constant 1 : i32
    %dma_start3A_238 = arith.constant 1 : i32
    %dma_start3A_239 = arith.constant 0 : i32
    %dma_start3A_240 = arith.constant 0 : i32
    %dma_start3A_241 = tpu.memref_slice %arg7[%dma_start3A_238, %dma_start3A_239, %dma_start3A_240] : memref<5x40x128xf32, #tpu.memory_space<vmem>> -> memref<1x40x128xf32, #tpu.memory_space<vmem>>
    %dma_start3A_242 = tpu.memref_squeeze %dma_start3A_241 : memref<1x40x128xf32, #tpu.memory_space<vmem>> -> memref<40x128xf32, #tpu.memory_space<vmem>>
    %dma_start3A_243 = arith.constant 0 : i32
    %dma_start3A_244 = tpu.memref_slice %arg5[%dma_start3A_237, %dma_start3A_243] : memref<250x40xi32, #tpu.memory_space<vmem>> -> memref<1x40xi32, #tpu.memory_space<vmem>>
    %dma_start3A_245 = tpu.memref_squeeze %dma_start3A_244 : memref<1x40xi32, #tpu.memory_space<vmem>> -> memref<40xi32, #tpu.memory_space<vmem>>
    %dma_start3A_246 = arith.constant 0 : i32
    %dma_start3A_247 = arith.constant 0 : i32
    %dma_start3A_248 = tpu.memref_slice %arg2[%dma_start3A_246, %dma_start3A_247] : memref<10240x128xf32, #tpu.memory_space<hbm>> -> memref<10240x128xf32, #tpu.memory_space<hbm>>
    tpu.enqueue_indirect_dma source(%dma_start3A_248 : memref<10240x128xf32, #tpu.memory_space<hbm>>) target(%dma_start3A_242 : memref<40x128xf32, #tpu.memory_space<vmem>>) offsets(%dma_start3A_245 : memref<40xi32, #tpu.memory_space<vmem>>) semaphore(%arg13 : memref<!tpu.dma_semaphore, #tpu.memory_space<semaphore_mem>>)
    %dma_start3A_249 = arith.constant 2 : i32
    %dma_start3A_250 = arith.constant 2 : i32
    %dma_start3A_251 = arith.constant 0 : i32
    %dma_start3A_252 = arith.constant 0 : i32
    %dma_start3A_253 = tpu.memref_slice %arg7[%dma_start3A_250, %dma_start3A_251, %dma_start3A_252] : memref<5x40x128xf32, #tpu.memory_space<vmem>> -> memref<1x40x128xf32, #tpu.memory_space<vmem>>
    %dma_start3A_254 = tpu.memref_squeeze %dma_start3A_253 : memref<1x40x128xf32, #tpu.memory_space<vmem>> -> memref<40x128xf32, #tpu.memory_space<vmem>>
    %dma_start3A_255 = arith.constant 0 : i32
    %dma_start3A_256 = tpu.memref_slice %arg5[%dma_start3A_249, %dma_start3A_255] : memref<250x40xi32, #tpu.memory_space<vmem>> -> memref<1x40xi32, #tpu.memory_space<vmem>>
    %dma_start3A_257 = tpu.memref_squeeze %dma_start3A_256 : memref<1x40xi32, #tpu.memory_space<vmem>> -> memref<40xi32, #tpu.memory_space<vmem>>
    %dma_start3A_258 = arith.constant 0 : i32
    %dma_start3A_259 = arith.constant 0 : i32
    %dma_start3A_260 = tpu.memref_slice %arg2[%dma_start3A_258, %dma_start3A_259] : memref<10240x128xf32, #tpu.memory_space<hbm>> -> memref<10240x128xf32, #tpu.memory_space<hbm>>
    tpu.enqueue_indirect_dma source(%dma_start3A_260 : memref<10240x128xf32, #tpu.memory_space<hbm>>) target(%dma_start3A_254 : memref<40x128xf32, #tpu.memory_space<vmem>>) offsets(%dma_start3A_257 : memref<40xi32, #tpu.memory_space<vmem>>) semaphore(%arg14 : memref<!tpu.dma_semaphore, #tpu.memory_space<semaphore_mem>>)
    %dma_start3A_261 = arith.constant 3 : i32
    %dma_start3A_262 = arith.constant 3 : i32
    %dma_start3A_263 = arith.constant 0 : i32
    %dma_start3A_264 = arith.constant 0 : i32
    %dma_start3A_265 = tpu.memref_slice %arg7[%dma_start3A_262, %dma_start3A_263, %dma_start3A_264] : memref<5x40x128xf32, #tpu.memory_space<vmem>> -> memref<1x40x128xf32, #tpu.memory_space<vmem>>
    %dma_start3A_266 = tpu.memref_squeeze %dma_start3A_265 : memref<1x40x128xf32, #tpu.memory_space<vmem>> -> memref<40x128xf32, #tpu.memory_space<vmem>>
    %dma_start3A_267 = arith.constant 0 : i32
    %dma_start3A_268 = tpu.memref_slice %arg5[%dma_start3A_261, %dma_start3A_267] : memref<250x40xi32, #tpu.memory_space<vmem>> -> memref<1x40xi32, #tpu.memory_space<vmem>>
    %dma_start3A_269 = tpu.memref_squeeze %dma_start3A_268 : memref<1x40xi32, #tpu.memory_space<vmem>> -> memref<40xi32, #tpu.memory_space<vmem>>
    %dma_start3A_270 = arith.constant 0 : i32
    %dma_start3A_271 = arith.constant 0 : i32
    %dma_start3A_272 = tpu.memref_slice %arg2[%dma_start3A_270, %dma_start3A_271] : memref<10240x128xf32, #tpu.memory_space<hbm>> -> memref<10240x128xf32, #tpu.memory_space<hbm>>
    tpu.enqueue_indirect_dma source(%dma_start3A_272 : memref<10240x128xf32, #tpu.memory_space<hbm>>) target(%dma_start3A_266 : memref<40x128xf32, #tpu.memory_space<vmem>>) offsets(%dma_start3A_269 : memref<40xi32, #tpu.memory_space<vmem>>) semaphore(%arg15 : memref<!tpu.dma_semaphore, #tpu.memory_space<semaphore_mem>>)
    %scan3A_273 = arith.constant 0 : i32
    %scan3A_274 = arith.constant 0 : i32
    %scan3A_275 = arith.constant 50 : i32
    %scan3A_276 = arith.addi %scan3A_274, %scan3A_275 : i32
    %scan3A_277 = arith.constant 1 : i32
    scf.for %scan3A_362 = %scan3A_274 to %scan3A_276 step %scan3A_277  : i32 {
      %mul3A_363 = arith.constant 5 : i32
      %mul3A_364 = arith.muli %scan3A_362, %mul3A_363 : i32
      %add3A_365 = arith.constant 0 : i32
      %add3A_366 = arith.addi %mul3A_364, %add3A_365 : i32
      %dma_wait3A_367 = arith.constant 0 : i32
      %dma_wait3A_368 = arith.constant 0 : i32
      %dma_wait3A_369 = arith.constant 0 : i32
      %dma_wait3A_370 = tpu.memref_slice %arg7[%dma_wait3A_367, %dma_wait3A_368, %dma_wait3A_369] : memref<5x40x128xf32, #tpu.memory_space<vmem>> -> memref<1x40x128xf32, #tpu.memory_space<vmem>>
      %dma_wait3A_371 = tpu.memref_squeeze %dma_wait3A_370 : memref<1x40x128xf32, #tpu.memory_space<vmem>> -> memref<40x128xf32, #tpu.memory_space<vmem>>
      %dma_wait3A_372 = arith.constant 0 : i32
      %dma_wait3A_373 = arith.constant 0 : i32
      %dma_wait3A_374 = tpu.memref_slice %arg2[%dma_wait3A_372, %dma_wait3A_373] : memref<10240x128xf32, #tpu.memory_space<hbm>> -> memref<40x128xf32, #tpu.memory_space<hbm>>
      %dma_wait3A_375 = arith.constant 0 : i32
      %dma_wait3A_376 = arith.constant 0 : i32
      %dma_wait3A_377 = tpu.memref_slice %arg7[%dma_wait3A_367, %dma_wait3A_375, %dma_wait3A_376] : memref<5x40x128xf32, #tpu.memory_space<vmem>> -> memref<1x40x128xf32, #tpu.memory_space<vmem>>
      %dma_wait3A_378 = tpu.memref_squeeze %dma_wait3A_377 : memref<1x40x128xf32, #tpu.memory_space<vmem>> -> memref<40x128xf32, #tpu.memory_space<vmem>>
      %dma_wait3A_379 = arith.constant 0 : i32
      %dma_wait3A_380 = arith.constant 0 : i32
      %dma_wait3A_381 = tpu.memref_slice %arg2[%dma_wait3A_379, %dma_wait3A_380] : memref<10240x128xf32, #tpu.memory_space<hbm>> -> memref<40x128xf32, #tpu.memory_space<hbm>>
      tpu.wait_dma2 semaphore(%arg12 : memref<!tpu.dma_semaphore, #tpu.memory_space<semaphore_mem>>) src(%dma_wait3A_381 : memref<40x128xf32, #tpu.memory_space<hbm>>) dst(%dma_wait3A_378 : memref<40x128xf32, #tpu.memory_space<vmem>>)
      %dma_start3A_382 = arith.constant 0 : i32
      %dma_start3A_383 = arith.constant 0 : i32
      %dma_start3A_384 = arith.constant 0 : i32
      %dma_start3A_385 = tpu.memref_slice %arg7[%dma_start3A_382, %dma_start3A_383, %dma_start3A_384] : memref<5x40x128xf32, #tpu.memory_space<vmem>> -> memref<1x40x128xf32, #tpu.memory_space<vmem>>
      %dma_start3A_386 = tpu.memref_squeeze %dma_start3A_385 : memref<1x40x128xf32, #tpu.memory_space<vmem>> -> memref<40x128xf32, #tpu.memory_space<vmem>>
      %dma_start3A_387 = arith.constant 0 : i32
      %dma_start3A_388 = tpu.memref_slice %arg6[%add3A_366, %dma_start3A_387] : memref<250x40xi32, #tpu.memory_space<vmem>> -> memref<1x40xi32, #tpu.memory_space<vmem>>
      %dma_start3A_389 = tpu.memref_squeeze %dma_start3A_388 : memref<1x40xi32, #tpu.memory_space<vmem>> -> memref<40xi32, #tpu.memory_space<vmem>>
      %dma_start3A_390 = arith.constant 0 : i32
      %dma_start3A_391 = arith.constant 0 : i32
      %dma_start3A_392 = tpu.memref_slice %arg9[%dma_start3A_390, %dma_start3A_391] : memref<10240x128xf32, #tpu.memory_space<vmem_shared>> -> memref<10240x128xf32, #tpu.memory_space<vmem_shared>>
      tpu.enqueue_indirect_dma source(%dma_start3A_386 : memref<40x128xf32, #tpu.memory_space<vmem>>) target(%dma_start3A_392 : memref<10240x128xf32, #tpu.memory_space<vmem_shared>>) offsets(%dma_start3A_389 : memref<40xi32, #tpu.memory_space<vmem>>) semaphore(%arg17 : memref<!tpu.dma_semaphore, #tpu.memory_space<semaphore_mem>>) {add = true}
      %add3A_393 = arith.constant 4 : i32
      %add3A_394 = arith.addi %add3A_366, %add3A_393 : i32
      %lt3A = arith.constant 250 : i32
      %lt3A_395 = arith.cmpi slt, %add3A_394, %lt3A : i32
      %convert_element_type3A = arith.extui %lt3A_395 : i1 to i32
      %cond3A = arith.constant 0 : i32
      %cond3A_396 = arith.cmpi ne, %convert_element_type3A, %cond3A : i32
      scf.if %cond3A_396 {
        %ge3A = arith.constant 5 : i32
        %ge3A_537 = arith.cmpi sge, %add3A_394, %ge3A : i32
        %convert_element_type3A_538 = arith.extui %ge3A_537 : i1 to i32
        %cond3A_539 = arith.constant 0 : i32
        %cond3A_540 = arith.cmpi ne, %convert_element_type3A_538, %cond3A_539 : i32
        scf.if %cond3A_540 {
          %dma_wait3A_552 = arith.constant 4 : i32
          %dma_wait3A_553 = arith.constant 0 : i32
          %dma_wait3A_554 = arith.constant 0 : i32
          %dma_wait3A_555 = tpu.memref_slice %arg7[%dma_wait3A_552, %dma_wait3A_553, %dma_wait3A_554] : memref<5x40x128xf32, #tpu.memory_space<vmem>> -> memref<1x40x128xf32, #tpu.memory_space<vmem>>
          %dma_wait3A_556 = tpu.memref_squeeze %dma_wait3A_555 : memref<1x40x128xf32, #tpu.memory_space<vmem>> -> memref<40x128xf32, #tpu.memory_space<vmem>>
          %dma_wait3A_557 = arith.constant 0 : i32
          %dma_wait3A_558 = arith.constant 0 : i32
          %dma_wait3A_559 = tpu.memref_slice %arg9[%dma_wait3A_557, %dma_wait3A_558] : memref<10240x128xf32, #tpu.memory_space<vmem_shared>> -> memref<40x128xf32, #tpu.memory_space<vmem_shared>>
          %dma_wait3A_560 = arith.constant 0 : i32
          %dma_wait3A_561 = arith.constant 0 : i32
          %dma_wait3A_562 = tpu.memref_slice %arg9[%dma_wait3A_560, %dma_wait3A_561] : memref<10240x128xf32, #tpu.memory_space<vmem_shared>> -> memref<40x128xf32, #tpu.memory_space<vmem_shared>>
          %dma_wait3A_563 = arith.constant 0 : i32
          %dma_wait3A_564 = arith.constant 0 : i32
          %dma_wait3A_565 = tpu.memref_slice %arg7[%dma_wait3A_552, %dma_wait3A_563, %dma_wait3A_564] : memref<5x40x128xf32, #tpu.memory_space<vmem>> -> memref<1x40x128xf32, #tpu.memory_space<vmem>>
          %dma_wait3A_566 = tpu.memref_squeeze %dma_wait3A_565 : memref<1x40x128xf32, #tpu.memory_space<vmem>> -> memref<40x128xf32, #tpu.memory_space<vmem>>
          tpu.wait_dma2 semaphore(%arg21 : memref<!tpu.dma_semaphore, #tpu.memory_space<semaphore_mem>>) src(%dma_wait3A_566 : memref<40x128xf32, #tpu.memory_space<vmem>>) dst(%dma_wait3A_562 : memref<40x128xf32, #tpu.memory_space<vmem_shared>>)
        } else {
        }
        %dma_start3A_541 = arith.constant 4 : i32
        %dma_start3A_542 = arith.constant 0 : i32
        %dma_start3A_543 = arith.constant 0 : i32
        %dma_start3A_544 = tpu.memref_slice %arg7[%dma_start3A_541, %dma_start3A_542, %dma_start3A_543] : memref<5x40x128xf32, #tpu.memory_space<vmem>> -> memref<1x40x128xf32, #tpu.memory_space<vmem>>
        %dma_start3A_545 = tpu.memref_squeeze %dma_start3A_544 : memref<1x40x128xf32, #tpu.memory_space<vmem>> -> memref<40x128xf32, #tpu.memory_space<vmem>>
        %dma_start3A_546 = arith.constant 0 : i32
        %dma_start3A_547 = tpu.memref_slice %arg5[%add3A_394, %dma_start3A_546] : memref<250x40xi32, #tpu.memory_space<vmem>> -> memref<1x40xi32, #tpu.memory_space<vmem>>
        %dma_start3A_548 = tpu.memref_squeeze %dma_start3A_547 : memref<1x40xi32, #tpu.memory_space<vmem>> -> memref<40xi32, #tpu.memory_space<vmem>>
        %dma_start3A_549 = arith.constant 0 : i32
        %dma_start3A_550 = arith.constant 0 : i32
        %dma_start3A_551 = tpu.memref_slice %arg2[%dma_start3A_549, %dma_start3A_550] : memref<10240x128xf32, #tpu.memory_space<hbm>> -> memref<10240x128xf32, #tpu.memory_space<hbm>>
        tpu.enqueue_indirect_dma source(%dma_start3A_551 : memref<10240x128xf32, #tpu.memory_space<hbm>>) target(%dma_start3A_545 : memref<40x128xf32, #tpu.memory_space<vmem>>) offsets(%dma_start3A_548 : memref<40xi32, #tpu.memory_space<vmem>>) semaphore(%arg16 : memref<!tpu.dma_semaphore, #tpu.memory_space<semaphore_mem>>)
      } else {
      }
      %add3A_397 = arith.constant 1 : i32
      %add3A_398 = arith.addi %mul3A_364, %add3A_397 : i32
      %dma_wait3A_399 = arith.constant 1 : i32
      %dma_wait3A_400 = arith.constant 0 : i32
      %dma_wait3A_401 = arith.constant 0 : i32
      %dma_wait3A_402 = tpu.memref_slice %arg7[%dma_wait3A_399, %dma_wait3A_400, %dma_wait3A_401] : memref<5x40x128xf32, #tpu.memory_space<vmem>> -> memref<1x40x128xf32, #tpu.memory_space<vmem>>
      %dma_wait3A_403 = tpu.memref_squeeze %dma_wait3A_402 : memref<1x40x128xf32, #tpu.memory_space<vmem>> -> memref<40x128xf32, #tpu.memory_space<vmem>>
      %dma_wait3A_404 = arith.constant 0 : i32
      %dma_wait3A_405 = arith.constant 0 : i32
      %dma_wait3A_406 = tpu.memref_slice %arg2[%dma_wait3A_404, %dma_wait3A_405] : memref<10240x128xf32, #tpu.memory_space<hbm>> -> memref<40x128xf32, #tpu.memory_space<hbm>>
      %dma_wait3A_407 = arith.constant 0 : i32
      %dma_wait3A_408 = arith.constant 0 : i32
      %dma_wait3A_409 = tpu.memref_slice %arg7[%dma_wait3A_399, %dma_wait3A_407, %dma_wait3A_408] : memref<5x40x128xf32, #tpu.memory_space<vmem>> -> memref<1x40x128xf32, #tpu.memory_space<vmem>>
      %dma_wait3A_410 = tpu.memref_squeeze %dma_wait3A_409 : memref<1x40x128xf32, #tpu.memory_space<vmem>> -> memref<40x128xf32, #tpu.memory_space<vmem>>
      %dma_wait3A_411 = arith.constant 0 : i32
      %dma_wait3A_412 = arith.constant 0 : i32
      %dma_wait3A_413 = tpu.memref_slice %arg2[%dma_wait3A_411, %dma_wait3A_412] : memref<10240x128xf32, #tpu.memory_space<hbm>> -> memref<40x128xf32, #tpu.memory_space<hbm>>
      tpu.wait_dma2 semaphore(%arg13 : memref<!tpu.dma_semaphore, #tpu.memory_space<semaphore_mem>>) src(%dma_wait3A_413 : memref<40x128xf32, #tpu.memory_space<hbm>>) dst(%dma_wait3A_410 : memref<40x128xf32, #tpu.memory_space<vmem>>)
      %dma_start3A_414 = arith.constant 1 : i32
      %dma_start3A_415 = arith.constant 0 : i32
      %dma_start3A_416 = arith.constant 0 : i32
      %dma_start3A_417 = tpu.memref_slice %arg7[%dma_start3A_414, %dma_start3A_415, %dma_start3A_416] : memref<5x40x128xf32, #tpu.memory_space<vmem>> -> memref<1x40x128xf32, #tpu.memory_space<vmem>>
      %dma_start3A_418 = tpu.memref_squeeze %dma_start3A_417 : memref<1x40x128xf32, #tpu.memory_space<vmem>> -> memref<40x128xf32, #tpu.memory_space<vmem>>
      %dma_start3A_419 = arith.constant 0 : i32
      %dma_start3A_420 = tpu.memref_slice %arg6[%add3A_398, %dma_start3A_419] : memref<250x40xi32, #tpu.memory_space<vmem>> -> memref<1x40xi32, #tpu.memory_space<vmem>>
      %dma_start3A_421 = tpu.memref_squeeze %dma_start3A_420 : memref<1x40xi32, #tpu.memory_space<vmem>> -> memref<40xi32, #tpu.memory_space<vmem>>
      %dma_start3A_422 = arith.constant 0 : i32
      %dma_start3A_423 = arith.constant 0 : i32
      %dma_start3A_424 = tpu.memref_slice %arg9[%dma_start3A_422, %dma_start3A_423] : memref<10240x128xf32, #tpu.memory_space<vmem_shared>> -> memref<10240x128xf32, #tpu.memory_space<vmem_shared>>
      tpu.enqueue_indirect_dma source(%dma_start3A_418 : memref<40x128xf32, #tpu.memory_space<vmem>>) target(%dma_start3A_424 : memref<10240x128xf32, #tpu.memory_space<vmem_shared>>) offsets(%dma_start3A_421 : memref<40xi32, #tpu.memory_space<vmem>>) semaphore(%arg18 : memref<!tpu.dma_semaphore, #tpu.memory_space<semaphore_mem>>) {add = true}
      %add3A_425 = arith.constant 4 : i32
      %add3A_426 = arith.addi %add3A_398, %add3A_425 : i32
      %lt3A_427 = arith.constant 250 : i32
      %lt3A_428 = arith.cmpi slt, %add3A_426, %lt3A_427 : i32
      %convert_element_type3A_429 = arith.extui %lt3A_428 : i1 to i32
      %cond3A_430 = arith.constant 0 : i32
      %cond3A_431 = arith.cmpi ne, %convert_element_type3A_429, %cond3A_430 : i32
      scf.if %cond3A_431 {
        %ge3A = arith.constant 5 : i32
        %ge3A_537 = arith.cmpi sge, %add3A_426, %ge3A : i32
        %convert_element_type3A_538 = arith.extui %ge3A_537 : i1 to i32
        %cond3A_539 = arith.constant 0 : i32
        %cond3A_540 = arith.cmpi ne, %convert_element_type3A_538, %cond3A_539 : i32
        scf.if %cond3A_540 {
          %dma_wait3A_552 = arith.constant 0 : i32
          %dma_wait3A_553 = arith.constant 0 : i32
          %dma_wait3A_554 = arith.constant 0 : i32
          %dma_wait3A_555 = tpu.memref_slice %arg7[%dma_wait3A_552, %dma_wait3A_553, %dma_wait3A_554] : memref<5x40x128xf32, #tpu.memory_space<vmem>> -> memref<1x40x128xf32, #tpu.memory_space<vmem>>
          %dma_wait3A_556 = tpu.memref_squeeze %dma_wait3A_555 : memref<1x40x128xf32, #tpu.memory_space<vmem>> -> memref<40x128xf32, #tpu.memory_space<vmem>>
          %dma_wait3A_557 = arith.constant 0 : i32
          %dma_wait3A_558 = arith.constant 0 : i32
          %dma_wait3A_559 = tpu.memref_slice %arg9[%dma_wait3A_557, %dma_wait3A_558] : memref<10240x128xf32, #tpu.memory_space<vmem_shared>> -> memref<40x128xf32, #tpu.memory_space<vmem_shared>>
          %dma_wait3A_560 = arith.constant 0 : i32
          %dma_wait3A_561 = arith.constant 0 : i32
          %dma_wait3A_562 = tpu.memref_slice %arg9[%dma_wait3A_560, %dma_wait3A_561] : memref<10240x128xf32, #tpu.memory_space<vmem_shared>> -> memref<40x128xf32, #tpu.memory_space<vmem_shared>>
          %dma_wait3A_563 = arith.constant 0 : i32
          %dma_wait3A_564 = arith.constant 0 : i32
          %dma_wait3A_565 = tpu.memref_slice %arg7[%dma_wait3A_552, %dma_wait3A_563, %dma_wait3A_564] : memref<5x40x128xf32, #tpu.memory_space<vmem>> -> memref<1x40x128xf32, #tpu.memory_space<vmem>>
          %dma_wait3A_566 = tpu.memref_squeeze %dma_wait3A_565 : memref<1x40x128xf32, #tpu.memory_space<vmem>> -> memref<40x128xf32, #tpu.memory_space<vmem>>
          tpu.wait_dma2 semaphore(%arg17 : memref<!tpu.dma_semaphore, #tpu.memory_space<semaphore_mem>>) src(%dma_wait3A_566 : memref<40x128xf32, #tpu.memory_space<vmem>>) dst(%dma_wait3A_562 : memref<40x128xf32, #tpu.memory_space<vmem_shared>>)
        } else {
        }
        %dma_start3A_541 = arith.constant 0 : i32
        %dma_start3A_542 = arith.constant 0 : i32
        %dma_start3A_543 = arith.constant 0 : i32
        %dma_start3A_544 = tpu.memref_slice %arg7[%dma_start3A_541, %dma_start3A_542, %dma_start3A_543] : memref<5x40x128xf32, #tpu.memory_space<vmem>> -> memref<1x40x128xf32, #tpu.memory_space<vmem>>
        %dma_start3A_545 = tpu.memref_squeeze %dma_start3A_544 : memref<1x40x128xf32, #tpu.memory_space<vmem>> -> memref<40x128xf32, #tpu.memory_space<vmem>>
        %dma_start3A_546 = arith.constant 0 : i32
        %dma_start3A_547 = tpu.memref_slice %arg5[%add3A_426, %dma_start3A_546] : memref<250x40xi32, #tpu.memory_space<vmem>> -> memref<1x40xi32, #tpu.memory_space<vmem>>
        %dma_start3A_548 = tpu.memref_squeeze %dma_start3A_547 : memref<1x40xi32, #tpu.memory_space<vmem>> -> memref<40xi32, #tpu.memory_space<vmem>>
        %dma_start3A_549 = arith.constant 0 : i32
        %dma_start3A_550 = arith.constant 0 : i32
        %dma_start3A_551 = tpu.memref_slice %arg2[%dma_start3A_549, %dma_start3A_550] : memref<10240x128xf32, #tpu.memory_space<hbm>> -> memref<10240x128xf32, #tpu.memory_space<hbm>>
        tpu.enqueue_indirect_dma source(%dma_start3A_551 : memref<10240x128xf32, #tpu.memory_space<hbm>>) target(%dma_start3A_545 : memref<40x128xf32, #tpu.memory_space<vmem>>) offsets(%dma_start3A_548 : memref<40xi32, #tpu.memory_space<vmem>>) semaphore(%arg12 : memref<!tpu.dma_semaphore, #tpu.memory_space<semaphore_mem>>)
      } else {
      }
      %add3A_432 = arith.constant 2 : i32
      %add3A_433 = arith.addi %mul3A_364, %add3A_432 : i32
      %dma_wait3A_434 = arith.constant 2 : i32
      %dma_wait3A_435 = arith.constant 0 : i32
      %dma_wait3A_436 = arith.constant 0 : i32
      %dma_wait3A_437 = tpu.memref_slice %arg7[%dma_wait3A_434, %dma_wait3A_435, %dma_wait3A_436] : memref<5x40x128xf32, #tpu.memory_space<vmem>> -> memref<1x40x128xf32, #tpu.memory_space<vmem>>
      %dma_wait3A_438 = tpu.memref_squeeze %dma_wait3A_437 : memref<1x40x128xf32, #tpu.memory_space<vmem>> -> memref<40x128xf32, #tpu.memory_space<vmem>>
      %dma_wait3A_439 = arith.constant 0 : i32
      %dma_wait3A_440 = arith.constant 0 : i32
      %dma_wait3A_441 = tpu.memref_slice %arg2[%dma_wait3A_439, %dma_wait3A_440] : memref<10240x128xf32, #tpu.memory_space<hbm>> -> memref<40x128xf32, #tpu.memory_space<hbm>>
      %dma_wait3A_442 = arith.constant 0 : i32
      %dma_wait3A_443 = arith.constant 0 : i32
      %dma_wait3A_444 = tpu.memref_slice %arg7[%dma_wait3A_434, %dma_wait3A_442, %dma_wait3A_443] : memref<5x40x128xf32, #tpu.memory_space<vmem>> -> memref<1x40x128xf32, #tpu.memory_space<vmem>>
      %dma_wait3A_445 = tpu.memref_squeeze %dma_wait3A_444 : memref<1x40x128xf32, #tpu.memory_space<vmem>> -> memref<40x128xf32, #tpu.memory_space<vmem>>
      %dma_wait3A_446 = arith.constant 0 : i32
      %dma_wait3A_447 = arith.constant 0 : i32
      %dma_wait3A_448 = tpu.memref_slice %arg2[%dma_wait3A_446, %dma_wait3A_447] : memref<10240x128xf32, #tpu.memory_space<hbm>> -> memref<40x128xf32, #tpu.memory_space<hbm>>
      tpu.wait_dma2 semaphore(%arg14 : memref<!tpu.dma_semaphore, #tpu.memory_space<semaphore_mem>>) src(%dma_wait3A_448 : memref<40x128xf32, #tpu.memory_space<hbm>>) dst(%dma_wait3A_445 : memref<40x128xf32, #tpu.memory_space<vmem>>)
      %dma_start3A_449 = arith.constant 2 : i32
      %dma_start3A_450 = arith.constant 0 : i32
      %dma_start3A_451 = arith.constant 0 : i32
      %dma_start3A_452 = tpu.memref_slice %arg7[%dma_start3A_449, %dma_start3A_450, %dma_start3A_451] : memref<5x40x128xf32, #tpu.memory_space<vmem>> -> memref<1x40x128xf32, #tpu.memory_space<vmem>>
      %dma_start3A_453 = tpu.memref_squeeze %dma_start3A_452 : memref<1x40x128xf32, #tpu.memory_space<vmem>> -> memref<40x128xf32, #tpu.memory_space<vmem>>
      %dma_start3A_454 = arith.constant 0 : i32
      %dma_start3A_455 = tpu.memref_slice %arg6[%add3A_433, %dma_start3A_454] : memref<250x40xi32, #tpu.memory_space<vmem>> -> memref<1x40xi32, #tpu.memory_space<vmem>>
      %dma_start3A_456 = tpu.memref_squeeze %dma_start3A_455 : memref<1x40xi32, #tpu.memory_space<vmem>> -> memref<40xi32, #tpu.memory_space<vmem>>
      %dma_start3A_457 = arith.constant 0 : i32
      %dma_start3A_458 = arith.constant 0 : i32
      %dma_start3A_459 = tpu.memref_slice %arg9[%dma_start3A_457, %dma_start3A_458] : memref<10240x128xf32, #tpu.memory_space<vmem_shared>> -> memref<10240x128xf32, #tpu.memory_space<vmem_shared>>
      tpu.enqueue_indirect_dma source(%dma_start3A_453 : memref<40x128xf32, #tpu.memory_space<vmem>>) target(%dma_start3A_459 : memref<10240x128xf32, #tpu.memory_space<vmem_shared>>) offsets(%dma_start3A_456 : memref<40xi32, #tpu.memory_space<vmem>>) semaphore(%arg19 : memref<!tpu.dma_semaphore, #tpu.memory_space<semaphore_mem>>) {add = true}
      %add3A_460 = arith.constant 4 : i32
      %add3A_461 = arith.addi %add3A_433, %add3A_460 : i32
      %lt3A_462 = arith.constant 250 : i32
      %lt3A_463 = arith.cmpi slt, %add3A_461, %lt3A_462 : i32
      %convert_element_type3A_464 = arith.extui %lt3A_463 : i1 to i32
      %cond3A_465 = arith.constant 0 : i32
      %cond3A_466 = arith.cmpi ne, %convert_element_type3A_464, %cond3A_465 : i32
      scf.if %cond3A_466 {
        %ge3A = arith.constant 5 : i32
        %ge3A_537 = arith.cmpi sge, %add3A_461, %ge3A : i32
        %convert_element_type3A_538 = arith.extui %ge3A_537 : i1 to i32
        %cond3A_539 = arith.constant 0 : i32
        %cond3A_540 = arith.cmpi ne, %convert_element_type3A_538, %cond3A_539 : i32
        scf.if %cond3A_540 {
          %dma_wait3A_552 = arith.constant 1 : i32
          %dma_wait3A_553 = arith.constant 0 : i32
          %dma_wait3A_554 = arith.constant 0 : i32
          %dma_wait3A_555 = tpu.memref_slice %arg7[%dma_wait3A_552, %dma_wait3A_553, %dma_wait3A_554] : memref<5x40x128xf32, #tpu.memory_space<vmem>> -> memref<1x40x128xf32, #tpu.memory_space<vmem>>
          %dma_wait3A_556 = tpu.memref_squeeze %dma_wait3A_555 : memref<1x40x128xf32, #tpu.memory_space<vmem>> -> memref<40x128xf32, #tpu.memory_space<vmem>>
          %dma_wait3A_557 = arith.constant 0 : i32
          %dma_wait3A_558 = arith.constant 0 : i32
          %dma_wait3A_559 = tpu.memref_slice %arg9[%dma_wait3A_557, %dma_wait3A_558] : memref<10240x128xf32, #tpu.memory_space<vmem_shared>> -> memref<40x128xf32, #tpu.memory_space<vmem_shared>>
          %dma_wait3A_560 = arith.constant 0 : i32
          %dma_wait3A_561 = arith.constant 0 : i32
          %dma_wait3A_562 = tpu.memref_slice %arg9[%dma_wait3A_560, %dma_wait3A_561] : memref<10240x128xf32, #tpu.memory_space<vmem_shared>> -> memref<40x128xf32, #tpu.memory_space<vmem_shared>>
          %dma_wait3A_563 = arith.constant 0 : i32
          %dma_wait3A_564 = arith.constant 0 : i32
          %dma_wait3A_565 = tpu.memref_slice %arg7[%dma_wait3A_552, %dma_wait3A_563, %dma_wait3A_564] : memref<5x40x128xf32, #tpu.memory_space<vmem>> -> memref<1x40x128xf32, #tpu.memory_space<vmem>>
          %dma_wait3A_566 = tpu.memref_squeeze %dma_wait3A_565 : memref<1x40x128xf32, #tpu.memory_space<vmem>> -> memref<40x128xf32, #tpu.memory_space<vmem>>
          tpu.wait_dma2 semaphore(%arg18 : memref<!tpu.dma_semaphore, #tpu.memory_space<semaphore_mem>>) src(%dma_wait3A_566 : memref<40x128xf32, #tpu.memory_space<vmem>>) dst(%dma_wait3A_562 : memref<40x128xf32, #tpu.memory_space<vmem_shared>>)
        } else {
        }
        %dma_start3A_541 = arith.constant 1 : i32
        %dma_start3A_542 = arith.constant 0 : i32
        %dma_start3A_543 = arith.constant 0 : i32
        %dma_start3A_544 = tpu.memref_slice %arg7[%dma_start3A_541, %dma_start3A_542, %dma_start3A_543] : memref<5x40x128xf32, #tpu.memory_space<vmem>> -> memref<1x40x128xf32, #tpu.memory_space<vmem>>
        %dma_start3A_545 = tpu.memref_squeeze %dma_start3A_544 : memref<1x40x128xf32, #tpu.memory_space<vmem>> -> memref<40x128xf32, #tpu.memory_space<vmem>>
        %dma_start3A_546 = arith.constant 0 : i32
        %dma_start3A_547 = tpu.memref_slice %arg5[%add3A_461, %dma_start3A_546] : memref<250x40xi32, #tpu.memory_space<vmem>> -> memref<1x40xi32, #tpu.memory_space<vmem>>
        %dma_start3A_548 = tpu.memref_squeeze %dma_start3A_547 : memref<1x40xi32, #tpu.memory_space<vmem>> -> memref<40xi32, #tpu.memory_space<vmem>>
        %dma_start3A_549 = arith.constant 0 : i32
        %dma_start3A_550 = arith.constant 0 : i32
        %dma_start3A_551 = tpu.memref_slice %arg2[%dma_start3A_549, %dma_start3A_550] : memref<10240x128xf32, #tpu.memory_space<hbm>> -> memref<10240x128xf32, #tpu.memory_space<hbm>>
        tpu.enqueue_indirect_dma source(%dma_start3A_551 : memref<10240x128xf32, #tpu.memory_space<hbm>>) target(%dma_start3A_545 : memref<40x128xf32, #tpu.memory_space<vmem>>) offsets(%dma_start3A_548 : memref<40xi32, #tpu.memory_space<vmem>>) semaphore(%arg13 : memref<!tpu.dma_semaphore, #tpu.memory_space<semaphore_mem>>)
      } else {
      }
      %add3A_467 = arith.constant 3 : i32
      %add3A_468 = arith.addi %mul3A_364, %add3A_467 : i32
      %dma_wait3A_469 = arith.constant 3 : i32
      %dma_wait3A_470 = arith.constant 0 : i32
      %dma_wait3A_471 = arith.constant 0 : i32
      %dma_wait3A_472 = tpu.memref_slice %arg7[%dma_wait3A_469, %dma_wait3A_470, %dma_wait3A_471] : memref<5x40x128xf32, #tpu.memory_space<vmem>> -> memref<1x40x128xf32, #tpu.memory_space<vmem>>
      %dma_wait3A_473 = tpu.memref_squeeze %dma_wait3A_472 : memref<1x40x128xf32, #tpu.memory_space<vmem>> -> memref<40x128xf32, #tpu.memory_space<vmem>>
      %dma_wait3A_474 = arith.constant 0 : i32
      %dma_wait3A_475 = arith.constant 0 : i32
      %dma_wait3A_476 = tpu.memref_slice %arg2[%dma_wait3A_474, %dma_wait3A_475] : memref<10240x128xf32, #tpu.memory_space<hbm>> -> memref<40x128xf32, #tpu.memory_space<hbm>>
      %dma_wait3A_477 = arith.constant 0 : i32
      %dma_wait3A_478 = arith.constant 0 : i32
      %dma_wait3A_479 = tpu.memref_slice %arg7[%dma_wait3A_469, %dma_wait3A_477, %dma_wait3A_478] : memref<5x40x128xf32, #tpu.memory_space<vmem>> -> memref<1x40x128xf32, #tpu.memory_space<vmem>>
      %dma_wait3A_480 = tpu.memref_squeeze %dma_wait3A_479 : memref<1x40x128xf32, #tpu.memory_space<vmem>> -> memref<40x128xf32, #tpu.memory_space<vmem>>
      %dma_wait3A_481 = arith.constant 0 : i32
      %dma_wait3A_482 = arith.constant 0 : i32
      %dma_wait3A_483 = tpu.memref_slice %arg2[%dma_wait3A_481, %dma_wait3A_482] : memref<10240x128xf32, #tpu.memory_space<hbm>> -> memref<40x128xf32, #tpu.memory_space<hbm>>
      tpu.wait_dma2 semaphore(%arg15 : memref<!tpu.dma_semaphore, #tpu.memory_space<semaphore_mem>>) src(%dma_wait3A_483 : memref<40x128xf32, #tpu.memory_space<hbm>>) dst(%dma_wait3A_480 : memref<40x128xf32, #tpu.memory_space<vmem>>)
      %dma_start3A_484 = arith.constant 3 : i32
      %dma_start3A_485 = arith.constant 0 : i32
      %dma_start3A_486 = arith.constant 0 : i32
      %dma_start3A_487 = tpu.memref_slice %arg7[%dma_start3A_484, %dma_start3A_485, %dma_start3A_486] : memref<5x40x128xf32, #tpu.memory_space<vmem>> -> memref<1x40x128xf32, #tpu.memory_space<vmem>>
      %dma_start3A_488 = tpu.memref_squeeze %dma_start3A_487 : memref<1x40x128xf32, #tpu.memory_space<vmem>> -> memref<40x128xf32, #tpu.memory_space<vmem>>
      %dma_start3A_489 = arith.constant 0 : i32
      %dma_start3A_490 = tpu.memref_slice %arg6[%add3A_468, %dma_start3A_489] : memref<250x40xi32, #tpu.memory_space<vmem>> -> memref<1x40xi32, #tpu.memory_space<vmem>>
      %dma_start3A_491 = tpu.memref_squeeze %dma_start3A_490 : memref<1x40xi32, #tpu.memory_space<vmem>> -> memref<40xi32, #tpu.memory_space<vmem>>
      %dma_start3A_492 = arith.constant 0 : i32
      %dma_start3A_493 = arith.constant 0 : i32
      %dma_start3A_494 = tpu.memref_slice %arg9[%dma_start3A_492, %dma_start3A_493] : memref<10240x128xf32, #tpu.memory_space<vmem_shared>> -> memref<10240x128xf32, #tpu.memory_space<vmem_shared>>
      tpu.enqueue_indirect_dma source(%dma_start3A_488 : memref<40x128xf32, #tpu.memory_space<vmem>>) target(%dma_start3A_494 : memref<10240x128xf32, #tpu.memory_space<vmem_shared>>) offsets(%dma_start3A_491 : memref<40xi32, #tpu.memory_space<vmem>>) semaphore(%arg20 : memref<!tpu.dma_semaphore, #tpu.memory_space<semaphore_mem>>) {add = true}
      %add3A_495 = arith.constant 4 : i32
      %add3A_496 = arith.addi %add3A_468, %add3A_495 : i32
      %lt3A_497 = arith.constant 250 : i32
      %lt3A_498 = arith.cmpi slt, %add3A_496, %lt3A_497 : i32
      %convert_element_type3A_499 = arith.extui %lt3A_498 : i1 to i32
      %cond3A_500 = arith.constant 0 : i32
      %cond3A_501 = arith.cmpi ne, %convert_element_type3A_499, %cond3A_500 : i32
      scf.if %cond3A_501 {
        %ge3A = arith.constant 5 : i32
        %ge3A_537 = arith.cmpi sge, %add3A_496, %ge3A : i32
        %convert_element_type3A_538 = arith.extui %ge3A_537 : i1 to i32
        %cond3A_539 = arith.constant 0 : i32
        %cond3A_540 = arith.cmpi ne, %convert_element_type3A_538, %cond3A_539 : i32
        scf.if %cond3A_540 {
          %dma_wait3A_552 = arith.constant 2 : i32
          %dma_wait3A_553 = arith.constant 0 : i32
          %dma_wait3A_554 = arith.constant 0 : i32
          %dma_wait3A_555 = tpu.memref_slice %arg7[%dma_wait3A_552, %dma_wait3A_553, %dma_wait3A_554] : memref<5x40x128xf32, #tpu.memory_space<vmem>> -> memref<1x40x128xf32, #tpu.memory_space<vmem>>
          %dma_wait3A_556 = tpu.memref_squeeze %dma_wait3A_555 : memref<1x40x128xf32, #tpu.memory_space<vmem>> -> memref<40x128xf32, #tpu.memory_space<vmem>>
          %dma_wait3A_557 = arith.constant 0 : i32
          %dma_wait3A_558 = arith.constant 0 : i32
          %dma_wait3A_559 = tpu.memref_slice %arg9[%dma_wait3A_557, %dma_wait3A_558] : memref<10240x128xf32, #tpu.memory_space<vmem_shared>> -> memref<40x128xf32, #tpu.memory_space<vmem_shared>>
          %dma_wait3A_560 = arith.constant 0 : i32
          %dma_wait3A_561 = arith.constant 0 : i32
          %dma_wait3A_562 = tpu.memref_slice %arg9[%dma_wait3A_560, %dma_wait3A_561] : memref<10240x128xf32, #tpu.memory_space<vmem_shared>> -> memref<40x128xf32, #tpu.memory_space<vmem_shared>>
          %dma_wait3A_563 = arith.constant 0 : i32
          %dma_wait3A_564 = arith.constant 0 : i32
          %dma_wait3A_565 = tpu.memref_slice %arg7[%dma_wait3A_552, %dma_wait3A_563, %dma_wait3A_564] : memref<5x40x128xf32, #tpu.memory_space<vmem>> -> memref<1x40x128xf32, #tpu.memory_space<vmem>>
          %dma_wait3A_566 = tpu.memref_squeeze %dma_wait3A_565 : memref<1x40x128xf32, #tpu.memory_space<vmem>> -> memref<40x128xf32, #tpu.memory_space<vmem>>
          tpu.wait_dma2 semaphore(%arg19 : memref<!tpu.dma_semaphore, #tpu.memory_space<semaphore_mem>>) src(%dma_wait3A_566 : memref<40x128xf32, #tpu.memory_space<vmem>>) dst(%dma_wait3A_562 : memref<40x128xf32, #tpu.memory_space<vmem_shared>>)
        } else {
        }
        %dma_start3A_541 = arith.constant 2 : i32
        %dma_start3A_542 = arith.constant 0 : i32
        %dma_start3A_543 = arith.constant 0 : i32
        %dma_start3A_544 = tpu.memref_slice %arg7[%dma_start3A_541, %dma_start3A_542, %dma_start3A_543] : memref<5x40x128xf32, #tpu.memory_space<vmem>> -> memref<1x40x128xf32, #tpu.memory_space<vmem>>
        %dma_start3A_545 = tpu.memref_squeeze %dma_start3A_544 : memref<1x40x128xf32, #tpu.memory_space<vmem>> -> memref<40x128xf32, #tpu.memory_space<vmem>>
        %dma_start3A_546 = arith.constant 0 : i32
        %dma_start3A_547 = tpu.memref_slice %arg5[%add3A_496, %dma_start3A_546] : memref<250x40xi32, #tpu.memory_space<vmem>> -> memref<1x40xi32, #tpu.memory_space<vmem>>
        %dma_start3A_548 = tpu.memref_squeeze %dma_start3A_547 : memref<1x40xi32, #tpu.memory_space<vmem>> -> memref<40xi32, #tpu.memory_space<vmem>>
        %dma_start3A_549 = arith.constant 0 : i32
        %dma_start3A_550 = arith.constant 0 : i32
        %dma_start3A_551 = tpu.memref_slice %arg2[%dma_start3A_549, %dma_start3A_550] : memref<10240x128xf32, #tpu.memory_space<hbm>> -> memref<10240x128xf32, #tpu.memory_space<hbm>>
        tpu.enqueue_indirect_dma source(%dma_start3A_551 : memref<10240x128xf32, #tpu.memory_space<hbm>>) target(%dma_start3A_545 : memref<40x128xf32, #tpu.memory_space<vmem>>) offsets(%dma_start3A_548 : memref<40xi32, #tpu.memory_space<vmem>>) semaphore(%arg14 : memref<!tpu.dma_semaphore, #tpu.memory_space<semaphore_mem>>)
      } else {
      }
      %add3A_502 = arith.constant 4 : i32
      %add3A_503 = arith.addi %mul3A_364, %add3A_502 : i32
      %dma_wait3A_504 = arith.constant 4 : i32
      %dma_wait3A_505 = arith.constant 0 : i32
      %dma_wait3A_506 = arith.constant 0 : i32
      %dma_wait3A_507 = tpu.memref_slice %arg7[%dma_wait3A_504, %dma_wait3A_505, %dma_wait3A_506] : memref<5x40x128xf32, #tpu.memory_space<vmem>> -> memref<1x40x128xf32, #tpu.memory_space<vmem>>
      %dma_wait3A_508 = tpu.memref_squeeze %dma_wait3A_507 : memref<1x40x128xf32, #tpu.memory_space<vmem>> -> memref<40x128xf32, #tpu.memory_space<vmem>>
      %dma_wait3A_509 = arith.constant 0 : i32
      %dma_wait3A_510 = arith.constant 0 : i32
      %dma_wait3A_511 = tpu.memref_slice %arg2[%dma_wait3A_509, %dma_wait3A_510] : memref<10240x128xf32, #tpu.memory_space<hbm>> -> memref<40x128xf32, #tpu.memory_space<hbm>>
      %dma_wait3A_512 = arith.constant 0 : i32
      %dma_wait3A_513 = arith.constant 0 : i32
      %dma_wait3A_514 = tpu.memref_slice %arg7[%dma_wait3A_504, %dma_wait3A_512, %dma_wait3A_513] : memref<5x40x128xf32, #tpu.memory_space<vmem>> -> memref<1x40x128xf32, #tpu.memory_space<vmem>>
      %dma_wait3A_515 = tpu.memref_squeeze %dma_wait3A_514 : memref<1x40x128xf32, #tpu.memory_space<vmem>> -> memref<40x128xf32, #tpu.memory_space<vmem>>
      %dma_wait3A_516 = arith.constant 0 : i32
      %dma_wait3A_517 = arith.constant 0 : i32
      %dma_wait3A_518 = tpu.memref_slice %arg2[%dma_wait3A_516, %dma_wait3A_517] : memref<10240x128xf32, #tpu.memory_space<hbm>> -> memref<40x128xf32, #tpu.memory_space<hbm>>
      tpu.wait_dma2 semaphore(%arg16 : memref<!tpu.dma_semaphore, #tpu.memory_space<semaphore_mem>>) src(%dma_wait3A_518 : memref<40x128xf32, #tpu.memory_space<hbm>>) dst(%dma_wait3A_515 : memref<40x128xf32, #tpu.memory_space<vmem>>)
      %dma_start3A_519 = arith.constant 4 : i32
      %dma_start3A_520 = arith.constant 0 : i32
      %dma_start3A_521 = arith.constant 0 : i32
      %dma_start3A_522 = tpu.memref_slice %arg7[%dma_start3A_519, %dma_start3A_520, %dma_start3A_521] : memref<5x40x128xf32, #tpu.memory_space<vmem>> -> memref<1x40x128xf32, #tpu.memory_space<vmem>>
      %dma_start3A_523 = tpu.memref_squeeze %dma_start3A_522 : memref<1x40x128xf32, #tpu.memory_space<vmem>> -> memref<40x128xf32, #tpu.memory_space<vmem>>
      %dma_start3A_524 = arith.constant 0 : i32
      %dma_start3A_525 = tpu.memref_slice %arg6[%add3A_503, %dma_start3A_524] : memref<250x40xi32, #tpu.memory_space<vmem>> -> memref<1x40xi32, #tpu.memory_space<vmem>>
      %dma_start3A_526 = tpu.memref_squeeze %dma_start3A_525 : memref<1x40xi32, #tpu.memory_space<vmem>> -> memref<40xi32, #tpu.memory_space<vmem>>
      %dma_start3A_527 = arith.constant 0 : i32
      %dma_start3A_528 = arith.constant 0 : i32
      %dma_start3A_529 = tpu.memref_slice %arg9[%dma_start3A_527, %dma_start3A_528] : memref<10240x128xf32, #tpu.memory_space<vmem_shared>> -> memref<10240x128xf32, #tpu.memory_space<vmem_shared>>
      tpu.enqueue_indirect_dma source(%dma_start3A_523 : memref<40x128xf32, #tpu.memory_space<vmem>>) target(%dma_start3A_529 : memref<10240x128xf32, #tpu.memory_space<vmem_shared>>) offsets(%dma_start3A_526 : memref<40xi32, #tpu.memory_space<vmem>>) semaphore(%arg21 : memref<!tpu.dma_semaphore, #tpu.memory_space<semaphore_mem>>) {add = true}
      %add3A_530 = arith.constant 4 : i32
      %add3A_531 = arith.addi %add3A_503, %add3A_530 : i32
      %lt3A_532 = arith.constant 250 : i32
      %lt3A_533 = arith.cmpi slt, %add3A_531, %lt3A_532 : i32
      %convert_element_type3A_534 = arith.extui %lt3A_533 : i1 to i32
      %cond3A_535 = arith.constant 0 : i32
      %cond3A_536 = arith.cmpi ne, %convert_element_type3A_534, %cond3A_535 : i32
      scf.if %cond3A_536 {
        %ge3A = arith.constant 5 : i32
        %ge3A_537 = arith.cmpi sge, %add3A_531, %ge3A : i32
        %convert_element_type3A_538 = arith.extui %ge3A_537 : i1 to i32
        %cond3A_539 = arith.constant 0 : i32
        %cond3A_540 = arith.cmpi ne, %convert_element_type3A_538, %cond3A_539 : i32
        scf.if %cond3A_540 {
          %dma_wait3A_552 = arith.constant 3 : i32
          %dma_wait3A_553 = arith.constant 0 : i32
          %dma_wait3A_554 = arith.constant 0 : i32
          %dma_wait3A_555 = tpu.memref_slice %arg7[%dma_wait3A_552, %dma_wait3A_553, %dma_wait3A_554] : memref<5x40x128xf32, #tpu.memory_space<vmem>> -> memref<1x40x128xf32, #tpu.memory_space<vmem>>
          %dma_wait3A_556 = tpu.memref_squeeze %dma_wait3A_555 : memref<1x40x128xf32, #tpu.memory_space<vmem>> -> memref<40x128xf32, #tpu.memory_space<vmem>>
          %dma_wait3A_557 = arith.constant 0 : i32
          %dma_wait3A_558 = arith.constant 0 : i32
          %dma_wait3A_559 = tpu.memref_slice %arg9[%dma_wait3A_557, %dma_wait3A_558] : memref<10240x128xf32, #tpu.memory_space<vmem_shared>> -> memref<40x128xf32, #tpu.memory_space<vmem_shared>>
          %dma_wait3A_560 = arith.constant 0 : i32
          %dma_wait3A_561 = arith.constant 0 : i32
          %dma_wait3A_562 = tpu.memref_slice %arg9[%dma_wait3A_560, %dma_wait3A_561] : memref<10240x128xf32, #tpu.memory_space<vmem_shared>> -> memref<40x128xf32, #tpu.memory_space<vmem_shared>>
          %dma_wait3A_563 = arith.constant 0 : i32
          %dma_wait3A_564 = arith.constant 0 : i32
          %dma_wait3A_565 = tpu.memref_slice %arg7[%dma_wait3A_552, %dma_wait3A_563, %dma_wait3A_564] : memref<5x40x128xf32, #tpu.memory_space<vmem>> -> memref<1x40x128xf32, #tpu.memory_space<vmem>>
          %dma_wait3A_566 = tpu.memref_squeeze %dma_wait3A_565 : memref<1x40x128xf32, #tpu.memory_space<vmem>> -> memref<40x128xf32, #tpu.memory_space<vmem>>
          tpu.wait_dma2 semaphore(%arg20 : memref<!tpu.dma_semaphore, #tpu.memory_space<semaphore_mem>>) src(%dma_wait3A_566 : memref<40x128xf32, #tpu.memory_space<vmem>>) dst(%dma_wait3A_562 : memref<40x128xf32, #tpu.memory_space<vmem_shared>>)
        } else {
        }
        %dma_start3A_541 = arith.constant 3 : i32
        %dma_start3A_542 = arith.constant 0 : i32
        %dma_start3A_543 = arith.constant 0 : i32
        %dma_start3A_544 = tpu.memref_slice %arg7[%dma_start3A_541, %dma_start3A_542, %dma_start3A_543] : memref<5x40x128xf32, #tpu.memory_space<vmem>> -> memref<1x40x128xf32, #tpu.memory_space<vmem>>
        %dma_start3A_545 = tpu.memref_squeeze %dma_start3A_544 : memref<1x40x128xf32, #tpu.memory_space<vmem>> -> memref<40x128xf32, #tpu.memory_space<vmem>>
        %dma_start3A_546 = arith.constant 0 : i32
        %dma_start3A_547 = tpu.memref_slice %arg5[%add3A_531, %dma_start3A_546] : memref<250x40xi32, #tpu.memory_space<vmem>> -> memref<1x40xi32, #tpu.memory_space<vmem>>
        %dma_start3A_548 = tpu.memref_squeeze %dma_start3A_547 : memref<1x40xi32, #tpu.memory_space<vmem>> -> memref<40xi32, #tpu.memory_space<vmem>>
        %dma_start3A_549 = arith.constant 0 : i32
        %dma_start3A_550 = arith.constant 0 : i32
        %dma_start3A_551 = tpu.memref_slice %arg2[%dma_start3A_549, %dma_start3A_550] : memref<10240x128xf32, #tpu.memory_space<hbm>> -> memref<10240x128xf32, #tpu.memory_space<hbm>>
        tpu.enqueue_indirect_dma source(%dma_start3A_551 : memref<10240x128xf32, #tpu.memory_space<hbm>>) target(%dma_start3A_545 : memref<40x128xf32, #tpu.memory_space<vmem>>) offsets(%dma_start3A_548 : memref<40xi32, #tpu.memory_space<vmem>>) semaphore(%arg15 : memref<!tpu.dma_semaphore, #tpu.memory_space<semaphore_mem>>)
      } else {
      }
    }
    %scan3A_278 = arith.constant 50 : i32
    %dma_wait3A_279 = arith.constant 0 : i32
    %dma_wait3A_280 = arith.constant 0 : i32
    %dma_wait3A_281 = arith.constant 0 : i32
    %dma_wait3A_282 = tpu.memref_slice %arg7[%dma_wait3A_279, %dma_wait3A_280, %dma_wait3A_281] : memref<5x40x128xf32, #tpu.memory_space<vmem>> -> memref<1x40x128xf32, #tpu.memory_space<vmem>>
    %dma_wait3A_283 = tpu.memref_squeeze %dma_wait3A_282 : memref<1x40x128xf32, #tpu.memory_space<vmem>> -> memref<40x128xf32, #tpu.memory_space<vmem>>
    %dma_wait3A_284 = arith.constant 0 : i32
    %dma_wait3A_285 = arith.constant 0 : i32
    %dma_wait3A_286 = tpu.memref_slice %arg9[%dma_wait3A_284, %dma_wait3A_285] : memref<10240x128xf32, #tpu.memory_space<vmem_shared>> -> memref<40x128xf32, #tpu.memory_space<vmem_shared>>
    %dma_wait3A_287 = arith.constant 0 : i32
    %dma_wait3A_288 = arith.constant 0 : i32
    %dma_wait3A_289 = tpu.memref_slice %arg9[%dma_wait3A_287, %dma_wait3A_288] : memref<10240x128xf32, #tpu.memory_space<vmem_shared>> -> memref<40x128xf32, #tpu.memory_space<vmem_shared>>
    %dma_wait3A_290 = arith.constant 0 : i32
    %dma_wait3A_291 = arith.constant 0 : i32
    %dma_wait3A_292 = tpu.memref_slice %arg7[%dma_wait3A_279, %dma_wait3A_290, %dma_wait3A_291] : memref<5x40x128xf32, #tpu.memory_space<vmem>> -> memref<1x40x128xf32, #tpu.memory_space<vmem>>
    %dma_wait3A_293 = tpu.memref_squeeze %dma_wait3A_292 : memref<1x40x128xf32, #tpu.memory_space<vmem>> -> memref<40x128xf32, #tpu.memory_space<vmem>>
    tpu.wait_dma2 semaphore(%arg17 : memref<!tpu.dma_semaphore, #tpu.memory_space<semaphore_mem>>) src(%dma_wait3A_293 : memref<40x128xf32, #tpu.memory_space<vmem>>) dst(%dma_wait3A_289 : memref<40x128xf32, #tpu.memory_space<vmem_shared>>)
    %dma_wait3A_294 = arith.constant 1 : i32
    %dma_wait3A_295 = arith.constant 0 : i32
    %dma_wait3A_296 = arith.constant 0 : i32
    %dma_wait3A_297 = tpu.memref_slice %arg7[%dma_wait3A_294, %dma_wait3A_295, %dma_wait3A_296] : memref<5x40x128xf32, #tpu.memory_space<vmem>> -> memref<1x40x128xf32, #tpu.memory_space<vmem>>
    %dma_wait3A_298 = tpu.memref_squeeze %dma_wait3A_297 : memref<1x40x128xf32, #tpu.memory_space<vmem>> -> memref<40x128xf32, #tpu.memory_space<vmem>>
    %dma_wait3A_299 = arith.constant 0 : i32
    %dma_wait3A_300 = arith.constant 0 : i32
    %dma_wait3A_301 = tpu.memref_slice %arg9[%dma_wait3A_299, %dma_wait3A_300] : memref<10240x128xf32, #tpu.memory_space<vmem_shared>> -> memref<40x128xf32, #tpu.memory_space<vmem_shared>>
    %dma_wait3A_302 = arith.constant 0 : i32
    %dma_wait3A_303 = arith.constant 0 : i32
    %dma_wait3A_304 = tpu.memref_slice %arg9[%dma_wait3A_302, %dma_wait3A_303] : memref<10240x128xf32, #tpu.memory_space<vmem_shared>> -> memref<40x128xf32, #tpu.memory_space<vmem_shared>>
    %dma_wait3A_305 = arith.constant 0 : i32
    %dma_wait3A_306 = arith.constant 0 : i32
    %dma_wait3A_307 = tpu.memref_slice %arg7[%dma_wait3A_294, %dma_wait3A_305, %dma_wait3A_306] : memref<5x40x128xf32, #tpu.memory_space<vmem>> -> memref<1x40x128xf32, #tpu.memory_space<vmem>>
    %dma_wait3A_308 = tpu.memref_squeeze %dma_wait3A_307 : memref<1x40x128xf32, #tpu.memory_space<vmem>> -> memref<40x128xf32, #tpu.memory_space<vmem>>
    tpu.wait_dma2 semaphore(%arg18 : memref<!tpu.dma_semaphore, #tpu.memory_space<semaphore_mem>>) src(%dma_wait3A_308 : memref<40x128xf32, #tpu.memory_space<vmem>>) dst(%dma_wait3A_304 : memref<40x128xf32, #tpu.memory_space<vmem_shared>>)
    %dma_wait3A_309 = arith.constant 2 : i32
    %dma_wait3A_310 = arith.constant 0 : i32
    %dma_wait3A_311 = arith.constant 0 : i32
    %dma_wait3A_312 = tpu.memref_slice %arg7[%dma_wait3A_309, %dma_wait3A_310, %dma_wait3A_311] : memref<5x40x128xf32, #tpu.memory_space<vmem>> -> memref<1x40x128xf32, #tpu.memory_space<vmem>>
    %dma_wait3A_313 = tpu.memref_squeeze %dma_wait3A_312 : memref<1x40x128xf32, #tpu.memory_space<vmem>> -> memref<40x128xf32, #tpu.memory_space<vmem>>
    %dma_wait3A_314 = arith.constant 0 : i32
    %dma_wait3A_315 = arith.constant 0 : i32
    %dma_wait3A_316 = tpu.memref_slice %arg9[%dma_wait3A_314, %dma_wait3A_315] : memref<10240x128xf32, #tpu.memory_space<vmem_shared>> -> memref<40x128xf32, #tpu.memory_space<vmem_shared>>
    %dma_wait3A_317 = arith.constant 0 : i32
    %dma_wait3A_318 = arith.constant 0 : i32
    %dma_wait3A_319 = tpu.memref_slice %arg9[%dma_wait3A_317, %dma_wait3A_318] : memref<10240x128xf32, #tpu.memory_space<vmem_shared>> -> memref<40x128xf32, #tpu.memory_space<vmem_shared>>
    %dma_wait3A_320 = arith.constant 0 : i32
    %dma_wait3A_321 = arith.constant 0 : i32
    %dma_wait3A_322 = tpu.memref_slice %arg7[%dma_wait3A_309, %dma_wait3A_320, %dma_wait3A_321] : memref<5x40x128xf32, #tpu.memory_space<vmem>> -> memref<1x40x128xf32, #tpu.memory_space<vmem>>
    %dma_wait3A_323 = tpu.memref_squeeze %dma_wait3A_322 : memref<1x40x128xf32, #tpu.memory_space<vmem>> -> memref<40x128xf32, #tpu.memory_space<vmem>>
    tpu.wait_dma2 semaphore(%arg19 : memref<!tpu.dma_semaphore, #tpu.memory_space<semaphore_mem>>) src(%dma_wait3A_323 : memref<40x128xf32, #tpu.memory_space<vmem>>) dst(%dma_wait3A_319 : memref<40x128xf32, #tpu.memory_space<vmem_shared>>)
    %dma_wait3A_324 = arith.constant 3 : i32
    %dma_wait3A_325 = arith.constant 0 : i32
    %dma_wait3A_326 = arith.constant 0 : i32
    %dma_wait3A_327 = tpu.memref_slice %arg7[%dma_wait3A_324, %dma_wait3A_325, %dma_wait3A_326] : memref<5x40x128xf32, #tpu.memory_space<vmem>> -> memref<1x40x128xf32, #tpu.memory_space<vmem>>
    %dma_wait3A_328 = tpu.memref_squeeze %dma_wait3A_327 : memref<1x40x128xf32, #tpu.memory_space<vmem>> -> memref<40x128xf32, #tpu.memory_space<vmem>>
    %dma_wait3A_329 = arith.constant 0 : i32
    %dma_wait3A_330 = arith.constant 0 : i32
    %dma_wait3A_331 = tpu.memref_slice %arg9[%dma_wait3A_329, %dma_wait3A_330] : memref<10240x128xf32, #tpu.memory_space<vmem_shared>> -> memref<40x128xf32, #tpu.memory_space<vmem_shared>>
    %dma_wait3A_332 = arith.constant 0 : i32
    %dma_wait3A_333 = arith.constant 0 : i32
    %dma_wait3A_334 = tpu.memref_slice %arg9[%dma_wait3A_332, %dma_wait3A_333] : memref<10240x128xf32, #tpu.memory_space<vmem_shared>> -> memref<40x128xf32, #tpu.memory_space<vmem_shared>>
    %dma_wait3A_335 = arith.constant 0 : i32
    %dma_wait3A_336 = arith.constant 0 : i32
    %dma_wait3A_337 = tpu.memref_slice %arg7[%dma_wait3A_324, %dma_wait3A_335, %dma_wait3A_336] : memref<5x40x128xf32, #tpu.memory_space<vmem>> -> memref<1x40x128xf32, #tpu.memory_space<vmem>>
    %dma_wait3A_338 = tpu.memref_squeeze %dma_wait3A_337 : memref<1x40x128xf32, #tpu.memory_space<vmem>> -> memref<40x128xf32, #tpu.memory_space<vmem>>
    tpu.wait_dma2 semaphore(%arg20 : memref<!tpu.dma_semaphore, #tpu.memory_space<semaphore_mem>>) src(%dma_wait3A_338 : memref<40x128xf32, #tpu.memory_space<vmem>>) dst(%dma_wait3A_334 : memref<40x128xf32, #tpu.memory_space<vmem_shared>>)
    %dma_wait3A_339 = arith.constant 4 : i32
    %dma_wait3A_340 = arith.constant 0 : i32
    %dma_wait3A_341 = arith.constant 0 : i32
    %dma_wait3A_342 = tpu.memref_slice %arg7[%dma_wait3A_339, %dma_wait3A_340, %dma_wait3A_341] : memref<5x40x128xf32, #tpu.memory_space<vmem>> -> memref<1x40x128xf32, #tpu.memory_space<vmem>>
    %dma_wait3A_343 = tpu.memref_squeeze %dma_wait3A_342 : memref<1x40x128xf32, #tpu.memory_space<vmem>> -> memref<40x128xf32, #tpu.memory_space<vmem>>
    %dma_wait3A_344 = arith.constant 0 : i32
    %dma_wait3A_345 = arith.constant 0 : i32
    %dma_wait3A_346 = tpu.memref_slice %arg9[%dma_wait3A_344, %dma_wait3A_345] : memref<10240x128xf32, #tpu.memory_space<vmem_shared>> -> memref<40x128xf32, #tpu.memory_space<vmem_shared>>
    %dma_wait3A_347 = arith.constant 0 : i32
    %dma_wait3A_348 = arith.constant 0 : i32
    %dma_wait3A_349 = tpu.memref_slice %arg9[%dma_wait3A_347, %dma_wait3A_348] : memref<10240x128xf32, #tpu.memory_space<vmem_shared>> -> memref<40x128xf32, #tpu.memory_space<vmem_shared>>
    %dma_wait3A_350 = arith.constant 0 : i32
    %dma_wait3A_351 = arith.constant 0 : i32
    %dma_wait3A_352 = tpu.memref_slice %arg7[%dma_wait3A_339, %dma_wait3A_350, %dma_wait3A_351] : memref<5x40x128xf32, #tpu.memory_space<vmem>> -> memref<1x40x128xf32, #tpu.memory_space<vmem>>
    %dma_wait3A_353 = tpu.memref_squeeze %dma_wait3A_352 : memref<1x40x128xf32, #tpu.memory_space<vmem>> -> memref<40x128xf32, #tpu.memory_space<vmem>>
    tpu.wait_dma2 semaphore(%arg21 : memref<!tpu.dma_semaphore, #tpu.memory_space<semaphore_mem>>) src(%dma_wait3A_353 : memref<40x128xf32, #tpu.memory_space<vmem>>) dst(%dma_wait3A_349 : memref<40x128xf32, #tpu.memory_space<vmem_shared>>)
    %barrier3A_354 = arith.constant 0 : index
    tpu.barrier barrier_id(%barrier3A_354)
    %mul3A_355 = arith.constant 640 : i32
    %mul3A_356 = arith.muli %arg1, %mul3A_355 : i32
    %mul3A_357 = arith.constant 10240 : i32
    %mul3A_358 = arith.muli %arg0, %mul3A_357 : i32
    %mul3A_359 = arith.constant 640 : i32
    %mul3A_360 = arith.muli %arg1, %mul3A_359 : i32
    %add3A_361 = arith.addi %mul3A_358, %mul3A_360 : i32
    "tpu.region"() ({
      %run_scoped3A = tpu.sem_alloc : memref<!tpu.dma_semaphore, #tpu.memory_space<semaphore_mem>>
      %dma_start3A_362 = arith.constant 0 : i32
      %dma_start3A_363 = tpu.memref_slice %arg4[%add3A_361, %dma_start3A_362] : memref<20480x128xf32, #tpu.memory_space<hbm>> -> memref<640x128xf32, #tpu.memory_space<hbm>>
      %dma_start3A_364 = arith.constant 0 : i32
      %dma_start3A_365 = tpu.memref_slice %arg9[%mul3A_356, %dma_start3A_364] : memref<10240x128xf32, #tpu.memory_space<vmem_shared>> -> memref<640x128xf32, #tpu.memory_space<vmem_shared>>
      tpu.enqueue_dma source(%dma_start3A_365 : memref<640x128xf32, #tpu.memory_space<vmem_shared>>) target(%dma_start3A_363 : memref<640x128xf32, #tpu.memory_space<hbm>>) target_semaphore(%run_scoped3A : memref<!tpu.dma_semaphore, #tpu.memory_space<semaphore_mem>>)
      %dma_wait3A_366 = arith.constant 0 : i32
      %dma_wait3A_367 = tpu.memref_slice %arg4[%add3A_361, %dma_wait3A_366] : memref<20480x128xf32, #tpu.memory_space<hbm>> -> memref<640x128xf32, #tpu.memory_space<hbm>>
      %dma_wait3A_368 = arith.constant 0 : i32
      %dma_wait3A_369 = tpu.memref_slice %arg9[%mul3A_356, %dma_wait3A_368] : memref<10240x128xf32, #tpu.memory_space<vmem_shared>> -> memref<640x128xf32, #tpu.memory_space<vmem_shared>>
      tpu.wait_dma2 semaphore(%run_scoped3A : memref<!tpu.dma_semaphore, #tpu.memory_space<semaphore_mem>>) src(%dma_wait3A_369 : memref<640x128xf32, #tpu.memory_space<vmem_shared>>) dst(%dma_wait3A_367 : memref<640x128xf32, #tpu.memory_space<hbm>>)
      tpu.yield
    }) : () -> ()
    return
  }
}

#map = affine_map<(d0, d1) -> (0, 0)>
module attributes {stable_mosaic.version = 14 : i64} {
  func.func @k(%arg0: i32, %arg1: i32, %arg2: memref<10240x64xf32, #tpu.memory_space<hbm>>, %arg3: memref<16000x40xi32, #tpu.memory_space<hbm>>, %arg4: memref<10240x128xf32, #tpu.memory_space<hbm>>, %arg5: memref<250x40xi32, #tpu.memory_space<vmem>>, %arg6: memref<250x40xi32, #tpu.memory_space<vmem>>, %arg7: memref<10x40x64xf32, #tpu.memory_space<vmem>>, %arg8: memref<128x64xf32, #tpu.memory_space<vmem>>, %arg9: memref<10240x64xf32, #tpu.memory_space<vmem_shared>>, %arg10: memref<!tpu.dma_semaphore, #tpu.memory_space<semaphore_mem>>, %arg11: memref<!tpu.dma_semaphore, #tpu.memory_space<semaphore_mem>>, %arg12: memref<!tpu.dma_semaphore, #tpu.memory_space<semaphore_mem>>, %arg13: memref<!tpu.dma_semaphore, #tpu.memory_space<semaphore_mem>>, %arg14: memref<!tpu.dma_semaphore, #tpu.memory_space<semaphore_mem>>, %arg15: memref<!tpu.dma_semaphore, #tpu.memory_space<semaphore_mem>>, %arg16: memref<!tpu.dma_semaphore, #tpu.memory_space<semaphore_mem>>, %arg17: memref<!tpu.dma_semaphore, #tpu.memory_space<semaphore_mem>>, %arg18: memref<!tpu.dma_semaphore, #tpu.memory_space<semaphore_mem>>, %arg19: memref<!tpu.dma_semaphore, #tpu.memory_space<semaphore_mem>>, %arg20: memref<!tpu.dma_semaphore, #tpu.memory_space<semaphore_mem>>, %arg21: memref<!tpu.dma_semaphore, #tpu.memory_space<semaphore_mem>>, %arg22: memref<!tpu.dma_semaphore, #tpu.memory_space<semaphore_mem>>, %arg23: memref<!tpu.dma_semaphore, #tpu.memory_space<semaphore_mem>>, %arg24: memref<!tpu.dma_semaphore, #tpu.memory_space<semaphore_mem>>, %arg25: memref<!tpu.dma_semaphore, #tpu.memory_space<semaphore_mem>>, %arg26: memref<!tpu.dma_semaphore, #tpu.memory_space<semaphore_mem>>, %arg27: memref<!tpu.dma_semaphore, #tpu.memory_space<semaphore_mem>>, %arg28: memref<!tpu.dma_semaphore, #tpu.memory_space<semaphore_mem>>, %arg29: memref<!tpu.dma_semaphore, #tpu.memory_space<semaphore_mem>>, %arg30: memref<!tpu.dma_semaphore, #tpu.memory_space<semaphore_mem>>, %arg31: memref<!tpu.dma_semaphore, #tpu.memory_space<semaphore_mem>>) attributes {dimension_semantics = [#tpu.dimension_semantics<core_parallel>, #tpu.dimension_semantics<subcore_parallel>], iteration_bounds = array<i64: 2, 16>, scalar_prefetch = 0 : i64, scratch_operands = 27 : i64, tpu.core_type = #tpu.core_type<sc_vector_subcore>, window_params = [{transform_indices = #map}, {transform_indices = #map}, {transform_indices = #map}]} {
    %mul3A = arith.constant 16 : i32
    %mul3A_0 = arith.muli %arg0, %mul3A : i32
    %add3A = arith.addi %mul3A_0, %arg1 : i32
    %mul3A_1 = arith.constant 10000 : i32
    %mul3A_2 = arith.muli %add3A, %mul3A_1 : i32
    %jit3A = arith.constant 40 : i32
    %div3A = arith.divsi %mul3A_2, %jit3A : i32
    %sign3A = arith.constant 0 : i32
    %sign3A_3 = arith.cmpi sgt, %mul3A_2, %sign3A : i32
    %sign3A_4 = arith.extui %sign3A_3 : i1 to i32
    %sign3A_5 = arith.constant 0 : i32
    %sign3A_6 = arith.cmpi slt, %mul3A_2, %sign3A_5 : i32
    %sign3A_7 = arith.extui %sign3A_6 : i1 to i32
    %sign3A_8 = arith.subi %sign3A_4, %sign3A_7 : i32
    %sign3A_9 = arith.constant 0 : i32
    %sign3A_10 = arith.cmpi sgt, %jit3A, %sign3A_9 : i32
    %sign3A_11 = arith.extui %sign3A_10 : i1 to i32
    %sign3A_12 = arith.constant 0 : i32
    %sign3A_13 = arith.cmpi slt, %jit3A, %sign3A_12 : i32
    %sign3A_14 = arith.extui %sign3A_13 : i1 to i32
    %sign3A_15 = arith.subi %sign3A_11, %sign3A_14 : i32
    %ne3A = arith.cmpi ne, %sign3A_8, %sign3A_15 : i32
    %rem3A = arith.remsi %mul3A_2, %jit3A : i32
    %ne3A_16 = arith.constant 0 : i32
    %ne3A_17 = arith.cmpi ne, %rem3A, %ne3A_16 : i32
    %and3A = arith.andi %ne3A, %ne3A_17 : i1
    %sub3A = arith.constant 1 : i32
    %sub3A_18 = arith.subi %div3A, %sub3A : i32
    %select_n3A = arith.select %and3A, %sub3A_18, %div3A : i32
    %add3A_19 = arith.constant 320000 : i32
    %add3A_20 = arith.addi %add3A_19, %mul3A_2 : i32
    %jit3A_21 = arith.constant 40 : i32
    %div3A_22 = arith.divsi %add3A_20, %jit3A_21 : i32
    %sign3A_23 = arith.constant 0 : i32
    %sign3A_24 = arith.cmpi sgt, %add3A_20, %sign3A_23 : i32
    %sign3A_25 = arith.extui %sign3A_24 : i1 to i32
    %sign3A_26 = arith.constant 0 : i32
    %sign3A_27 = arith.cmpi slt, %add3A_20, %sign3A_26 : i32
    %sign3A_28 = arith.extui %sign3A_27 : i1 to i32
    %sign3A_29 = arith.subi %sign3A_25, %sign3A_28 : i32
    %sign3A_30 = arith.constant 0 : i32
    %sign3A_31 = arith.cmpi sgt, %jit3A_21, %sign3A_30 : i32
    %sign3A_32 = arith.extui %sign3A_31 : i1 to i32
    %sign3A_33 = arith.constant 0 : i32
    %sign3A_34 = arith.cmpi slt, %jit3A_21, %sign3A_33 : i32
    %sign3A_35 = arith.extui %sign3A_34 : i1 to i32
    %sign3A_36 = arith.subi %sign3A_32, %sign3A_35 : i32
    %ne3A_37 = arith.cmpi ne, %sign3A_29, %sign3A_36 : i32
    %rem3A_38 = arith.remsi %add3A_20, %jit3A_21 : i32
    %ne3A_39 = arith.constant 0 : i32
    %ne3A_40 = arith.cmpi ne, %rem3A_38, %ne3A_39 : i32
    %and3A_41 = arith.andi %ne3A_37, %ne3A_40 : i1
    %sub3A_42 = arith.constant 1 : i32
    %sub3A_43 = arith.subi %div3A_22, %sub3A_42 : i32
    %select_n3A_44 = arith.select %and3A_41, %sub3A_43, %div3A_22 : i32
    %dma_start3A = arith.constant 0 : i32
    %dma_start3A_45 = tpu.memref_slice %arg3[%select_n3A, %dma_start3A] : memref<16000x40xi32, #tpu.memory_space<hbm>> -> memref<250x40xi32, #tpu.memory_space<hbm>>
    %dma_start3A_46 = arith.constant 0 : i32
    %dma_start3A_47 = tpu.memref_slice %arg3[%select_n3A, %dma_start3A_46] : memref<16000x40xi32, #tpu.memory_space<hbm>> -> memref<250x40xi32, #tpu.memory_space<hbm>>
    tpu.enqueue_dma source(%dma_start3A_47 : memref<250x40xi32, #tpu.memory_space<hbm>>) target(%arg5 : memref<250x40xi32, #tpu.memory_space<vmem>>) target_semaphore(%arg10 : memref<!tpu.dma_semaphore, #tpu.memory_space<semaphore_mem>>)
    %dma_start3A_48 = arith.constant 0 : i32
    %dma_start3A_49 = tpu.memref_slice %arg3[%select_n3A_44, %dma_start3A_48] : memref<16000x40xi32, #tpu.memory_space<hbm>> -> memref<250x40xi32, #tpu.memory_space<hbm>>
    %dma_start3A_50 = arith.constant 0 : i32
    %dma_start3A_51 = tpu.memref_slice %arg3[%select_n3A_44, %dma_start3A_50] : memref<16000x40xi32, #tpu.memory_space<hbm>> -> memref<250x40xi32, #tpu.memory_space<hbm>>
    tpu.enqueue_dma source(%dma_start3A_51 : memref<250x40xi32, #tpu.memory_space<hbm>>) target(%arg6 : memref<250x40xi32, #tpu.memory_space<vmem>>) target_semaphore(%arg11 : memref<!tpu.dma_semaphore, #tpu.memory_space<semaphore_mem>>)
    %broadcast_in_dim3A = arith.constant 0.000000e+00 : f32
    %broadcast_in_dim3A_52 = vector.broadcast %broadcast_in_dim3A : f32 to vector<16xf32>
    %scan3A = arith.constant 0 : i32
    %scan3A_53 = arith.constant 0 : i32
    %scan3A_54 = arith.constant 512 : i32
    %scan3A_55 = arith.addi %scan3A_53, %scan3A_54 : i32
    %scan3A_56 = arith.constant 1 : i32
    scf.for %scan3A_320 = %scan3A_53 to %scan3A_55 step %scan3A_56  : i32 {
      %jit3A_321 = arith.constant 4 : i32
      %div3A_322 = arith.divsi %scan3A_320, %jit3A_321 : i32
      %sign3A_323 = arith.constant 0 : i32
      %sign3A_324 = arith.cmpi sgt, %scan3A_320, %sign3A_323 : i32
      %sign3A_325 = arith.extui %sign3A_324 : i1 to i32
      %sign3A_326 = arith.constant 0 : i32
      %sign3A_327 = arith.cmpi slt, %scan3A_320, %sign3A_326 : i32
      %sign3A_328 = arith.extui %sign3A_327 : i1 to i32
      %sign3A_329 = arith.subi %sign3A_325, %sign3A_328 : i32
      %sign3A_330 = arith.constant 0 : i32
      %sign3A_331 = arith.cmpi sgt, %jit3A_321, %sign3A_330 : i32
      %sign3A_332 = arith.extui %sign3A_331 : i1 to i32
      %sign3A_333 = arith.constant 0 : i32
      %sign3A_334 = arith.cmpi slt, %jit3A_321, %sign3A_333 : i32
      %sign3A_335 = arith.extui %sign3A_334 : i1 to i32
      %sign3A_336 = arith.subi %sign3A_332, %sign3A_335 : i32
      %ne3A_337 = arith.cmpi ne, %sign3A_329, %sign3A_336 : i32
      %rem3A_338 = arith.remsi %scan3A_320, %jit3A_321 : i32
      %ne3A_339 = arith.constant 0 : i32
      %ne3A_340 = arith.cmpi ne, %rem3A_338, %ne3A_339 : i32
      %and3A_341 = arith.andi %ne3A_337, %ne3A_340 : i1
      %sub3A_342 = arith.constant 1 : i32
      %sub3A_343 = arith.subi %div3A_322, %sub3A_342 : i32
      %select_n3A_344 = arith.select %and3A_341, %sub3A_343, %div3A_322 : i32
      %jit3A_345 = arith.constant 4 : i32
      %eq3A = arith.constant 0 : i32
      %eq3A_346 = arith.cmpi eq, %jit3A_345, %eq3A : i32
      %jit3A_347 = arith.constant 1 : i32
      %select_n3A_348 = arith.select %eq3A_346, %jit3A_347, %jit3A_345 : i32
      %rem3A_349 = arith.remsi %scan3A_320, %select_n3A_348 : i32
      %ne3A_350 = arith.constant 0 : i32
      %ne3A_351 = arith.cmpi ne, %rem3A_349, %ne3A_350 : i32
      %lt3A = arith.constant 0 : i32
      %lt3A_352 = arith.cmpi slt, %rem3A_349, %lt3A : i32
      %lt3A_353 = arith.constant 0 : i32
      %lt3A_354 = arith.cmpi slt, %select_n3A_348, %lt3A_353 : i32
      %ne3A_355 = arith.xori %lt3A_352, %lt3A_354 : i1
      %and3A_356 = arith.andi %ne3A_355, %ne3A_351 : i1
      %add3A_357 = arith.addi %rem3A_349, %select_n3A_348 : i32
      %select_n3A_358 = arith.select %and3A_356, %add3A_357, %rem3A_349 : i32
      %mul3A_359 = arith.constant 16 : i32
      %mul3A_360 = arith.muli %select_n3A_358, %mul3A_359 : i32
      %swap3A = arith.index_cast %select_n3A_344 : i32 to index
      %swap3A_361 = arith.index_cast %mul3A_360 : i32 to index
      %swap3A_362 = tpu.vector_load %arg8[%swap3A, %swap3A_361] {strides = array<i32>} : memref<128x64xf32, #tpu.memory_space<vmem>>, vector<16xf32>,
      tpu.vector_store %arg8[%swap3A, %swap3A_361], %broadcast_in_dim3A_52 {strides = array<i32>} : memref<128x64xf32, #tpu.memory_space<vmem>>, vector<16xf32>,
    }
    %scan3A_57 = arith.constant 512 : i32
    %mul3A_58 = arith.constant 640 : i32
    %mul3A_59 = arith.muli %arg1, %mul3A_58 : i32
    %add3A_60 = arith.constant 0 : i32
    %add3A_61 = arith.addi %mul3A_59, %add3A_60 : i32
    "tpu.region"() ({
      %run_scoped3A = tpu.sem_alloc : memref<!tpu.dma_semaphore, #tpu.memory_space<semaphore_mem>>
      %dma_start3A_320 = arith.constant 0 : i32
      %dma_start3A_321 = tpu.memref_slice %arg9[%add3A_61, %dma_start3A_320] : memref<10240x64xf32, #tpu.memory_space<vmem_shared>> -> memref<128x64xf32, #tpu.memory_space<vmem_shared>>
      %dma_start3A_322 = arith.constant 0 : i32
      %dma_start3A_323 = tpu.memref_slice %arg9[%add3A_61, %dma_start3A_322] : memref<10240x64xf32, #tpu.memory_space<vmem_shared>> -> memref<128x64xf32, #tpu.memory_space<vmem_shared>>
      tpu.enqueue_dma source(%arg8 : memref<128x64xf32, #tpu.memory_space<vmem>>) target(%dma_start3A_323 : memref<128x64xf32, #tpu.memory_space<vmem_shared>>) target_semaphore(%run_scoped3A : memref<!tpu.dma_semaphore, #tpu.memory_space<semaphore_mem>>)
      %dma_wait3A_324 = arith.constant 0 : i32
      %dma_wait3A_325 = tpu.memref_slice %arg9[%add3A_61, %dma_wait3A_324] : memref<10240x64xf32, #tpu.memory_space<vmem_shared>> -> memref<128x64xf32, #tpu.memory_space<vmem_shared>>
      %dma_wait3A_326 = arith.constant 0 : i32
      %dma_wait3A_327 = tpu.memref_slice %arg9[%add3A_61, %dma_wait3A_326] : memref<10240x64xf32, #tpu.memory_space<vmem_shared>> -> memref<128x64xf32, #tpu.memory_space<vmem_shared>>
      tpu.wait_dma2 semaphore(%run_scoped3A : memref<!tpu.dma_semaphore, #tpu.memory_space<semaphore_mem>>) src(%arg8 : memref<128x64xf32, #tpu.memory_space<vmem>>) dst(%dma_wait3A_327 : memref<128x64xf32, #tpu.memory_space<vmem_shared>>)
      tpu.yield
    }) : () -> ()
    %mul3A_62 = arith.constant 640 : i32
    %mul3A_63 = arith.muli %arg1, %mul3A_62 : i32
    %add3A_64 = arith.constant 128 : i32
    %add3A_65 = arith.addi %mul3A_63, %add3A_64 : i32
    "tpu.region"() ({
      %run_scoped3A = tpu.sem_alloc : memref<!tpu.dma_semaphore, #tpu.memory_space<semaphore_mem>>
      %dma_start3A_320 = arith.constant 0 : i32
      %dma_start3A_321 = tpu.memref_slice %arg9[%add3A_65, %dma_start3A_320] : memref<10240x64xf32, #tpu.memory_space<vmem_shared>> -> memref<128x64xf32, #tpu.memory_space<vmem_shared>>
      %dma_start3A_322 = arith.constant 0 : i32
      %dma_start3A_323 = tpu.memref_slice %arg9[%add3A_65, %dma_start3A_322] : memref<10240x64xf32, #tpu.memory_space<vmem_shared>> -> memref<128x64xf32, #tpu.memory_space<vmem_shared>>
      tpu.enqueue_dma source(%arg8 : memref<128x64xf32, #tpu.memory_space<vmem>>) target(%dma_start3A_323 : memref<128x64xf32, #tpu.memory_space<vmem_shared>>) target_semaphore(%run_scoped3A : memref<!tpu.dma_semaphore, #tpu.memory_space<semaphore_mem>>)
      %dma_wait3A_324 = arith.constant 0 : i32
      %dma_wait3A_325 = tpu.memref_slice %arg9[%add3A_65, %dma_wait3A_324] : memref<10240x64xf32, #tpu.memory_space<vmem_shared>> -> memref<128x64xf32, #tpu.memory_space<vmem_shared>>
      %dma_wait3A_326 = arith.constant 0 : i32
      %dma_wait3A_327 = tpu.memref_slice %arg9[%add3A_65, %dma_wait3A_326] : memref<10240x64xf32, #tpu.memory_space<vmem_shared>> -> memref<128x64xf32, #tpu.memory_space<vmem_shared>>
      tpu.wait_dma2 semaphore(%run_scoped3A : memref<!tpu.dma_semaphore, #tpu.memory_space<semaphore_mem>>) src(%arg8 : memref<128x64xf32, #tpu.memory_space<vmem>>) dst(%dma_wait3A_327 : memref<128x64xf32, #tpu.memory_space<vmem_shared>>)
      tpu.yield
    }) : () -> ()
    %mul3A_66 = arith.constant 640 : i32
    %mul3A_67 = arith.muli %arg1, %mul3A_66 : i32
    %add3A_68 = arith.constant 256 : i32
    %add3A_69 = arith.addi %mul3A_67, %add3A_68 : i32
    "tpu.region"() ({
      %run_scoped3A = tpu.sem_alloc : memref<!tpu.dma_semaphore, #tpu.memory_space<semaphore_mem>>
      %dma_start3A_320 = arith.constant 0 : i32
      %dma_start3A_321 = tpu.memref_slice %arg9[%add3A_69, %dma_start3A_320] : memref<10240x64xf32, #tpu.memory_space<vmem_shared>> -> memref<128x64xf32, #tpu.memory_space<vmem_shared>>
      %dma_start3A_322 = arith.constant 0 : i32
      %dma_start3A_323 = tpu.memref_slice %arg9[%add3A_69, %dma_start3A_322] : memref<10240x64xf32, #tpu.memory_space<vmem_shared>> -> memref<128x64xf32, #tpu.memory_space<vmem_shared>>
      tpu.enqueue_dma source(%arg8 : memref<128x64xf32, #tpu.memory_space<vmem>>) target(%dma_start3A_323 : memref<128x64xf32, #tpu.memory_space<vmem_shared>>) target_semaphore(%run_scoped3A : memref<!tpu.dma_semaphore, #tpu.memory_space<semaphore_mem>>)
      %dma_wait3A_324 = arith.constant 0 : i32
      %dma_wait3A_325 = tpu.memref_slice %arg9[%add3A_69, %dma_wait3A_324] : memref<10240x64xf32, #tpu.memory_space<vmem_shared>> -> memref<128x64xf32, #tpu.memory_space<vmem_shared>>
      %dma_wait3A_326 = arith.constant 0 : i32
      %dma_wait3A_327 = tpu.memref_slice %arg9[%add3A_69, %dma_wait3A_326] : memref<10240x64xf32, #tpu.memory_space<vmem_shared>> -> memref<128x64xf32, #tpu.memory_space<vmem_shared>>
      tpu.wait_dma2 semaphore(%run_scoped3A : memref<!tpu.dma_semaphore, #tpu.memory_space<semaphore_mem>>) src(%arg8 : memref<128x64xf32, #tpu.memory_space<vmem>>) dst(%dma_wait3A_327 : memref<128x64xf32, #tpu.memory_space<vmem_shared>>)
      tpu.yield
    }) : () -> ()
    %mul3A_70 = arith.constant 640 : i32
    %mul3A_71 = arith.muli %arg1, %mul3A_70 : i32
    %add3A_72 = arith.constant 384 : i32
    %add3A_73 = arith.addi %mul3A_71, %add3A_72 : i32
    "tpu.region"() ({
      %run_scoped3A = tpu.sem_alloc : memref<!tpu.dma_semaphore, #tpu.memory_space<semaphore_mem>>
      %dma_start3A_320 = arith.constant 0 : i32
      %dma_start3A_321 = tpu.memref_slice %arg9[%add3A_73, %dma_start3A_320] : memref<10240x64xf32, #tpu.memory_space<vmem_shared>> -> memref<128x64xf32, #tpu.memory_space<vmem_shared>>
      %dma_start3A_322 = arith.constant 0 : i32
      %dma_start3A_323 = tpu.memref_slice %arg9[%add3A_73, %dma_start3A_322] : memref<10240x64xf32, #tpu.memory_space<vmem_shared>> -> memref<128x64xf32, #tpu.memory_space<vmem_shared>>
      tpu.enqueue_dma source(%arg8 : memref<128x64xf32, #tpu.memory_space<vmem>>) target(%dma_start3A_323 : memref<128x64xf32, #tpu.memory_space<vmem_shared>>) target_semaphore(%run_scoped3A : memref<!tpu.dma_semaphore, #tpu.memory_space<semaphore_mem>>)
      %dma_wait3A_324 = arith.constant 0 : i32
      %dma_wait3A_325 = tpu.memref_slice %arg9[%add3A_73, %dma_wait3A_324] : memref<10240x64xf32, #tpu.memory_space<vmem_shared>> -> memref<128x64xf32, #tpu.memory_space<vmem_shared>>
      %dma_wait3A_326 = arith.constant 0 : i32
      %dma_wait3A_327 = tpu.memref_slice %arg9[%add3A_73, %dma_wait3A_326] : memref<10240x64xf32, #tpu.memory_space<vmem_shared>> -> memref<128x64xf32, #tpu.memory_space<vmem_shared>>
      tpu.wait_dma2 semaphore(%run_scoped3A : memref<!tpu.dma_semaphore, #tpu.memory_space<semaphore_mem>>) src(%arg8 : memref<128x64xf32, #tpu.memory_space<vmem>>) dst(%dma_wait3A_327 : memref<128x64xf32, #tpu.memory_space<vmem_shared>>)
      tpu.yield
    }) : () -> ()
    %mul3A_74 = arith.constant 640 : i32
    %mul3A_75 = arith.muli %arg1, %mul3A_74 : i32
    %add3A_76 = arith.constant 512 : i32
    %add3A_77 = arith.addi %mul3A_75, %add3A_76 : i32
    "tpu.region"() ({
      %run_scoped3A = tpu.sem_alloc : memref<!tpu.dma_semaphore, #tpu.memory_space<semaphore_mem>>
      %dma_start3A_320 = arith.constant 0 : i32
      %dma_start3A_321 = tpu.memref_slice %arg9[%add3A_77, %dma_start3A_320] : memref<10240x64xf32, #tpu.memory_space<vmem_shared>> -> memref<128x64xf32, #tpu.memory_space<vmem_shared>>
      %dma_start3A_322 = arith.constant 0 : i32
      %dma_start3A_323 = tpu.memref_slice %arg9[%add3A_77, %dma_start3A_322] : memref<10240x64xf32, #tpu.memory_space<vmem_shared>> -> memref<128x64xf32, #tpu.memory_space<vmem_shared>>
      tpu.enqueue_dma source(%arg8 : memref<128x64xf32, #tpu.memory_space<vmem>>) target(%dma_start3A_323 : memref<128x64xf32, #tpu.memory_space<vmem_shared>>) target_semaphore(%run_scoped3A : memref<!tpu.dma_semaphore, #tpu.memory_space<semaphore_mem>>)
      %dma_wait3A_324 = arith.constant 0 : i32
      %dma_wait3A_325 = tpu.memref_slice %arg9[%add3A_77, %dma_wait3A_324] : memref<10240x64xf32, #tpu.memory_space<vmem_shared>> -> memref<128x64xf32, #tpu.memory_space<vmem_shared>>
      %dma_wait3A_326 = arith.constant 0 : i32
      %dma_wait3A_327 = tpu.memref_slice %arg9[%add3A_77, %dma_wait3A_326] : memref<10240x64xf32, #tpu.memory_space<vmem_shared>> -> memref<128x64xf32, #tpu.memory_space<vmem_shared>>
      tpu.wait_dma2 semaphore(%run_scoped3A : memref<!tpu.dma_semaphore, #tpu.memory_space<semaphore_mem>>) src(%arg8 : memref<128x64xf32, #tpu.memory_space<vmem>>) dst(%dma_wait3A_327 : memref<128x64xf32, #tpu.memory_space<vmem_shared>>)
      tpu.yield
    }) : () -> ()
    %dma_wait3A = arith.constant 0 : i32
    %dma_wait3A_78 = tpu.memref_slice %arg3[%select_n3A, %dma_wait3A] : memref<16000x40xi32, #tpu.memory_space<hbm>> -> memref<250x40xi32, #tpu.memory_space<hbm>>
    %dma_wait3A_79 = arith.constant 0 : i32
    %dma_wait3A_80 = tpu.memref_slice %arg3[%select_n3A, %dma_wait3A_79] : memref<16000x40xi32, #tpu.memory_space<hbm>> -> memref<250x40xi32, #tpu.memory_space<hbm>>
    tpu.wait_dma2 semaphore(%arg10 : memref<!tpu.dma_semaphore, #tpu.memory_space<semaphore_mem>>) src(%dma_wait3A_80 : memref<250x40xi32, #tpu.memory_space<hbm>>) dst(%arg5 : memref<250x40xi32, #tpu.memory_space<vmem>>)
    %dma_wait3A_81 = arith.constant 0 : i32
    %dma_wait3A_82 = tpu.memref_slice %arg3[%select_n3A_44, %dma_wait3A_81] : memref<16000x40xi32, #tpu.memory_space<hbm>> -> memref<250x40xi32, #tpu.memory_space<hbm>>
    %dma_wait3A_83 = arith.constant 0 : i32
    %dma_wait3A_84 = tpu.memref_slice %arg3[%select_n3A_44, %dma_wait3A_83] : memref<16000x40xi32, #tpu.memory_space<hbm>> -> memref<250x40xi32, #tpu.memory_space<hbm>>
    tpu.wait_dma2 semaphore(%arg11 : memref<!tpu.dma_semaphore, #tpu.memory_space<semaphore_mem>>) src(%dma_wait3A_84 : memref<250x40xi32, #tpu.memory_space<hbm>>) dst(%arg6 : memref<250x40xi32, #tpu.memory_space<vmem>>)
    %barrier3A = arith.constant 0 : index
    tpu.barrier barrier_id(%barrier3A)
    %dma_start3A_85 = arith.constant 0 : i32
    %dma_start3A_86 = arith.constant 0 : i32
    %dma_start3A_87 = arith.constant 0 : i32
    %dma_start3A_88 = arith.constant 0 : i32
    %dma_start3A_89 = tpu.memref_slice %arg7[%dma_start3A_86, %dma_start3A_87, %dma_start3A_88] : memref<10x40x64xf32, #tpu.memory_space<vmem>> -> memref<1x40x64xf32, #tpu.memory_space<vmem>>
    %dma_start3A_90 = tpu.memref_squeeze %dma_start3A_89 : memref<1x40x64xf32, #tpu.memory_space<vmem>> -> memref<40x64xf32, #tpu.memory_space<vmem>>
    %dma_start3A_91 = arith.constant 0 : i32
    %dma_start3A_92 = tpu.memref_slice %arg5[%dma_start3A_85, %dma_start3A_91] : memref<250x40xi32, #tpu.memory_space<vmem>> -> memref<1x40xi32, #tpu.memory_space<vmem>>
    %dma_start3A_93 = tpu.memref_squeeze %dma_start3A_92 : memref<1x40xi32, #tpu.memory_space<vmem>> -> memref<40xi32, #tpu.memory_space<vmem>>
    %dma_start3A_94 = arith.constant 0 : i32
    %dma_start3A_95 = arith.constant 0 : i32
    %dma_start3A_96 = tpu.memref_slice %arg2[%dma_start3A_94, %dma_start3A_95] : memref<10240x64xf32, #tpu.memory_space<hbm>> -> memref<10240x64xf32, #tpu.memory_space<hbm>>
    tpu.enqueue_indirect_dma source(%dma_start3A_96 : memref<10240x64xf32, #tpu.memory_space<hbm>>) target(%dma_start3A_90 : memref<40x64xf32, #tpu.memory_space<vmem>>) offsets(%dma_start3A_93 : memref<40xi32, #tpu.memory_space<vmem>>) semaphore(%arg12 : memref<!tpu.dma_semaphore, #tpu.memory_space<semaphore_mem>>)
    %dma_start3A_97 = arith.constant 1 : i32
    %dma_start3A_98 = arith.constant 1 : i32
    %dma_start3A_99 = arith.constant 0 : i32
    %dma_start3A_100 = arith.constant 0 : i32
    %dma_start3A_101 = tpu.memref_slice %arg7[%dma_start3A_98, %dma_start3A_99, %dma_start3A_100] : memref<10x40x64xf32, #tpu.memory_space<vmem>> -> memref<1x40x64xf32, #tpu.memory_space<vmem>>
    %dma_start3A_102 = tpu.memref_squeeze %dma_start3A_101 : memref<1x40x64xf32, #tpu.memory_space<vmem>> -> memref<40x64xf32, #tpu.memory_space<vmem>>
    %dma_start3A_103 = arith.constant 0 : i32
    %dma_start3A_104 = tpu.memref_slice %arg5[%dma_start3A_97, %dma_start3A_103] : memref<250x40xi32, #tpu.memory_space<vmem>> -> memref<1x40xi32, #tpu.memory_space<vmem>>
    %dma_start3A_105 = tpu.memref_squeeze %dma_start3A_104 : memref<1x40xi32, #tpu.memory_space<vmem>> -> memref<40xi32, #tpu.memory_space<vmem>>
    %dma_start3A_106 = arith.constant 0 : i32
    %dma_start3A_107 = arith.constant 0 : i32
    %dma_start3A_108 = tpu.memref_slice %arg2[%dma_start3A_106, %dma_start3A_107] : memref<10240x64xf32, #tpu.memory_space<hbm>> -> memref<10240x64xf32, #tpu.memory_space<hbm>>
    tpu.enqueue_indirect_dma source(%dma_start3A_108 : memref<10240x64xf32, #tpu.memory_space<hbm>>) target(%dma_start3A_102 : memref<40x64xf32, #tpu.memory_space<vmem>>) offsets(%dma_start3A_105 : memref<40xi32, #tpu.memory_space<vmem>>) semaphore(%arg13 : memref<!tpu.dma_semaphore, #tpu.memory_space<semaphore_mem>>)
    %dma_start3A_109 = arith.constant 2 : i32
    %dma_start3A_110 = arith.constant 2 : i32
    %dma_start3A_111 = arith.constant 0 : i32
    %dma_start3A_112 = arith.constant 0 : i32
    %dma_start3A_113 = tpu.memref_slice %arg7[%dma_start3A_110, %dma_start3A_111, %dma_start3A_112] : memref<10x40x64xf32, #tpu.memory_space<vmem>> -> memref<1x40x64xf32, #tpu.memory_space<vmem>>
    %dma_start3A_114 = tpu.memref_squeeze %dma_start3A_113 : memref<1x40x64xf32, #tpu.memory_space<vmem>> -> memref<40x64xf32, #tpu.memory_space<vmem>>
    %dma_start3A_115 = arith.constant 0 : i32
    %dma_start3A_116 = tpu.memref_slice %arg5[%dma_start3A_109, %dma_start3A_115] : memref<250x40xi32, #tpu.memory_space<vmem>> -> memref<1x40xi32, #tpu.memory_space<vmem>>
    %dma_start3A_117 = tpu.memref_squeeze %dma_start3A_116 : memref<1x40xi32, #tpu.memory_space<vmem>> -> memref<40xi32, #tpu.memory_space<vmem>>
    %dma_start3A_118 = arith.constant 0 : i32
    %dma_start3A_119 = arith.constant 0 : i32
    %dma_start3A_120 = tpu.memref_slice %arg2[%dma_start3A_118, %dma_start3A_119] : memref<10240x64xf32, #tpu.memory_space<hbm>> -> memref<10240x64xf32, #tpu.memory_space<hbm>>
    tpu.enqueue_indirect_dma source(%dma_start3A_120 : memref<10240x64xf32, #tpu.memory_space<hbm>>) target(%dma_start3A_114 : memref<40x64xf32, #tpu.memory_space<vmem>>) offsets(%dma_start3A_117 : memref<40xi32, #tpu.memory_space<vmem>>) semaphore(%arg14 : memref<!tpu.dma_semaphore, #tpu.memory_space<semaphore_mem>>)
    %dma_start3A_121 = arith.constant 3 : i32
    %dma_start3A_122 = arith.constant 3 : i32
    %dma_start3A_123 = arith.constant 0 : i32
    %dma_start3A_124 = arith.constant 0 : i32
    %dma_start3A_125 = tpu.memref_slice %arg7[%dma_start3A_122, %dma_start3A_123, %dma_start3A_124] : memref<10x40x64xf32, #tpu.memory_space<vmem>> -> memref<1x40x64xf32, #tpu.memory_space<vmem>>
    %dma_start3A_126 = tpu.memref_squeeze %dma_start3A_125 : memref<1x40x64xf32, #tpu.memory_space<vmem>> -> memref<40x64xf32, #tpu.memory_space<vmem>>
    %dma_start3A_127 = arith.constant 0 : i32
    %dma_start3A_128 = tpu.memref_slice %arg5[%dma_start3A_121, %dma_start3A_127] : memref<250x40xi32, #tpu.memory_space<vmem>> -> memref<1x40xi32, #tpu.memory_space<vmem>>
    %dma_start3A_129 = tpu.memref_squeeze %dma_start3A_128 : memref<1x40xi32, #tpu.memory_space<vmem>> -> memref<40xi32, #tpu.memory_space<vmem>>
    %dma_start3A_130 = arith.constant 0 : i32
    %dma_start3A_131 = arith.constant 0 : i32
    %dma_start3A_132 = tpu.memref_slice %arg2[%dma_start3A_130, %dma_start3A_131] : memref<10240x64xf32, #tpu.memory_space<hbm>> -> memref<10240x64xf32, #tpu.memory_space<hbm>>
    tpu.enqueue_indirect_dma source(%dma_start3A_132 : memref<10240x64xf32, #tpu.memory_space<hbm>>) target(%dma_start3A_126 : memref<40x64xf32, #tpu.memory_space<vmem>>) offsets(%dma_start3A_129 : memref<40xi32, #tpu.memory_space<vmem>>) semaphore(%arg15 : memref<!tpu.dma_semaphore, #tpu.memory_space<semaphore_mem>>)
    %dma_start3A_133 = arith.constant 4 : i32
    %dma_start3A_134 = arith.constant 4 : i32
    %dma_start3A_135 = arith.constant 0 : i32
    %dma_start3A_136 = arith.constant 0 : i32
    %dma_start3A_137 = tpu.memref_slice %arg7[%dma_start3A_134, %dma_start3A_135, %dma_start3A_136] : memref<10x40x64xf32, #tpu.memory_space<vmem>> -> memref<1x40x64xf32, #tpu.memory_space<vmem>>
    %dma_start3A_138 = tpu.memref_squeeze %dma_start3A_137 : memref<1x40x64xf32, #tpu.memory_space<vmem>> -> memref<40x64xf32, #tpu.memory_space<vmem>>
    %dma_start3A_139 = arith.constant 0 : i32
    %dma_start3A_140 = tpu.memref_slice %arg5[%dma_start3A_133, %dma_start3A_139] : memref<250x40xi32, #tpu.memory_space<vmem>> -> memref<1x40xi32, #tpu.memory_space<vmem>>
    %dma_start3A_141 = tpu.memref_squeeze %dma_start3A_140 : memref<1x40xi32, #tpu.memory_space<vmem>> -> memref<40xi32, #tpu.memory_space<vmem>>
    %dma_start3A_142 = arith.constant 0 : i32
    %dma_start3A_143 = arith.constant 0 : i32
    %dma_start3A_144 = tpu.memref_slice %arg2[%dma_start3A_142, %dma_start3A_143] : memref<10240x64xf32, #tpu.memory_space<hbm>> -> memref<10240x64xf32, #tpu.memory_space<hbm>>
    tpu.enqueue_indirect_dma source(%dma_start3A_144 : memref<10240x64xf32, #tpu.memory_space<hbm>>) target(%dma_start3A_138 : memref<40x64xf32, #tpu.memory_space<vmem>>) offsets(%dma_start3A_141 : memref<40xi32, #tpu.memory_space<vmem>>) semaphore(%arg16 : memref<!tpu.dma_semaphore, #tpu.memory_space<semaphore_mem>>)
    %dma_start3A_145 = arith.constant 5 : i32
    %dma_start3A_146 = arith.constant 5 : i32
    %dma_start3A_147 = arith.constant 0 : i32
    %dma_start3A_148 = arith.constant 0 : i32
    %dma_start3A_149 = tpu.memref_slice %arg7[%dma_start3A_146, %dma_start3A_147, %dma_start3A_148] : memref<10x40x64xf32, #tpu.memory_space<vmem>> -> memref<1x40x64xf32, #tpu.memory_space<vmem>>
    %dma_start3A_150 = tpu.memref_squeeze %dma_start3A_149 : memref<1x40x64xf32, #tpu.memory_space<vmem>> -> memref<40x64xf32, #tpu.memory_space<vmem>>
    %dma_start3A_151 = arith.constant 0 : i32
    %dma_start3A_152 = tpu.memref_slice %arg5[%dma_start3A_145, %dma_start3A_151] : memref<250x40xi32, #tpu.memory_space<vmem>> -> memref<1x40xi32, #tpu.memory_space<vmem>>
    %dma_start3A_153 = tpu.memref_squeeze %dma_start3A_152 : memref<1x40xi32, #tpu.memory_space<vmem>> -> memref<40xi32, #tpu.memory_space<vmem>>
    %dma_start3A_154 = arith.constant 0 : i32
    %dma_start3A_155 = arith.constant 0 : i32
    %dma_start3A_156 = tpu.memref_slice %arg2[%dma_start3A_154, %dma_start3A_155] : memref<10240x64xf32, #tpu.memory_space<hbm>> -> memref<10240x64xf32, #tpu.memory_space<hbm>>
    tpu.enqueue_indirect_dma source(%dma_start3A_156 : memref<10240x64xf32, #tpu.memory_space<hbm>>) target(%dma_start3A_150 : memref<40x64xf32, #tpu.memory_space<vmem>>) offsets(%dma_start3A_153 : memref<40xi32, #tpu.memory_space<vmem>>) semaphore(%arg17 : memref<!tpu.dma_semaphore, #tpu.memory_space<semaphore_mem>>)
    %scan3A_157 = arith.constant 0 : i32
    %scan3A_158 = arith.constant 0 : i32
    %scan3A_159 = arith.constant 25 : i32
    %scan3A_160 = arith.addi %scan3A_158, %scan3A_159 : i32
    %scan3A_161 = arith.constant 1 : i32
    scf.for %scan3A_320 = %scan3A_158 to %scan3A_160 step %scan3A_161  : i32 {
      %mul3A_321 = arith.constant 10 : i32
      %mul3A_322 = arith.muli %scan3A_320, %mul3A_321 : i32
      %add3A_323 = arith.constant 0 : i32
      %add3A_324 = arith.addi %mul3A_322, %add3A_323 : i32
      %dma_wait3A_325 = arith.constant 0 : i32
      %dma_wait3A_326 = arith.constant 0 : i32
      %dma_wait3A_327 = arith.constant 0 : i32
      %dma_wait3A_328 = tpu.memref_slice %arg7[%dma_wait3A_325, %dma_wait3A_326, %dma_wait3A_327] : memref<10x40x64xf32, #tpu.memory_space<vmem>> -> memref<1x40x64xf32, #tpu.memory_space<vmem>>
      %dma_wait3A_329 = tpu.memref_squeeze %dma_wait3A_328 : memref<1x40x64xf32, #tpu.memory_space<vmem>> -> memref<40x64xf32, #tpu.memory_space<vmem>>
      %dma_wait3A_330 = arith.constant 0 : i32
      %dma_wait3A_331 = arith.constant 0 : i32
      %dma_wait3A_332 = tpu.memref_slice %arg2[%dma_wait3A_330, %dma_wait3A_331] : memref<10240x64xf32, #tpu.memory_space<hbm>> -> memref<40x64xf32, #tpu.memory_space<hbm>>
      %dma_wait3A_333 = arith.constant 0 : i32
      %dma_wait3A_334 = arith.constant 0 : i32
      %dma_wait3A_335 = tpu.memref_slice %arg7[%dma_wait3A_325, %dma_wait3A_333, %dma_wait3A_334] : memref<10x40x64xf32, #tpu.memory_space<vmem>> -> memref<1x40x64xf32, #tpu.memory_space<vmem>>
      %dma_wait3A_336 = tpu.memref_squeeze %dma_wait3A_335 : memref<1x40x64xf32, #tpu.memory_space<vmem>> -> memref<40x64xf32, #tpu.memory_space<vmem>>
      %dma_wait3A_337 = arith.constant 0 : i32
      %dma_wait3A_338 = arith.constant 0 : i32
      %dma_wait3A_339 = tpu.memref_slice %arg2[%dma_wait3A_337, %dma_wait3A_338] : memref<10240x64xf32, #tpu.memory_space<hbm>> -> memref<40x64xf32, #tpu.memory_space<hbm>>
      tpu.wait_dma2 semaphore(%arg12 : memref<!tpu.dma_semaphore, #tpu.memory_space<semaphore_mem>>) src(%dma_wait3A_339 : memref<40x64xf32, #tpu.memory_space<hbm>>) dst(%dma_wait3A_336 : memref<40x64xf32, #tpu.memory_space<vmem>>)
      %dma_start3A_340 = arith.constant 0 : i32
      %dma_start3A_341 = arith.constant 0 : i32
      %dma_start3A_342 = arith.constant 0 : i32
      %dma_start3A_343 = tpu.memref_slice %arg7[%dma_start3A_340, %dma_start3A_341, %dma_start3A_342] : memref<10x40x64xf32, #tpu.memory_space<vmem>> -> memref<1x40x64xf32, #tpu.memory_space<vmem>>
      %dma_start3A_344 = tpu.memref_squeeze %dma_start3A_343 : memref<1x40x64xf32, #tpu.memory_space<vmem>> -> memref<40x64xf32, #tpu.memory_space<vmem>>
      %dma_start3A_345 = arith.constant 0 : i32
      %dma_start3A_346 = tpu.memref_slice %arg6[%add3A_324, %dma_start3A_345] : memref<250x40xi32, #tpu.memory_space<vmem>> -> memref<1x40xi32, #tpu.memory_space<vmem>>
      %dma_start3A_347 = tpu.memref_squeeze %dma_start3A_346 : memref<1x40xi32, #tpu.memory_space<vmem>> -> memref<40xi32, #tpu.memory_space<vmem>>
      %dma_start3A_348 = arith.constant 0 : i32
      %dma_start3A_349 = arith.constant 0 : i32
      %dma_start3A_350 = tpu.memref_slice %arg9[%dma_start3A_348, %dma_start3A_349] : memref<10240x64xf32, #tpu.memory_space<vmem_shared>> -> memref<10240x64xf32, #tpu.memory_space<vmem_shared>>
      tpu.enqueue_indirect_dma source(%dma_start3A_344 : memref<40x64xf32, #tpu.memory_space<vmem>>) target(%dma_start3A_350 : memref<10240x64xf32, #tpu.memory_space<vmem_shared>>) offsets(%dma_start3A_347 : memref<40xi32, #tpu.memory_space<vmem>>) semaphore(%arg22 : memref<!tpu.dma_semaphore, #tpu.memory_space<semaphore_mem>>) {add = true}
      %add3A_351 = arith.constant 6 : i32
      %add3A_352 = arith.addi %add3A_324, %add3A_351 : i32
      %lt3A = arith.constant 250 : i32
      %lt3A_353 = arith.cmpi slt, %add3A_352, %lt3A : i32
      %convert_element_type3A = arith.extui %lt3A_353 : i1 to i32
      %cond3A = arith.constant 0 : i32
      %cond3A_354 = arith.cmpi ne, %convert_element_type3A, %cond3A : i32
      scf.if %cond3A_354 {
        %ge3A = arith.constant 10 : i32
        %ge3A_670 = arith.cmpi sge, %add3A_352, %ge3A : i32
        %convert_element_type3A_671 = arith.extui %ge3A_670 : i1 to i32
        %cond3A_672 = arith.constant 0 : i32
        %cond3A_673 = arith.cmpi ne, %convert_element_type3A_671, %cond3A_672 : i32
        scf.if %cond3A_673 {
          %dma_wait3A_685 = arith.constant 6 : i32
          %dma_wait3A_686 = arith.constant 0 : i32
          %dma_wait3A_687 = arith.constant 0 : i32
          %dma_wait3A_688 = tpu.memref_slice %arg7[%dma_wait3A_685, %dma_wait3A_686, %dma_wait3A_687] : memref<10x40x64xf32, #tpu.memory_space<vmem>> -> memref<1x40x64xf32, #tpu.memory_space<vmem>>
          %dma_wait3A_689 = tpu.memref_squeeze %dma_wait3A_688 : memref<1x40x64xf32, #tpu.memory_space<vmem>> -> memref<40x64xf32, #tpu.memory_space<vmem>>
          %dma_wait3A_690 = arith.constant 0 : i32
          %dma_wait3A_691 = arith.constant 0 : i32
          %dma_wait3A_692 = tpu.memref_slice %arg9[%dma_wait3A_690, %dma_wait3A_691] : memref<10240x64xf32, #tpu.memory_space<vmem_shared>> -> memref<40x64xf32, #tpu.memory_space<vmem_shared>>
          %dma_wait3A_693 = arith.constant 0 : i32
          %dma_wait3A_694 = arith.constant 0 : i32
          %dma_wait3A_695 = tpu.memref_slice %arg9[%dma_wait3A_693, %dma_wait3A_694] : memref<10240x64xf32, #tpu.memory_space<vmem_shared>> -> memref<40x64xf32, #tpu.memory_space<vmem_shared>>
          %dma_wait3A_696 = arith.constant 0 : i32
          %dma_wait3A_697 = arith.constant 0 : i32
          %dma_wait3A_698 = tpu.memref_slice %arg7[%dma_wait3A_685, %dma_wait3A_696, %dma_wait3A_697] : memref<10x40x64xf32, #tpu.memory_space<vmem>> -> memref<1x40x64xf32, #tpu.memory_space<vmem>>
          %dma_wait3A_699 = tpu.memref_squeeze %dma_wait3A_698 : memref<1x40x64xf32, #tpu.memory_space<vmem>> -> memref<40x64xf32, #tpu.memory_space<vmem>>
          tpu.wait_dma2 semaphore(%arg28 : memref<!tpu.dma_semaphore, #tpu.memory_space<semaphore_mem>>) src(%dma_wait3A_699 : memref<40x64xf32, #tpu.memory_space<vmem>>) dst(%dma_wait3A_695 : memref<40x64xf32, #tpu.memory_space<vmem_shared>>)
        } else {
        }
        %dma_start3A_674 = arith.constant 6 : i32
        %dma_start3A_675 = arith.constant 0 : i32
        %dma_start3A_676 = arith.constant 0 : i32
        %dma_start3A_677 = tpu.memref_slice %arg7[%dma_start3A_674, %dma_start3A_675, %dma_start3A_676] : memref<10x40x64xf32, #tpu.memory_space<vmem>> -> memref<1x40x64xf32, #tpu.memory_space<vmem>>
        %dma_start3A_678 = tpu.memref_squeeze %dma_start3A_677 : memref<1x40x64xf32, #tpu.memory_space<vmem>> -> memref<40x64xf32, #tpu.memory_space<vmem>>
        %dma_start3A_679 = arith.constant 0 : i32
        %dma_start3A_680 = tpu.memref_slice %arg5[%add3A_352, %dma_start3A_679] : memref<250x40xi32, #tpu.memory_space<vmem>> -> memref<1x40xi32, #tpu.memory_space<vmem>>
        %dma_start3A_681 = tpu.memref_squeeze %dma_start3A_680 : memref<1x40xi32, #tpu.memory_space<vmem>> -> memref<40xi32, #tpu.memory_space<vmem>>
        %dma_start3A_682 = arith.constant 0 : i32
        %dma_start3A_683 = arith.constant 0 : i32
        %dma_start3A_684 = tpu.memref_slice %arg2[%dma_start3A_682, %dma_start3A_683] : memref<10240x64xf32, #tpu.memory_space<hbm>> -> memref<10240x64xf32, #tpu.memory_space<hbm>>
        tpu.enqueue_indirect_dma source(%dma_start3A_684 : memref<10240x64xf32, #tpu.memory_space<hbm>>) target(%dma_start3A_678 : memref<40x64xf32, #tpu.memory_space<vmem>>) offsets(%dma_start3A_681 : memref<40xi32, #tpu.memory_space<vmem>>) semaphore(%arg18 : memref<!tpu.dma_semaphore, #tpu.memory_space<semaphore_mem>>)
      } else {
      }
      %add3A_355 = arith.constant 1 : i32
      %add3A_356 = arith.addi %mul3A_322, %add3A_355 : i32
      %dma_wait3A_357 = arith.constant 1 : i32
      %dma_wait3A_358 = arith.constant 0 : i32
      %dma_wait3A_359 = arith.constant 0 : i32
      %dma_wait3A_360 = tpu.memref_slice %arg7[%dma_wait3A_357, %dma_wait3A_358, %dma_wait3A_359] : memref<10x40x64xf32, #tpu.memory_space<vmem>> -> memref<1x40x64xf32, #tpu.memory_space<vmem>>
      %dma_wait3A_361 = tpu.memref_squeeze %dma_wait3A_360 : memref<1x40x64xf32, #tpu.memory_space<vmem>> -> memref<40x64xf32, #tpu.memory_space<vmem>>
      %dma_wait3A_362 = arith.constant 0 : i32
      %dma_wait3A_363 = arith.constant 0 : i32
      %dma_wait3A_364 = tpu.memref_slice %arg2[%dma_wait3A_362, %dma_wait3A_363] : memref<10240x64xf32, #tpu.memory_space<hbm>> -> memref<40x64xf32, #tpu.memory_space<hbm>>
      %dma_wait3A_365 = arith.constant 0 : i32
      %dma_wait3A_366 = arith.constant 0 : i32
      %dma_wait3A_367 = tpu.memref_slice %arg7[%dma_wait3A_357, %dma_wait3A_365, %dma_wait3A_366] : memref<10x40x64xf32, #tpu.memory_space<vmem>> -> memref<1x40x64xf32, #tpu.memory_space<vmem>>
      %dma_wait3A_368 = tpu.memref_squeeze %dma_wait3A_367 : memref<1x40x64xf32, #tpu.memory_space<vmem>> -> memref<40x64xf32, #tpu.memory_space<vmem>>
      %dma_wait3A_369 = arith.constant 0 : i32
      %dma_wait3A_370 = arith.constant 0 : i32
      %dma_wait3A_371 = tpu.memref_slice %arg2[%dma_wait3A_369, %dma_wait3A_370] : memref<10240x64xf32, #tpu.memory_space<hbm>> -> memref<40x64xf32, #tpu.memory_space<hbm>>
      tpu.wait_dma2 semaphore(%arg13 : memref<!tpu.dma_semaphore, #tpu.memory_space<semaphore_mem>>) src(%dma_wait3A_371 : memref<40x64xf32, #tpu.memory_space<hbm>>) dst(%dma_wait3A_368 : memref<40x64xf32, #tpu.memory_space<vmem>>)
      %dma_start3A_372 = arith.constant 1 : i32
      %dma_start3A_373 = arith.constant 0 : i32
      %dma_start3A_374 = arith.constant 0 : i32
      %dma_start3A_375 = tpu.memref_slice %arg7[%dma_start3A_372, %dma_start3A_373, %dma_start3A_374] : memref<10x40x64xf32, #tpu.memory_space<vmem>> -> memref<1x40x64xf32, #tpu.memory_space<vmem>>
      %dma_start3A_376 = tpu.memref_squeeze %dma_start3A_375 : memref<1x40x64xf32, #tpu.memory_space<vmem>> -> memref<40x64xf32, #tpu.memory_space<vmem>>
      %dma_start3A_377 = arith.constant 0 : i32
      %dma_start3A_378 = tpu.memref_slice %arg6[%add3A_356, %dma_start3A_377] : memref<250x40xi32, #tpu.memory_space<vmem>> -> memref<1x40xi32, #tpu.memory_space<vmem>>
      %dma_start3A_379 = tpu.memref_squeeze %dma_start3A_378 : memref<1x40xi32, #tpu.memory_space<vmem>> -> memref<40xi32, #tpu.memory_space<vmem>>
      %dma_start3A_380 = arith.constant 0 : i32
      %dma_start3A_381 = arith.constant 0 : i32
      %dma_start3A_382 = tpu.memref_slice %arg9[%dma_start3A_380, %dma_start3A_381] : memref<10240x64xf32, #tpu.memory_space<vmem_shared>> -> memref<10240x64xf32, #tpu.memory_space<vmem_shared>>
      tpu.enqueue_indirect_dma source(%dma_start3A_376 : memref<40x64xf32, #tpu.memory_space<vmem>>) target(%dma_start3A_382 : memref<10240x64xf32, #tpu.memory_space<vmem_shared>>) offsets(%dma_start3A_379 : memref<40xi32, #tpu.memory_space<vmem>>) semaphore(%arg23 : memref<!tpu.dma_semaphore, #tpu.memory_space<semaphore_mem>>) {add = true}
      %add3A_383 = arith.constant 6 : i32
      %add3A_384 = arith.addi %add3A_356, %add3A_383 : i32
      %lt3A_385 = arith.constant 250 : i32
      %lt3A_386 = arith.cmpi slt, %add3A_384, %lt3A_385 : i32
      %convert_element_type3A_387 = arith.extui %lt3A_386 : i1 to i32
      %cond3A_388 = arith.constant 0 : i32
      %cond3A_389 = arith.cmpi ne, %convert_element_type3A_387, %cond3A_388 : i32
      scf.if %cond3A_389 {
        %ge3A = arith.constant 10 : i32
        %ge3A_670 = arith.cmpi sge, %add3A_384, %ge3A : i32
        %convert_element_type3A_671 = arith.extui %ge3A_670 : i1 to i32
        %cond3A_672 = arith.constant 0 : i32
        %cond3A_673 = arith.cmpi ne, %convert_element_type3A_671, %cond3A_672 : i32
        scf.if %cond3A_673 {
          %dma_wait3A_685 = arith.constant 7 : i32
          %dma_wait3A_686 = arith.constant 0 : i32
          %dma_wait3A_687 = arith.constant 0 : i32
          %dma_wait3A_688 = tpu.memref_slice %arg7[%dma_wait3A_685, %dma_wait3A_686, %dma_wait3A_687] : memref<10x40x64xf32, #tpu.memory_space<vmem>> -> memref<1x40x64xf32, #tpu.memory_space<vmem>>
          %dma_wait3A_689 = tpu.memref_squeeze %dma_wait3A_688 : memref<1x40x64xf32, #tpu.memory_space<vmem>> -> memref<40x64xf32, #tpu.memory_space<vmem>>
          %dma_wait3A_690 = arith.constant 0 : i32
          %dma_wait3A_691 = arith.constant 0 : i32
          %dma_wait3A_692 = tpu.memref_slice %arg9[%dma_wait3A_690, %dma_wait3A_691] : memref<10240x64xf32, #tpu.memory_space<vmem_shared>> -> memref<40x64xf32, #tpu.memory_space<vmem_shared>>
          %dma_wait3A_693 = arith.constant 0 : i32
          %dma_wait3A_694 = arith.constant 0 : i32
          %dma_wait3A_695 = tpu.memref_slice %arg9[%dma_wait3A_693, %dma_wait3A_694] : memref<10240x64xf32, #tpu.memory_space<vmem_shared>> -> memref<40x64xf32, #tpu.memory_space<vmem_shared>>
          %dma_wait3A_696 = arith.constant 0 : i32
          %dma_wait3A_697 = arith.constant 0 : i32
          %dma_wait3A_698 = tpu.memref_slice %arg7[%dma_wait3A_685, %dma_wait3A_696, %dma_wait3A_697] : memref<10x40x64xf32, #tpu.memory_space<vmem>> -> memref<1x40x64xf32, #tpu.memory_space<vmem>>
          %dma_wait3A_699 = tpu.memref_squeeze %dma_wait3A_698 : memref<1x40x64xf32, #tpu.memory_space<vmem>> -> memref<40x64xf32, #tpu.memory_space<vmem>>
          tpu.wait_dma2 semaphore(%arg29 : memref<!tpu.dma_semaphore, #tpu.memory_space<semaphore_mem>>) src(%dma_wait3A_699 : memref<40x64xf32, #tpu.memory_space<vmem>>) dst(%dma_wait3A_695 : memref<40x64xf32, #tpu.memory_space<vmem_shared>>)
        } else {
        }
        %dma_start3A_674 = arith.constant 7 : i32
        %dma_start3A_675 = arith.constant 0 : i32
        %dma_start3A_676 = arith.constant 0 : i32
        %dma_start3A_677 = tpu.memref_slice %arg7[%dma_start3A_674, %dma_start3A_675, %dma_start3A_676] : memref<10x40x64xf32, #tpu.memory_space<vmem>> -> memref<1x40x64xf32, #tpu.memory_space<vmem>>
        %dma_start3A_678 = tpu.memref_squeeze %dma_start3A_677 : memref<1x40x64xf32, #tpu.memory_space<vmem>> -> memref<40x64xf32, #tpu.memory_space<vmem>>
        %dma_start3A_679 = arith.constant 0 : i32
        %dma_start3A_680 = tpu.memref_slice %arg5[%add3A_384, %dma_start3A_679] : memref<250x40xi32, #tpu.memory_space<vmem>> -> memref<1x40xi32, #tpu.memory_space<vmem>>
        %dma_start3A_681 = tpu.memref_squeeze %dma_start3A_680 : memref<1x40xi32, #tpu.memory_space<vmem>> -> memref<40xi32, #tpu.memory_space<vmem>>
        %dma_start3A_682 = arith.constant 0 : i32
        %dma_start3A_683 = arith.constant 0 : i32
        %dma_start3A_684 = tpu.memref_slice %arg2[%dma_start3A_682, %dma_start3A_683] : memref<10240x64xf32, #tpu.memory_space<hbm>> -> memref<10240x64xf32, #tpu.memory_space<hbm>>
        tpu.enqueue_indirect_dma source(%dma_start3A_684 : memref<10240x64xf32, #tpu.memory_space<hbm>>) target(%dma_start3A_678 : memref<40x64xf32, #tpu.memory_space<vmem>>) offsets(%dma_start3A_681 : memref<40xi32, #tpu.memory_space<vmem>>) semaphore(%arg19 : memref<!tpu.dma_semaphore, #tpu.memory_space<semaphore_mem>>)
      } else {
      }
      %add3A_390 = arith.constant 2 : i32
      %add3A_391 = arith.addi %mul3A_322, %add3A_390 : i32
      %dma_wait3A_392 = arith.constant 2 : i32
      %dma_wait3A_393 = arith.constant 0 : i32
      %dma_wait3A_394 = arith.constant 0 : i32
      %dma_wait3A_395 = tpu.memref_slice %arg7[%dma_wait3A_392, %dma_wait3A_393, %dma_wait3A_394] : memref<10x40x64xf32, #tpu.memory_space<vmem>> -> memref<1x40x64xf32, #tpu.memory_space<vmem>>
      %dma_wait3A_396 = tpu.memref_squeeze %dma_wait3A_395 : memref<1x40x64xf32, #tpu.memory_space<vmem>> -> memref<40x64xf32, #tpu.memory_space<vmem>>
      %dma_wait3A_397 = arith.constant 0 : i32
      %dma_wait3A_398 = arith.constant 0 : i32
      %dma_wait3A_399 = tpu.memref_slice %arg2[%dma_wait3A_397, %dma_wait3A_398] : memref<10240x64xf32, #tpu.memory_space<hbm>> -> memref<40x64xf32, #tpu.memory_space<hbm>>
      %dma_wait3A_400 = arith.constant 0 : i32
      %dma_wait3A_401 = arith.constant 0 : i32
      %dma_wait3A_402 = tpu.memref_slice %arg7[%dma_wait3A_392, %dma_wait3A_400, %dma_wait3A_401] : memref<10x40x64xf32, #tpu.memory_space<vmem>> -> memref<1x40x64xf32, #tpu.memory_space<vmem>>
      %dma_wait3A_403 = tpu.memref_squeeze %dma_wait3A_402 : memref<1x40x64xf32, #tpu.memory_space<vmem>> -> memref<40x64xf32, #tpu.memory_space<vmem>>
      %dma_wait3A_404 = arith.constant 0 : i32
      %dma_wait3A_405 = arith.constant 0 : i32
      %dma_wait3A_406 = tpu.memref_slice %arg2[%dma_wait3A_404, %dma_wait3A_405] : memref<10240x64xf32, #tpu.memory_space<hbm>> -> memref<40x64xf32, #tpu.memory_space<hbm>>
      tpu.wait_dma2 semaphore(%arg14 : memref<!tpu.dma_semaphore, #tpu.memory_space<semaphore_mem>>) src(%dma_wait3A_406 : memref<40x64xf32, #tpu.memory_space<hbm>>) dst(%dma_wait3A_403 : memref<40x64xf32, #tpu.memory_space<vmem>>)
      %dma_start3A_407 = arith.constant 2 : i32
      %dma_start3A_408 = arith.constant 0 : i32
      %dma_start3A_409 = arith.constant 0 : i32
      %dma_start3A_410 = tpu.memref_slice %arg7[%dma_start3A_407, %dma_start3A_408, %dma_start3A_409] : memref<10x40x64xf32, #tpu.memory_space<vmem>> -> memref<1x40x64xf32, #tpu.memory_space<vmem>>
      %dma_start3A_411 = tpu.memref_squeeze %dma_start3A_410 : memref<1x40x64xf32, #tpu.memory_space<vmem>> -> memref<40x64xf32, #tpu.memory_space<vmem>>
      %dma_start3A_412 = arith.constant 0 : i32
      %dma_start3A_413 = tpu.memref_slice %arg6[%add3A_391, %dma_start3A_412] : memref<250x40xi32, #tpu.memory_space<vmem>> -> memref<1x40xi32, #tpu.memory_space<vmem>>
      %dma_start3A_414 = tpu.memref_squeeze %dma_start3A_413 : memref<1x40xi32, #tpu.memory_space<vmem>> -> memref<40xi32, #tpu.memory_space<vmem>>
      %dma_start3A_415 = arith.constant 0 : i32
      %dma_start3A_416 = arith.constant 0 : i32
      %dma_start3A_417 = tpu.memref_slice %arg9[%dma_start3A_415, %dma_start3A_416] : memref<10240x64xf32, #tpu.memory_space<vmem_shared>> -> memref<10240x64xf32, #tpu.memory_space<vmem_shared>>
      tpu.enqueue_indirect_dma source(%dma_start3A_411 : memref<40x64xf32, #tpu.memory_space<vmem>>) target(%dma_start3A_417 : memref<10240x64xf32, #tpu.memory_space<vmem_shared>>) offsets(%dma_start3A_414 : memref<40xi32, #tpu.memory_space<vmem>>) semaphore(%arg24 : memref<!tpu.dma_semaphore, #tpu.memory_space<semaphore_mem>>) {add = true}
      %add3A_418 = arith.constant 6 : i32
      %add3A_419 = arith.addi %add3A_391, %add3A_418 : i32
      %lt3A_420 = arith.constant 250 : i32
      %lt3A_421 = arith.cmpi slt, %add3A_419, %lt3A_420 : i32
      %convert_element_type3A_422 = arith.extui %lt3A_421 : i1 to i32
      %cond3A_423 = arith.constant 0 : i32
      %cond3A_424 = arith.cmpi ne, %convert_element_type3A_422, %cond3A_423 : i32
      scf.if %cond3A_424 {
        %ge3A = arith.constant 10 : i32
        %ge3A_670 = arith.cmpi sge, %add3A_419, %ge3A : i32
        %convert_element_type3A_671 = arith.extui %ge3A_670 : i1 to i32
        %cond3A_672 = arith.constant 0 : i32
        %cond3A_673 = arith.cmpi ne, %convert_element_type3A_671, %cond3A_672 : i32
        scf.if %cond3A_673 {
          %dma_wait3A_685 = arith.constant 8 : i32
          %dma_wait3A_686 = arith.constant 0 : i32
          %dma_wait3A_687 = arith.constant 0 : i32
          %dma_wait3A_688 = tpu.memref_slice %arg7[%dma_wait3A_685, %dma_wait3A_686, %dma_wait3A_687] : memref<10x40x64xf32, #tpu.memory_space<vmem>> -> memref<1x40x64xf32, #tpu.memory_space<vmem>>
          %dma_wait3A_689 = tpu.memref_squeeze %dma_wait3A_688 : memref<1x40x64xf32, #tpu.memory_space<vmem>> -> memref<40x64xf32, #tpu.memory_space<vmem>>
          %dma_wait3A_690 = arith.constant 0 : i32
          %dma_wait3A_691 = arith.constant 0 : i32
          %dma_wait3A_692 = tpu.memref_slice %arg9[%dma_wait3A_690, %dma_wait3A_691] : memref<10240x64xf32, #tpu.memory_space<vmem_shared>> -> memref<40x64xf32, #tpu.memory_space<vmem_shared>>
          %dma_wait3A_693 = arith.constant 0 : i32
          %dma_wait3A_694 = arith.constant 0 : i32
          %dma_wait3A_695 = tpu.memref_slice %arg9[%dma_wait3A_693, %dma_wait3A_694] : memref<10240x64xf32, #tpu.memory_space<vmem_shared>> -> memref<40x64xf32, #tpu.memory_space<vmem_shared>>
          %dma_wait3A_696 = arith.constant 0 : i32
          %dma_wait3A_697 = arith.constant 0 : i32
          %dma_wait3A_698 = tpu.memref_slice %arg7[%dma_wait3A_685, %dma_wait3A_696, %dma_wait3A_697] : memref<10x40x64xf32, #tpu.memory_space<vmem>> -> memref<1x40x64xf32, #tpu.memory_space<vmem>>
          %dma_wait3A_699 = tpu.memref_squeeze %dma_wait3A_698 : memref<1x40x64xf32, #tpu.memory_space<vmem>> -> memref<40x64xf32, #tpu.memory_space<vmem>>
          tpu.wait_dma2 semaphore(%arg30 : memref<!tpu.dma_semaphore, #tpu.memory_space<semaphore_mem>>) src(%dma_wait3A_699 : memref<40x64xf32, #tpu.memory_space<vmem>>) dst(%dma_wait3A_695 : memref<40x64xf32, #tpu.memory_space<vmem_shared>>)
        } else {
        }
        %dma_start3A_674 = arith.constant 8 : i32
        %dma_start3A_675 = arith.constant 0 : i32
        %dma_start3A_676 = arith.constant 0 : i32
        %dma_start3A_677 = tpu.memref_slice %arg7[%dma_start3A_674, %dma_start3A_675, %dma_start3A_676] : memref<10x40x64xf32, #tpu.memory_space<vmem>> -> memref<1x40x64xf32, #tpu.memory_space<vmem>>
        %dma_start3A_678 = tpu.memref_squeeze %dma_start3A_677 : memref<1x40x64xf32, #tpu.memory_space<vmem>> -> memref<40x64xf32, #tpu.memory_space<vmem>>
        %dma_start3A_679 = arith.constant 0 : i32
        %dma_start3A_680 = tpu.memref_slice %arg5[%add3A_419, %dma_start3A_679] : memref<250x40xi32, #tpu.memory_space<vmem>> -> memref<1x40xi32, #tpu.memory_space<vmem>>
        %dma_start3A_681 = tpu.memref_squeeze %dma_start3A_680 : memref<1x40xi32, #tpu.memory_space<vmem>> -> memref<40xi32, #tpu.memory_space<vmem>>
        %dma_start3A_682 = arith.constant 0 : i32
        %dma_start3A_683 = arith.constant 0 : i32
        %dma_start3A_684 = tpu.memref_slice %arg2[%dma_start3A_682, %dma_start3A_683] : memref<10240x64xf32, #tpu.memory_space<hbm>> -> memref<10240x64xf32, #tpu.memory_space<hbm>>
        tpu.enqueue_indirect_dma source(%dma_start3A_684 : memref<10240x64xf32, #tpu.memory_space<hbm>>) target(%dma_start3A_678 : memref<40x64xf32, #tpu.memory_space<vmem>>) offsets(%dma_start3A_681 : memref<40xi32, #tpu.memory_space<vmem>>) semaphore(%arg20 : memref<!tpu.dma_semaphore, #tpu.memory_space<semaphore_mem>>)
      } else {
      }
      %add3A_425 = arith.constant 3 : i32
      %add3A_426 = arith.addi %mul3A_322, %add3A_425 : i32
      %dma_wait3A_427 = arith.constant 3 : i32
      %dma_wait3A_428 = arith.constant 0 : i32
      %dma_wait3A_429 = arith.constant 0 : i32
      %dma_wait3A_430 = tpu.memref_slice %arg7[%dma_wait3A_427, %dma_wait3A_428, %dma_wait3A_429] : memref<10x40x64xf32, #tpu.memory_space<vmem>> -> memref<1x40x64xf32, #tpu.memory_space<vmem>>
      %dma_wait3A_431 = tpu.memref_squeeze %dma_wait3A_430 : memref<1x40x64xf32, #tpu.memory_space<vmem>> -> memref<40x64xf32, #tpu.memory_space<vmem>>
      %dma_wait3A_432 = arith.constant 0 : i32
      %dma_wait3A_433 = arith.constant 0 : i32
      %dma_wait3A_434 = tpu.memref_slice %arg2[%dma_wait3A_432, %dma_wait3A_433] : memref<10240x64xf32, #tpu.memory_space<hbm>> -> memref<40x64xf32, #tpu.memory_space<hbm>>
      %dma_wait3A_435 = arith.constant 0 : i32
      %dma_wait3A_436 = arith.constant 0 : i32
      %dma_wait3A_437 = tpu.memref_slice %arg7[%dma_wait3A_427, %dma_wait3A_435, %dma_wait3A_436] : memref<10x40x64xf32, #tpu.memory_space<vmem>> -> memref<1x40x64xf32, #tpu.memory_space<vmem>>
      %dma_wait3A_438 = tpu.memref_squeeze %dma_wait3A_437 : memref<1x40x64xf32, #tpu.memory_space<vmem>> -> memref<40x64xf32, #tpu.memory_space<vmem>>
      %dma_wait3A_439 = arith.constant 0 : i32
      %dma_wait3A_440 = arith.constant 0 : i32
      %dma_wait3A_441 = tpu.memref_slice %arg2[%dma_wait3A_439, %dma_wait3A_440] : memref<10240x64xf32, #tpu.memory_space<hbm>> -> memref<40x64xf32, #tpu.memory_space<hbm>>
      tpu.wait_dma2 semaphore(%arg15 : memref<!tpu.dma_semaphore, #tpu.memory_space<semaphore_mem>>) src(%dma_wait3A_441 : memref<40x64xf32, #tpu.memory_space<hbm>>) dst(%dma_wait3A_438 : memref<40x64xf32, #tpu.memory_space<vmem>>)
      %dma_start3A_442 = arith.constant 3 : i32
      %dma_start3A_443 = arith.constant 0 : i32
      %dma_start3A_444 = arith.constant 0 : i32
      %dma_start3A_445 = tpu.memref_slice %arg7[%dma_start3A_442, %dma_start3A_443, %dma_start3A_444] : memref<10x40x64xf32, #tpu.memory_space<vmem>> -> memref<1x40x64xf32, #tpu.memory_space<vmem>>
      %dma_start3A_446 = tpu.memref_squeeze %dma_start3A_445 : memref<1x40x64xf32, #tpu.memory_space<vmem>> -> memref<40x64xf32, #tpu.memory_space<vmem>>
      %dma_start3A_447 = arith.constant 0 : i32
      %dma_start3A_448 = tpu.memref_slice %arg6[%add3A_426, %dma_start3A_447] : memref<250x40xi32, #tpu.memory_space<vmem>> -> memref<1x40xi32, #tpu.memory_space<vmem>>
      %dma_start3A_449 = tpu.memref_squeeze %dma_start3A_448 : memref<1x40xi32, #tpu.memory_space<vmem>> -> memref<40xi32, #tpu.memory_space<vmem>>
      %dma_start3A_450 = arith.constant 0 : i32
      %dma_start3A_451 = arith.constant 0 : i32
      %dma_start3A_452 = tpu.memref_slice %arg9[%dma_start3A_450, %dma_start3A_451] : memref<10240x64xf32, #tpu.memory_space<vmem_shared>> -> memref<10240x64xf32, #tpu.memory_space<vmem_shared>>
      tpu.enqueue_indirect_dma source(%dma_start3A_446 : memref<40x64xf32, #tpu.memory_space<vmem>>) target(%dma_start3A_452 : memref<10240x64xf32, #tpu.memory_space<vmem_shared>>) offsets(%dma_start3A_449 : memref<40xi32, #tpu.memory_space<vmem>>) semaphore(%arg25 : memref<!tpu.dma_semaphore, #tpu.memory_space<semaphore_mem>>) {add = true}
      %add3A_453 = arith.constant 6 : i32
      %add3A_454 = arith.addi %add3A_426, %add3A_453 : i32
      %lt3A_455 = arith.constant 250 : i32
      %lt3A_456 = arith.cmpi slt, %add3A_454, %lt3A_455 : i32
      %convert_element_type3A_457 = arith.extui %lt3A_456 : i1 to i32
      %cond3A_458 = arith.constant 0 : i32
      %cond3A_459 = arith.cmpi ne, %convert_element_type3A_457, %cond3A_458 : i32
      scf.if %cond3A_459 {
        %ge3A = arith.constant 10 : i32
        %ge3A_670 = arith.cmpi sge, %add3A_454, %ge3A : i32
        %convert_element_type3A_671 = arith.extui %ge3A_670 : i1 to i32
        %cond3A_672 = arith.constant 0 : i32
        %cond3A_673 = arith.cmpi ne, %convert_element_type3A_671, %cond3A_672 : i32
        scf.if %cond3A_673 {
          %dma_wait3A_685 = arith.constant 9 : i32
          %dma_wait3A_686 = arith.constant 0 : i32
          %dma_wait3A_687 = arith.constant 0 : i32
          %dma_wait3A_688 = tpu.memref_slice %arg7[%dma_wait3A_685, %dma_wait3A_686, %dma_wait3A_687] : memref<10x40x64xf32, #tpu.memory_space<vmem>> -> memref<1x40x64xf32, #tpu.memory_space<vmem>>
          %dma_wait3A_689 = tpu.memref_squeeze %dma_wait3A_688 : memref<1x40x64xf32, #tpu.memory_space<vmem>> -> memref<40x64xf32, #tpu.memory_space<vmem>>
          %dma_wait3A_690 = arith.constant 0 : i32
          %dma_wait3A_691 = arith.constant 0 : i32
          %dma_wait3A_692 = tpu.memref_slice %arg9[%dma_wait3A_690, %dma_wait3A_691] : memref<10240x64xf32, #tpu.memory_space<vmem_shared>> -> memref<40x64xf32, #tpu.memory_space<vmem_shared>>
          %dma_wait3A_693 = arith.constant 0 : i32
          %dma_wait3A_694 = arith.constant 0 : i32
          %dma_wait3A_695 = tpu.memref_slice %arg9[%dma_wait3A_693, %dma_wait3A_694] : memref<10240x64xf32, #tpu.memory_space<vmem_shared>> -> memref<40x64xf32, #tpu.memory_space<vmem_shared>>
          %dma_wait3A_696 = arith.constant 0 : i32
          %dma_wait3A_697 = arith.constant 0 : i32
          %dma_wait3A_698 = tpu.memref_slice %arg7[%dma_wait3A_685, %dma_wait3A_696, %dma_wait3A_697] : memref<10x40x64xf32, #tpu.memory_space<vmem>> -> memref<1x40x64xf32, #tpu.memory_space<vmem>>
          %dma_wait3A_699 = tpu.memref_squeeze %dma_wait3A_698 : memref<1x40x64xf32, #tpu.memory_space<vmem>> -> memref<40x64xf32, #tpu.memory_space<vmem>>
          tpu.wait_dma2 semaphore(%arg31 : memref<!tpu.dma_semaphore, #tpu.memory_space<semaphore_mem>>) src(%dma_wait3A_699 : memref<40x64xf32, #tpu.memory_space<vmem>>) dst(%dma_wait3A_695 : memref<40x64xf32, #tpu.memory_space<vmem_shared>>)
        } else {
        }
        %dma_start3A_674 = arith.constant 9 : i32
        %dma_start3A_675 = arith.constant 0 : i32
        %dma_start3A_676 = arith.constant 0 : i32
        %dma_start3A_677 = tpu.memref_slice %arg7[%dma_start3A_674, %dma_start3A_675, %dma_start3A_676] : memref<10x40x64xf32, #tpu.memory_space<vmem>> -> memref<1x40x64xf32, #tpu.memory_space<vmem>>
        %dma_start3A_678 = tpu.memref_squeeze %dma_start3A_677 : memref<1x40x64xf32, #tpu.memory_space<vmem>> -> memref<40x64xf32, #tpu.memory_space<vmem>>
        %dma_start3A_679 = arith.constant 0 : i32
        %dma_start3A_680 = tpu.memref_slice %arg5[%add3A_454, %dma_start3A_679] : memref<250x40xi32, #tpu.memory_space<vmem>> -> memref<1x40xi32, #tpu.memory_space<vmem>>
        %dma_start3A_681 = tpu.memref_squeeze %dma_start3A_680 : memref<1x40xi32, #tpu.memory_space<vmem>> -> memref<40xi32, #tpu.memory_space<vmem>>
        %dma_start3A_682 = arith.constant 0 : i32
        %dma_start3A_683 = arith.constant 0 : i32
        %dma_start3A_684 = tpu.memref_slice %arg2[%dma_start3A_682, %dma_start3A_683] : memref<10240x64xf32, #tpu.memory_space<hbm>> -> memref<10240x64xf32, #tpu.memory_space<hbm>>
        tpu.enqueue_indirect_dma source(%dma_start3A_684 : memref<10240x64xf32, #tpu.memory_space<hbm>>) target(%dma_start3A_678 : memref<40x64xf32, #tpu.memory_space<vmem>>) offsets(%dma_start3A_681 : memref<40xi32, #tpu.memory_space<vmem>>) semaphore(%arg21 : memref<!tpu.dma_semaphore, #tpu.memory_space<semaphore_mem>>)
      } else {
      }
      %add3A_460 = arith.constant 4 : i32
      %add3A_461 = arith.addi %mul3A_322, %add3A_460 : i32
      %dma_wait3A_462 = arith.constant 4 : i32
      %dma_wait3A_463 = arith.constant 0 : i32
      %dma_wait3A_464 = arith.constant 0 : i32
      %dma_wait3A_465 = tpu.memref_slice %arg7[%dma_wait3A_462, %dma_wait3A_463, %dma_wait3A_464] : memref<10x40x64xf32, #tpu.memory_space<vmem>> -> memref<1x40x64xf32, #tpu.memory_space<vmem>>
      %dma_wait3A_466 = tpu.memref_squeeze %dma_wait3A_465 : memref<1x40x64xf32, #tpu.memory_space<vmem>> -> memref<40x64xf32, #tpu.memory_space<vmem>>
      %dma_wait3A_467 = arith.constant 0 : i32
      %dma_wait3A_468 = arith.constant 0 : i32
      %dma_wait3A_469 = tpu.memref_slice %arg2[%dma_wait3A_467, %dma_wait3A_468] : memref<10240x64xf32, #tpu.memory_space<hbm>> -> memref<40x64xf32, #tpu.memory_space<hbm>>
      %dma_wait3A_470 = arith.constant 0 : i32
      %dma_wait3A_471 = arith.constant 0 : i32
      %dma_wait3A_472 = tpu.memref_slice %arg7[%dma_wait3A_462, %dma_wait3A_470, %dma_wait3A_471] : memref<10x40x64xf32, #tpu.memory_space<vmem>> -> memref<1x40x64xf32, #tpu.memory_space<vmem>>
      %dma_wait3A_473 = tpu.memref_squeeze %dma_wait3A_472 : memref<1x40x64xf32, #tpu.memory_space<vmem>> -> memref<40x64xf32, #tpu.memory_space<vmem>>
      %dma_wait3A_474 = arith.constant 0 : i32
      %dma_wait3A_475 = arith.constant 0 : i32
      %dma_wait3A_476 = tpu.memref_slice %arg2[%dma_wait3A_474, %dma_wait3A_475] : memref<10240x64xf32, #tpu.memory_space<hbm>> -> memref<40x64xf32, #tpu.memory_space<hbm>>
      tpu.wait_dma2 semaphore(%arg16 : memref<!tpu.dma_semaphore, #tpu.memory_space<semaphore_mem>>) src(%dma_wait3A_476 : memref<40x64xf32, #tpu.memory_space<hbm>>) dst(%dma_wait3A_473 : memref<40x64xf32, #tpu.memory_space<vmem>>)
      %dma_start3A_477 = arith.constant 4 : i32
      %dma_start3A_478 = arith.constant 0 : i32
      %dma_start3A_479 = arith.constant 0 : i32
      %dma_start3A_480 = tpu.memref_slice %arg7[%dma_start3A_477, %dma_start3A_478, %dma_start3A_479] : memref<10x40x64xf32, #tpu.memory_space<vmem>> -> memref<1x40x64xf32, #tpu.memory_space<vmem>>
      %dma_start3A_481 = tpu.memref_squeeze %dma_start3A_480 : memref<1x40x64xf32, #tpu.memory_space<vmem>> -> memref<40x64xf32, #tpu.memory_space<vmem>>
      %dma_start3A_482 = arith.constant 0 : i32
      %dma_start3A_483 = tpu.memref_slice %arg6[%add3A_461, %dma_start3A_482] : memref<250x40xi32, #tpu.memory_space<vmem>> -> memref<1x40xi32, #tpu.memory_space<vmem>>
      %dma_start3A_484 = tpu.memref_squeeze %dma_start3A_483 : memref<1x40xi32, #tpu.memory_space<vmem>> -> memref<40xi32, #tpu.memory_space<vmem>>
      %dma_start3A_485 = arith.constant 0 : i32
      %dma_start3A_486 = arith.constant 0 : i32
      %dma_start3A_487 = tpu.memref_slice %arg9[%dma_start3A_485, %dma_start3A_486] : memref<10240x64xf32, #tpu.memory_space<vmem_shared>> -> memref<10240x64xf32, #tpu.memory_space<vmem_shared>>
      tpu.enqueue_indirect_dma source(%dma_start3A_481 : memref<40x64xf32, #tpu.memory_space<vmem>>) target(%dma_start3A_487 : memref<10240x64xf32, #tpu.memory_space<vmem_shared>>) offsets(%dma_start3A_484 : memref<40xi32, #tpu.memory_space<vmem>>) semaphore(%arg26 : memref<!tpu.dma_semaphore, #tpu.memory_space<semaphore_mem>>) {add = true}
      %add3A_488 = arith.constant 6 : i32
      %add3A_489 = arith.addi %add3A_461, %add3A_488 : i32
      %lt3A_490 = arith.constant 250 : i32
      %lt3A_491 = arith.cmpi slt, %add3A_489, %lt3A_490 : i32
      %convert_element_type3A_492 = arith.extui %lt3A_491 : i1 to i32
      %cond3A_493 = arith.constant 0 : i32
      %cond3A_494 = arith.cmpi ne, %convert_element_type3A_492, %cond3A_493 : i32
      scf.if %cond3A_494 {
        %ge3A = arith.constant 10 : i32
        %ge3A_670 = arith.cmpi sge, %add3A_489, %ge3A : i32
        %convert_element_type3A_671 = arith.extui %ge3A_670 : i1 to i32
        %cond3A_672 = arith.constant 0 : i32
        %cond3A_673 = arith.cmpi ne, %convert_element_type3A_671, %cond3A_672 : i32
        scf.if %cond3A_673 {
          %dma_wait3A_685 = arith.constant 0 : i32
          %dma_wait3A_686 = arith.constant 0 : i32
          %dma_wait3A_687 = arith.constant 0 : i32
          %dma_wait3A_688 = tpu.memref_slice %arg7[%dma_wait3A_685, %dma_wait3A_686, %dma_wait3A_687] : memref<10x40x64xf32, #tpu.memory_space<vmem>> -> memref<1x40x64xf32, #tpu.memory_space<vmem>>
          %dma_wait3A_689 = tpu.memref_squeeze %dma_wait3A_688 : memref<1x40x64xf32, #tpu.memory_space<vmem>> -> memref<40x64xf32, #tpu.memory_space<vmem>>
          %dma_wait3A_690 = arith.constant 0 : i32
          %dma_wait3A_691 = arith.constant 0 : i32
          %dma_wait3A_692 = tpu.memref_slice %arg9[%dma_wait3A_690, %dma_wait3A_691] : memref<10240x64xf32, #tpu.memory_space<vmem_shared>> -> memref<40x64xf32, #tpu.memory_space<vmem_shared>>
          %dma_wait3A_693 = arith.constant 0 : i32
          %dma_wait3A_694 = arith.constant 0 : i32
          %dma_wait3A_695 = tpu.memref_slice %arg9[%dma_wait3A_693, %dma_wait3A_694] : memref<10240x64xf32, #tpu.memory_space<vmem_shared>> -> memref<40x64xf32, #tpu.memory_space<vmem_shared>>
          %dma_wait3A_696 = arith.constant 0 : i32
          %dma_wait3A_697 = arith.constant 0 : i32
          %dma_wait3A_698 = tpu.memref_slice %arg7[%dma_wait3A_685, %dma_wait3A_696, %dma_wait3A_697] : memref<10x40x64xf32, #tpu.memory_space<vmem>> -> memref<1x40x64xf32, #tpu.memory_space<vmem>>
          %dma_wait3A_699 = tpu.memref_squeeze %dma_wait3A_698 : memref<1x40x64xf32, #tpu.memory_space<vmem>> -> memref<40x64xf32, #tpu.memory_space<vmem>>
          tpu.wait_dma2 semaphore(%arg22 : memref<!tpu.dma_semaphore, #tpu.memory_space<semaphore_mem>>) src(%dma_wait3A_699 : memref<40x64xf32, #tpu.memory_space<vmem>>) dst(%dma_wait3A_695 : memref<40x64xf32, #tpu.memory_space<vmem_shared>>)
        } else {
        }
        %dma_start3A_674 = arith.constant 0 : i32
        %dma_start3A_675 = arith.constant 0 : i32
        %dma_start3A_676 = arith.constant 0 : i32
        %dma_start3A_677 = tpu.memref_slice %arg7[%dma_start3A_674, %dma_start3A_675, %dma_start3A_676] : memref<10x40x64xf32, #tpu.memory_space<vmem>> -> memref<1x40x64xf32, #tpu.memory_space<vmem>>
        %dma_start3A_678 = tpu.memref_squeeze %dma_start3A_677 : memref<1x40x64xf32, #tpu.memory_space<vmem>> -> memref<40x64xf32, #tpu.memory_space<vmem>>
        %dma_start3A_679 = arith.constant 0 : i32
        %dma_start3A_680 = tpu.memref_slice %arg5[%add3A_489, %dma_start3A_679] : memref<250x40xi32, #tpu.memory_space<vmem>> -> memref<1x40xi32, #tpu.memory_space<vmem>>
        %dma_start3A_681 = tpu.memref_squeeze %dma_start3A_680 : memref<1x40xi32, #tpu.memory_space<vmem>> -> memref<40xi32, #tpu.memory_space<vmem>>
        %dma_start3A_682 = arith.constant 0 : i32
        %dma_start3A_683 = arith.constant 0 : i32
        %dma_start3A_684 = tpu.memref_slice %arg2[%dma_start3A_682, %dma_start3A_683] : memref<10240x64xf32, #tpu.memory_space<hbm>> -> memref<10240x64xf32, #tpu.memory_space<hbm>>
        tpu.enqueue_indirect_dma source(%dma_start3A_684 : memref<10240x64xf32, #tpu.memory_space<hbm>>) target(%dma_start3A_678 : memref<40x64xf32, #tpu.memory_space<vmem>>) offsets(%dma_start3A_681 : memref<40xi32, #tpu.memory_space<vmem>>) semaphore(%arg12 : memref<!tpu.dma_semaphore, #tpu.memory_space<semaphore_mem>>)
      } else {
      }
      %add3A_495 = arith.constant 5 : i32
      %add3A_496 = arith.addi %mul3A_322, %add3A_495 : i32
      %dma_wait3A_497 = arith.constant 5 : i32
      %dma_wait3A_498 = arith.constant 0 : i32
      %dma_wait3A_499 = arith.constant 0 : i32
      %dma_wait3A_500 = tpu.memref_slice %arg7[%dma_wait3A_497, %dma_wait3A_498, %dma_wait3A_499] : memref<10x40x64xf32, #tpu.memory_space<vmem>> -> memref<1x40x64xf32, #tpu.memory_space<vmem>>
      %dma_wait3A_501 = tpu.memref_squeeze %dma_wait3A_500 : memref<1x40x64xf32, #tpu.memory_space<vmem>> -> memref<40x64xf32, #tpu.memory_space<vmem>>
      %dma_wait3A_502 = arith.constant 0 : i32
      %dma_wait3A_503 = arith.constant 0 : i32
      %dma_wait3A_504 = tpu.memref_slice %arg2[%dma_wait3A_502, %dma_wait3A_503] : memref<10240x64xf32, #tpu.memory_space<hbm>> -> memref<40x64xf32, #tpu.memory_space<hbm>>
      %dma_wait3A_505 = arith.constant 0 : i32
      %dma_wait3A_506 = arith.constant 0 : i32
      %dma_wait3A_507 = tpu.memref_slice %arg7[%dma_wait3A_497, %dma_wait3A_505, %dma_wait3A_506] : memref<10x40x64xf32, #tpu.memory_space<vmem>> -> memref<1x40x64xf32, #tpu.memory_space<vmem>>
      %dma_wait3A_508 = tpu.memref_squeeze %dma_wait3A_507 : memref<1x40x64xf32, #tpu.memory_space<vmem>> -> memref<40x64xf32, #tpu.memory_space<vmem>>
      %dma_wait3A_509 = arith.constant 0 : i32
      %dma_wait3A_510 = arith.constant 0 : i32
      %dma_wait3A_511 = tpu.memref_slice %arg2[%dma_wait3A_509, %dma_wait3A_510] : memref<10240x64xf32, #tpu.memory_space<hbm>> -> memref<40x64xf32, #tpu.memory_space<hbm>>
      tpu.wait_dma2 semaphore(%arg17 : memref<!tpu.dma_semaphore, #tpu.memory_space<semaphore_mem>>) src(%dma_wait3A_511 : memref<40x64xf32, #tpu.memory_space<hbm>>) dst(%dma_wait3A_508 : memref<40x64xf32, #tpu.memory_space<vmem>>)
      %dma_start3A_512 = arith.constant 5 : i32
      %dma_start3A_513 = arith.constant 0 : i32
      %dma_start3A_514 = arith.constant 0 : i32
      %dma_start3A_515 = tpu.memref_slice %arg7[%dma_start3A_512, %dma_start3A_513, %dma_start3A_514] : memref<10x40x64xf32, #tpu.memory_space<vmem>> -> memref<1x40x64xf32, #tpu.memory_space<vmem>>
      %dma_start3A_516 = tpu.memref_squeeze %dma_start3A_515 : memref<1x40x64xf32, #tpu.memory_space<vmem>> -> memref<40x64xf32, #tpu.memory_space<vmem>>
      %dma_start3A_517 = arith.constant 0 : i32
      %dma_start3A_518 = tpu.memref_slice %arg6[%add3A_496, %dma_start3A_517] : memref<250x40xi32, #tpu.memory_space<vmem>> -> memref<1x40xi32, #tpu.memory_space<vmem>>
      %dma_start3A_519 = tpu.memref_squeeze %dma_start3A_518 : memref<1x40xi32, #tpu.memory_space<vmem>> -> memref<40xi32, #tpu.memory_space<vmem>>
      %dma_start3A_520 = arith.constant 0 : i32
      %dma_start3A_521 = arith.constant 0 : i32
      %dma_start3A_522 = tpu.memref_slice %arg9[%dma_start3A_520, %dma_start3A_521] : memref<10240x64xf32, #tpu.memory_space<vmem_shared>> -> memref<10240x64xf32, #tpu.memory_space<vmem_shared>>
      tpu.enqueue_indirect_dma source(%dma_start3A_516 : memref<40x64xf32, #tpu.memory_space<vmem>>) target(%dma_start3A_522 : memref<10240x64xf32, #tpu.memory_space<vmem_shared>>) offsets(%dma_start3A_519 : memref<40xi32, #tpu.memory_space<vmem>>) semaphore(%arg27 : memref<!tpu.dma_semaphore, #tpu.memory_space<semaphore_mem>>) {add = true}
      %add3A_523 = arith.constant 6 : i32
      %add3A_524 = arith.addi %add3A_496, %add3A_523 : i32
      %lt3A_525 = arith.constant 250 : i32
      %lt3A_526 = arith.cmpi slt, %add3A_524, %lt3A_525 : i32
      %convert_element_type3A_527 = arith.extui %lt3A_526 : i1 to i32
      %cond3A_528 = arith.constant 0 : i32
      %cond3A_529 = arith.cmpi ne, %convert_element_type3A_527, %cond3A_528 : i32
      scf.if %cond3A_529 {
        %ge3A = arith.constant 10 : i32
        %ge3A_670 = arith.cmpi sge, %add3A_524, %ge3A : i32
        %convert_element_type3A_671 = arith.extui %ge3A_670 : i1 to i32
        %cond3A_672 = arith.constant 0 : i32
        %cond3A_673 = arith.cmpi ne, %convert_element_type3A_671, %cond3A_672 : i32
        scf.if %cond3A_673 {
          %dma_wait3A_685 = arith.constant 1 : i32
          %dma_wait3A_686 = arith.constant 0 : i32
          %dma_wait3A_687 = arith.constant 0 : i32
          %dma_wait3A_688 = tpu.memref_slice %arg7[%dma_wait3A_685, %dma_wait3A_686, %dma_wait3A_687] : memref<10x40x64xf32, #tpu.memory_space<vmem>> -> memref<1x40x64xf32, #tpu.memory_space<vmem>>
          %dma_wait3A_689 = tpu.memref_squeeze %dma_wait3A_688 : memref<1x40x64xf32, #tpu.memory_space<vmem>> -> memref<40x64xf32, #tpu.memory_space<vmem>>
          %dma_wait3A_690 = arith.constant 0 : i32
          %dma_wait3A_691 = arith.constant 0 : i32
          %dma_wait3A_692 = tpu.memref_slice %arg9[%dma_wait3A_690, %dma_wait3A_691] : memref<10240x64xf32, #tpu.memory_space<vmem_shared>> -> memref<40x64xf32, #tpu.memory_space<vmem_shared>>
          %dma_wait3A_693 = arith.constant 0 : i32
          %dma_wait3A_694 = arith.constant 0 : i32
          %dma_wait3A_695 = tpu.memref_slice %arg9[%dma_wait3A_693, %dma_wait3A_694] : memref<10240x64xf32, #tpu.memory_space<vmem_shared>> -> memref<40x64xf32, #tpu.memory_space<vmem_shared>>
          %dma_wait3A_696 = arith.constant 0 : i32
          %dma_wait3A_697 = arith.constant 0 : i32
          %dma_wait3A_698 = tpu.memref_slice %arg7[%dma_wait3A_685, %dma_wait3A_696, %dma_wait3A_697] : memref<10x40x64xf32, #tpu.memory_space<vmem>> -> memref<1x40x64xf32, #tpu.memory_space<vmem>>
          %dma_wait3A_699 = tpu.memref_squeeze %dma_wait3A_698 : memref<1x40x64xf32, #tpu.memory_space<vmem>> -> memref<40x64xf32, #tpu.memory_space<vmem>>
          tpu.wait_dma2 semaphore(%arg23 : memref<!tpu.dma_semaphore, #tpu.memory_space<semaphore_mem>>) src(%dma_wait3A_699 : memref<40x64xf32, #tpu.memory_space<vmem>>) dst(%dma_wait3A_695 : memref<40x64xf32, #tpu.memory_space<vmem_shared>>)
        } else {
        }
        %dma_start3A_674 = arith.constant 1 : i32
        %dma_start3A_675 = arith.constant 0 : i32
        %dma_start3A_676 = arith.constant 0 : i32
        %dma_start3A_677 = tpu.memref_slice %arg7[%dma_start3A_674, %dma_start3A_675, %dma_start3A_676] : memref<10x40x64xf32, #tpu.memory_space<vmem>> -> memref<1x40x64xf32, #tpu.memory_space<vmem>>
        %dma_start3A_678 = tpu.memref_squeeze %dma_start3A_677 : memref<1x40x64xf32, #tpu.memory_space<vmem>> -> memref<40x64xf32, #tpu.memory_space<vmem>>
        %dma_start3A_679 = arith.constant 0 : i32
        %dma_start3A_680 = tpu.memref_slice %arg5[%add3A_524, %dma_start3A_679] : memref<250x40xi32, #tpu.memory_space<vmem>> -> memref<1x40xi32, #tpu.memory_space<vmem>>
        %dma_start3A_681 = tpu.memref_squeeze %dma_start3A_680 : memref<1x40xi32, #tpu.memory_space<vmem>> -> memref<40xi32, #tpu.memory_space<vmem>>
        %dma_start3A_682 = arith.constant 0 : i32
        %dma_start3A_683 = arith.constant 0 : i32
        %dma_start3A_684 = tpu.memref_slice %arg2[%dma_start3A_682, %dma_start3A_683] : memref<10240x64xf32, #tpu.memory_space<hbm>> -> memref<10240x64xf32, #tpu.memory_space<hbm>>
        tpu.enqueue_indirect_dma source(%dma_start3A_684 : memref<10240x64xf32, #tpu.memory_space<hbm>>) target(%dma_start3A_678 : memref<40x64xf32, #tpu.memory_space<vmem>>) offsets(%dma_start3A_681 : memref<40xi32, #tpu.memory_space<vmem>>) semaphore(%arg13 : memref<!tpu.dma_semaphore, #tpu.memory_space<semaphore_mem>>)
      } else {
      }
      %add3A_530 = arith.constant 6 : i32
      %add3A_531 = arith.addi %mul3A_322, %add3A_530 : i32
      %dma_wait3A_532 = arith.constant 6 : i32
      %dma_wait3A_533 = arith.constant 0 : i32
      %dma_wait3A_534 = arith.constant 0 : i32
      %dma_wait3A_535 = tpu.memref_slice %arg7[%dma_wait3A_532, %dma_wait3A_533, %dma_wait3A_534] : memref<10x40x64xf32, #tpu.memory_space<vmem>> -> memref<1x40x64xf32, #tpu.memory_space<vmem>>
      %dma_wait3A_536 = tpu.memref_squeeze %dma_wait3A_535 : memref<1x40x64xf32, #tpu.memory_space<vmem>> -> memref<40x64xf32, #tpu.memory_space<vmem>>
      %dma_wait3A_537 = arith.constant 0 : i32
      %dma_wait3A_538 = arith.constant 0 : i32
      %dma_wait3A_539 = tpu.memref_slice %arg2[%dma_wait3A_537, %dma_wait3A_538] : memref<10240x64xf32, #tpu.memory_space<hbm>> -> memref<40x64xf32, #tpu.memory_space<hbm>>
      %dma_wait3A_540 = arith.constant 0 : i32
      %dma_wait3A_541 = arith.constant 0 : i32
      %dma_wait3A_542 = tpu.memref_slice %arg7[%dma_wait3A_532, %dma_wait3A_540, %dma_wait3A_541] : memref<10x40x64xf32, #tpu.memory_space<vmem>> -> memref<1x40x64xf32, #tpu.memory_space<vmem>>
      %dma_wait3A_543 = tpu.memref_squeeze %dma_wait3A_542 : memref<1x40x64xf32, #tpu.memory_space<vmem>> -> memref<40x64xf32, #tpu.memory_space<vmem>>
      %dma_wait3A_544 = arith.constant 0 : i32
      %dma_wait3A_545 = arith.constant 0 : i32
      %dma_wait3A_546 = tpu.memref_slice %arg2[%dma_wait3A_544, %dma_wait3A_545] : memref<10240x64xf32, #tpu.memory_space<hbm>> -> memref<40x64xf32, #tpu.memory_space<hbm>>
      tpu.wait_dma2 semaphore(%arg18 : memref<!tpu.dma_semaphore, #tpu.memory_space<semaphore_mem>>) src(%dma_wait3A_546 : memref<40x64xf32, #tpu.memory_space<hbm>>) dst(%dma_wait3A_543 : memref<40x64xf32, #tpu.memory_space<vmem>>)
      %dma_start3A_547 = arith.constant 6 : i32
      %dma_start3A_548 = arith.constant 0 : i32
      %dma_start3A_549 = arith.constant 0 : i32
      %dma_start3A_550 = tpu.memref_slice %arg7[%dma_start3A_547, %dma_start3A_548, %dma_start3A_549] : memref<10x40x64xf32, #tpu.memory_space<vmem>> -> memref<1x40x64xf32, #tpu.memory_space<vmem>>
      %dma_start3A_551 = tpu.memref_squeeze %dma_start3A_550 : memref<1x40x64xf32, #tpu.memory_space<vmem>> -> memref<40x64xf32, #tpu.memory_space<vmem>>
      %dma_start3A_552 = arith.constant 0 : i32
      %dma_start3A_553 = tpu.memref_slice %arg6[%add3A_531, %dma_start3A_552] : memref<250x40xi32, #tpu.memory_space<vmem>> -> memref<1x40xi32, #tpu.memory_space<vmem>>
      %dma_start3A_554 = tpu.memref_squeeze %dma_start3A_553 : memref<1x40xi32, #tpu.memory_space<vmem>> -> memref<40xi32, #tpu.memory_space<vmem>>
      %dma_start3A_555 = arith.constant 0 : i32
      %dma_start3A_556 = arith.constant 0 : i32
      %dma_start3A_557 = tpu.memref_slice %arg9[%dma_start3A_555, %dma_start3A_556] : memref<10240x64xf32, #tpu.memory_space<vmem_shared>> -> memref<10240x64xf32, #tpu.memory_space<vmem_shared>>
      tpu.enqueue_indirect_dma source(%dma_start3A_551 : memref<40x64xf32, #tpu.memory_space<vmem>>) target(%dma_start3A_557 : memref<10240x64xf32, #tpu.memory_space<vmem_shared>>) offsets(%dma_start3A_554 : memref<40xi32, #tpu.memory_space<vmem>>) semaphore(%arg28 : memref<!tpu.dma_semaphore, #tpu.memory_space<semaphore_mem>>) {add = true}
      %add3A_558 = arith.constant 6 : i32
      %add3A_559 = arith.addi %add3A_531, %add3A_558 : i32
      %lt3A_560 = arith.constant 250 : i32
      %lt3A_561 = arith.cmpi slt, %add3A_559, %lt3A_560 : i32
      %convert_element_type3A_562 = arith.extui %lt3A_561 : i1 to i32
      %cond3A_563 = arith.constant 0 : i32
      %cond3A_564 = arith.cmpi ne, %convert_element_type3A_562, %cond3A_563 : i32
      scf.if %cond3A_564 {
        %ge3A = arith.constant 10 : i32
        %ge3A_670 = arith.cmpi sge, %add3A_559, %ge3A : i32
        %convert_element_type3A_671 = arith.extui %ge3A_670 : i1 to i32
        %cond3A_672 = arith.constant 0 : i32
        %cond3A_673 = arith.cmpi ne, %convert_element_type3A_671, %cond3A_672 : i32
        scf.if %cond3A_673 {
          %dma_wait3A_685 = arith.constant 2 : i32
          %dma_wait3A_686 = arith.constant 0 : i32
          %dma_wait3A_687 = arith.constant 0 : i32
          %dma_wait3A_688 = tpu.memref_slice %arg7[%dma_wait3A_685, %dma_wait3A_686, %dma_wait3A_687] : memref<10x40x64xf32, #tpu.memory_space<vmem>> -> memref<1x40x64xf32, #tpu.memory_space<vmem>>
          %dma_wait3A_689 = tpu.memref_squeeze %dma_wait3A_688 : memref<1x40x64xf32, #tpu.memory_space<vmem>> -> memref<40x64xf32, #tpu.memory_space<vmem>>
          %dma_wait3A_690 = arith.constant 0 : i32
          %dma_wait3A_691 = arith.constant 0 : i32
          %dma_wait3A_692 = tpu.memref_slice %arg9[%dma_wait3A_690, %dma_wait3A_691] : memref<10240x64xf32, #tpu.memory_space<vmem_shared>> -> memref<40x64xf32, #tpu.memory_space<vmem_shared>>
          %dma_wait3A_693 = arith.constant 0 : i32
          %dma_wait3A_694 = arith.constant 0 : i32
          %dma_wait3A_695 = tpu.memref_slice %arg9[%dma_wait3A_693, %dma_wait3A_694] : memref<10240x64xf32, #tpu.memory_space<vmem_shared>> -> memref<40x64xf32, #tpu.memory_space<vmem_shared>>
          %dma_wait3A_696 = arith.constant 0 : i32
          %dma_wait3A_697 = arith.constant 0 : i32
          %dma_wait3A_698 = tpu.memref_slice %arg7[%dma_wait3A_685, %dma_wait3A_696, %dma_wait3A_697] : memref<10x40x64xf32, #tpu.memory_space<vmem>> -> memref<1x40x64xf32, #tpu.memory_space<vmem>>
          %dma_wait3A_699 = tpu.memref_squeeze %dma_wait3A_698 : memref<1x40x64xf32, #tpu.memory_space<vmem>> -> memref<40x64xf32, #tpu.memory_space<vmem>>
          tpu.wait_dma2 semaphore(%arg24 : memref<!tpu.dma_semaphore, #tpu.memory_space<semaphore_mem>>) src(%dma_wait3A_699 : memref<40x64xf32, #tpu.memory_space<vmem>>) dst(%dma_wait3A_695 : memref<40x64xf32, #tpu.memory_space<vmem_shared>>)
        } else {
        }
        %dma_start3A_674 = arith.constant 2 : i32
        %dma_start3A_675 = arith.constant 0 : i32
        %dma_start3A_676 = arith.constant 0 : i32
        %dma_start3A_677 = tpu.memref_slice %arg7[%dma_start3A_674, %dma_start3A_675, %dma_start3A_676] : memref<10x40x64xf32, #tpu.memory_space<vmem>> -> memref<1x40x64xf32, #tpu.memory_space<vmem>>
        %dma_start3A_678 = tpu.memref_squeeze %dma_start3A_677 : memref<1x40x64xf32, #tpu.memory_space<vmem>> -> memref<40x64xf32, #tpu.memory_space<vmem>>
        %dma_start3A_679 = arith.constant 0 : i32
        %dma_start3A_680 = tpu.memref_slice %arg5[%add3A_559, %dma_start3A_679] : memref<250x40xi32, #tpu.memory_space<vmem>> -> memref<1x40xi32, #tpu.memory_space<vmem>>
        %dma_start3A_681 = tpu.memref_squeeze %dma_start3A_680 : memref<1x40xi32, #tpu.memory_space<vmem>> -> memref<40xi32, #tpu.memory_space<vmem>>
        %dma_start3A_682 = arith.constant 0 : i32
        %dma_start3A_683 = arith.constant 0 : i32
        %dma_start3A_684 = tpu.memref_slice %arg2[%dma_start3A_682, %dma_start3A_683] : memref<10240x64xf32, #tpu.memory_space<hbm>> -> memref<10240x64xf32, #tpu.memory_space<hbm>>
        tpu.enqueue_indirect_dma source(%dma_start3A_684 : memref<10240x64xf32, #tpu.memory_space<hbm>>) target(%dma_start3A_678 : memref<40x64xf32, #tpu.memory_space<vmem>>) offsets(%dma_start3A_681 : memref<40xi32, #tpu.memory_space<vmem>>) semaphore(%arg14 : memref<!tpu.dma_semaphore, #tpu.memory_space<semaphore_mem>>)
      } else {
      }
      %add3A_565 = arith.constant 7 : i32
      %add3A_566 = arith.addi %mul3A_322, %add3A_565 : i32
      %dma_wait3A_567 = arith.constant 7 : i32
      %dma_wait3A_568 = arith.constant 0 : i32
      %dma_wait3A_569 = arith.constant 0 : i32
      %dma_wait3A_570 = tpu.memref_slice %arg7[%dma_wait3A_567, %dma_wait3A_568, %dma_wait3A_569] : memref<10x40x64xf32, #tpu.memory_space<vmem>> -> memref<1x40x64xf32, #tpu.memory_space<vmem>>
      %dma_wait3A_571 = tpu.memref_squeeze %dma_wait3A_570 : memref<1x40x64xf32, #tpu.memory_space<vmem>> -> memref<40x64xf32, #tpu.memory_space<vmem>>
      %dma_wait3A_572 = arith.constant 0 : i32
      %dma_wait3A_573 = arith.constant 0 : i32
      %dma_wait3A_574 = tpu.memref_slice %arg2[%dma_wait3A_572, %dma_wait3A_573] : memref<10240x64xf32, #tpu.memory_space<hbm>> -> memref<40x64xf32, #tpu.memory_space<hbm>>
      %dma_wait3A_575 = arith.constant 0 : i32
      %dma_wait3A_576 = arith.constant 0 : i32
      %dma_wait3A_577 = tpu.memref_slice %arg7[%dma_wait3A_567, %dma_wait3A_575, %dma_wait3A_576] : memref<10x40x64xf32, #tpu.memory_space<vmem>> -> memref<1x40x64xf32, #tpu.memory_space<vmem>>
      %dma_wait3A_578 = tpu.memref_squeeze %dma_wait3A_577 : memref<1x40x64xf32, #tpu.memory_space<vmem>> -> memref<40x64xf32, #tpu.memory_space<vmem>>
      %dma_wait3A_579 = arith.constant 0 : i32
      %dma_wait3A_580 = arith.constant 0 : i32
      %dma_wait3A_581 = tpu.memref_slice %arg2[%dma_wait3A_579, %dma_wait3A_580] : memref<10240x64xf32, #tpu.memory_space<hbm>> -> memref<40x64xf32, #tpu.memory_space<hbm>>
      tpu.wait_dma2 semaphore(%arg19 : memref<!tpu.dma_semaphore, #tpu.memory_space<semaphore_mem>>) src(%dma_wait3A_581 : memref<40x64xf32, #tpu.memory_space<hbm>>) dst(%dma_wait3A_578 : memref<40x64xf32, #tpu.memory_space<vmem>>)
      %dma_start3A_582 = arith.constant 7 : i32
      %dma_start3A_583 = arith.constant 0 : i32
      %dma_start3A_584 = arith.constant 0 : i32
      %dma_start3A_585 = tpu.memref_slice %arg7[%dma_start3A_582, %dma_start3A_583, %dma_start3A_584] : memref<10x40x64xf32, #tpu.memory_space<vmem>> -> memref<1x40x64xf32, #tpu.memory_space<vmem>>
      %dma_start3A_586 = tpu.memref_squeeze %dma_start3A_585 : memref<1x40x64xf32, #tpu.memory_space<vmem>> -> memref<40x64xf32, #tpu.memory_space<vmem>>
      %dma_start3A_587 = arith.constant 0 : i32
      %dma_start3A_588 = tpu.memref_slice %arg6[%add3A_566, %dma_start3A_587] : memref<250x40xi32, #tpu.memory_space<vmem>> -> memref<1x40xi32, #tpu.memory_space<vmem>>
      %dma_start3A_589 = tpu.memref_squeeze %dma_start3A_588 : memref<1x40xi32, #tpu.memory_space<vmem>> -> memref<40xi32, #tpu.memory_space<vmem>>
      %dma_start3A_590 = arith.constant 0 : i32
      %dma_start3A_591 = arith.constant 0 : i32
      %dma_start3A_592 = tpu.memref_slice %arg9[%dma_start3A_590, %dma_start3A_591] : memref<10240x64xf32, #tpu.memory_space<vmem_shared>> -> memref<10240x64xf32, #tpu.memory_space<vmem_shared>>
      tpu.enqueue_indirect_dma source(%dma_start3A_586 : memref<40x64xf32, #tpu.memory_space<vmem>>) target(%dma_start3A_592 : memref<10240x64xf32, #tpu.memory_space<vmem_shared>>) offsets(%dma_start3A_589 : memref<40xi32, #tpu.memory_space<vmem>>) semaphore(%arg29 : memref<!tpu.dma_semaphore, #tpu.memory_space<semaphore_mem>>) {add = true}
      %add3A_593 = arith.constant 6 : i32
      %add3A_594 = arith.addi %add3A_566, %add3A_593 : i32
      %lt3A_595 = arith.constant 250 : i32
      %lt3A_596 = arith.cmpi slt, %add3A_594, %lt3A_595 : i32
      %convert_element_type3A_597 = arith.extui %lt3A_596 : i1 to i32
      %cond3A_598 = arith.constant 0 : i32
      %cond3A_599 = arith.cmpi ne, %convert_element_type3A_597, %cond3A_598 : i32
      scf.if %cond3A_599 {
        %ge3A = arith.constant 10 : i32
        %ge3A_670 = arith.cmpi sge, %add3A_594, %ge3A : i32
        %convert_element_type3A_671 = arith.extui %ge3A_670 : i1 to i32
        %cond3A_672 = arith.constant 0 : i32
        %cond3A_673 = arith.cmpi ne, %convert_element_type3A_671, %cond3A_672 : i32
        scf.if %cond3A_673 {
          %dma_wait3A_685 = arith.constant 3 : i32
          %dma_wait3A_686 = arith.constant 0 : i32
          %dma_wait3A_687 = arith.constant 0 : i32
          %dma_wait3A_688 = tpu.memref_slice %arg7[%dma_wait3A_685, %dma_wait3A_686, %dma_wait3A_687] : memref<10x40x64xf32, #tpu.memory_space<vmem>> -> memref<1x40x64xf32, #tpu.memory_space<vmem>>
          %dma_wait3A_689 = tpu.memref_squeeze %dma_wait3A_688 : memref<1x40x64xf32, #tpu.memory_space<vmem>> -> memref<40x64xf32, #tpu.memory_space<vmem>>
          %dma_wait3A_690 = arith.constant 0 : i32
          %dma_wait3A_691 = arith.constant 0 : i32
          %dma_wait3A_692 = tpu.memref_slice %arg9[%dma_wait3A_690, %dma_wait3A_691] : memref<10240x64xf32, #tpu.memory_space<vmem_shared>> -> memref<40x64xf32, #tpu.memory_space<vmem_shared>>
          %dma_wait3A_693 = arith.constant 0 : i32
          %dma_wait3A_694 = arith.constant 0 : i32
          %dma_wait3A_695 = tpu.memref_slice %arg9[%dma_wait3A_693, %dma_wait3A_694] : memref<10240x64xf32, #tpu.memory_space<vmem_shared>> -> memref<40x64xf32, #tpu.memory_space<vmem_shared>>
          %dma_wait3A_696 = arith.constant 0 : i32
          %dma_wait3A_697 = arith.constant 0 : i32
          %dma_wait3A_698 = tpu.memref_slice %arg7[%dma_wait3A_685, %dma_wait3A_696, %dma_wait3A_697] : memref<10x40x64xf32, #tpu.memory_space<vmem>> -> memref<1x40x64xf32, #tpu.memory_space<vmem>>
          %dma_wait3A_699 = tpu.memref_squeeze %dma_wait3A_698 : memref<1x40x64xf32, #tpu.memory_space<vmem>> -> memref<40x64xf32, #tpu.memory_space<vmem>>
          tpu.wait_dma2 semaphore(%arg25 : memref<!tpu.dma_semaphore, #tpu.memory_space<semaphore_mem>>) src(%dma_wait3A_699 : memref<40x64xf32, #tpu.memory_space<vmem>>) dst(%dma_wait3A_695 : memref<40x64xf32, #tpu.memory_space<vmem_shared>>)
        } else {
        }
        %dma_start3A_674 = arith.constant 3 : i32
        %dma_start3A_675 = arith.constant 0 : i32
        %dma_start3A_676 = arith.constant 0 : i32
        %dma_start3A_677 = tpu.memref_slice %arg7[%dma_start3A_674, %dma_start3A_675, %dma_start3A_676] : memref<10x40x64xf32, #tpu.memory_space<vmem>> -> memref<1x40x64xf32, #tpu.memory_space<vmem>>
        %dma_start3A_678 = tpu.memref_squeeze %dma_start3A_677 : memref<1x40x64xf32, #tpu.memory_space<vmem>> -> memref<40x64xf32, #tpu.memory_space<vmem>>
        %dma_start3A_679 = arith.constant 0 : i32
        %dma_start3A_680 = tpu.memref_slice %arg5[%add3A_594, %dma_start3A_679] : memref<250x40xi32, #tpu.memory_space<vmem>> -> memref<1x40xi32, #tpu.memory_space<vmem>>
        %dma_start3A_681 = tpu.memref_squeeze %dma_start3A_680 : memref<1x40xi32, #tpu.memory_space<vmem>> -> memref<40xi32, #tpu.memory_space<vmem>>
        %dma_start3A_682 = arith.constant 0 : i32
        %dma_start3A_683 = arith.constant 0 : i32
        %dma_start3A_684 = tpu.memref_slice %arg2[%dma_start3A_682, %dma_start3A_683] : memref<10240x64xf32, #tpu.memory_space<hbm>> -> memref<10240x64xf32, #tpu.memory_space<hbm>>
        tpu.enqueue_indirect_dma source(%dma_start3A_684 : memref<10240x64xf32, #tpu.memory_space<hbm>>) target(%dma_start3A_678 : memref<40x64xf32, #tpu.memory_space<vmem>>) offsets(%dma_start3A_681 : memref<40xi32, #tpu.memory_space<vmem>>) semaphore(%arg15 : memref<!tpu.dma_semaphore, #tpu.memory_space<semaphore_mem>>)
      } else {
      }
      %add3A_600 = arith.constant 8 : i32
      %add3A_601 = arith.addi %mul3A_322, %add3A_600 : i32
      %dma_wait3A_602 = arith.constant 8 : i32
      %dma_wait3A_603 = arith.constant 0 : i32
      %dma_wait3A_604 = arith.constant 0 : i32
      %dma_wait3A_605 = tpu.memref_slice %arg7[%dma_wait3A_602, %dma_wait3A_603, %dma_wait3A_604] : memref<10x40x64xf32, #tpu.memory_space<vmem>> -> memref<1x40x64xf32, #tpu.memory_space<vmem>>
      %dma_wait3A_606 = tpu.memref_squeeze %dma_wait3A_605 : memref<1x40x64xf32, #tpu.memory_space<vmem>> -> memref<40x64xf32, #tpu.memory_space<vmem>>
      %dma_wait3A_607 = arith.constant 0 : i32
      %dma_wait3A_608 = arith.constant 0 : i32
      %dma_wait3A_609 = tpu.memref_slice %arg2[%dma_wait3A_607, %dma_wait3A_608] : memref<10240x64xf32, #tpu.memory_space<hbm>> -> memref<40x64xf32, #tpu.memory_space<hbm>>
      %dma_wait3A_610 = arith.constant 0 : i32
      %dma_wait3A_611 = arith.constant 0 : i32
      %dma_wait3A_612 = tpu.memref_slice %arg7[%dma_wait3A_602, %dma_wait3A_610, %dma_wait3A_611] : memref<10x40x64xf32, #tpu.memory_space<vmem>> -> memref<1x40x64xf32, #tpu.memory_space<vmem>>
      %dma_wait3A_613 = tpu.memref_squeeze %dma_wait3A_612 : memref<1x40x64xf32, #tpu.memory_space<vmem>> -> memref<40x64xf32, #tpu.memory_space<vmem>>
      %dma_wait3A_614 = arith.constant 0 : i32
      %dma_wait3A_615 = arith.constant 0 : i32
      %dma_wait3A_616 = tpu.memref_slice %arg2[%dma_wait3A_614, %dma_wait3A_615] : memref<10240x64xf32, #tpu.memory_space<hbm>> -> memref<40x64xf32, #tpu.memory_space<hbm>>
      tpu.wait_dma2 semaphore(%arg20 : memref<!tpu.dma_semaphore, #tpu.memory_space<semaphore_mem>>) src(%dma_wait3A_616 : memref<40x64xf32, #tpu.memory_space<hbm>>) dst(%dma_wait3A_613 : memref<40x64xf32, #tpu.memory_space<vmem>>)
      %dma_start3A_617 = arith.constant 8 : i32
      %dma_start3A_618 = arith.constant 0 : i32
      %dma_start3A_619 = arith.constant 0 : i32
      %dma_start3A_620 = tpu.memref_slice %arg7[%dma_start3A_617, %dma_start3A_618, %dma_start3A_619] : memref<10x40x64xf32, #tpu.memory_space<vmem>> -> memref<1x40x64xf32, #tpu.memory_space<vmem>>
      %dma_start3A_621 = tpu.memref_squeeze %dma_start3A_620 : memref<1x40x64xf32, #tpu.memory_space<vmem>> -> memref<40x64xf32, #tpu.memory_space<vmem>>
      %dma_start3A_622 = arith.constant 0 : i32
      %dma_start3A_623 = tpu.memref_slice %arg6[%add3A_601, %dma_start3A_622] : memref<250x40xi32, #tpu.memory_space<vmem>> -> memref<1x40xi32, #tpu.memory_space<vmem>>
      %dma_start3A_624 = tpu.memref_squeeze %dma_start3A_623 : memref<1x40xi32, #tpu.memory_space<vmem>> -> memref<40xi32, #tpu.memory_space<vmem>>
      %dma_start3A_625 = arith.constant 0 : i32
      %dma_start3A_626 = arith.constant 0 : i32
      %dma_start3A_627 = tpu.memref_slice %arg9[%dma_start3A_625, %dma_start3A_626] : memref<10240x64xf32, #tpu.memory_space<vmem_shared>> -> memref<10240x64xf32, #tpu.memory_space<vmem_shared>>
      tpu.enqueue_indirect_dma source(%dma_start3A_621 : memref<40x64xf32, #tpu.memory_space<vmem>>) target(%dma_start3A_627 : memref<10240x64xf32, #tpu.memory_space<vmem_shared>>) offsets(%dma_start3A_624 : memref<40xi32, #tpu.memory_space<vmem>>) semaphore(%arg30 : memref<!tpu.dma_semaphore, #tpu.memory_space<semaphore_mem>>) {add = true}
      %add3A_628 = arith.constant 6 : i32
      %add3A_629 = arith.addi %add3A_601, %add3A_628 : i32
      %lt3A_630 = arith.constant 250 : i32
      %lt3A_631 = arith.cmpi slt, %add3A_629, %lt3A_630 : i32
      %convert_element_type3A_632 = arith.extui %lt3A_631 : i1 to i32
      %cond3A_633 = arith.constant 0 : i32
      %cond3A_634 = arith.cmpi ne, %convert_element_type3A_632, %cond3A_633 : i32
      scf.if %cond3A_634 {
        %ge3A = arith.constant 10 : i32
        %ge3A_670 = arith.cmpi sge, %add3A_629, %ge3A : i32
        %convert_element_type3A_671 = arith.extui %ge3A_670 : i1 to i32
        %cond3A_672 = arith.constant 0 : i32
        %cond3A_673 = arith.cmpi ne, %convert_element_type3A_671, %cond3A_672 : i32
        scf.if %cond3A_673 {
          %dma_wait3A_685 = arith.constant 4 : i32
          %dma_wait3A_686 = arith.constant 0 : i32
          %dma_wait3A_687 = arith.constant 0 : i32
          %dma_wait3A_688 = tpu.memref_slice %arg7[%dma_wait3A_685, %dma_wait3A_686, %dma_wait3A_687] : memref<10x40x64xf32, #tpu.memory_space<vmem>> -> memref<1x40x64xf32, #tpu.memory_space<vmem>>
          %dma_wait3A_689 = tpu.memref_squeeze %dma_wait3A_688 : memref<1x40x64xf32, #tpu.memory_space<vmem>> -> memref<40x64xf32, #tpu.memory_space<vmem>>
          %dma_wait3A_690 = arith.constant 0 : i32
          %dma_wait3A_691 = arith.constant 0 : i32
          %dma_wait3A_692 = tpu.memref_slice %arg9[%dma_wait3A_690, %dma_wait3A_691] : memref<10240x64xf32, #tpu.memory_space<vmem_shared>> -> memref<40x64xf32, #tpu.memory_space<vmem_shared>>
          %dma_wait3A_693 = arith.constant 0 : i32
          %dma_wait3A_694 = arith.constant 0 : i32
          %dma_wait3A_695 = tpu.memref_slice %arg9[%dma_wait3A_693, %dma_wait3A_694] : memref<10240x64xf32, #tpu.memory_space<vmem_shared>> -> memref<40x64xf32, #tpu.memory_space<vmem_shared>>
          %dma_wait3A_696 = arith.constant 0 : i32
          %dma_wait3A_697 = arith.constant 0 : i32
          %dma_wait3A_698 = tpu.memref_slice %arg7[%dma_wait3A_685, %dma_wait3A_696, %dma_wait3A_697] : memref<10x40x64xf32, #tpu.memory_space<vmem>> -> memref<1x40x64xf32, #tpu.memory_space<vmem>>
          %dma_wait3A_699 = tpu.memref_squeeze %dma_wait3A_698 : memref<1x40x64xf32, #tpu.memory_space<vmem>> -> memref<40x64xf32, #tpu.memory_space<vmem>>
          tpu.wait_dma2 semaphore(%arg26 : memref<!tpu.dma_semaphore, #tpu.memory_space<semaphore_mem>>) src(%dma_wait3A_699 : memref<40x64xf32, #tpu.memory_space<vmem>>) dst(%dma_wait3A_695 : memref<40x64xf32, #tpu.memory_space<vmem_shared>>)
        } else {
        }
        %dma_start3A_674 = arith.constant 4 : i32
        %dma_start3A_675 = arith.constant 0 : i32
        %dma_start3A_676 = arith.constant 0 : i32
        %dma_start3A_677 = tpu.memref_slice %arg7[%dma_start3A_674, %dma_start3A_675, %dma_start3A_676] : memref<10x40x64xf32, #tpu.memory_space<vmem>> -> memref<1x40x64xf32, #tpu.memory_space<vmem>>
        %dma_start3A_678 = tpu.memref_squeeze %dma_start3A_677 : memref<1x40x64xf32, #tpu.memory_space<vmem>> -> memref<40x64xf32, #tpu.memory_space<vmem>>
        %dma_start3A_679 = arith.constant 0 : i32
        %dma_start3A_680 = tpu.memref_slice %arg5[%add3A_629, %dma_start3A_679] : memref<250x40xi32, #tpu.memory_space<vmem>> -> memref<1x40xi32, #tpu.memory_space<vmem>>
        %dma_start3A_681 = tpu.memref_squeeze %dma_start3A_680 : memref<1x40xi32, #tpu.memory_space<vmem>> -> memref<40xi32, #tpu.memory_space<vmem>>
        %dma_start3A_682 = arith.constant 0 : i32
        %dma_start3A_683 = arith.constant 0 : i32
        %dma_start3A_684 = tpu.memref_slice %arg2[%dma_start3A_682, %dma_start3A_683] : memref<10240x64xf32, #tpu.memory_space<hbm>> -> memref<10240x64xf32, #tpu.memory_space<hbm>>
        tpu.enqueue_indirect_dma source(%dma_start3A_684 : memref<10240x64xf32, #tpu.memory_space<hbm>>) target(%dma_start3A_678 : memref<40x64xf32, #tpu.memory_space<vmem>>) offsets(%dma_start3A_681 : memref<40xi32, #tpu.memory_space<vmem>>) semaphore(%arg16 : memref<!tpu.dma_semaphore, #tpu.memory_space<semaphore_mem>>)
      } else {
      }
      %add3A_635 = arith.constant 9 : i32
      %add3A_636 = arith.addi %mul3A_322, %add3A_635 : i32
      %dma_wait3A_637 = arith.constant 9 : i32
      %dma_wait3A_638 = arith.constant 0 : i32
      %dma_wait3A_639 = arith.constant 0 : i32
      %dma_wait3A_640 = tpu.memref_slice %arg7[%dma_wait3A_637, %dma_wait3A_638, %dma_wait3A_639] : memref<10x40x64xf32, #tpu.memory_space<vmem>> -> memref<1x40x64xf32, #tpu.memory_space<vmem>>
      %dma_wait3A_641 = tpu.memref_squeeze %dma_wait3A_640 : memref<1x40x64xf32, #tpu.memory_space<vmem>> -> memref<40x64xf32, #tpu.memory_space<vmem>>
      %dma_wait3A_642 = arith.constant 0 : i32
      %dma_wait3A_643 = arith.constant 0 : i32
      %dma_wait3A_644 = tpu.memref_slice %arg2[%dma_wait3A_642, %dma_wait3A_643] : memref<10240x64xf32, #tpu.memory_space<hbm>> -> memref<40x64xf32, #tpu.memory_space<hbm>>
      %dma_wait3A_645 = arith.constant 0 : i32
      %dma_wait3A_646 = arith.constant 0 : i32
      %dma_wait3A_647 = tpu.memref_slice %arg7[%dma_wait3A_637, %dma_wait3A_645, %dma_wait3A_646] : memref<10x40x64xf32, #tpu.memory_space<vmem>> -> memref<1x40x64xf32, #tpu.memory_space<vmem>>
      %dma_wait3A_648 = tpu.memref_squeeze %dma_wait3A_647 : memref<1x40x64xf32, #tpu.memory_space<vmem>> -> memref<40x64xf32, #tpu.memory_space<vmem>>
      %dma_wait3A_649 = arith.constant 0 : i32
      %dma_wait3A_650 = arith.constant 0 : i32
      %dma_wait3A_651 = tpu.memref_slice %arg2[%dma_wait3A_649, %dma_wait3A_650] : memref<10240x64xf32, #tpu.memory_space<hbm>> -> memref<40x64xf32, #tpu.memory_space<hbm>>
      tpu.wait_dma2 semaphore(%arg21 : memref<!tpu.dma_semaphore, #tpu.memory_space<semaphore_mem>>) src(%dma_wait3A_651 : memref<40x64xf32, #tpu.memory_space<hbm>>) dst(%dma_wait3A_648 : memref<40x64xf32, #tpu.memory_space<vmem>>)
      %dma_start3A_652 = arith.constant 9 : i32
      %dma_start3A_653 = arith.constant 0 : i32
      %dma_start3A_654 = arith.constant 0 : i32
      %dma_start3A_655 = tpu.memref_slice %arg7[%dma_start3A_652, %dma_start3A_653, %dma_start3A_654] : memref<10x40x64xf32, #tpu.memory_space<vmem>> -> memref<1x40x64xf32, #tpu.memory_space<vmem>>
      %dma_start3A_656 = tpu.memref_squeeze %dma_start3A_655 : memref<1x40x64xf32, #tpu.memory_space<vmem>> -> memref<40x64xf32, #tpu.memory_space<vmem>>
      %dma_start3A_657 = arith.constant 0 : i32
      %dma_start3A_658 = tpu.memref_slice %arg6[%add3A_636, %dma_start3A_657] : memref<250x40xi32, #tpu.memory_space<vmem>> -> memref<1x40xi32, #tpu.memory_space<vmem>>
      %dma_start3A_659 = tpu.memref_squeeze %dma_start3A_658 : memref<1x40xi32, #tpu.memory_space<vmem>> -> memref<40xi32, #tpu.memory_space<vmem>>
      %dma_start3A_660 = arith.constant 0 : i32
      %dma_start3A_661 = arith.constant 0 : i32
      %dma_start3A_662 = tpu.memref_slice %arg9[%dma_start3A_660, %dma_start3A_661] : memref<10240x64xf32, #tpu.memory_space<vmem_shared>> -> memref<10240x64xf32, #tpu.memory_space<vmem_shared>>
      tpu.enqueue_indirect_dma source(%dma_start3A_656 : memref<40x64xf32, #tpu.memory_space<vmem>>) target(%dma_start3A_662 : memref<10240x64xf32, #tpu.memory_space<vmem_shared>>) offsets(%dma_start3A_659 : memref<40xi32, #tpu.memory_space<vmem>>) semaphore(%arg31 : memref<!tpu.dma_semaphore, #tpu.memory_space<semaphore_mem>>) {add = true}
      %add3A_663 = arith.constant 6 : i32
      %add3A_664 = arith.addi %add3A_636, %add3A_663 : i32
      %lt3A_665 = arith.constant 250 : i32
      %lt3A_666 = arith.cmpi slt, %add3A_664, %lt3A_665 : i32
      %convert_element_type3A_667 = arith.extui %lt3A_666 : i1 to i32
      %cond3A_668 = arith.constant 0 : i32
      %cond3A_669 = arith.cmpi ne, %convert_element_type3A_667, %cond3A_668 : i32
      scf.if %cond3A_669 {
        %ge3A = arith.constant 10 : i32
        %ge3A_670 = arith.cmpi sge, %add3A_664, %ge3A : i32
        %convert_element_type3A_671 = arith.extui %ge3A_670 : i1 to i32
        %cond3A_672 = arith.constant 0 : i32
        %cond3A_673 = arith.cmpi ne, %convert_element_type3A_671, %cond3A_672 : i32
        scf.if %cond3A_673 {
          %dma_wait3A_685 = arith.constant 5 : i32
          %dma_wait3A_686 = arith.constant 0 : i32
          %dma_wait3A_687 = arith.constant 0 : i32
          %dma_wait3A_688 = tpu.memref_slice %arg7[%dma_wait3A_685, %dma_wait3A_686, %dma_wait3A_687] : memref<10x40x64xf32, #tpu.memory_space<vmem>> -> memref<1x40x64xf32, #tpu.memory_space<vmem>>
          %dma_wait3A_689 = tpu.memref_squeeze %dma_wait3A_688 : memref<1x40x64xf32, #tpu.memory_space<vmem>> -> memref<40x64xf32, #tpu.memory_space<vmem>>
          %dma_wait3A_690 = arith.constant 0 : i32
          %dma_wait3A_691 = arith.constant 0 : i32
          %dma_wait3A_692 = tpu.memref_slice %arg9[%dma_wait3A_690, %dma_wait3A_691] : memref<10240x64xf32, #tpu.memory_space<vmem_shared>> -> memref<40x64xf32, #tpu.memory_space<vmem_shared>>
          %dma_wait3A_693 = arith.constant 0 : i32
          %dma_wait3A_694 = arith.constant 0 : i32
          %dma_wait3A_695 = tpu.memref_slice %arg9[%dma_wait3A_693, %dma_wait3A_694] : memref<10240x64xf32, #tpu.memory_space<vmem_shared>> -> memref<40x64xf32, #tpu.memory_space<vmem_shared>>
          %dma_wait3A_696 = arith.constant 0 : i32
          %dma_wait3A_697 = arith.constant 0 : i32
          %dma_wait3A_698 = tpu.memref_slice %arg7[%dma_wait3A_685, %dma_wait3A_696, %dma_wait3A_697] : memref<10x40x64xf32, #tpu.memory_space<vmem>> -> memref<1x40x64xf32, #tpu.memory_space<vmem>>
          %dma_wait3A_699 = tpu.memref_squeeze %dma_wait3A_698 : memref<1x40x64xf32, #tpu.memory_space<vmem>> -> memref<40x64xf32, #tpu.memory_space<vmem>>
          tpu.wait_dma2 semaphore(%arg27 : memref<!tpu.dma_semaphore, #tpu.memory_space<semaphore_mem>>) src(%dma_wait3A_699 : memref<40x64xf32, #tpu.memory_space<vmem>>) dst(%dma_wait3A_695 : memref<40x64xf32, #tpu.memory_space<vmem_shared>>)
        } else {
        }
        %dma_start3A_674 = arith.constant 5 : i32
        %dma_start3A_675 = arith.constant 0 : i32
        %dma_start3A_676 = arith.constant 0 : i32
        %dma_start3A_677 = tpu.memref_slice %arg7[%dma_start3A_674, %dma_start3A_675, %dma_start3A_676] : memref<10x40x64xf32, #tpu.memory_space<vmem>> -> memref<1x40x64xf32, #tpu.memory_space<vmem>>
        %dma_start3A_678 = tpu.memref_squeeze %dma_start3A_677 : memref<1x40x64xf32, #tpu.memory_space<vmem>> -> memref<40x64xf32, #tpu.memory_space<vmem>>
        %dma_start3A_679 = arith.constant 0 : i32
        %dma_start3A_680 = tpu.memref_slice %arg5[%add3A_664, %dma_start3A_679] : memref<250x40xi32, #tpu.memory_space<vmem>> -> memref<1x40xi32, #tpu.memory_space<vmem>>
        %dma_start3A_681 = tpu.memref_squeeze %dma_start3A_680 : memref<1x40xi32, #tpu.memory_space<vmem>> -> memref<40xi32, #tpu.memory_space<vmem>>
        %dma_start3A_682 = arith.constant 0 : i32
        %dma_start3A_683 = arith.constant 0 : i32
        %dma_start3A_684 = tpu.memref_slice %arg2[%dma_start3A_682, %dma_start3A_683] : memref<10240x64xf32, #tpu.memory_space<hbm>> -> memref<10240x64xf32, #tpu.memory_space<hbm>>
        tpu.enqueue_indirect_dma source(%dma_start3A_684 : memref<10240x64xf32, #tpu.memory_space<hbm>>) target(%dma_start3A_678 : memref<40x64xf32, #tpu.memory_space<vmem>>) offsets(%dma_start3A_681 : memref<40xi32, #tpu.memory_space<vmem>>) semaphore(%arg17 : memref<!tpu.dma_semaphore, #tpu.memory_space<semaphore_mem>>)
      } else {
      }
    }
    %scan3A_162 = arith.constant 25 : i32
    %dma_wait3A_163 = arith.constant 0 : i32
    %dma_wait3A_164 = arith.constant 0 : i32
    %dma_wait3A_165 = arith.constant 0 : i32
    %dma_wait3A_166 = tpu.memref_slice %arg7[%dma_wait3A_163, %dma_wait3A_164, %dma_wait3A_165] : memref<10x40x64xf32, #tpu.memory_space<vmem>> -> memref<1x40x64xf32, #tpu.memory_space<vmem>>
    %dma_wait3A_167 = tpu.memref_squeeze %dma_wait3A_166 : memref<1x40x64xf32, #tpu.memory_space<vmem>> -> memref<40x64xf32, #tpu.memory_space<vmem>>
    %dma_wait3A_168 = arith.constant 0 : i32
    %dma_wait3A_169 = arith.constant 0 : i32
    %dma_wait3A_170 = tpu.memref_slice %arg9[%dma_wait3A_168, %dma_wait3A_169] : memref<10240x64xf32, #tpu.memory_space<vmem_shared>> -> memref<40x64xf32, #tpu.memory_space<vmem_shared>>
    %dma_wait3A_171 = arith.constant 0 : i32
    %dma_wait3A_172 = arith.constant 0 : i32
    %dma_wait3A_173 = tpu.memref_slice %arg9[%dma_wait3A_171, %dma_wait3A_172] : memref<10240x64xf32, #tpu.memory_space<vmem_shared>> -> memref<40x64xf32, #tpu.memory_space<vmem_shared>>
    %dma_wait3A_174 = arith.constant 0 : i32
    %dma_wait3A_175 = arith.constant 0 : i32
    %dma_wait3A_176 = tpu.memref_slice %arg7[%dma_wait3A_163, %dma_wait3A_174, %dma_wait3A_175] : memref<10x40x64xf32, #tpu.memory_space<vmem>> -> memref<1x40x64xf32, #tpu.memory_space<vmem>>
    %dma_wait3A_177 = tpu.memref_squeeze %dma_wait3A_176 : memref<1x40x64xf32, #tpu.memory_space<vmem>> -> memref<40x64xf32, #tpu.memory_space<vmem>>
    tpu.wait_dma2 semaphore(%arg22 : memref<!tpu.dma_semaphore, #tpu.memory_space<semaphore_mem>>) src(%dma_wait3A_177 : memref<40x64xf32, #tpu.memory_space<vmem>>) dst(%dma_wait3A_173 : memref<40x64xf32, #tpu.memory_space<vmem_shared>>)
    %dma_wait3A_178 = arith.constant 1 : i32
    %dma_wait3A_179 = arith.constant 0 : i32
    %dma_wait3A_180 = arith.constant 0 : i32
    %dma_wait3A_181 = tpu.memref_slice %arg7[%dma_wait3A_178, %dma_wait3A_179, %dma_wait3A_180] : memref<10x40x64xf32, #tpu.memory_space<vmem>> -> memref<1x40x64xf32, #tpu.memory_space<vmem>>
    %dma_wait3A_182 = tpu.memref_squeeze %dma_wait3A_181 : memref<1x40x64xf32, #tpu.memory_space<vmem>> -> memref<40x64xf32, #tpu.memory_space<vmem>>
    %dma_wait3A_183 = arith.constant 0 : i32
    %dma_wait3A_184 = arith.constant 0 : i32
    %dma_wait3A_185 = tpu.memref_slice %arg9[%dma_wait3A_183, %dma_wait3A_184] : memref<10240x64xf32, #tpu.memory_space<vmem_shared>> -> memref<40x64xf32, #tpu.memory_space<vmem_shared>>
    %dma_wait3A_186 = arith.constant 0 : i32
    %dma_wait3A_187 = arith.constant 0 : i32
    %dma_wait3A_188 = tpu.memref_slice %arg9[%dma_wait3A_186, %dma_wait3A_187] : memref<10240x64xf32, #tpu.memory_space<vmem_shared>> -> memref<40x64xf32, #tpu.memory_space<vmem_shared>>
    %dma_wait3A_189 = arith.constant 0 : i32
    %dma_wait3A_190 = arith.constant 0 : i32
    %dma_wait3A_191 = tpu.memref_slice %arg7[%dma_wait3A_178, %dma_wait3A_189, %dma_wait3A_190] : memref<10x40x64xf32, #tpu.memory_space<vmem>> -> memref<1x40x64xf32, #tpu.memory_space<vmem>>
    %dma_wait3A_192 = tpu.memref_squeeze %dma_wait3A_191 : memref<1x40x64xf32, #tpu.memory_space<vmem>> -> memref<40x64xf32, #tpu.memory_space<vmem>>
    tpu.wait_dma2 semaphore(%arg23 : memref<!tpu.dma_semaphore, #tpu.memory_space<semaphore_mem>>) src(%dma_wait3A_192 : memref<40x64xf32, #tpu.memory_space<vmem>>) dst(%dma_wait3A_188 : memref<40x64xf32, #tpu.memory_space<vmem_shared>>)
    %dma_wait3A_193 = arith.constant 2 : i32
    %dma_wait3A_194 = arith.constant 0 : i32
    %dma_wait3A_195 = arith.constant 0 : i32
    %dma_wait3A_196 = tpu.memref_slice %arg7[%dma_wait3A_193, %dma_wait3A_194, %dma_wait3A_195] : memref<10x40x64xf32, #tpu.memory_space<vmem>> -> memref<1x40x64xf32, #tpu.memory_space<vmem>>
    %dma_wait3A_197 = tpu.memref_squeeze %dma_wait3A_196 : memref<1x40x64xf32, #tpu.memory_space<vmem>> -> memref<40x64xf32, #tpu.memory_space<vmem>>
    %dma_wait3A_198 = arith.constant 0 : i32
    %dma_wait3A_199 = arith.constant 0 : i32
    %dma_wait3A_200 = tpu.memref_slice %arg9[%dma_wait3A_198, %dma_wait3A_199] : memref<10240x64xf32, #tpu.memory_space<vmem_shared>> -> memref<40x64xf32, #tpu.memory_space<vmem_shared>>
    %dma_wait3A_201 = arith.constant 0 : i32
    %dma_wait3A_202 = arith.constant 0 : i32
    %dma_wait3A_203 = tpu.memref_slice %arg9[%dma_wait3A_201, %dma_wait3A_202] : memref<10240x64xf32, #tpu.memory_space<vmem_shared>> -> memref<40x64xf32, #tpu.memory_space<vmem_shared>>
    %dma_wait3A_204 = arith.constant 0 : i32
    %dma_wait3A_205 = arith.constant 0 : i32
    %dma_wait3A_206 = tpu.memref_slice %arg7[%dma_wait3A_193, %dma_wait3A_204, %dma_wait3A_205] : memref<10x40x64xf32, #tpu.memory_space<vmem>> -> memref<1x40x64xf32, #tpu.memory_space<vmem>>
    %dma_wait3A_207 = tpu.memref_squeeze %dma_wait3A_206 : memref<1x40x64xf32, #tpu.memory_space<vmem>> -> memref<40x64xf32, #tpu.memory_space<vmem>>
    tpu.wait_dma2 semaphore(%arg24 : memref<!tpu.dma_semaphore, #tpu.memory_space<semaphore_mem>>) src(%dma_wait3A_207 : memref<40x64xf32, #tpu.memory_space<vmem>>) dst(%dma_wait3A_203 : memref<40x64xf32, #tpu.memory_space<vmem_shared>>)
    %dma_wait3A_208 = arith.constant 3 : i32
    %dma_wait3A_209 = arith.constant 0 : i32
    %dma_wait3A_210 = arith.constant 0 : i32
    %dma_wait3A_211 = tpu.memref_slice %arg7[%dma_wait3A_208, %dma_wait3A_209, %dma_wait3A_210] : memref<10x40x64xf32, #tpu.memory_space<vmem>> -> memref<1x40x64xf32, #tpu.memory_space<vmem>>
    %dma_wait3A_212 = tpu.memref_squeeze %dma_wait3A_211 : memref<1x40x64xf32, #tpu.memory_space<vmem>> -> memref<40x64xf32, #tpu.memory_space<vmem>>
    %dma_wait3A_213 = arith.constant 0 : i32
    %dma_wait3A_214 = arith.constant 0 : i32
    %dma_wait3A_215 = tpu.memref_slice %arg9[%dma_wait3A_213, %dma_wait3A_214] : memref<10240x64xf32, #tpu.memory_space<vmem_shared>> -> memref<40x64xf32, #tpu.memory_space<vmem_shared>>
    %dma_wait3A_216 = arith.constant 0 : i32
    %dma_wait3A_217 = arith.constant 0 : i32
    %dma_wait3A_218 = tpu.memref_slice %arg9[%dma_wait3A_216, %dma_wait3A_217] : memref<10240x64xf32, #tpu.memory_space<vmem_shared>> -> memref<40x64xf32, #tpu.memory_space<vmem_shared>>
    %dma_wait3A_219 = arith.constant 0 : i32
    %dma_wait3A_220 = arith.constant 0 : i32
    %dma_wait3A_221 = tpu.memref_slice %arg7[%dma_wait3A_208, %dma_wait3A_219, %dma_wait3A_220] : memref<10x40x64xf32, #tpu.memory_space<vmem>> -> memref<1x40x64xf32, #tpu.memory_space<vmem>>
    %dma_wait3A_222 = tpu.memref_squeeze %dma_wait3A_221 : memref<1x40x64xf32, #tpu.memory_space<vmem>> -> memref<40x64xf32, #tpu.memory_space<vmem>>
    tpu.wait_dma2 semaphore(%arg25 : memref<!tpu.dma_semaphore, #tpu.memory_space<semaphore_mem>>) src(%dma_wait3A_222 : memref<40x64xf32, #tpu.memory_space<vmem>>) dst(%dma_wait3A_218 : memref<40x64xf32, #tpu.memory_space<vmem_shared>>)
    %dma_wait3A_223 = arith.constant 4 : i32
    %dma_wait3A_224 = arith.constant 0 : i32
    %dma_wait3A_225 = arith.constant 0 : i32
    %dma_wait3A_226 = tpu.memref_slice %arg7[%dma_wait3A_223, %dma_wait3A_224, %dma_wait3A_225] : memref<10x40x64xf32, #tpu.memory_space<vmem>> -> memref<1x40x64xf32, #tpu.memory_space<vmem>>
    %dma_wait3A_227 = tpu.memref_squeeze %dma_wait3A_226 : memref<1x40x64xf32, #tpu.memory_space<vmem>> -> memref<40x64xf32, #tpu.memory_space<vmem>>
    %dma_wait3A_228 = arith.constant 0 : i32
    %dma_wait3A_229 = arith.constant 0 : i32
    %dma_wait3A_230 = tpu.memref_slice %arg9[%dma_wait3A_228, %dma_wait3A_229] : memref<10240x64xf32, #tpu.memory_space<vmem_shared>> -> memref<40x64xf32, #tpu.memory_space<vmem_shared>>
    %dma_wait3A_231 = arith.constant 0 : i32
    %dma_wait3A_232 = arith.constant 0 : i32
    %dma_wait3A_233 = tpu.memref_slice %arg9[%dma_wait3A_231, %dma_wait3A_232] : memref<10240x64xf32, #tpu.memory_space<vmem_shared>> -> memref<40x64xf32, #tpu.memory_space<vmem_shared>>
    %dma_wait3A_234 = arith.constant 0 : i32
    %dma_wait3A_235 = arith.constant 0 : i32
    %dma_wait3A_236 = tpu.memref_slice %arg7[%dma_wait3A_223, %dma_wait3A_234, %dma_wait3A_235] : memref<10x40x64xf32, #tpu.memory_space<vmem>> -> memref<1x40x64xf32, #tpu.memory_space<vmem>>
    %dma_wait3A_237 = tpu.memref_squeeze %dma_wait3A_236 : memref<1x40x64xf32, #tpu.memory_space<vmem>> -> memref<40x64xf32, #tpu.memory_space<vmem>>
    tpu.wait_dma2 semaphore(%arg26 : memref<!tpu.dma_semaphore, #tpu.memory_space<semaphore_mem>>) src(%dma_wait3A_237 : memref<40x64xf32, #tpu.memory_space<vmem>>) dst(%dma_wait3A_233 : memref<40x64xf32, #tpu.memory_space<vmem_shared>>)
    %dma_wait3A_238 = arith.constant 5 : i32
    %dma_wait3A_239 = arith.constant 0 : i32
    %dma_wait3A_240 = arith.constant 0 : i32
    %dma_wait3A_241 = tpu.memref_slice %arg7[%dma_wait3A_238, %dma_wait3A_239, %dma_wait3A_240] : memref<10x40x64xf32, #tpu.memory_space<vmem>> -> memref<1x40x64xf32, #tpu.memory_space<vmem>>
    %dma_wait3A_242 = tpu.memref_squeeze %dma_wait3A_241 : memref<1x40x64xf32, #tpu.memory_space<vmem>> -> memref<40x64xf32, #tpu.memory_space<vmem>>
    %dma_wait3A_243 = arith.constant 0 : i32
    %dma_wait3A_244 = arith.constant 0 : i32
    %dma_wait3A_245 = tpu.memref_slice %arg9[%dma_wait3A_243, %dma_wait3A_244] : memref<10240x64xf32, #tpu.memory_space<vmem_shared>> -> memref<40x64xf32, #tpu.memory_space<vmem_shared>>
    %dma_wait3A_246 = arith.constant 0 : i32
    %dma_wait3A_247 = arith.constant 0 : i32
    %dma_wait3A_248 = tpu.memref_slice %arg9[%dma_wait3A_246, %dma_wait3A_247] : memref<10240x64xf32, #tpu.memory_space<vmem_shared>> -> memref<40x64xf32, #tpu.memory_space<vmem_shared>>
    %dma_wait3A_249 = arith.constant 0 : i32
    %dma_wait3A_250 = arith.constant 0 : i32
    %dma_wait3A_251 = tpu.memref_slice %arg7[%dma_wait3A_238, %dma_wait3A_249, %dma_wait3A_250] : memref<10x40x64xf32, #tpu.memory_space<vmem>> -> memref<1x40x64xf32, #tpu.memory_space<vmem>>
    %dma_wait3A_252 = tpu.memref_squeeze %dma_wait3A_251 : memref<1x40x64xf32, #tpu.memory_space<vmem>> -> memref<40x64xf32, #tpu.memory_space<vmem>>
    tpu.wait_dma2 semaphore(%arg27 : memref<!tpu.dma_semaphore, #tpu.memory_space<semaphore_mem>>) src(%dma_wait3A_252 : memref<40x64xf32, #tpu.memory_space<vmem>>) dst(%dma_wait3A_248 : memref<40x64xf32, #tpu.memory_space<vmem_shared>>)
    %dma_wait3A_253 = arith.constant 6 : i32
    %dma_wait3A_254 = arith.constant 0 : i32
    %dma_wait3A_255 = arith.constant 0 : i32
    %dma_wait3A_256 = tpu.memref_slice %arg7[%dma_wait3A_253, %dma_wait3A_254, %dma_wait3A_255] : memref<10x40x64xf32, #tpu.memory_space<vmem>> -> memref<1x40x64xf32, #tpu.memory_space<vmem>>
    %dma_wait3A_257 = tpu.memref_squeeze %dma_wait3A_256 : memref<1x40x64xf32, #tpu.memory_space<vmem>> -> memref<40x64xf32, #tpu.memory_space<vmem>>
    %dma_wait3A_258 = arith.constant 0 : i32
    %dma_wait3A_259 = arith.constant 0 : i32
    %dma_wait3A_260 = tpu.memref_slice %arg9[%dma_wait3A_258, %dma_wait3A_259] : memref<10240x64xf32, #tpu.memory_space<vmem_shared>> -> memref<40x64xf32, #tpu.memory_space<vmem_shared>>
    %dma_wait3A_261 = arith.constant 0 : i32
    %dma_wait3A_262 = arith.constant 0 : i32
    %dma_wait3A_263 = tpu.memref_slice %arg9[%dma_wait3A_261, %dma_wait3A_262] : memref<10240x64xf32, #tpu.memory_space<vmem_shared>> -> memref<40x64xf32, #tpu.memory_space<vmem_shared>>
    %dma_wait3A_264 = arith.constant 0 : i32
    %dma_wait3A_265 = arith.constant 0 : i32
    %dma_wait3A_266 = tpu.memref_slice %arg7[%dma_wait3A_253, %dma_wait3A_264, %dma_wait3A_265] : memref<10x40x64xf32, #tpu.memory_space<vmem>> -> memref<1x40x64xf32, #tpu.memory_space<vmem>>
    %dma_wait3A_267 = tpu.memref_squeeze %dma_wait3A_266 : memref<1x40x64xf32, #tpu.memory_space<vmem>> -> memref<40x64xf32, #tpu.memory_space<vmem>>
    tpu.wait_dma2 semaphore(%arg28 : memref<!tpu.dma_semaphore, #tpu.memory_space<semaphore_mem>>) src(%dma_wait3A_267 : memref<40x64xf32, #tpu.memory_space<vmem>>) dst(%dma_wait3A_263 : memref<40x64xf32, #tpu.memory_space<vmem_shared>>)
    %dma_wait3A_268 = arith.constant 7 : i32
    %dma_wait3A_269 = arith.constant 0 : i32
    %dma_wait3A_270 = arith.constant 0 : i32
    %dma_wait3A_271 = tpu.memref_slice %arg7[%dma_wait3A_268, %dma_wait3A_269, %dma_wait3A_270] : memref<10x40x64xf32, #tpu.memory_space<vmem>> -> memref<1x40x64xf32, #tpu.memory_space<vmem>>
    %dma_wait3A_272 = tpu.memref_squeeze %dma_wait3A_271 : memref<1x40x64xf32, #tpu.memory_space<vmem>> -> memref<40x64xf32, #tpu.memory_space<vmem>>
    %dma_wait3A_273 = arith.constant 0 : i32
    %dma_wait3A_274 = arith.constant 0 : i32
    %dma_wait3A_275 = tpu.memref_slice %arg9[%dma_wait3A_273, %dma_wait3A_274] : memref<10240x64xf32, #tpu.memory_space<vmem_shared>> -> memref<40x64xf32, #tpu.memory_space<vmem_shared>>
    %dma_wait3A_276 = arith.constant 0 : i32
    %dma_wait3A_277 = arith.constant 0 : i32
    %dma_wait3A_278 = tpu.memref_slice %arg9[%dma_wait3A_276, %dma_wait3A_277] : memref<10240x64xf32, #tpu.memory_space<vmem_shared>> -> memref<40x64xf32, #tpu.memory_space<vmem_shared>>
    %dma_wait3A_279 = arith.constant 0 : i32
    %dma_wait3A_280 = arith.constant 0 : i32
    %dma_wait3A_281 = tpu.memref_slice %arg7[%dma_wait3A_268, %dma_wait3A_279, %dma_wait3A_280] : memref<10x40x64xf32, #tpu.memory_space<vmem>> -> memref<1x40x64xf32, #tpu.memory_space<vmem>>
    %dma_wait3A_282 = tpu.memref_squeeze %dma_wait3A_281 : memref<1x40x64xf32, #tpu.memory_space<vmem>> -> memref<40x64xf32, #tpu.memory_space<vmem>>
    tpu.wait_dma2 semaphore(%arg29 : memref<!tpu.dma_semaphore, #tpu.memory_space<semaphore_mem>>) src(%dma_wait3A_282 : memref<40x64xf32, #tpu.memory_space<vmem>>) dst(%dma_wait3A_278 : memref<40x64xf32, #tpu.memory_space<vmem_shared>>)
    %dma_wait3A_283 = arith.constant 8 : i32
    %dma_wait3A_284 = arith.constant 0 : i32
    %dma_wait3A_285 = arith.constant 0 : i32
    %dma_wait3A_286 = tpu.memref_slice %arg7[%dma_wait3A_283, %dma_wait3A_284, %dma_wait3A_285] : memref<10x40x64xf32, #tpu.memory_space<vmem>> -> memref<1x40x64xf32, #tpu.memory_space<vmem>>
    %dma_wait3A_287 = tpu.memref_squeeze %dma_wait3A_286 : memref<1x40x64xf32, #tpu.memory_space<vmem>> -> memref<40x64xf32, #tpu.memory_space<vmem>>
    %dma_wait3A_288 = arith.constant 0 : i32
    %dma_wait3A_289 = arith.constant 0 : i32
    %dma_wait3A_290 = tpu.memref_slice %arg9[%dma_wait3A_288, %dma_wait3A_289] : memref<10240x64xf32, #tpu.memory_space<vmem_shared>> -> memref<40x64xf32, #tpu.memory_space<vmem_shared>>
    %dma_wait3A_291 = arith.constant 0 : i32
    %dma_wait3A_292 = arith.constant 0 : i32
    %dma_wait3A_293 = tpu.memref_slice %arg9[%dma_wait3A_291, %dma_wait3A_292] : memref<10240x64xf32, #tpu.memory_space<vmem_shared>> -> memref<40x64xf32, #tpu.memory_space<vmem_shared>>
    %dma_wait3A_294 = arith.constant 0 : i32
    %dma_wait3A_295 = arith.constant 0 : i32
    %dma_wait3A_296 = tpu.memref_slice %arg7[%dma_wait3A_283, %dma_wait3A_294, %dma_wait3A_295] : memref<10x40x64xf32, #tpu.memory_space<vmem>> -> memref<1x40x64xf32, #tpu.memory_space<vmem>>
    %dma_wait3A_297 = tpu.memref_squeeze %dma_wait3A_296 : memref<1x40x64xf32, #tpu.memory_space<vmem>> -> memref<40x64xf32, #tpu.memory_space<vmem>>
    tpu.wait_dma2 semaphore(%arg30 : memref<!tpu.dma_semaphore, #tpu.memory_space<semaphore_mem>>) src(%dma_wait3A_297 : memref<40x64xf32, #tpu.memory_space<vmem>>) dst(%dma_wait3A_293 : memref<40x64xf32, #tpu.memory_space<vmem_shared>>)
    %dma_wait3A_298 = arith.constant 9 : i32
    %dma_wait3A_299 = arith.constant 0 : i32
    %dma_wait3A_300 = arith.constant 0 : i32
    %dma_wait3A_301 = tpu.memref_slice %arg7[%dma_wait3A_298, %dma_wait3A_299, %dma_wait3A_300] : memref<10x40x64xf32, #tpu.memory_space<vmem>> -> memref<1x40x64xf32, #tpu.memory_space<vmem>>
    %dma_wait3A_302 = tpu.memref_squeeze %dma_wait3A_301 : memref<1x40x64xf32, #tpu.memory_space<vmem>> -> memref<40x64xf32, #tpu.memory_space<vmem>>
    %dma_wait3A_303 = arith.constant 0 : i32
    %dma_wait3A_304 = arith.constant 0 : i32
    %dma_wait3A_305 = tpu.memref_slice %arg9[%dma_wait3A_303, %dma_wait3A_304] : memref<10240x64xf32, #tpu.memory_space<vmem_shared>> -> memref<40x64xf32, #tpu.memory_space<vmem_shared>>
    %dma_wait3A_306 = arith.constant 0 : i32
    %dma_wait3A_307 = arith.constant 0 : i32
    %dma_wait3A_308 = tpu.memref_slice %arg9[%dma_wait3A_306, %dma_wait3A_307] : memref<10240x64xf32, #tpu.memory_space<vmem_shared>> -> memref<40x64xf32, #tpu.memory_space<vmem_shared>>
    %dma_wait3A_309 = arith.constant 0 : i32
    %dma_wait3A_310 = arith.constant 0 : i32
    %dma_wait3A_311 = tpu.memref_slice %arg7[%dma_wait3A_298, %dma_wait3A_309, %dma_wait3A_310] : memref<10x40x64xf32, #tpu.memory_space<vmem>> -> memref<1x40x64xf32, #tpu.memory_space<vmem>>
    %dma_wait3A_312 = tpu.memref_squeeze %dma_wait3A_311 : memref<1x40x64xf32, #tpu.memory_space<vmem>> -> memref<40x64xf32, #tpu.memory_space<vmem>>
    tpu.wait_dma2 semaphore(%arg31 : memref<!tpu.dma_semaphore, #tpu.memory_space<semaphore_mem>>) src(%dma_wait3A_312 : memref<40x64xf32, #tpu.memory_space<vmem>>) dst(%dma_wait3A_308 : memref<40x64xf32, #tpu.memory_space<vmem_shared>>)
    %barrier3A_313 = arith.constant 0 : index
    tpu.barrier barrier_id(%barrier3A_313)
    %mul3A_314 = arith.constant 640 : i32
    %mul3A_315 = arith.muli %arg1, %mul3A_314 : i32
    %mul3A_316 = arith.constant 640 : i32
    %mul3A_317 = arith.muli %arg1, %mul3A_316 : i32
    %mul3A_318 = arith.constant 64 : i32
    %mul3A_319 = arith.muli %arg0, %mul3A_318 : i32
    "tpu.region"() ({
      %run_scoped3A = tpu.sem_alloc : memref<!tpu.dma_semaphore, #tpu.memory_space<semaphore_mem>>
      %dma_start3A_320 = tpu.memref_slice %arg4[%mul3A_317, %mul3A_319] : memref<10240x128xf32, #tpu.memory_space<hbm>> -> memref<640x64xf32, #tpu.memory_space<hbm>>
      %dma_start3A_321 = arith.constant 0 : i32
      %dma_start3A_322 = tpu.memref_slice %arg9[%mul3A_315, %dma_start3A_321] : memref<10240x64xf32, #tpu.memory_space<vmem_shared>> -> memref<640x64xf32, #tpu.memory_space<vmem_shared>>
      tpu.enqueue_dma source(%dma_start3A_322 : memref<640x64xf32, #tpu.memory_space<vmem_shared>>) target(%dma_start3A_320 : memref<640x64xf32, #tpu.memory_space<hbm>>) target_semaphore(%run_scoped3A : memref<!tpu.dma_semaphore, #tpu.memory_space<semaphore_mem>>)
      %dma_wait3A_323 = tpu.memref_slice %arg4[%mul3A_317, %mul3A_319] : memref<10240x128xf32, #tpu.memory_space<hbm>> -> memref<640x64xf32, #tpu.memory_space<hbm>>
      %dma_wait3A_324 = arith.constant 0 : i32
      %dma_wait3A_325 = tpu.memref_slice %arg9[%mul3A_315, %dma_wait3A_324] : memref<10240x64xf32, #tpu.memory_space<vmem_shared>> -> memref<640x64xf32, #tpu.memory_space<vmem_shared>>
      tpu.wait_dma2 semaphore(%run_scoped3A : memref<!tpu.dma_semaphore, #tpu.memory_space<semaphore_mem>>) src(%dma_wait3A_325 : memref<640x64xf32, #tpu.memory_space<vmem_shared>>) dst(%dma_wait3A_323 : memref<640x64xf32, #tpu.memory_space<hbm>>)
      tpu.yield
    }) : () -> ()
    return
  }
}

module attributes {stable_mosaic.version = 14 : i64} {
  func.func @body(%arg0: i32, %arg1: memref<2000x128xf32, #tpu.memory_space<vmem>>, %arg2: memref<128x128xf32, #tpu.memory_space<vmem>>, %arg3: memref<2000x1xf32, #tpu.memory_space<vmem>>, %arg4: memref<2000x128xf32, #tpu.memory_space<vmem>>) attributes {dimension_semantics = [#tpu.dimension_semantics<arbitrary>], iteration_bounds = array<i64: 5>, scalar_prefetch = 0 : i64, scratch_operands = 0 : i64, tpu.core_type = #tpu.core_type<tc>, window_params = [{transform_indices = @transform_0, window_bounds = array<i64: 2000, 128>}, {pipeline_mode = #tpu.pipeline_mode<synchronous>, transform_indices = @transform_1, window_bounds = array<i64: 128, 128>}, {transform_indices = @transform_2, window_bounds = array<i64: 2000, 1>}, {transform_indices = @transform_3, window_bounds = array<i64: 2000, 128>}]} {
    %get3A = arith.constant 0 : index
    %get3A_0 = arith.constant 0 : index
    %get3A_1 = vector.load %arg1[%get3A, %get3A_0] : memref<2000x128xf32, #tpu.memory_space<vmem>>, vector<2000x128xf32>
    %get3A_2 = arith.constant 0 : index
    %get3A_3 = arith.constant 0 : index
    %get3A_4 = vector.load %arg2[%get3A_2, %get3A_3] : memref<128x128xf32, #tpu.memory_space<vmem>>, vector<128x128xf32>
    %dot_general3A = arith.constant dense<0.000000e+00> : vector<2000x128xf32>
    %dot_general3A_5 = tpu.matmul %get3A_1, %get3A_4, %dot_general3A {dimension_numbers = #tpu.dot_dimension_numbers<[1], [0], [0], [1], [0, 0, 1, 1], [], []>, transpose_lhs_hint = false} : vector<2000x128xf32>, vector<128x128xf32>, vector<2000x128xf32> -> vector<2000x128xf32>
    %get3A_6 = arith.constant 0 : index
    %get3A_7 = arith.constant 0 : index
    %get3A_8 = vector.load %arg3[%get3A_6, %get3A_7] : memref<2000x1xf32, #tpu.memory_space<vmem>>, vector<2000x1xf32>
    %mul3A = vector.broadcast %get3A_8 : vector<2000x1xf32> to vector<2000x128xf32>
    %mul3A_9 = arith.mulf %dot_general3A_5, %mul3A : vector<2000x128xf32>
    %swap3A = arith.constant 0 : index
    %swap3A_10 = arith.constant 0 : index
    %swap3A_11 = vector.load %arg4[%swap3A, %swap3A_10] : memref<2000x128xf32, #tpu.memory_space<vmem>>, vector<2000x128xf32>
    tpu.vector_store %arg4[%swap3A, %swap3A_10], %mul3A_9 {strides = array<i32>} : memref<2000x128xf32, #tpu.memory_space<vmem>>, vector<2000x128xf32>,
    return
  }
  func.func @transform_0(%arg0: i32) -> (i32, i32) {
    %c0_i32 = arith.constant 0 : i32
    %c0_i32_0 = arith.constant 0 : i32
    return %arg0, %c0_i32 : i32, i32
  }
  func.func @transform_1(%arg0: i32) -> (i32, i32) {
    %c0_i32 = arith.constant 0 : i32
    %c0_i32_0 = arith.constant 0 : i32
    %c0_i32_1 = arith.constant 0 : i32
    return %c0_i32, %c0_i32_0 : i32, i32
  }
  func.func @transform_2(%arg0: i32) -> (i32, i32) {
    %c0_i32 = arith.constant 0 : i32
    %c0_i32_0 = arith.constant 0 : i32
    return %arg0, %c0_i32 : i32, i32
  }
  func.func @transform_3(%arg0: i32) -> (i32, i32) {
    %c0_i32 = arith.constant 0 : i32
    %c0_i32_0 = arith.constant 0 : i32
    return %arg0, %c0_i32 : i32, i32
  }
}

module attributes {stable_mosaic.version = 14 : i64} {
  func.func @body(%arg0: memref<32x10240xf32, #tpu.memory_space<vmem>>, %arg1: memref<1x10240xf32, #tpu.memory_space<vmem>>) attributes {dimension_semantics = [], scalar_prefetch = 0 : i64, scratch_operands = 0 : i64, tpu.core_type = #tpu.core_type<tc>} {
    %get3A = arith.constant 0 : index
    %get3A_0 = arith.constant 0 : index
    %get3A_1 = vector.load %arg0[%get3A, %get3A_0] : memref<32x10240xf32, #tpu.memory_space<vmem>>, vector<32x10240xf32>
    %reduce_sum3A = arith.constant dense<0.000000e+00> : vector<10240xf32>
    %reduce_sum3A_2 = vector.multi_reduction <add>, %get3A_1, %reduce_sum3A [0] : vector<32x10240xf32> to vector<10240xf32>
    %broadcast_in_dim3A = vector.shape_cast %reduce_sum3A_2 : vector<10240xf32> to vector<1x10240xf32>
    %add3A = arith.constant 1.000000e+00 : f32
    %add3A_3 = vector.broadcast %add3A : f32 to vector<1x10240xf32>
    %add3A_4 = arith.addf %broadcast_in_dim3A, %add3A_3 : vector<1x10240xf32>
    %rsqrt3A = math.rsqrt %add3A_4 : vector<1x10240xf32>
    %swap3A = arith.constant 0 : index
    %swap3A_5 = arith.constant 0 : index
    %swap3A_6 = vector.load %arg1[%swap3A, %swap3A_5] : memref<1x10240xf32, #tpu.memory_space<vmem>>, vector<1x10240xf32>
    tpu.vector_store %arg1[%swap3A, %swap3A_5], %rsqrt3A {strides = array<i32>} : memref<1x10240xf32, #tpu.memory_space<vmem>>, vector<1x10240xf32>,
    return
  }
}

module attributes {stable_mosaic.version = 14 : i64} {
  func.func @body(%arg0: i32, %arg1: memref<2048x128xf32, #tpu.memory_space<vmem>>, %arg2: memref<2048x64xf32, #tpu.memory_space<vmem>>, %arg3: memref<2048x1xf32, #tpu.memory_space<vmem>>, %arg4: memref<1x64xf32, #tpu.memory_space<vmem>>, %arg5: memref<64x64xf32, #tpu.memory_space<vmem>>, %arg6: memref<2048x64xf32, #tpu.memory_space<vmem>>) attributes {dimension_semantics = [#tpu.dimension_semantics<arbitrary>], iteration_bounds = array<i64: 5>, scalar_prefetch = 0 : i64, scratch_operands = 0 : i64, tpu.core_type = #tpu.core_type<tc>, window_params = [{transform_indices = @transform_0, window_bounds = array<i64: 2048, 128>}, {transform_indices = @transform_1, window_bounds = array<i64: 2048, 64>}, {transform_indices = @transform_2, window_bounds = array<i64: 2048, 1>}, {pipeline_mode = #tpu.pipeline_mode<synchronous>, transform_indices = @transform_3, window_bounds = array<i64: 1, 64>}, {pipeline_mode = #tpu.pipeline_mode<synchronous>, transform_indices = @transform_4, window_bounds = array<i64: 64, 64>}, {transform_indices = @transform_5, window_bounds = array<i64: 2048, 64>}]} {
    %get3A = arith.constant 0 : index
    %get3A_0 = arith.constant 0 : index
    %get3A_1 = vector.load %arg1[%get3A, %get3A_0] : memref<2048x128xf32, #tpu.memory_space<vmem>>, vector<2048x128xf32>
    %slice3A = vector.extract_strided_slice %get3A_1 {offsets = [0, 0], sizes = [2048, 64], strides = [1, 1]} : vector<2048x128xf32> to vector<2048x64xf32>
    %slice3A_2 = vector.extract_strided_slice %get3A_1 {offsets = [0, 64], sizes = [2048, 64], strides = [1, 1]} : vector<2048x128xf32> to vector<2048x64xf32>
    %add3A = arith.addf %slice3A, %slice3A_2 : vector<2048x64xf32>
    %get3A_3 = arith.constant 0 : index
    %get3A_4 = arith.constant 0 : index
    %get3A_5 = vector.load %arg2[%get3A_3, %get3A_4] : memref<2048x64xf32, #tpu.memory_space<vmem>>, vector<2048x64xf32>
    %add3A_6 = arith.addf %add3A, %get3A_5 : vector<2048x64xf32>
    %get3A_7 = arith.constant 0 : index
    %get3A_8 = arith.constant 0 : index
    %get3A_9 = vector.load %arg3[%get3A_7, %get3A_8] : memref<2048x1xf32, #tpu.memory_space<vmem>>, vector<2048x1xf32>
    %mul3A = vector.broadcast %get3A_9 : vector<2048x1xf32> to vector<2048x64xf32>
    %mul3A_10 = arith.mulf %add3A_6, %mul3A : vector<2048x64xf32>
    %get3A_11 = arith.constant 0 : index
    %get3A_12 = arith.constant 0 : index
    %get3A_13 = vector.load %arg4[%get3A_11, %get3A_12] : memref<1x64xf32, #tpu.memory_space<vmem>>, vector<1x64xf32>
    %add3A_14 = vector.broadcast %get3A_13 : vector<1x64xf32> to vector<2048x64xf32>
    %add3A_15 = arith.addf %mul3A_10, %add3A_14 : vector<2048x64xf32>
    %tanh3A = math.tanh %add3A_15 : vector<2048x64xf32>
    %get3A_16 = arith.constant 0 : index
    %get3A_17 = arith.constant 0 : index
    %get3A_18 = vector.load %arg5[%get3A_16, %get3A_17] : memref<64x64xf32, #tpu.memory_space<vmem>>, vector<64x64xf32>
    %dot_general3A = arith.constant dense<0.000000e+00> : vector<2048x64xf32>
    %dot_general3A_19 = tpu.matmul %tanh3A, %get3A_18, %dot_general3A {dimension_numbers = #tpu.dot_dimension_numbers<[1], [0], [0], [1], [0, 0, 1, 1], [], []>, transpose_lhs_hint = false} : vector<2048x64xf32>, vector<64x64xf32>, vector<2048x64xf32> -> vector<2048x64xf32>
    %get3A_20 = arith.constant 0 : index
    %get3A_21 = arith.constant 0 : index
    %get3A_22 = vector.load %arg3[%get3A_20, %get3A_21] : memref<2048x1xf32, #tpu.memory_space<vmem>>, vector<2048x1xf32>
    %mul3A_23 = vector.broadcast %get3A_22 : vector<2048x1xf32> to vector<2048x64xf32>
    %mul3A_24 = arith.mulf %dot_general3A_19, %mul3A_23 : vector<2048x64xf32>
    %swap3A = arith.constant 0 : index
    %swap3A_25 = arith.constant 0 : index
    %swap3A_26 = vector.load %arg6[%swap3A, %swap3A_25] : memref<2048x64xf32, #tpu.memory_space<vmem>>, vector<2048x64xf32>
    tpu.vector_store %arg6[%swap3A, %swap3A_25], %mul3A_24 {strides = array<i32>} : memref<2048x64xf32, #tpu.memory_space<vmem>>, vector<2048x64xf32>,
    return
  }
  func.func @transform_0(%arg0: i32) -> (i32, i32) {
    %c0_i32 = arith.constant 0 : i32
    %c0_i32_0 = arith.constant 0 : i32
    return %arg0, %c0_i32 : i32, i32
  }
  func.func @transform_1(%arg0: i32) -> (i32, i32) {
    %c0_i32 = arith.constant 0 : i32
    %c0_i32_0 = arith.constant 0 : i32
    return %arg0, %c0_i32 : i32, i32
  }
  func.func @transform_2(%arg0: i32) -> (i32, i32) {
    %c0_i32 = arith.constant 0 : i32
    %c0_i32_0 = arith.constant 0 : i32
    return %arg0, %c0_i32 : i32, i32
  }
  func.func @transform_3(%arg0: i32) -> (i32, i32) {
    %c0_i32 = arith.constant 0 : i32
    %c0_i32_0 = arith.constant 0 : i32
    %c0_i32_1 = arith.constant 0 : i32
    return %c0_i32, %c0_i32_0 : i32, i32
  }
  func.func @transform_4(%arg0: i32) -> (i32, i32) {
    %c0_i32 = arith.constant 0 : i32
    %c0_i32_0 = arith.constant 0 : i32
    %c0_i32_1 = arith.constant 0 : i32
    return %c0_i32, %c0_i32_0 : i32, i32
  }
  func.func @transform_5(%arg0: i32) -> (i32, i32) {
    %c0_i32 = arith.constant 0 : i32
    %c0_i32_0 = arith.constant 0 : i32
    return %arg0, %c0_i32 : i32, i32
  }
}

module attributes {stable_mosaic.version = 14 : i64} {
  func.func @body(%arg0: i32, %arg1: memref<2048x128xf32, #tpu.memory_space<vmem>>, %arg2: memref<2048x128xf32, #tpu.memory_space<vmem>>, %arg3: memref<2048x128xf32, #tpu.memory_space<vmem>>, %arg4: memref<2048x1xf32, #tpu.memory_space<vmem>>, %arg5: memref<1x128xf32, #tpu.memory_space<vmem>>, %arg6: memref<128x64xf32, #tpu.memory_space<vmem>>, %arg7: memref<2048x64xf32, #tpu.memory_space<vmem>>) attributes {dimension_semantics = [#tpu.dimension_semantics<arbitrary>], iteration_bounds = array<i64: 5>, scalar_prefetch = 0 : i64, scratch_operands = 0 : i64, tpu.core_type = #tpu.core_type<tc>, window_params = [{transform_indices = @transform_0, window_bounds = array<i64: 2048, 128>}, {transform_indices = @transform_1, window_bounds = array<i64: 2048, 128>}, {transform_indices = @transform_2, window_bounds = array<i64: 2048, 128>}, {transform_indices = @transform_3, window_bounds = array<i64: 2048, 1>}, {pipeline_mode = #tpu.pipeline_mode<synchronous>, transform_indices = @transform_4, window_bounds = array<i64: 1, 128>}, {pipeline_mode = #tpu.pipeline_mode<synchronous>, transform_indices = @transform_5, window_bounds = array<i64: 128, 64>}, {transform_indices = @transform_6, window_bounds = array<i64: 2048, 64>}]} {
    %get3A = arith.constant 0 : index
    %get3A_0 = arith.constant 0 : index
    %get3A_1 = vector.load %arg1[%get3A, %get3A_0] : memref<2048x128xf32, #tpu.memory_space<vmem>>, vector<2048x128xf32>
    %get3A_2 = arith.constant 0 : index
    %get3A_3 = arith.constant 0 : index
    %get3A_4 = vector.load %arg2[%get3A_2, %get3A_3] : memref<2048x128xf32, #tpu.memory_space<vmem>>, vector<2048x128xf32>
    %add3A = arith.addf %get3A_1, %get3A_4 : vector<2048x128xf32>
    %get3A_5 = arith.constant 0 : index
    %get3A_6 = arith.constant 0 : index
    %get3A_7 = vector.load %arg3[%get3A_5, %get3A_6] : memref<2048x128xf32, #tpu.memory_space<vmem>>, vector<2048x128xf32>
    %add3A_8 = arith.addf %add3A, %get3A_7 : vector<2048x128xf32>
    %get3A_9 = arith.constant 0 : index
    %get3A_10 = arith.constant 0 : index
    %get3A_11 = vector.load %arg4[%get3A_9, %get3A_10] : memref<2048x1xf32, #tpu.memory_space<vmem>>, vector<2048x1xf32>
    %mul3A = vector.broadcast %get3A_11 : vector<2048x1xf32> to vector<2048x128xf32>
    %mul3A_12 = arith.mulf %add3A_8, %mul3A : vector<2048x128xf32>
    %get3A_13 = arith.constant 0 : index
    %get3A_14 = arith.constant 0 : index
    %get3A_15 = vector.load %arg5[%get3A_13, %get3A_14] : memref<1x128xf32, #tpu.memory_space<vmem>>, vector<1x128xf32>
    %add3A_16 = vector.broadcast %get3A_15 : vector<1x128xf32> to vector<2048x128xf32>
    %add3A_17 = arith.addf %mul3A_12, %add3A_16 : vector<2048x128xf32>
    %tanh3A = math.tanh %add3A_17 : vector<2048x128xf32>
    %get3A_18 = arith.constant 0 : index
    %get3A_19 = arith.constant 0 : index
    %get3A_20 = vector.load %arg6[%get3A_18, %get3A_19] : memref<128x64xf32, #tpu.memory_space<vmem>>, vector<128x64xf32>
    %dot_general3A = arith.constant dense<0.000000e+00> : vector<2048x64xf32>
    %dot_general3A_21 = tpu.matmul %tanh3A, %get3A_20, %dot_general3A {dimension_numbers = #tpu.dot_dimension_numbers<[1], [0], [0], [1], [0, 0, 1, 1], [], []>, transpose_lhs_hint = false} : vector<2048x128xf32>, vector<128x64xf32>, vector<2048x64xf32> -> vector<2048x64xf32>
    %get3A_22 = arith.constant 0 : index
    %get3A_23 = arith.constant 0 : index
    %get3A_24 = vector.load %arg4[%get3A_22, %get3A_23] : memref<2048x1xf32, #tpu.memory_space<vmem>>, vector<2048x1xf32>
    %mul3A_25 = vector.broadcast %get3A_24 : vector<2048x1xf32> to vector<2048x64xf32>
    %mul3A_26 = arith.mulf %dot_general3A_21, %mul3A_25 : vector<2048x64xf32>
    %swap3A = arith.constant 0 : index
    %swap3A_27 = arith.constant 0 : index
    %swap3A_28 = vector.load %arg7[%swap3A, %swap3A_27] : memref<2048x64xf32, #tpu.memory_space<vmem>>, vector<2048x64xf32>
    tpu.vector_store %arg7[%swap3A, %swap3A_27], %mul3A_26 {strides = array<i32>} : memref<2048x64xf32, #tpu.memory_space<vmem>>, vector<2048x64xf32>,
    return
  }
  func.func @transform_0(%arg0: i32) -> (i32, i32) {
    %c0_i32 = arith.constant 0 : i32
    %c0_i32_0 = arith.constant 0 : i32
    return %arg0, %c0_i32 : i32, i32
  }
  func.func @transform_1(%arg0: i32) -> (i32, i32) {
    %add3A = arith.constant 5 : i32
    %add3A_0 = arith.addi %add3A, %arg0 : i32
    %c0_i32 = arith.constant 0 : i32
    %c0_i32_1 = arith.constant 0 : i32
    return %add3A_0, %c0_i32 : i32, i32
  }
  func.func @transform_2(%arg0: i32) -> (i32, i32) {
    %c0_i32 = arith.constant 0 : i32
    %c0_i32_0 = arith.constant 0 : i32
    return %arg0, %c0_i32 : i32, i32
  }
  func.func @transform_3(%arg0: i32) -> (i32, i32) {
    %c0_i32 = arith.constant 0 : i32
    %c0_i32_0 = arith.constant 0 : i32
    return %arg0, %c0_i32 : i32, i32
  }
  func.func @transform_4(%arg0: i32) -> (i32, i32) {
    %c0_i32 = arith.constant 0 : i32
    %c0_i32_0 = arith.constant 0 : i32
    %c0_i32_1 = arith.constant 0 : i32
    return %c0_i32, %c0_i32_0 : i32, i32
  }
  func.func @transform_5(%arg0: i32) -> (i32, i32) {
    %c0_i32 = arith.constant 0 : i32
    %c0_i32_0 = arith.constant 0 : i32
    %c0_i32_1 = arith.constant 0 : i32
    return %c0_i32, %c0_i32_0 : i32, i32
  }
  func.func @transform_6(%arg0: i32) -> (i32, i32) {
    %c0_i32 = arith.constant 0 : i32
    %c0_i32_0 = arith.constant 0 : i32
    return %arg0, %c0_i32 : i32, i32
  }
}

module attributes {stable_mosaic.version = 14 : i64} {
  func.func @body(%arg0: i32, %arg1: memref<2048x128xf32, #tpu.memory_space<vmem>>, %arg2: memref<2048x64xf32, #tpu.memory_space<vmem>>, %arg3: memref<2048x1xf32, #tpu.memory_space<vmem>>, %arg4: memref<1x64xf32, #tpu.memory_space<vmem>>, %arg5: memref<2048x64xf32, #tpu.memory_space<vmem>>) attributes {dimension_semantics = [#tpu.dimension_semantics<arbitrary>], iteration_bounds = array<i64: 5>, scalar_prefetch = 0 : i64, scratch_operands = 0 : i64, tpu.core_type = #tpu.core_type<tc>, window_params = [{transform_indices = @transform_0, window_bounds = array<i64: 2048, 128>}, {transform_indices = @transform_1, window_bounds = array<i64: 2048, 64>}, {transform_indices = @transform_2, window_bounds = array<i64: 2048, 1>}, {pipeline_mode = #tpu.pipeline_mode<synchronous>, transform_indices = @transform_3, window_bounds = array<i64: 1, 64>}, {transform_indices = @transform_4, window_bounds = array<i64: 2048, 64>}]} {
    %get3A = arith.constant 0 : index
    %get3A_0 = arith.constant 0 : index
    %get3A_1 = vector.load %arg1[%get3A, %get3A_0] : memref<2048x128xf32, #tpu.memory_space<vmem>>, vector<2048x128xf32>
    %slice3A = vector.extract_strided_slice %get3A_1 {offsets = [0, 0], sizes = [2048, 64], strides = [1, 1]} : vector<2048x128xf32> to vector<2048x64xf32>
    %slice3A_2 = vector.extract_strided_slice %get3A_1 {offsets = [0, 64], sizes = [2048, 64], strides = [1, 1]} : vector<2048x128xf32> to vector<2048x64xf32>
    %add3A = arith.addf %slice3A, %slice3A_2 : vector<2048x64xf32>
    %get3A_3 = arith.constant 0 : index
    %get3A_4 = arith.constant 0 : index
    %get3A_5 = vector.load %arg2[%get3A_3, %get3A_4] : memref<2048x64xf32, #tpu.memory_space<vmem>>, vector<2048x64xf32>
    %add3A_6 = arith.addf %add3A, %get3A_5 : vector<2048x64xf32>
    %get3A_7 = arith.constant 0 : index
    %get3A_8 = arith.constant 0 : index
    %get3A_9 = vector.load %arg3[%get3A_7, %get3A_8] : memref<2048x1xf32, #tpu.memory_space<vmem>>, vector<2048x1xf32>
    %mul3A = vector.broadcast %get3A_9 : vector<2048x1xf32> to vector<2048x64xf32>
    %mul3A_10 = arith.mulf %add3A_6, %mul3A : vector<2048x64xf32>
    %get3A_11 = arith.constant 0 : index
    %get3A_12 = arith.constant 0 : index
    %get3A_13 = vector.load %arg4[%get3A_11, %get3A_12] : memref<1x64xf32, #tpu.memory_space<vmem>>, vector<1x64xf32>
    %add3A_14 = vector.broadcast %get3A_13 : vector<1x64xf32> to vector<2048x64xf32>
    %add3A_15 = arith.addf %mul3A_10, %add3A_14 : vector<2048x64xf32>
    %tanh3A = math.tanh %add3A_15 : vector<2048x64xf32>
    %swap3A = arith.constant 0 : index
    %swap3A_16 = arith.constant 0 : index
    %swap3A_17 = vector.load %arg5[%swap3A, %swap3A_16] : memref<2048x64xf32, #tpu.memory_space<vmem>>, vector<2048x64xf32>
    tpu.vector_store %arg5[%swap3A, %swap3A_16], %tanh3A {strides = array<i32>} : memref<2048x64xf32, #tpu.memory_space<vmem>>, vector<2048x64xf32>,
    return
  }
  func.func @transform_0(%arg0: i32) -> (i32, i32) {
    %c0_i32 = arith.constant 0 : i32
    %c0_i32_0 = arith.constant 0 : i32
    return %arg0, %c0_i32 : i32, i32
  }
  func.func @transform_1(%arg0: i32) -> (i32, i32) {
    %c0_i32 = arith.constant 0 : i32
    %c0_i32_0 = arith.constant 0 : i32
    return %arg0, %c0_i32 : i32, i32
  }
  func.func @transform_2(%arg0: i32) -> (i32, i32) {
    %c0_i32 = arith.constant 0 : i32
    %c0_i32_0 = arith.constant 0 : i32
    return %arg0, %c0_i32 : i32, i32
  }
  func.func @transform_3(%arg0: i32) -> (i32, i32) {
    %c0_i32 = arith.constant 0 : i32
    %c0_i32_0 = arith.constant 0 : i32
    %c0_i32_1 = arith.constant 0 : i32
    return %c0_i32, %c0_i32_0 : i32, i32
  }
  func.func @transform_4(%arg0: i32) -> (i32, i32) {
    %c0_i32 = arith.constant 0 : i32
    %c0_i32_0 = arith.constant 0 : i32
    return %arg0, %c0_i32 : i32, i32
  }
}

</mosaic_0001>

<sc_bundles>
// kernel: kernel.11.cloned.1.call-start
scs
__scs_entry_jumppad:
0x0: {  	(pc) =	sbr.rel $0x88, $3  }
0x1: {  	(tag) =	ssettag $0x0;
	lr =	simm.s32 $0x1  }
0x2: {  	[smem:$0x3F99] =	sst lr;
	_ =	strace $0xD0000000  }
0x3: {  	_ = 	snop  }
0x4: {  	_ = 	snop  }
0x5: {  	_ = 	snop  }
0x6: {  	_ = 	snop  }
0x7: {  	_ = 	snop  }
__scs_overlays_trampoline_lowered:
0x8: {  	[smem:$0x3FA8] =	sst s0  }
0x9: {  	[smem:$0x3FA9] =	sst s1  }
0xa: {  	[smem:$0x3FAA] =	sst s2  }
0xb: {  	[smem:$0x3FAB] =	sst s3  }
0xc: {  	[smem:$0x3FAC] =	sst s4  }
0xd: {  	[smem:$0x3FAD] =	sst s5  }
0xe: {  	[smem:$0x3FAE] =	sst s6  }
0xf: {  	[smem:$0x3FAF] =	sst s7  }
0x10: {  	[smem:$0x3FB0] =	sst s8  }
0x11: {  	[smem:$0x3FB1] =	sst s9;
	s0 =	simm.s32 @!p0 $0x0  }
0x12: {  	s1 =	sld [smem:$0x3F97];
	s0 =	simm.s32 @p0 $0x1  }
0x13: {  	[smem:$0x3FB2] =	sst s0;
	s0 =	simm.s32 @!p1 $0x0  }
0x14: {  	s2 =	sld [smem:$0x3F96];
	s0 =	simm.s32 @p1 $0x1  }
0x15: {  	[smem:$0x3FB3] =	sst s0;
	s0 =	simm.s32 @!p2 $0x0  }
0x16: {  	s3 =	sld [smem:$0x3FDB];
	s0 =	simm.s32 @p2 $0x1  }
0x17: {  	s4 =	simm.s32 $0x1BF5;
	[smem:$0x3FB5] =	sst s0  }
0x18: {  	s0 =	sld [smem:$0x3F98];
	_ =	swait.ge [sflag:s4], $0x0  }
0x19: {  	s7 =	sld [smem:$0x3F99]  }
0x1a: {  	s8 =	sadd.s32 $0xFFFFE003, lr  }
0x1b: {  	s9 =	sadd.s32 $0xFFFFFEF7, lr;
	s5 =	simm.s32 $0xFFFFFFFF;
	p2 =	slt.u32 s8, $0xFFFFF086  }
0x1c: {  	p1 =	slt.u32 s9, $0xF7A;
	s5 =	simm.s32 @!p2 $0x0  }
0x1d: {  	s5 =	simm.s32 @p1 $0x1;
	p0 =	seq.s32 s7, s2  }
0x1e: {  	s7 =	smul.u32 @!p0 $0xF7A, s2;
	p2 =	seq.s32 @!p0 s5, $0x0  }
0x1f: {  	s9 =	smul.u32 $0xF7A, s1;
	s8 =	simm.s32 @!p0 $0x1BF5;
	p2 =	por !p2, p0  }
0x20: {  	[sflag:s8] =	ssyncset.s32 @!p0 $0xFFFFF086;
	s6 =	sadd.s32 @!p0 s3, s7;
	s7 =	simm.s32 @!p0 $0x108  }
0x21: {  	s3 =	sadd.s32 s3, s9;
	s6 =	sadd.s32 @!p0 $0x88, s6;
	s7 =	simm.s32 @p2 $0x1082  }
0x22: {  	[simem:s7], [sflag:s8] =	dma.local @!p0 [hbm:s6], $0xF7A  }
0x23: {  	s9 =	sor.u32 $0xD0000000, s2;
	s6 =	simm.s32 $0x108;
	_ =	swait.ge @!p0 [sflag:s8], $0x0  }
0x24: {  	s3 =	sadd.s32 $0x88, s3;
	s6 =	simm.s32 @!p1 $0x1082;
	[sflag:s4] =	ssyncset.s32 $0xFFFFF086  }
0x25: {  	[simem:s6], [sflag:s4] =	dma.local [hbm:s3], $0xF7A  }
0x26: {  	[smem:$0x3F99] =	sst s1;
	(tag) =	ssettag s2;
	_ =	strace s9  }
0x27: {  	s1 =	sld [smem:$0x3FA9]  }
0x28: {  	s2 =	sld [smem:$0x3FAA]  }
0x29: {  	s4 =	sld [smem:$0x3FAC]  }
0x2a: {  	p0 =	seq.s32 s5, $0x0;
	s5 =	sld [smem:$0x3FAD]  }
0x2b: {  	s6 =	sld [smem:$0x3FAE]  }
0x2c: {  	s7 =	sld [smem:$0x3FAF]  }
0x2d: {  	s3 =	simm.s32 $0x108;
	s8 =	sld [smem:$0x3FB0]  }
0x2e: {  	s3 =	simm.s32 @!p0 $0x1082;
	s9 =	sld [smem:$0x3FB1]  }
0x2f: {  	lr =	sadd.s32 s0, s3;
	s0 =	sld [smem:$0x3FA8]  }
0x30: {  	s3 =	sld [smem:$0x3FAB]  }
0x31: {  	[smem:$0x3FB4] =	sst s10  }
0x32: {  	s10 =	sld [smem:$0x3FB2];
	_ =	sdelay $0x3  }
0x33: {  	p0 =	seq.s32 s10, $0x1;
	s10 =	sld [smem:$0x3FB4];
	_ =	sdelay $0x3  }
0x34: {  	[smem:$0x3FB4] =	sst s10  }
0x35: {  	s10 =	sld [smem:$0x3FB3];
	_ =	sdelay $0x3  }
0x36: {  	p1 =	seq.s32 s10, $0x1;
	s10 =	sld [smem:$0x3FB4];
	_ =	sdelay $0x3  }
0x37: {  	[smem:$0x3FB4] =	sst s10  }
0x38: {  	s10 =	sld [smem:$0x3FB5]  }
0x39: {  	_ = 	snop;
	(pc) =	sbr.ind lr, $3  }
0x3a: {  	_ = 	snop  }
0x3b: {  	_ = 	snop  }
0x3c: {  	p2 =	seq.s32 s10, $0x1;
	s10 =	sld [smem:$0x3FB4]  }
0x3d: {  	_ =	shalt  }
0x3e: {  	_ =	shalt  }
0x3f: {  	_ =	shalt  }
0x40: {  	_ =	shalt  }
0x41: {  	_ =	shalt  }
0x42: {  	_ =	shalt  }
0x43: {  	_ =	shalt  }
0x44: {  	_ =	shalt  }
0x45: {  	_ =	shalt  }
0x46: {  	_ =	shalt  }
0x47: {  	_ =	shalt  }
0x48: {  	_ =	shalt  }
0x49: {  	_ =	shalt  }
0x4a: {  	_ =	shalt  }
0x4b: {  	_ =	shalt  }
0x4c: {  	_ =	shalt  }
0x4d: {  	_ =	shalt  }
0x4e: {  	_ =	shalt  }
0x4f: {  	_ =	shalt  }
0x50: {  	_ =	shalt  }
0x51: {  	_ =	shalt  }
0x52: {  	_ =	shalt  }
0x53: {  	_ =	shalt  }
0x54: {  	_ =	shalt  }
0x55: {  	_ =	shalt  }
0x56: {  	_ =	shalt  }
0x57: {  	_ =	shalt  }
0x58: {  	_ =	shalt  }
0x59: {  	_ =	shalt  }
0x5a: {  	_ =	shalt  }
0x5b: {  	_ =	shalt  }
0x5c: {  	_ =	shalt  }
0x5d: {  	_ =	shalt  }
0x5e: {  	_ =	shalt  }
0x5f: {  	_ =	shalt  }
0x60: {  	_ =	shalt  }
0x61: {  	_ =	shalt  }
0x62: {  	_ =	shalt  }
0x63: {  	_ =	shalt  }
0x64: {  	_ =	shalt  }
0x65: {  	_ =	shalt  }
0x66: {  	_ =	shalt  }
0x67: {  	_ =	shalt  }
0x68: {  	_ =	shalt  }
0x69: {  	_ =	shalt  }
0x6a: {  	_ =	shalt  }
0x6b: {  	_ =	shalt  }
0x6c: {  	_ =	shalt  }
0x6d: {  	_ =	shalt  }
0x6e: {  	_ =	shalt  }
0x6f: {  	_ =	shalt  }
0x70: {  	_ =	shalt  }
0x71: {  	_ =	shalt  }
0x72: {  	_ =	shalt  }
0x73: {  	_ =	shalt  }
0x74: {  	_ =	shalt  }
0x75: {  	_ =	shalt  }
0x76: {  	_ =	shalt  }
0x77: {  	_ =	shalt  }
0x78: {  	_ =	shalt  }
0x79: {  	_ =	shalt  }
0x7a: {  	_ =	shalt  }
0x7b: {  	_ =	shalt  }
0x7c: {  	_ =	shalt  }
0x7d: {  	_ =	shalt  }
0x7e: {  	_ =	shalt  }
0x7f: {  	_ =	shalt  }
0x80: {  	_ =	shalt  }
0x81: {  	_ =	shalt  }
0x82: {  	_ =	shalt  }
0x83: {  	_ =	shalt  }
0x84: {  	_ =	shalt  }
0x85: {  	_ =	shalt  }
0x86: {  	_ =	shalt  }
0x87: {  	_ =	shalt  }
.Lfunc_end0:
.L_simem_size_0:
called_computation_lowered:
.L_overlay_start_0:
0x88: {  	s2 =	sld [smem:$0x3FD9]  }
0x89: {  	s3 =	sld [smem:$0x3FFE];
	_ =	sdelay $0x1  }
0x8a: {  	s1 =	srdreg.scid  }
0x8b: {  	s0 =	sand.u32 $0x1, s1  }
0x8c: {  	s17 =	sshll.u32 s0, $0xA;
	s2 =	sadd.s32 s3, s2  }
0x8d: {  	s2 =	sadd.s32 s2, s17  }
0x8e: {  	[smem:$0x3FC0] =	sst s2  }
0x8f: {  	_ = 	snop  }
0x90: {  	s2 =	sld [smem:$0x3FD0];
	(tm) =	ssettm $0x1  }
0x91: {  	s18 =	sld [smem:$0x3FFB];
	_ =	sdelay $0x3  }
0x92: {  	_ =	strace s18  }
0x93: {  	s3 =	sld [smem:$0x3FFC];
	_ =	sdelay $0x3  }
0x94: {  	_ =	strace s3  }
0x95: {  	s3 =	sld [smem:$0x3FFD];
	_ =	sdelay $0x3  }
0x96: {  	_ =	strace s3  }
0x97: {  	_ =	strace $0x8FFFFFFF  }
0x98: {  	s19 =	sld [smem:$0x3FDB];
	_ =	sdelay $0x1  }
0x99: {  	s4 =	simm.s32 $_scs_section_size  }
0x9a: {  	s5 =	simm.s32 $_size__tile_overlayer_lowered;
	s6 =	simm.s32 $_tile_overlayer_lowered  }
0x9b: {  	s22 =	simm.s32 $0x1BFF;
	s21 =	sshll.u32 s6, $0x1;
	s3 =	sadd.s32 s4, s19  }
0x9c: {  	s7 =	simm.s32 $0x0;
	s20 =	sshll.u32 s5, $0x1;
	s5 =	sadd.s32 s21, s3  }
0x9d: {  	[timem:s7], [sflag:s22] =	dma.local [hbm:s5], s20  }
0x9e: {  	_ =	swait.ge [sflag:s22], s20  }
0x9f: {  	s4 =	ssub.s32 $0x0, s20;
	[sflag:s22] =	ssyncset.done $0x0  }
0xa0: {  	[sflag:s22] =	ssyncadd.s32 s4;
	_ =	sdelay $0x1  }
0xa1: {  	s23 =	simm.s32 $0x1B8B  }
0xa2: {  	_ =	swait.ge [sflag:s23], $0x1  }
0xa3: {  	[sflag:s23] =	ssyncset.done $0x0  }
0xa4: {  	s25 =	simm.s32 $0x1B8E;
	s24 =	sld [smem:$0x3FFE];
	[sflag:s23] =	ssyncadd.s32 $0xFFFFFFFF  }
0xa5: {  	s26 =	simm.s32 $execute0_lowered;
	[smem:$0x3FD2] =	sst s25  }
0xa6: {  	s5 =	sshll.u32 s26, $0x1;
	_ =	strace $0x80000046;
	[dreg:$0x1] =	wrdreg $0xFFFFFFFF  }
0xa7: {  	s28 =	simm.s32 $_size_execute0_lowered;
	s3 =	sadd.s32 s3, s5;
	[dreg:$0x0] =	wrdreg $0x0  }
0xa8: {  	s5 =	sshll.u32 s28, $0x1;
	[dreg:$0x2] =	wrdreg s3  }
0xa9: {  	[dreg:$0x3] =	wrdreg s5  }
0xaa: {  	[dreg:$0x4] =	wrdreg $0xC0  }
0xab: {  	_ =	task [dreg:s7], $0x5FFFF  }
0xac: {  	[dreg:$0x1] =	wrdreg $0xFFFFFFFF  }
0xad: {  	[dreg:$0x0] =	wrdreg $0x60  }
0xae: {  	[dreg:$0x2] =	wrdreg s2  }
0xaf: {  	[dreg:$0x3] =	wrdreg s24  }
0xb0: {  	[dreg:$0x4] =	wrdreg $0x9  }
0xb1: {  	_ =	task.clear_ibuf [dreg:s7], $0x5FFFF;
	_ =	strace $0x90000046  }
0xb2: {  	s29 =	simm.s32 $0x9;
	_ =	strace $0x80000048  }
0xb3: {  	_ =	swait.ge [sflag:s29], $0x1  }
0xb4: {  	[sflag:s29] =	ssyncadd.s32 $0xFFFFFFFF  }
0xb5: {  	_ =	strace $0x90000048  }
0xb6: {  	_ =	sfence  }
0xb7: {  	s30 =	sld [smem:$0x0];
	_ =	sdelay $0x2  }
0xb8: {  	s31 =	sshll.u32 s1, $0xD;
	s1 =	sshrl.u32 s1, $0x2  }
0xb9: {  	s3 =	sand.u32 $0x4000, s31;
	s1 =	sadd.s32 s1, s30  }
0xba: {  	s0 =	sor.u32 s3, s0;
	s1 =	sshll.u32 s1, $0x11  }
0xbb: {  	s0 =	sor.u32 s1, s0  }
0xbc: {  	s0 =	sadd.s32 $0x8F2B, s0  }
0xbd: {  	[sflag:s0] =	ssyncadd.remote.s32 $0x1  }
0xbe: {  	_ =	sfence.sel $0xFFFF  }
0xbf: {  	[dreg:$0x0] =	wrdreg $0xFFFFFFFF;
	(pc) =	sbr.abs _section_cstart, $3  }
0xc0: {  	[dreg:$0x1] =	wrdreg $0xFFFFFFFF  }
0xc1: {  	_ =	task.clear_ibuf [dreg:s7], $0x2FFFF;
	_ =	strace $0x9FFFFFFF  }
0xc2: {  	(tm) =	ssettm $0x7FFFFFFF  }
0xc3: {  	_ =	shalt  }
tec
execute0_lowered:
.L_overlay_start_1:
0x0: {  	(tag) =	ssettag $0x1  }
0x1: {  	s0 =	srdreg.scid;
	s4 =	rddreg [dreg:$0x0]  }
0x2: {  	s5 =	rddreg [dreg:$0x1];
	s2 =	simm.s32 $0x0;
	s3 =	sand.u32 $0x1, s0  }
0x3: {  	s9 =	simm.s32 $0x400;
	s0 =	stileid.u32;
	s1 =	sshll.u32 s3, $0x4  }
0x4: {  	s10 =	simm.s32 $0x0;
	[smem:$0x7FF] =	sst s2;
	s6 =	sor.u32 s0, s1  }
0x5: {  	s8 =	sshll.u32 s0, $0x7;
	s7 =	sshrl.u32 s6, $0x3;
	s6 =	smul.u32 $0x2710, s6  }
0x6: {  	s3 =	ssub.s32 $0x2, s3;
	s1 =	rddreg [dreg:$0x2];
	s7 =	smul.u32 $0x14000, s7  }
0x7: {  	s8 =	sand.u32 $0x380, s8;
	_ =	strace $0x80000047;
	s30 =	sshrl.u32 s3, $0x1  }
0x8: {  	s31 =	ssub.s32 s3, s30;
	s6 =	sshrl.u32 s6, $0x3;
	s7 =	sor.u32 s8, s7  }
0x9: {  	s4 =	sadd.s32 s4, s6;
	s6 =	simm.s32 $0x1;
	s7 =	sshrl.u32 s7, $0x3  }
0xa: {  	s8 =	simm.s32 $0x80;
	s3 =	sadd.s32 $0x9C40, s4;
	s5 =	sadd.s32 s7, s5  }
0xb: {  	v0 =	vimm.f32 $0.0e+00;
	v1 =	vimm.f32 $1.000000000e+00;
	s7 =	simm.s32 $0x2780;
	s4 =	sadd.s32 $0x2E00, s5;
	s5 =	smax.u32 s31, $0x1  }
.LBB2_1:
0xc: {  	[tilespmem:s2], [sflag:$0x1] =	stream.linear.gather [hbm4b:s3+s2], $0x2710, $0x38;
	[tilespmem:$0x4F80] =	vst v63  }
0xd: {  	_ =	swait.ge [sflag:s6], $0x2710  }
0xe: {  	[sflag:s6] =	ssyncset.done $0x0  }
0xf: {  	s11 =	simm.s32 $0x0;
	[sflag:s6] =	ssyncadd.s32 $0xFFFFD8F0  }
.LBB2_2:
0x10: {  	p0 =	sne.s32 s11, $0x9FC0  }
.Ltmp0:
0x11: {  	_ = 	snop;
	(pc) =	sbr.rel @p0 .LBB2_2-.Ltmp0, $3  }
0x12: {  	_ =	sdelay $0x1  }
0x13: {  	s12 =	sshra.s32 s11, $0x2  }
0x14: {  	s11 =	sadd.s32 $0x40, s11;
	[tilespmem:s12+$0x2780] =	vst v0  }
0x15: {  	s12 =	simm.s32 $0x0;
	s11 =	simm.s32 $0x40  }
.LBB2_4:
0x16: {  	p0 =	sne.s32 s11, $0x9C00;
	v2 =	vld [tilespmem:s12+$0x0];
	_ =	sdelay $0x3  }
.Ltmp1:
0x17: {  	(pc) =	sbr.rel @p0 .LBB2_4-.Ltmp1, $2  }
0x18: {  	_ =	sdelay $0x2  }
0x19: {  	s12 =	sshra.s32 s11, $0x2;
	s11 =	sadd.s32 $0x40, s11;
	[tilespmem:v2+s7+$0x0] =	vst.idx.add.f32.msk $0xffff, v1  }
0x1a: {  	v2 =	vld [tilespmem:s12+$0x0];
	_ =	sdelay $0x5  }
0x1b: {  	s10 =	sadd.s32 $0x1, s10  }
0x1c: {  	p0 =	sne.s32 s10, s5  }
.Ltmp2:
0x1d: {  	[tilespmem:v2+s7+$0x0] =	vst.idx.add.f32.msk $0xffff, v1;
	(pc) =	sbr.rel @p0 .LBB2_1-.Ltmp2, $4  }
0x1e: {  	[hbm4b:s4+s8] =	stream.strided.scatter [tilespmem:s7], [sflag:$0x1], $0x2800, s9, s8, $0x38;
	[tilespmem:$0x4F80] =	vst v63  }
0x1f: {  	_ =	swait.ge [sflag:s6], $0x2800  }
0x20: {  	[sflag:s6] =	ssyncset.done $0x0  }
0x21: {  	[sflag:s6] =	ssyncadd.s32 $0xFFFFD800  }
0x22: {  	_ =	sfence.sel $0x180000  }
0x23: {  	[bflag:$0x0] =	sbarrier.arrive $0xFFFF  }
0x24: {  	p0 =	sne.s32 s0, $0x0;
	_ =	strace $0x90000047  }
0x25: {  	s0 =	sadd.s32 @!p0 $0x100000, s1;
	[bflag:$0x2] =	sbarrier.arrive $0xFFFF  }
0x26: {  	[sflag:s0] =	ssyncadd.tile.s32 @!p0 $0x1;
	_ =	shalt  }
.Lfunc_end2:
_tile_overlayer_lowered:
.L_overlay_start_2:
0x27: {  	(tag) =	ssettag $0x2  }
0x28: {  	s0 =	rddreg [dreg:$0x0];
	s2 =	stileid.u32  }
0x29: {  	s1 =	rddreg [dreg:$0x1];
	p0 =	sne.s32 s2, $0x0  }
0x2a: {  	s3 =	rddreg [dreg:$0x2];
	[bflag:$0x3] =	sbarrier.arrive $0xFFFF;
	s2 =	simm.s32 @!p0 $0x1C01  }
0x2b: {  	[timem:s3], [sflag:s2] =	dma.local @!p0 [hbm:s0], s1  }
0x2c: {  	s0 =	simm.s32 @!p0 $0x1  }
0x2d: {  	_ =	swait.ge @!p0 [sflag:s0], s1  }
0x2e: {  	s1 =	ssub.s32 @!p0 $0x0, s1;
	[sflag:s0] =	ssyncset.done @!p0 $0x0  }
0x2f: {  	[sflag:s0] =	ssyncadd.s32 @!p0 s1  }
0x30: {  	[bflag:$0x3] =	sbarrier.arrive $0xFFFF  }
0x31: {  	_ =	shalt  }

// kernel: kernel.14.cloned.1.call-start
scs
__scs_entry_jumppad:
0x0: {  	(pc) =	sbr.rel $0x88, $3  }
0x1: {  	(tag) =	ssettag $0x0;
	lr =	simm.s32 $0x1  }
0x2: {  	[smem:$0x3F99] =	sst lr;
	_ =	strace $0xD0000000  }
0x3: {  	_ = 	snop  }
0x4: {  	_ = 	snop  }
0x5: {  	_ = 	snop  }
0x6: {  	_ = 	snop  }
0x7: {  	_ = 	snop  }
__scs_overlays_trampoline_lowered:
0x8: {  	[smem:$0x3FA8] =	sst s0  }
0x9: {  	[smem:$0x3FA9] =	sst s1  }
0xa: {  	[smem:$0x3FAA] =	sst s2  }
0xb: {  	[smem:$0x3FAB] =	sst s3  }
0xc: {  	[smem:$0x3FAC] =	sst s4  }
0xd: {  	[smem:$0x3FAD] =	sst s5  }
0xe: {  	[smem:$0x3FAE] =	sst s6  }
0xf: {  	[smem:$0x3FAF] =	sst s7  }
0x10: {  	[smem:$0x3FB0] =	sst s8  }
0x11: {  	[smem:$0x3FB1] =	sst s9;
	s0 =	simm.s32 @!p0 $0x0  }
0x12: {  	s1 =	sld [smem:$0x3F97];
	s0 =	simm.s32 @p0 $0x1  }
0x13: {  	[smem:$0x3FB2] =	sst s0;
	s0 =	simm.s32 @!p1 $0x0  }
0x14: {  	s2 =	sld [smem:$0x3F96];
	s0 =	simm.s32 @p1 $0x1  }
0x15: {  	[smem:$0x3FB3] =	sst s0;
	s0 =	simm.s32 @!p2 $0x0  }
0x16: {  	s3 =	sld [smem:$0x3FDB];
	s0 =	simm.s32 @p2 $0x1  }
0x17: {  	s4 =	simm.s32 $0x1BF5;
	[smem:$0x3FB5] =	sst s0  }
0x18: {  	s0 =	sld [smem:$0x3F98];
	_ =	swait.ge [sflag:s4], $0x0  }
0x19: {  	s7 =	sld [smem:$0x3F99]  }
0x1a: {  	s8 =	sadd.s32 $0xFFFFE003, lr  }
0x1b: {  	s9 =	sadd.s32 $0xFFFFFEF7, lr;
	s5 =	simm.s32 $0xFFFFFFFF;
	p2 =	slt.u32 s8, $0xFFFFF086  }
0x1c: {  	p1 =	slt.u32 s9, $0xF7A;
	s5 =	simm.s32 @!p2 $0x0  }
0x1d: {  	s5 =	simm.s32 @p1 $0x1;
	p0 =	seq.s32 s7, s2  }
0x1e: {  	s7 =	smul.u32 @!p0 $0xF7A, s2;
	p2 =	seq.s32 @!p0 s5, $0x0  }
0x1f: {  	s9 =	smul.u32 $0xF7A, s1;
	s8 =	simm.s32 @!p0 $0x1BF5;
	p2 =	por !p2, p0  }
0x20: {  	[sflag:s8] =	ssyncset.s32 @!p0 $0xFFFFF086;
	s6 =	sadd.s32 @!p0 s3, s7;
	s7 =	simm.s32 @!p0 $0x108  }
0x21: {  	s3 =	sadd.s32 s3, s9;
	s6 =	sadd.s32 @!p0 $0x88, s6;
	s7 =	simm.s32 @p2 $0x1082  }
0x22: {  	[simem:s7], [sflag:s8] =	dma.local @!p0 [hbm:s6], $0xF7A  }
0x23: {  	s9 =	sor.u32 $0xD0000000, s2;
	s6 =	simm.s32 $0x108;
	_ =	swait.ge @!p0 [sflag:s8], $0x0  }
0x24: {  	s3 =	sadd.s32 $0x88, s3;
	s6 =	simm.s32 @!p1 $0x1082;
	[sflag:s4] =	ssyncset.s32 $0xFFFFF086  }
0x25: {  	[simem:s6], [sflag:s4] =	dma.local [hbm:s3], $0xF7A  }
0x26: {  	[smem:$0x3F99] =	sst s1;
	(tag) =	ssettag s2;
	_ =	strace s9  }
0x27: {  	s1 =	sld [smem:$0x3FA9]  }
0x28: {  	s2 =	sld [smem:$0x3FAA]  }
0x29: {  	s4 =	sld [smem:$0x3FAC]  }
0x2a: {  	p0 =	seq.s32 s5, $0x0;
	s5 =	sld [smem:$0x3FAD]  }
0x2b: {  	s6 =	sld [smem:$0x3FAE]  }
0x2c: {  	s7 =	sld [smem:$0x3FAF]  }
0x2d: {  	s3 =	simm.s32 $0x108;
	s8 =	sld [smem:$0x3FB0]  }
0x2e: {  	s3 =	simm.s32 @!p0 $0x1082;
	s9 =	sld [smem:$0x3FB1]  }
0x2f: {  	lr =	sadd.s32 s0, s3;
	s0 =	sld [smem:$0x3FA8]  }
0x30: {  	s3 =	sld [smem:$0x3FAB]  }
0x31: {  	[smem:$0x3FB4] =	sst s10  }
0x32: {  	s10 =	sld [smem:$0x3FB2];
	_ =	sdelay $0x3  }
0x33: {  	p0 =	seq.s32 s10, $0x1;
	s10 =	sld [smem:$0x3FB4];
	_ =	sdelay $0x3  }
0x34: {  	[smem:$0x3FB4] =	sst s10  }
0x35: {  	s10 =	sld [smem:$0x3FB3];
	_ =	sdelay $0x3  }
0x36: {  	p1 =	seq.s32 s10, $0x1;
	s10 =	sld [smem:$0x3FB4];
	_ =	sdelay $0x3  }
0x37: {  	[smem:$0x3FB4] =	sst s10  }
0x38: {  	s10 =	sld [smem:$0x3FB5]  }
0x39: {  	_ = 	snop;
	(pc) =	sbr.ind lr, $3  }
0x3a: {  	_ = 	snop  }
0x3b: {  	_ = 	snop  }
0x3c: {  	p2 =	seq.s32 s10, $0x1;
	s10 =	sld [smem:$0x3FB4]  }
0x3d: {  	_ =	shalt  }
0x3e: {  	_ =	shalt  }
0x3f: {  	_ =	shalt  }
0x40: {  	_ =	shalt  }
0x41: {  	_ =	shalt  }
0x42: {  	_ =	shalt  }
0x43: {  	_ =	shalt  }
0x44: {  	_ =	shalt  }
0x45: {  	_ =	shalt  }
0x46: {  	_ =	shalt  }
0x47: {  	_ =	shalt  }
0x48: {  	_ =	shalt  }
0x49: {  	_ =	shalt  }
0x4a: {  	_ =	shalt  }
0x4b: {  	_ =	shalt  }
0x4c: {  	_ =	shalt  }
0x4d: {  	_ =	shalt  }
0x4e: {  	_ =	shalt  }
0x4f: {  	_ =	shalt  }
0x50: {  	_ =	shalt  }
0x51: {  	_ =	shalt  }
0x52: {  	_ =	shalt  }
0x53: {  	_ =	shalt  }
0x54: {  	_ =	shalt  }
0x55: {  	_ =	shalt  }
0x56: {  	_ =	shalt  }
0x57: {  	_ =	shalt  }
0x58: {  	_ =	shalt  }
0x59: {  	_ =	shalt  }
0x5a: {  	_ =	shalt  }
0x5b: {  	_ =	shalt  }
0x5c: {  	_ =	shalt  }
0x5d: {  	_ =	shalt  }
0x5e: {  	_ =	shalt  }
0x5f: {  	_ =	shalt  }
0x60: {  	_ =	shalt  }
0x61: {  	_ =	shalt  }
0x62: {  	_ =	shalt  }
0x63: {  	_ =	shalt  }
0x64: {  	_ =	shalt  }
0x65: {  	_ =	shalt  }
0x66: {  	_ =	shalt  }
0x67: {  	_ =	shalt  }
0x68: {  	_ =	shalt  }
0x69: {  	_ =	shalt  }
0x6a: {  	_ =	shalt  }
0x6b: {  	_ =	shalt  }
0x6c: {  	_ =	shalt  }
0x6d: {  	_ =	shalt  }
0x6e: {  	_ =	shalt  }
0x6f: {  	_ =	shalt  }
0x70: {  	_ =	shalt  }
0x71: {  	_ =	shalt  }
0x72: {  	_ =	shalt  }
0x73: {  	_ =	shalt  }
0x74: {  	_ =	shalt  }
0x75: {  	_ =	shalt  }
0x76: {  	_ =	shalt  }
0x77: {  	_ =	shalt  }
0x78: {  	_ =	shalt  }
0x79: {  	_ =	shalt  }
0x7a: {  	_ =	shalt  }
0x7b: {  	_ =	shalt  }
0x7c: {  	_ =	shalt  }
0x7d: {  	_ =	shalt  }
0x7e: {  	_ =	shalt  }
0x7f: {  	_ =	shalt  }
0x80: {  	_ =	shalt  }
0x81: {  	_ =	shalt  }
0x82: {  	_ =	shalt  }
0x83: {  	_ =	shalt  }
0x84: {  	_ =	shalt  }
0x85: {  	_ =	shalt  }
0x86: {  	_ =	shalt  }
0x87: {  	_ =	shalt  }
.Lfunc_end0:
.L_simem_size_0:
called_computation.1_lowered:
.L_overlay_start_0:
0x88: {  	s2 =	sld [smem:$0x3FD9]  }
0x89: {  	s3 =	sld [smem:$0x3FFE];
	_ =	sdelay $0x1  }
0x8a: {  	s1 =	srdreg.scid  }
0x8b: {  	s0 =	sand.u32 $0x1, s1  }
0x8c: {  	s17 =	sshll.u32 s0, $0xA;
	s2 =	sadd.s32 s3, s2  }
0x8d: {  	s2 =	sadd.s32 s2, s17  }
0x8e: {  	[smem:$0x3FC0] =	sst s2  }
0x8f: {  	_ = 	snop  }
0x90: {  	s2 =	sld [smem:$0x3FD0];
	(tm) =	ssettm $0x1  }
0x91: {  	s18 =	sld [smem:$0x3FFB];
	_ =	sdelay $0x3  }
0x92: {  	_ =	strace s18  }
0x93: {  	s3 =	sld [smem:$0x3FFC];
	_ =	sdelay $0x3  }
0x94: {  	_ =	strace s3  }
0x95: {  	s3 =	sld [smem:$0x3FFD];
	_ =	sdelay $0x3  }
0x96: {  	_ =	strace s3  }
0x97: {  	_ =	strace $0x8FFFFFFF  }
0x98: {  	s19 =	sld [smem:$0x3FDB];
	_ =	sdelay $0x1  }
0x99: {  	s4 =	simm.s32 $_scs_section_size  }
0x9a: {  	s5 =	simm.s32 $_size__tile_overlayer_lowered;
	s6 =	simm.s32 $_tile_overlayer_lowered  }
0x9b: {  	s22 =	simm.s32 $0x1BFF;
	s21 =	sshll.u32 s6, $0x1;
	s3 =	sadd.s32 s4, s19  }
0x9c: {  	s7 =	simm.s32 $0x0;
	s20 =	sshll.u32 s5, $0x1;
	s5 =	sadd.s32 s21, s3  }
0x9d: {  	[timem:s7], [sflag:s22] =	dma.local [hbm:s5], s20  }
0x9e: {  	_ =	swait.ge [sflag:s22], s20  }
0x9f: {  	s4 =	ssub.s32 $0x0, s20;
	[sflag:s22] =	ssyncset.done $0x0  }
0xa0: {  	[sflag:s22] =	ssyncadd.s32 s4;
	_ =	sdelay $0x1  }
0xa1: {  	s23 =	simm.s32 $0x1B8B  }
0xa2: {  	_ =	swait.ge [sflag:s23], $0x1  }
0xa3: {  	[sflag:s23] =	ssyncset.done $0x0  }
0xa4: {  	s25 =	simm.s32 $0x1B8E;
	s24 =	sld [smem:$0x3FFE];
	[sflag:s23] =	ssyncadd.s32 $0xFFFFFFFF  }
0xa5: {  	s26 =	simm.s32 $execute0_lowered;
	[smem:$0x3FD2] =	sst s25  }
0xa6: {  	s5 =	sshll.u32 s26, $0x1;
	_ =	strace $0x80000049;
	[dreg:$0x1] =	wrdreg $0xFFFFFFFF  }
0xa7: {  	s28 =	simm.s32 $_size_execute0_lowered;
	s3 =	sadd.s32 s3, s5;
	[dreg:$0x0] =	wrdreg $0x0  }
0xa8: {  	s5 =	sshll.u32 s28, $0x1;
	[dreg:$0x2] =	wrdreg s3  }
0xa9: {  	[dreg:$0x3] =	wrdreg s5  }
0xaa: {  	[dreg:$0x4] =	wrdreg $0xC0  }
0xab: {  	_ =	task [dreg:s7], $0x5FFFF  }
0xac: {  	[dreg:$0x1] =	wrdreg $0xFFFFFFFF  }
0xad: {  	[dreg:$0x0] =	wrdreg $0x60  }
0xae: {  	[dreg:$0x2] =	wrdreg s24  }
0xaf: {  	[dreg:$0x3] =	wrdreg s2  }
0xb0: {  	[dreg:$0x4] =	wrdreg $0xBA200  }
0xb1: {  	[dreg:$0x5] =	wrdreg $0x9  }
0xb2: {  	_ =	task.clear_ibuf [dreg:s7], $0x6FFFF;
	_ =	strace $0x90000049  }
0xb3: {  	s29 =	simm.s32 $0x9;
	_ =	strace $0x8000004B  }
0xb4: {  	_ =	swait.ge [sflag:s29], $0x1  }
0xb5: {  	[sflag:s29] =	ssyncadd.s32 $0xFFFFFFFF  }
0xb6: {  	_ =	strace $0x9000004B  }
0xb7: {  	_ =	sfence  }
0xb8: {  	s30 =	sld [smem:$0x0];
	_ =	sdelay $0x2  }
0xb9: {  	s31 =	sshll.u32 s1, $0xD;
	s1 =	sshrl.u32 s1, $0x2  }
0xba: {  	s3 =	sand.u32 $0x4000, s31;
	s1 =	sadd.s32 s1, s30  }
0xbb: {  	s0 =	sor.u32 s3, s0;
	s1 =	sshll.u32 s1, $0x11  }
0xbc: {  	s0 =	sor.u32 s1, s0  }
0xbd: {  	s0 =	sadd.s32 $0x8F2B, s0  }
0xbe: {  	[sflag:s0] =	ssyncadd.remote.s32 $0x1  }
0xbf: {  	_ =	sfence.sel $0xFFFF  }
0xc0: {  	[dreg:$0x0] =	wrdreg $0xFFFFFFFF;
	(pc) =	sbr.abs _section_cstart, $3  }
0xc1: {  	[dreg:$0x1] =	wrdreg $0xFFFFFFFF  }
0xc2: {  	_ =	task.clear_ibuf [dreg:s7], $0x2FFFF;
	_ =	strace $0x9FFFFFFF  }
0xc3: {  	(tm) =	ssettm $0x7FFFFFFF  }
tec
execute0_lowered:
.L_overlay_start_1:
0x0: {  	(tag) =	ssettag $0x1  }
0x1: {  	s0 =	srdreg.scid;
	s10 =	stileid.u32  }
0x2: {  	s1 =	rddreg [dreg:$0x0];
	s0 =	sand.u32 $0x1, s0;
	s7 =	smul.u32 $0x2800, s10  }
0x3: {  	s5 =	rddreg [dreg:$0x1];
	s25 =	smul.u32 $0x50000, s10;
	s2 =	sshll.u32 s0, $0x4  }
0x4: {  	s8 =	smul.u32 $0x28000, s0;
	s0 =	ssub.s32 $0x2, s0;
	s3 =	sor.u32 s10, s2  }
0x5: {  	s2 =	rddreg [dreg:$0x2];
	s26 =	sshrl.u32 s0, $0x1;
	s6 =	smul.u32 $0x2710, s3  }
0x6: {  	s3 =	simm.s32 $0x0;
	s7 =	sadd.s32 s7, s8;
	s0 =	ssub.s32 s0, s26  }
0x7: {  	[smem:$0x7FF] =	sst s3;
	s0 =	smax.u32 s0, $0x1;
	s4 =	sadd.s32 $0x4E200, s6  }
0x8: {  	_ =	strace $0x8000004A;
	s6 =	sshrl.u32 s6, $0x3;
	s9 =	smulhi.u32 $0xCCCCCCCD, s4  }
0x9: {  	[dreg:$0x17] =	wrdreg s0;
	s4 =	sadd.s32 $0x2E00, s1;
	s1 =	sadd.s32 s7, s1  }
0xa: {  	s6 =	sadd.s32 s5, s6;
	s24 =	sshrl.u32 s9, $0x5;
	s9 =	sshrl.u32 s25, $0x2  }
0xb: {  	[dreg:$0x4] =	wrdreg s6;
	s1 =	sadd.s32 $0x2AE00, s1;
	s6 =	sadd.s32 s9, s2  }
0xc: {  	[dreg:$0x16] =	wrdreg s1;
	s10 =	sadd.s32 $0x800, s6  }
0xd: {  	s11 =	sadd.s32 $0x1000, s6;
	[dreg:$0x6] =	wrdreg s10  }
0xe: {  	s12 =	sadd.s32 $0x1800, s6;
	[dreg:$0x7] =	wrdreg s11  }
0xf: {  	s13 =	sadd.s32 $0x2000, s6;
	[dreg:$0x8] =	wrdreg s12  }
0x10: {  	s14 =	sadd.s32 $0x2800, s6;
	[dreg:$0x9] =	wrdreg s13  }
0x11: {  	s15 =	sadd.s32 $0x3000, s6;
	[dreg:$0xa] =	wrdreg s14  }
0x12: {  	s16 =	sadd.s32 $0x3800, s6;
	[dreg:$0xb] =	wrdreg s15  }
0x13: {  	s17 =	sadd.s32 $0x4000, s6;
	[dreg:$0xc] =	wrdreg s16  }
0x14: {  	s18 =	sadd.s32 $0x4800, s6;
	[dreg:$0xd] =	wrdreg s17  }
0x15: {  	s19 =	sadd.s32 $0x5000, s6;
	[dreg:$0xe] =	wrdreg s18  }
0x16: {  	s20 =	sadd.s32 $0x5800, s6;
	[dreg:$0xf] =	wrdreg s19  }
0x17: {  	s21 =	sadd.s32 $0x6000, s6;
	[dreg:$0x10] =	wrdreg s20  }
0x18: {  	s22 =	sadd.s32 $0x6800, s6;
	[dreg:$0x11] =	wrdreg s21  }
0x19: {  	s23 =	sadd.s32 $0x7000, s6;
	[dreg:$0x12] =	wrdreg s22  }
0x1a: {  	s8 =	smul.u32 $0x28, s24;
	s24 =	sadd.s32 $0x7800, s6;
	[dreg:$0x13] =	wrdreg s23  }
0x1b: {  	s25 =	sadd.s32 $0x8000, s6;
	[dreg:$0x14] =	wrdreg s24  }
0x1c: {  	s26 =	sadd.s32 $0x8800, s6;
	[dreg:$0x15] =	wrdreg s25  }
0x1d: {  	s1 =	sadd.s32 $0x9000, s6;
	[dreg:$0x18] =	wrdreg s26  }
0x1e: {  	s7 =	sadd.s32 $0xA000, s6;
	[dreg:$0x19] =	wrdreg s1  }
0x1f: {  	s9 =	sadd.s32 $0xB000, s6;
	[dreg:$0x1b] =	wrdreg s7  }
0x20: {  	[dreg:$0x1d] =	wrdreg s9;
	s10 =	sadd.s32 $0xB800, s6  }
0x21: {  	s11 =	sadd.s32 $0xC000, s6;
	[dreg:$0x1e] =	wrdreg s10  }
0x22: {  	s12 =	sadd.s32 $0xC800, s6;
	[dreg:$0x1f] =	wrdreg s11  }
0x23: {  	s13 =	sadd.s32 $0xD000, s6;
	[smem:$0x7EF] =	sst s12  }
0x24: {  	s14 =	sadd.s32 $0xD800, s6;
	[smem:$0x7F0] =	sst s13  }
0x25: {  	s15 =	sadd.s32 $0xE000, s6;
	[smem:$0x7F1] =	sst s14  }
0x26: {  	s16 =	sadd.s32 $0xE800, s6;
	[smem:$0x7F2] =	sst s15  }
0x27: {  	s28 =	simm.s32 $0x28;
	s17 =	sadd.s32 $0xF000, s6;
	[smem:$0x7F3] =	sst s16  }
0x28: {  	s29 =	simm.s32 $0x4E20;
	s18 =	sadd.s32 $0xF800, s6;
	[smem:$0x7F4] =	sst s17  }
0x29: {  	s30 =	simm.s32 $0x6220;
	s19 =	sadd.s32 $0x10000, s6;
	[smem:$0x7F5] =	sst s18  }
0x2a: {  	s31 =	simm.s32 $0x7620;
	s20 =	sadd.s32 $0x10800, s6;
	[smem:$0x7F6] =	sst s19  }
0x2b: {  	s0 =	simm.s32 $0x3;
	s21 =	sadd.s32 $0x11000, s6;
	[smem:$0x7F7] =	sst s20  }
0x2c: {  	s8 =	sshrl.u32 s8, $0x3;
	s22 =	sadd.s32 $0x11800, s6;
	[smem:$0x7F8] =	sst s21  }
0x2d: {  	s23 =	sadd.s32 $0x12000, s6;
	s24 =	sadd.s32 $0x12800, s6;
	[smem:$0x7F9] =	sst s22  }
0x2e: {  	s25 =	sadd.s32 $0x13000, s6;
	s26 =	sadd.s32 $0x13800, s6;
	[smem:$0x7FA] =	sst s23  }
0x2f: {  	s1 =	simm.s32 $0x8A20;
	s7 =	simm.s32 $0x4;
	[smem:$0x7FB] =	sst s24  }
0x30: {  	s9 =	simm.s32 $0x5;
	s5 =	sadd.s32 s5, s8;
	[smem:$0x7FC] =	sst s25  }
0x31: {  	s8 =	sadd.s32 $0xA800, s6;
	[smem:$0x7FD] =	sst s26;
	s20 =	simm.s32 $0x2710  }
0x32: {  	s23 =	simm.s32 $0xB220;
	s24 =	simm.s32 $0xD;
	s25 =	simm.s32 $0x1  }
.Ltmp0:
0x33: {  	s26 =	simm.s32 $0x2;
	s10 =	simm.s32 $0x9;
	(pc) =	sbr.rel .LBB2_1-.Ltmp0, $4  }
0x34: {  	s11 =	simm.s32 $0x6;
	s12 =	simm.s32 $0xA;
	s13 =	simm.s32 $0x7  }
0x35: {  	s14 =	simm.s32 $0xB;
	s15 =	simm.s32 $0xC;
	[dreg:$0x5] =	wrdreg s5  }
0x36: {  	s22 =	simm.s32 $0x0;
	s5 =	sadd.s32 $0x9800, s6;
	[dreg:$0x1c] =	wrdreg s8  }
0x37: {  	v0 =	vimm.f32 $0.0e+00;
	s8 =	simm.s32 $0x8;
	[dreg:$0x1a] =	wrdreg s5;
	s5 =	simm.s32 $0x9E20  }
.LBB2_6:
0x38: {  	_ =	swait.ge [sflag:s13], $0x1400  }
0x39: {  	[sflag:s13] =	ssyncset.done $0x0  }
0x3a: {  	[sflag:s13] =	ssyncadd.s32 $0xFFFFEC00  }
0x3b: {  	[spmem:s2] =	stream.indirect.scatter.add.f32 [tilespmem:s5], [sflag:$0xC], $0x80, s18, s28, $0xb8;
	[tilespmem:$0x1FA20] =	vst v63  }
0x3c: {  	_ =	swait.ge [sflag:s8], $0x1400  }
0x3d: {  	[sflag:s8] =	ssyncset.done $0x0  }
0x3e: {  	[sflag:s8] =	ssyncadd.s32 $0xFFFFEC00  }
0x3f: {  	_ =	swait.ge [sflag:s10], $0x1400  }
0x40: {  	[sflag:s10] =	ssyncset.done $0x0  }
0x41: {  	[sflag:s10] =	ssyncadd.s32 $0xFFFFEC00  }
0x42: {  	_ =	swait.ge [sflag:s12], $0x1400  }
0x43: {  	[sflag:s12] =	ssyncset.done $0x0  }
0x44: {  	[sflag:s12] =	ssyncadd.s32 $0xFFFFEC00  }
0x45: {  	_ =	swait.ge [sflag:s14], $0x1400  }
0x46: {  	[sflag:s14] =	ssyncset.done $0x0  }
0x47: {  	[sflag:s14] =	ssyncadd.s32 $0xFFFFEC00  }
0x48: {  	_ =	swait.ge [sflag:s15], $0x1400  }
0x49: {  	[sflag:s15] =	ssyncset.done $0x0  }
0x4a: {  	s16 =	stileid.u32;
	[sflag:s15] =	ssyncadd.s32 $0xFFFFEC00  }
0x4b: {  	s16 =	sshll.u32 s16, $0x6;
	[bflag:$0x0] =	sbarrier.arrive $0xFFFF  }
0x4c: {  	s17 =	sshrl.u32 s6, $0x3;
	s16 =	sor.u32 $0x1C0D, s16;
	s20 =	rddreg [dreg:$0x16]  }
0x4d: {  	[hbm:s20], [sflag:s16] =	dma.local [spmem:s17], $0x2800  }
0x4e: {  	_ =	swait.ge [sflag:s24], $0x2800  }
0x4f: {  	s22 =	sadd.s32 $0x1, s22;
	s21 =	rddreg [dreg:$0x17]  }
0x50: {  	p0 =	sne.s32 s22, s21  }
.Ltmp1:
0x51: {  	_ = 	snop;
	(pc) =	sbr.rel @!p0 .LBB2_7-.Ltmp1, $3  }
0x52: {  	_ =	sdelay $0x1  }
0x53: {  	[sflag:s24] =	ssyncset.done $0x0  }
0x54: {  	s20 =	simm.s32 $0x2710;
	[sflag:s24] =	ssyncadd.s32 $0xFFFFD800  }
.LBB2_1:
0x55: {  	s16 =	rddreg [dreg:$0x4];
	s21 =	sand.u32 $0x1E00, s3  }
0x56: {  	[tilespmem:s3], [sflag:$0x1] =	stream.linear.gather [hbm4b:s16+s3], $0x2710, $0x38;
	[tilespmem:$0x1FA20] =	vst v63  }
0x57: {  	s19 =	rddreg [dreg:$0x5];
	s17 =	sand.u32 $0x70, s3;
	s18 =	sshrl.u32 s21, $0x2  }
0x58: {  	s16 =	simm.s32 $0x40;
	s18 =	sor.u32 s17, s18;
	s17 =	simm.s32 $0x0  }
0x59: {  	[tilespmem:s20], [sflag:$0x2] =	stream.linear.gather [hbm4b:s19+s3], $0x2710, $0x38;
	[tilespmem:$0x1FA20] =	vst v63  }
.LBB2_2:
0x5a: {  	p0 =	sne.s32 s16, $0x1FC0  }
0x5b: {  	[tilespmem:s18+$0xB220] =	vst v0;
	s17 =	sadd.s32 $0x10, s17;
	s18 =	smov.u32 s16;
	s16 =	sadd.s32 $0x40, s16  }
.Ltmp2:
0x5c: {  	(pc) =	sbr.rel @p0 .LBB2_2-.Ltmp2, $4  }
0x5d: {  	_ = 	snop  }
0x5e: {  	s18 =	sand.u32 $0x1E00, s18  }
0x5f: {  	s19 =	sand.u32 $0x70, s17;
	s18 =	sshrl.u32 s18, $0x2  }
0x60: {  	s18 =	sor.u32 s19, s18  }
0x61: {  	[tilespmem:s18+$0xB220] =	vst v0  }
0x62: {  	[spmem:s6] =	stream.linear.scatter [tilespmem:s23], [sflag:$0xD], $0x800, $0x38;
	[tilespmem:$0x1FA20] =	vst v63  }
0x63: {  	_ =	swait.ge [sflag:s24], $0x800  }
0x64: {  	[sflag:s24] =	ssyncset.done $0x0  }
0x65: {  	s16 =	rddreg [dreg:$0x6];
	[sflag:s24] =	ssyncadd.s32 $0xFFFFF800  }
0x66: {  	[spmem:s16] =	stream.linear.scatter [tilespmem:s23], [sflag:$0xD], $0x800, $0x38;
	[tilespmem:$0x1FA20] =	vst v63  }
0x67: {  	_ =	swait.ge [sflag:s24], $0x800  }
0x68: {  	[sflag:s24] =	ssyncset.done $0x0  }
0x69: {  	s17 =	rddreg [dreg:$0x7];
	[sflag:s24] =	ssyncadd.s32 $0xFFFFF800  }
0x6a: {  	[spmem:s17] =	stream.linear.scatter [tilespmem:s23], [sflag:$0xD], $0x800, $0x38;
	[tilespmem:$0x1FA20] =	vst v63  }
0x6b: {  	_ =	swait.ge [sflag:s24], $0x800  }
0x6c: {  	[sflag:s24] =	ssyncset.done $0x0  }
0x6d: {  	s18 =	rddreg [dreg:$0x8];
	[sflag:s24] =	ssyncadd.s32 $0xFFFFF800  }
0x6e: {  	[spmem:s18] =	stream.linear.scatter [tilespmem:s23], [sflag:$0xD], $0x800, $0x38;
	[tilespmem:$0x1FA20] =	vst v63  }
0x6f: {  	_ =	swait.ge [sflag:s24], $0x800  }
0x70: {  	[sflag:s24] =	ssyncset.done $0x0  }
0x71: {  	s19 =	rddreg [dreg:$0x9];
	[sflag:s24] =	ssyncadd.s32 $0xFFFFF800  }
0x72: {  	[spmem:s19] =	stream.linear.scatter [tilespmem:s23], [sflag:$0xD], $0x800, $0x38;
	[tilespmem:$0x1FA20] =	vst v63  }
0x73: {  	_ =	swait.ge [sflag:s24], $0x800  }
0x74: {  	[sflag:s24] =	ssyncset.done $0x0  }
0x75: {  	s21 =	rddreg [dreg:$0xa];
	[sflag:s24] =	ssyncadd.s32 $0xFFFFF800  }
0x76: {  	[spmem:s21] =	stream.linear.scatter [tilespmem:s23], [sflag:$0xD], $0x800, $0x38;
	[tilespmem:$0x1FA20] =	vst v63  }
0x77: {  	_ =	swait.ge [sflag:s24], $0x800  }
0x78: {  	[sflag:s24] =	ssyncset.done $0x0  }
0x79: {  	s17 =	rddreg [dreg:$0xb];
	[sflag:s24] =	ssyncadd.s32 $0xFFFFF800  }
0x7a: {  	[spmem:s17] =	stream.linear.scatter [tilespmem:s23], [sflag:$0xD], $0x800, $0x38;
	[tilespmem:$0x1FA20] =	vst v63  }
0x7b: {  	_ =	swait.ge [sflag:s24], $0x800  }
0x7c: {  	[sflag:s24] =	ssyncset.done $0x0  }
0x7d: {  	s18 =	rddreg [dreg:$0xc];
	[sflag:s24] =	ssyncadd.s32 $0xFFFFF800  }
0x7e: {  	[spmem:s18] =	stream.linear.scatter [tilespmem:s23], [sflag:$0xD], $0x800, $0x38;
	[tilespmem:$0x1FA20] =	vst v63  }
0x7f: {  	_ =	swait.ge [sflag:s24], $0x800  }
0x80: {  	[sflag:s24] =	ssyncset.done $0x0  }
0x81: {  	s19 =	rddreg [dreg:$0xd];
	[sflag:s24] =	ssyncadd.s32 $0xFFFFF800  }
0x82: {  	[spmem:s19] =	stream.linear.scatter [tilespmem:s23], [sflag:$0xD], $0x800, $0x38;
	[tilespmem:$0x1FA20] =	vst v63  }
0x83: {  	_ =	swait.ge [sflag:s24], $0x800  }
0x84: {  	[sflag:s24] =	ssyncset.done $0x0  }
0x85: {  	s21 =	rddreg [dreg:$0xe];
	[sflag:s24] =	ssyncadd.s32 $0xFFFFF800  }
0x86: {  	[spmem:s21] =	stream.linear.scatter [tilespmem:s23], [sflag:$0xD], $0x800, $0x38;
	[tilespmem:$0x1FA20] =	vst v63  }
0x87: {  	_ =	swait.ge [sflag:s24], $0x800  }
0x88: {  	[sflag:s24] =	ssyncset.done $0x0  }
0x89: {  	s17 =	rddreg [dreg:$0xf];
	[sflag:s24] =	ssyncadd.s32 $0xFFFFF800  }
0x8a: {  	[spmem:s17] =	stream.linear.scatter [tilespmem:s23], [sflag:$0xD], $0x800, $0x38;
	[tilespmem:$0x1FA20] =	vst v63  }
0x8b: {  	_ =	swait.ge [sflag:s24], $0x800  }
0x8c: {  	[sflag:s24] =	ssyncset.done $0x0  }
0x8d: {  	s18 =	rddreg [dreg:$0x10];
	[sflag:s24] =	ssyncadd.s32 $0xFFFFF800  }
0x8e: {  	[spmem:s18] =	stream.linear.scatter [tilespmem:s23], [sflag:$0xD], $0x800, $0x38;
	[tilespmem:$0x1FA20] =	vst v63  }
0x8f: {  	_ =	swait.ge [sflag:s24], $0x800  }
0x90: {  	[sflag:s24] =	ssyncset.done $0x0  }
0x91: {  	s19 =	rddreg [dreg:$0x11];
	[sflag:s24] =	ssyncadd.s32 $0xFFFFF800  }
0x92: {  	[spmem:s19] =	stream.linear.scatter [tilespmem:s23], [sflag:$0xD], $0x800, $0x38;
	[tilespmem:$0x1FA20] =	vst v63  }
0x93: {  	_ =	swait.ge [sflag:s24], $0x800  }
0x94: {  	[sflag:s24] =	ssyncset.done $0x0  }
0x95: {  	s21 =	rddreg [dreg:$0x12];
	[sflag:s24] =	ssyncadd.s32 $0xFFFFF800  }
0x96: {  	[spmem:s21] =	stream.linear.scatter [tilespmem:s23], [sflag:$0xD], $0x800, $0x38;
	[tilespmem:$0x1FA20] =	vst v63  }
0x97: {  	_ =	swait.ge [sflag:s24], $0x800  }
0x98: {  	[sflag:s24] =	ssyncset.done $0x0  }
0x99: {  	s17 =	rddreg [dreg:$0x13];
	[sflag:s24] =	ssyncadd.s32 $0xFFFFF800  }
0x9a: {  	[spmem:s17] =	stream.linear.scatter [tilespmem:s23], [sflag:$0xD], $0x800, $0x38;
	[tilespmem:$0x1FA20] =	vst v63  }
0x9b: {  	_ =	swait.ge [sflag:s24], $0x800  }
0x9c: {  	[sflag:s24] =	ssyncset.done $0x0  }
0x9d: {  	s18 =	rddreg [dreg:$0x14];
	[sflag:s24] =	ssyncadd.s32 $0xFFFFF800  }
0x9e: {  	[spmem:s18] =	stream.linear.scatter [tilespmem:s23], [sflag:$0xD], $0x800, $0x38;
	[tilespmem:$0x1FA20] =	vst v63  }
0x9f: {  	_ =	swait.ge [sflag:s24], $0x800  }
0xa0: {  	[sflag:s24] =	ssyncset.done $0x0  }
0xa1: {  	s19 =	rddreg [dreg:$0x15];
	[sflag:s24] =	ssyncadd.s32 $0xFFFFF800  }
0xa2: {  	[spmem:s19] =	stream.linear.scatter [tilespmem:s23], [sflag:$0xD], $0x800, $0x38;
	[tilespmem:$0x1FA20] =	vst v63  }
0xa3: {  	_ =	swait.ge [sflag:s24], $0x800  }
0xa4: {  	[sflag:s24] =	ssyncset.done $0x0  }
0xa5: {  	s21 =	rddreg [dreg:$0x18];
	[sflag:s24] =	ssyncadd.s32 $0xFFFFF800  }
0xa6: {  	[spmem:s21] =	stream.linear.scatter [tilespmem:s23], [sflag:$0xD], $0x800, $0x38;
	[tilespmem:$0x1FA20] =	vst v63  }
0xa7: {  	_ =	swait.ge [sflag:s24], $0x800  }
0xa8: {  	[sflag:s24] =	ssyncset.done $0x0  }
0xa9: {  	s17 =	rddreg [dreg:$0x19];
	[sflag:s24] =	ssyncadd.s32 $0xFFFFF800  }
0xaa: {  	[spmem:s17] =	stream.linear.scatter [tilespmem:s23], [sflag:$0xD], $0x800, $0x38;
	[tilespmem:$0x1FA20] =	vst v63  }
0xab: {  	_ =	swait.ge [sflag:s24], $0x800  }
0xac: {  	[sflag:s24] =	ssyncset.done $0x0  }
0xad: {  	s18 =	rddreg [dreg:$0x1a];
	[sflag:s24] =	ssyncadd.s32 $0xFFFFF800  }
0xae: {  	[spmem:s18] =	stream.linear.scatter [tilespmem:s23], [sflag:$0xD], $0x800, $0x38;
	[tilespmem:$0x1FA20] =	vst v63  }
0xaf: {  	_ =	swait.ge [sflag:s24], $0x800  }
0xb0: {  	[sflag:s24] =	ssyncset.done $0x0  }
0xb1: {  	s19 =	rddreg [dreg:$0x1b];
	[sflag:s24] =	ssyncadd.s32 $0xFFFFF800  }
0xb2: {  	[spmem:s19] =	stream.linear.scatter [tilespmem:s23], [sflag:$0xD], $0x800, $0x38;
	[tilespmem:$0x1FA20] =	vst v63  }
0xb3: {  	_ =	swait.ge [sflag:s24], $0x800  }
0xb4: {  	[sflag:s24] =	ssyncset.done $0x0  }
0xb5: {  	s21 =	rddreg [dreg:$0x1c];
	[sflag:s24] =	ssyncadd.s32 $0xFFFFF800  }
0xb6: {  	[spmem:s21] =	stream.linear.scatter [tilespmem:s23], [sflag:$0xD], $0x800, $0x38;
	[tilespmem:$0x1FA20] =	vst v63  }
0xb7: {  	_ =	swait.ge [sflag:s24], $0x800  }
0xb8: {  	[sflag:s24] =	ssyncset.done $0x0  }
0xb9: {  	s17 =	rddreg [dreg:$0x1d];
	[sflag:s24] =	ssyncadd.s32 $0xFFFFF800  }
0xba: {  	[spmem:s17] =	stream.linear.scatter [tilespmem:s23], [sflag:$0xD], $0x800, $0x38;
	[tilespmem:$0x1FA20] =	vst v63  }
0xbb: {  	_ =	swait.ge [sflag:s24], $0x800  }
0xbc: {  	[sflag:s24] =	ssyncset.done $0x0  }
0xbd: {  	s18 =	rddreg [dreg:$0x1e];
	[sflag:s24] =	ssyncadd.s32 $0xFFFFF800  }
0xbe: {  	[spmem:s18] =	stream.linear.scatter [tilespmem:s23], [sflag:$0xD], $0x800, $0x38;
	[tilespmem:$0x1FA20] =	vst v63  }
0xbf: {  	_ =	swait.ge [sflag:s24], $0x800  }
0xc0: {  	[sflag:s24] =	ssyncset.done $0x0  }
0xc1: {  	s19 =	rddreg [dreg:$0x1f];
	[sflag:s24] =	ssyncadd.s32 $0xFFFFF800  }
0xc2: {  	[spmem:s19] =	stream.linear.scatter [tilespmem:s23], [sflag:$0xD], $0x800, $0x38;
	[tilespmem:$0x1FA20] =	vst v63  }
0xc3: {  	_ =	swait.ge [sflag:s24], $0x800  }
0xc4: {  	s21 =	sld [smem:$0x7EF]  }
0xc5: {  	[sflag:s24] =	ssyncset.done $0x0  }
0xc6: {  	[sflag:s24] =	ssyncadd.s32 $0xFFFFF800  }
0xc7: {  	[spmem:s21] =	stream.linear.scatter [tilespmem:s23], [sflag:$0xD], $0x800, $0x38;
	[tilespmem:$0x1FA20] =	vst v63  }
0xc8: {  	_ =	swait.ge [sflag:s24], $0x800  }
0xc9: {  	s17 =	sld [smem:$0x7F0]  }
0xca: {  	[sflag:s24] =	ssyncset.done $0x0  }
0xcb: {  	[sflag:s24] =	ssyncadd.s32 $0xFFFFF800  }
0xcc: {  	[spmem:s17] =	stream.linear.scatter [tilespmem:s23], [sflag:$0xD], $0x800, $0x38;
	[tilespmem:$0x1FA20] =	vst v63  }
0xcd: {  	_ =	swait.ge [sflag:s24], $0x800  }
0xce: {  	s18 =	sld [smem:$0x7F1]  }
0xcf: {  	[sflag:s24] =	ssyncset.done $0x0  }
0xd0: {  	[sflag:s24] =	ssyncadd.s32 $0xFFFFF800  }
0xd1: {  	[spmem:s18] =	stream.linear.scatter [tilespmem:s23], [sflag:$0xD], $0x800, $0x38;
	[tilespmem:$0x1FA20] =	vst v63  }
0xd2: {  	_ =	swait.ge [sflag:s24], $0x800  }
0xd3: {  	s19 =	sld [smem:$0x7F2]  }
0xd4: {  	[sflag:s24] =	ssyncset.done $0x0  }
0xd5: {  	[sflag:s24] =	ssyncadd.s32 $0xFFFFF800  }
0xd6: {  	[spmem:s19] =	stream.linear.scatter [tilespmem:s23], [sflag:$0xD], $0x800, $0x38;
	[tilespmem:$0x1FA20] =	vst v63  }
0xd7: {  	_ =	swait.ge [sflag:s24], $0x800  }
0xd8: {  	s21 =	sld [smem:$0x7F3]  }
0xd9: {  	[sflag:s24] =	ssyncset.done $0x0  }
0xda: {  	[sflag:s24] =	ssyncadd.s32 $0xFFFFF800  }
0xdb: {  	[spmem:s21] =	stream.linear.scatter [tilespmem:s23], [sflag:$0xD], $0x800, $0x38;
	[tilespmem:$0x1FA20] =	vst v63  }
0xdc: {  	_ =	swait.ge [sflag:s24], $0x800  }
0xdd: {  	s17 =	sld [smem:$0x7F4]  }
0xde: {  	[sflag:s24] =	ssyncset.done $0x0  }
0xdf: {  	[sflag:s24] =	ssyncadd.s32 $0xFFFFF800  }
0xe0: {  	[spmem:s17] =	stream.linear.scatter [tilespmem:s23], [sflag:$0xD], $0x800, $0x38;
	[tilespmem:$0x1FA20] =	vst v63  }
0xe1: {  	_ =	swait.ge [sflag:s24], $0x800  }
0xe2: {  	s18 =	sld [smem:$0x7F5]  }
0xe3: {  	[sflag:s24] =	ssyncset.done $0x0  }
0xe4: {  	[sflag:s24] =	ssyncadd.s32 $0xFFFFF800  }
0xe5: {  	[spmem:s18] =	stream.linear.scatter [tilespmem:s23], [sflag:$0xD], $0x800, $0x38;
	[tilespmem:$0x1FA20] =	vst v63  }
0xe6: {  	_ =	swait.ge [sflag:s24], $0x800  }
0xe7: {  	s19 =	sld [smem:$0x7F6]  }
0xe8: {  	[sflag:s24] =	ssyncset.done $0x0  }
0xe9: {  	[sflag:s24] =	ssyncadd.s32 $0xFFFFF800  }
0xea: {  	[spmem:s19] =	stream.linear.scatter [tilespmem:s23], [sflag:$0xD], $0x800, $0x38;
	[tilespmem:$0x1FA20] =	vst v63  }
0xeb: {  	_ =	swait.ge [sflag:s24], $0x800  }
0xec: {  	s21 =	sld [smem:$0x7F7]  }
0xed: {  	[sflag:s24] =	ssyncset.done $0x0  }
0xee: {  	[sflag:s24] =	ssyncadd.s32 $0xFFFFF800  }
0xef: {  	[spmem:s21] =	stream.linear.scatter [tilespmem:s23], [sflag:$0xD], $0x800, $0x38;
	[tilespmem:$0x1FA20] =	vst v63  }
0xf0: {  	_ =	swait.ge [sflag:s24], $0x800  }
0xf1: {  	s17 =	sld [smem:$0x7F8]  }
0xf2: {  	[sflag:s24] =	ssyncset.done $0x0  }
0xf3: {  	[sflag:s24] =	ssyncadd.s32 $0xFFFFF800  }
0xf4: {  	[spmem:s17] =	stream.linear.scatter [tilespmem:s23], [sflag:$0xD], $0x800, $0x38;
	[tilespmem:$0x1FA20] =	vst v63  }
0xf5: {  	_ =	swait.ge [sflag:s24], $0x800  }
0xf6: {  	s18 =	sld [smem:$0x7F9]  }
0xf7: {  	[sflag:s24] =	ssyncset.done $0x0  }
0xf8: {  	[sflag:s24] =	ssyncadd.s32 $0xFFFFF800  }
0xf9: {  	[spmem:s18] =	stream.linear.scatter [tilespmem:s23], [sflag:$0xD], $0x800, $0x38;
	[tilespmem:$0x1FA20] =	vst v63  }
0xfa: {  	_ =	swait.ge [sflag:s24], $0x800  }
0xfb: {  	s19 =	sld [smem:$0x7FA]  }
0xfc: {  	[sflag:s24] =	ssyncset.done $0x0  }
0xfd: {  	[sflag:s24] =	ssyncadd.s32 $0xFFFFF800  }
0xfe: {  	[spmem:s19] =	stream.linear.scatter [tilespmem:s23], [sflag:$0xD], $0x800, $0x38;
	[tilespmem:$0x1FA20] =	vst v63  }
0xff: {  	_ =	swait.ge [sflag:s24], $0x800  }
0x100: {  	s21 =	sld [smem:$0x7FB]  }
0x101: {  	[sflag:s24] =	ssyncset.done $0x0  }
0x102: {  	[sflag:s24] =	ssyncadd.s32 $0xFFFFF800  }
0x103: {  	[spmem:s21] =	stream.linear.scatter [tilespmem:s23], [sflag:$0xD], $0x800, $0x38;
	[tilespmem:$0x1FA20] =	vst v63  }
0x104: {  	_ =	swait.ge [sflag:s24], $0x800  }
0x105: {  	s17 =	sld [smem:$0x7FC]  }
0x106: {  	[sflag:s24] =	ssyncset.done $0x0  }
0x107: {  	[sflag:s24] =	ssyncadd.s32 $0xFFFFF800  }
0x108: {  	[spmem:s17] =	stream.linear.scatter [tilespmem:s23], [sflag:$0xD], $0x800, $0x38;
	[tilespmem:$0x1FA20] =	vst v63  }
0x109: {  	_ =	swait.ge [sflag:s24], $0x800  }
0x10a: {  	s18 =	sld [smem:$0x7FD]  }
0x10b: {  	[sflag:s24] =	ssyncset.done $0x0  }
0x10c: {  	[sflag:s24] =	ssyncadd.s32 $0xFFFFF800  }
0x10d: {  	[spmem:s18] =	stream.linear.scatter [tilespmem:s23], [sflag:$0xD], $0x800, $0x38;
	[tilespmem:$0x1FA20] =	vst v63  }
0x10e: {  	_ =	swait.ge [sflag:s24], $0x800  }
0x10f: {  	[sflag:s24] =	ssyncset.done $0x0  }
0x110: {  	[sflag:s24] =	ssyncadd.s32 $0xFFFFF800  }
0x111: {  	_ =	swait.ge [sflag:s25], $0x2710  }
0x112: {  	[sflag:s25] =	ssyncset.done $0x0  }
0x113: {  	[sflag:s25] =	ssyncadd.s32 $0xFFFFD8F0  }
0x114: {  	_ =	swait.ge [sflag:s26], $0x2710  }
0x115: {  	[sflag:s26] =	ssyncset.done $0x0  }
0x116: {  	[sflag:s26] =	ssyncadd.s32 $0xFFFFD8F0  }
0x117: {  	s16 =	simm.s32 $0x0;
	[bflag:$0x0] =	sbarrier.arrive $0xFFFF  }
0x118: {  	[tilespmem:s29], [sflag:$0x3] =	stream.indirect.gather [hbm4b:s4+s28], $0x80, s16, s28, $0xb8;
	[tilespmem:$0x1FA20] =	vst v63  }
0x119: {  	_ = 	snop  }
0x11a: {  	[tilespmem:s30], [sflag:$0x4] =	stream.indirect.gather [hbm4b:s4+s28], $0x80, s28, s28, $0xb8;
	[tilespmem:$0x1FA20] =	vst v63  }
0x11b: {  	s17 =	simm.s32 $0x50  }
0x11c: {  	[tilespmem:s31], [sflag:$0x5] =	stream.indirect.gather [hbm4b:s4+s28], $0x80, s17, s28, $0xb8;
	[tilespmem:$0x1FA20] =	vst v63  }
0x11d: {  	s19 =	simm.s32 $0x78  }
0x11e: {  	[tilespmem:s1], [sflag:$0x6] =	stream.indirect.gather [hbm4b:s4+s28], $0x80, s19, s28, $0xb8;
	[tilespmem:$0x1FA20] =	vst v63  }
0x11f: {  	_ =	swait.ge [sflag:s0], $0x1400  }
0x120: {  	[sflag:s0] =	ssyncset.done $0x0  }
0x121: {  	[sflag:s0] =	ssyncadd.s32 $0xFFFFEC00  }
0x122: {  	[spmem:s2] =	stream.indirect.scatter.add.f32 [tilespmem:s29], [sflag:$0x8], $0x80, s20, s28, $0xb8;
	[tilespmem:$0x1FA20] =	vst v63  }
0x123: {  	s21 =	simm.s32 $0xA0  }
0x124: {  	[tilespmem:s5], [sflag:$0x7] =	stream.indirect.gather [hbm4b:s4+s28], $0x80, s21, s28, $0xb8;
	[tilespmem:$0x1FA20] =	vst v63  }
0x125: {  	_ =	swait.ge [sflag:s7], $0x1400  }
0x126: {  	[sflag:s7] =	ssyncset.done $0x0  }
0x127: {  	s18 =	simm.s32 $0x2738;
	[sflag:s7] =	ssyncadd.s32 $0xFFFFEC00  }
0x128: {  	[spmem:s2] =	stream.indirect.scatter.add.f32 [tilespmem:s30], [sflag:$0x9], $0x80, s18, s28, $0xb8;
	[tilespmem:$0x1FA20] =	vst v63  }
0x129: {  	_ =	swait.ge [sflag:s8], $0x1400  }
0x12a: {  	[sflag:s8] =	ssyncset.done $0x0  }
0x12b: {  	s19 =	simm.s32 $0xC8;
	[sflag:s8] =	ssyncadd.s32 $0xFFFFEC00  }
0x12c: {  	[tilespmem:s29], [sflag:$0x3] =	stream.indirect.gather [hbm4b:s4+s28], $0x80, s19, s28, $0xb8;
	[tilespmem:$0x1FA20] =	vst v63  }
0x12d: {  	_ =	swait.ge [sflag:s9], $0x1400  }
0x12e: {  	[sflag:s9] =	ssyncset.done $0x0  }
0x12f: {  	s20 =	simm.s32 $0x2760;
	[sflag:s9] =	ssyncadd.s32 $0xFFFFEC00  }
0x130: {  	[spmem:s2] =	stream.indirect.scatter.add.f32 [tilespmem:s31], [sflag:$0xA], $0x80, s20, s28, $0xb8;
	[tilespmem:$0x1FA20] =	vst v63  }
0x131: {  	_ =	swait.ge [sflag:s10], $0x1400  }
0x132: {  	[sflag:s10] =	ssyncset.done $0x0  }
0x133: {  	s21 =	simm.s32 $0xF0;
	[sflag:s10] =	ssyncadd.s32 $0xFFFFEC00  }
0x134: {  	[tilespmem:s30], [sflag:$0x4] =	stream.indirect.gather [hbm4b:s4+s28], $0x80, s21, s28, $0xb8;
	[tilespmem:$0x1FA20] =	vst v63  }
0x135: {  	_ =	swait.ge [sflag:s11], $0x1400  }
0x136: {  	[sflag:s11] =	ssyncset.done $0x0  }
0x137: {  	s18 =	simm.s32 $0x2788;
	[sflag:s11] =	ssyncadd.s32 $0xFFFFEC00  }
0x138: {  	[spmem:s2] =	stream.indirect.scatter.add.f32 [tilespmem:s1], [sflag:$0xB], $0x80, s18, s28, $0xb8;
	[tilespmem:$0x1FA20] =	vst v63  }
0x139: {  	_ =	swait.ge [sflag:s12], $0x1400  }
0x13a: {  	[sflag:s12] =	ssyncset.done $0x0  }
0x13b: {  	s19 =	simm.s32 $0x118;
	[sflag:s12] =	ssyncadd.s32 $0xFFFFEC00  }
0x13c: {  	[tilespmem:s31], [sflag:$0x5] =	stream.indirect.gather [hbm4b:s4+s28], $0x80, s19, s28, $0xb8;
	[tilespmem:$0x1FA20] =	vst v63  }
0x13d: {  	_ =	swait.ge [sflag:s13], $0x1400  }
0x13e: {  	[sflag:s13] =	ssyncset.done $0x0  }
0x13f: {  	s20 =	simm.s32 $0x27B0;
	[sflag:s13] =	ssyncadd.s32 $0xFFFFEC00  }
0x140: {  	[spmem:s2] =	stream.indirect.scatter.add.f32 [tilespmem:s5], [sflag:$0xC], $0x80, s20, s28, $0xb8;
	[tilespmem:$0x1FA20] =	vst v63  }
0x141: {  	_ =	swait.ge [sflag:s14], $0x1400  }
0x142: {  	[sflag:s14] =	ssyncset.done $0x0  }
0x143: {  	s21 =	simm.s32 $0x140;
	[sflag:s14] =	ssyncadd.s32 $0xFFFFEC00  }
0x144: {  	[tilespmem:s1], [sflag:$0x6] =	stream.indirect.gather [hbm4b:s4+s28], $0x80, s21, s28, $0xb8;
	[tilespmem:$0x1FA20] =	vst v63  }
.LBB2_4:
0x145: {  	_ =	swait.ge [sflag:s0], $0x1400  }
0x146: {  	s17 =	sshra.s32 s16, $0x2;
	[sflag:s0] =	ssyncset.done $0x0  }
0x147: {  	s18 =	sadd.s32 $0x27D8, s17;
	[sflag:s0] =	ssyncadd.s32 $0xFFFFEC00  }
0x148: {  	[spmem:s2] =	stream.indirect.scatter.add.f32 [tilespmem:s29], [sflag:$0x8], $0x80, s18, s28, $0xb8;
	[tilespmem:$0x1FA20] =	vst v63  }
0x149: {  	_ =	swait.ge [sflag:s15], $0x1400  }
0x14a: {  	[sflag:s15] =	ssyncset.done $0x0  }
0x14b: {  	s19 =	sadd.s32 $0x168, s17;
	[sflag:s15] =	ssyncadd.s32 $0xFFFFEC00  }
0x14c: {  	[tilespmem:s5], [sflag:$0x7] =	stream.indirect.gather [hbm4b:s4+s28], $0x80, s19, s28, $0xb8;
	[tilespmem:$0x1FA20] =	vst v63  }
0x14d: {  	_ =	swait.ge [sflag:s7], $0x1400  }
0x14e: {  	p0 =	seq.s32 s16, $0x9600;
	[sflag:s7] =	ssyncset.done $0x0  }
0x14f: {  	s20 =	sadd.s32 $0x2800, s17;
	s18 =	simm.s32 @p0 $0x5;
	[sflag:s7] =	ssyncadd.s32 $0xFFFFEC00  }
0x150: {  	[spmem:s2] =	stream.indirect.scatter.add.f32 [tilespmem:s30], [sflag:$0x9], $0x80, s20, s28, $0xb8;
	[tilespmem:$0x1FA20] =	vst v63  }
0x151: {  	_ =	swait.ge @p0 [sflag:s18], $0x1400  }
0x152: {  	[sflag:s18] =	ssyncset.done @p0 $0x0  }
0x153: {  	[sflag:s18] =	ssyncadd.s32 @p0 $0xFFFFEC00;
	s18 =	sshra.s32 @p0 s16, $0x2  }
0x154: {  	s19 =	simm.s32 @p0 $0x28;
	s20 =	simm.s32 @p0 $0x7620;
	s18 =	sadd.s32 @p0 $0x2828, s18  }
0x155: {  	[spmem:s2] =	stream.indirect.scatter.add.f32 @p0 [tilespmem:s20], [sflag:$0xA], $0x80, s18, s19, $0xb8;
	[tilespmem:$0x1FA20] =	vst v63  }
0x156: {  	s18 =	simm.s32 @!p0 $0x8  }
0x157: {  	_ =	swait.ge @!p0 [sflag:s18], $0x1400  }
0x158: {  	[sflag:s18] =	ssyncset.done @!p0 $0x0  }
0x159: {  	[sflag:s18] =	ssyncadd.s32 @!p0 $0xFFFFEC00;
	s18 =	sshra.s32 @!p0 s16, $0x2  }
0x15a: {  	s21 =	simm.s32 @!p0 $0x4E20;
	s20 =	simm.s32 @!p0 $0x28;
	s19 =	sadd.s32 @!p0 $0x190, s18  }
0x15b: {  	[tilespmem:s21], [sflag:$0x3] =	stream.indirect.gather @!p0 [hbm4b:s4+s20], $0x80, s19, s20, $0xb8;
	[tilespmem:$0x1FA20] =	vst v63  }
0x15c: {  	s19 =	simm.s32 @!p0 $0x5  }
0x15d: {  	_ =	swait.ge @!p0 [sflag:s19], $0x1400  }
0x15e: {  	[sflag:s19] =	ssyncset.done @!p0 $0x0  }
0x15f: {  	s21 =	simm.s32 @!p0 $0x7620;
	[sflag:s19] =	ssyncadd.s32 @!p0 $0xFFFFEC00;
	s19 =	sadd.s32 @!p0 $0x2828, s18  }
0x160: {  	[spmem:s2] =	stream.indirect.scatter.add.f32 @!p0 [tilespmem:s21], [sflag:$0xA], $0x80, s19, s20, $0xb8;
	[tilespmem:$0x1FA20] =	vst v63  }
0x161: {  	s19 =	simm.s32 @!p0 $0x9  }
0x162: {  	_ =	swait.ge @!p0 [sflag:s19], $0x1400  }
0x163: {  	[sflag:s19] =	ssyncset.done @!p0 $0x0  }
0x164: {  	s18 =	sadd.s32 @!p0 $0x1B8, s18;
	[sflag:s19] =	ssyncadd.s32 @!p0 $0xFFFFEC00;
	s19 =	simm.s32 @!p0 $0x6220  }
0x165: {  	[tilespmem:s19], [sflag:$0x4] =	stream.indirect.gather @!p0 [hbm4b:s4+s20], $0x80, s18, s20, $0xb8;
	[tilespmem:$0x1FA20] =	vst v63  }
.Ltmp3:
0x166: {  	_ = 	snop;
	(pc) =	sbr.rel @p0 .LBB2_6-.Ltmp3, $4  }
0x167: {  	_ =	swait.ge [sflag:s11], $0x1400  }
0x168: {  	[sflag:s11] =	ssyncset.done $0x0  }
0x169: {  	s21 =	sadd.s32 $0x2850, s17;
	s18 =	sadd.s32 $0x2878, s17;
	[sflag:s11] =	ssyncadd.s32 $0xFFFFEC00  }
0x16a: {  	[spmem:s2] =	stream.indirect.scatter.add.f32 [tilespmem:s1], [sflag:$0xB], $0x80, s21, s28, $0xb8;
	[tilespmem:$0x1FA20] =	vst v63  }
0x16b: {  	_ =	swait.ge [sflag:s12], $0x1400  }
0x16c: {  	[sflag:s12] =	ssyncset.done $0x0  }
0x16d: {  	s19 =	sadd.s32 $0x1E0, s17;
	[sflag:s12] =	ssyncadd.s32 $0xFFFFEC00  }
0x16e: {  	[tilespmem:s31], [sflag:$0x5] =	stream.indirect.gather [hbm4b:s4+s28], $0x80, s19, s28, $0xb8;
	[tilespmem:$0x1FA20] =	vst v63  }
0x16f: {  	_ =	swait.ge [sflag:s13], $0x1400  }
0x170: {  	[sflag:s13] =	ssyncset.done $0x0  }
0x171: {  	[sflag:s13] =	ssyncadd.s32 $0xFFFFEC00  }
0x172: {  	[spmem:s2] =	stream.indirect.scatter.add.f32 [tilespmem:s5], [sflag:$0xC], $0x80, s18, s28, $0xb8;
	[tilespmem:$0x1FA20] =	vst v63  }
.Ltmp4:
0x173: {  	_ = 	snop;
	(pc) =	sbr.rel .LBB2_4-.Ltmp4, $4  }
0x174: {  	_ =	swait.ge [sflag:s14], $0x1400  }
0x175: {  	[sflag:s14] =	ssyncset.done $0x0  }
0x176: {  	s21 =	sadd.s32 $0x208, s17;
	s16 =	sadd.s32 $0x320, s16;
	[sflag:s14] =	ssyncadd.s32 $0xFFFFEC00  }
0x177: {  	[tilespmem:s1], [sflag:$0x6] =	stream.indirect.gather [hbm4b:s4+s28], $0x80, s21, s28, $0xb8;
	[tilespmem:$0x1FA20] =	vst v63  }
.LBB2_7:
0x178: {  	_ =	sfence.sel $0x180000  }
0x179: {  	[bflag:$0x0] =	sbarrier.arrive $0xFFFF  }
0x17a: {  	_ =	strace $0x9000004A  }
0x17b: {  	s0 =	stileid.u32;
	[bflag:$0x2] =	sbarrier.arrive $0xFFFF  }
0x17c: {  	p0 =	sne.s32 s0, $0x0;
	s0 =	rddreg [dreg:$0x3]  }
0x17d: {  	s0 =	sadd.s32 @!p0 $0x100000, s0  }
0x17e: {  	[sflag:s0] =	ssyncadd.tile.s32 @!p0 $0x1;
	_ =	shalt  }
.Lfunc_end2:
_tile_overlayer_lowered:
.L_overlay_start_2:
0x17f: {  	(tag) =	ssettag $0x2  }
0x180: {  	s0 =	rddreg [dreg:$0x0];
	s2 =	stileid.u32  }
0x181: {  	s1 =	rddreg [dreg:$0x1];
	p0 =	sne.s32 s2, $0x0  }
0x182: {  	s3 =	rddreg [dreg:$0x2];
	[bflag:$0x3] =	sbarrier.arrive $0xFFFF;
	s2 =	simm.s32 @!p0 $0x1C0D  }
0x183: {  	[timem:s3], [sflag:s2] =	dma.local @!p0 [hbm:s0], s1  }
0x184: {  	s0 =	simm.s32 @!p0 $0xD  }
0x185: {  	_ =	swait.ge @!p0 [sflag:s0], s1  }
0x186: {  	s1 =	ssub.s32 @!p0 $0x0, s1;
	[sflag:s0] =	ssyncset.done @!p0 $0x0  }
0x187: {  	[sflag:s0] =	ssyncadd.s32 @!p0 s1  }
0x188: {  	[bflag:$0x3] =	sbarrier.arrive $0xFFFF  }
0x189: {  	_ =	shalt  }

// kernel: kernel.17.cloned.1.call-start
scs
__scs_entry_jumppad:
0x0: {  	(pc) =	sbr.rel $0x88, $3  }
0x1: {  	(tag) =	ssettag $0x0;
	lr =	simm.s32 $0x1  }
0x2: {  	[smem:$0x3F99] =	sst lr;
	_ =	strace $0xD0000000  }
0x3: {  	_ = 	snop  }
0x4: {  	_ = 	snop  }
0x5: {  	_ = 	snop  }
0x6: {  	_ = 	snop  }
0x7: {  	_ = 	snop  }
__scs_overlays_trampoline_lowered:
0x8: {  	[smem:$0x3FA8] =	sst s0  }
0x9: {  	[smem:$0x3FA9] =	sst s1  }
0xa: {  	[smem:$0x3FAA] =	sst s2  }
0xb: {  	[smem:$0x3FAB] =	sst s3  }
0xc: {  	[smem:$0x3FAC] =	sst s4  }
0xd: {  	[smem:$0x3FAD] =	sst s5  }
0xe: {  	[smem:$0x3FAE] =	sst s6  }
0xf: {  	[smem:$0x3FAF] =	sst s7  }
0x10: {  	[smem:$0x3FB0] =	sst s8  }
0x11: {  	[smem:$0x3FB1] =	sst s9;
	s0 =	simm.s32 @!p0 $0x0  }
0x12: {  	s1 =	sld [smem:$0x3F97];
	s0 =	simm.s32 @p0 $0x1  }
0x13: {  	[smem:$0x3FB2] =	sst s0;
	s0 =	simm.s32 @!p1 $0x0  }
0x14: {  	s2 =	sld [smem:$0x3F96];
	s0 =	simm.s32 @p1 $0x1  }
0x15: {  	[smem:$0x3FB3] =	sst s0;
	s0 =	simm.s32 @!p2 $0x0  }
0x16: {  	s3 =	sld [smem:$0x3FDB];
	s0 =	simm.s32 @p2 $0x1  }
0x17: {  	s4 =	simm.s32 $0x1BF5;
	[smem:$0x3FB5] =	sst s0  }
0x18: {  	s0 =	sld [smem:$0x3F98];
	_ =	swait.ge [sflag:s4], $0x0  }
0x19: {  	s7 =	sld [smem:$0x3F99]  }
0x1a: {  	s8 =	sadd.s32 $0xFFFFE003, lr  }
0x1b: {  	s9 =	sadd.s32 $0xFFFFFEF7, lr;
	s5 =	simm.s32 $0xFFFFFFFF;
	p2 =	slt.u32 s8, $0xFFFFF086  }
0x1c: {  	p1 =	slt.u32 s9, $0xF7A;
	s5 =	simm.s32 @!p2 $0x0  }
0x1d: {  	s5 =	simm.s32 @p1 $0x1;
	p0 =	seq.s32 s7, s2  }
0x1e: {  	s7 =	smul.u32 @!p0 $0xF7A, s2;
	p2 =	seq.s32 @!p0 s5, $0x0  }
0x1f: {  	s9 =	smul.u32 $0xF7A, s1;
	s8 =	simm.s32 @!p0 $0x1BF5;
	p2 =	por !p2, p0  }
0x20: {  	[sflag:s8] =	ssyncset.s32 @!p0 $0xFFFFF086;
	s6 =	sadd.s32 @!p0 s3, s7;
	s7 =	simm.s32 @!p0 $0x108  }
0x21: {  	s3 =	sadd.s32 s3, s9;
	s6 =	sadd.s32 @!p0 $0x88, s6;
	s7 =	simm.s32 @p2 $0x1082  }
0x22: {  	[simem:s7], [sflag:s8] =	dma.local @!p0 [hbm:s6], $0xF7A  }
0x23: {  	s9 =	sor.u32 $0xD0000000, s2;
	s6 =	simm.s32 $0x108;
	_ =	swait.ge @!p0 [sflag:s8], $0x0  }
0x24: {  	s3 =	sadd.s32 $0x88, s3;
	s6 =	simm.s32 @!p1 $0x1082;
	[sflag:s4] =	ssyncset.s32 $0xFFFFF086  }
0x25: {  	[simem:s6], [sflag:s4] =	dma.local [hbm:s3], $0xF7A  }
0x26: {  	[smem:$0x3F99] =	sst s1;
	(tag) =	ssettag s2;
	_ =	strace s9  }
0x27: {  	s1 =	sld [smem:$0x3FA9]  }
0x28: {  	s2 =	sld [smem:$0x3FAA]  }
0x29: {  	s4 =	sld [smem:$0x3FAC]  }
0x2a: {  	p0 =	seq.s32 s5, $0x0;
	s5 =	sld [smem:$0x3FAD]  }
0x2b: {  	s6 =	sld [smem:$0x3FAE]  }
0x2c: {  	s7 =	sld [smem:$0x3FAF]  }
0x2d: {  	s3 =	simm.s32 $0x108;
	s8 =	sld [smem:$0x3FB0]  }
0x2e: {  	s3 =	simm.s32 @!p0 $0x1082;
	s9 =	sld [smem:$0x3FB1]  }
0x2f: {  	lr =	sadd.s32 s0, s3;
	s0 =	sld [smem:$0x3FA8]  }
0x30: {  	s3 =	sld [smem:$0x3FAB]  }
0x31: {  	[smem:$0x3FB4] =	sst s10  }
0x32: {  	s10 =	sld [smem:$0x3FB2];
	_ =	sdelay $0x3  }
0x33: {  	p0 =	seq.s32 s10, $0x1;
	s10 =	sld [smem:$0x3FB4];
	_ =	sdelay $0x3  }
0x34: {  	[smem:$0x3FB4] =	sst s10  }
0x35: {  	s10 =	sld [smem:$0x3FB3];
	_ =	sdelay $0x3  }
0x36: {  	p1 =	seq.s32 s10, $0x1;
	s10 =	sld [smem:$0x3FB4];
	_ =	sdelay $0x3  }
0x37: {  	[smem:$0x3FB4] =	sst s10  }
0x38: {  	s10 =	sld [smem:$0x3FB5]  }
0x39: {  	_ = 	snop;
	(pc) =	sbr.ind lr, $3  }
0x3a: {  	_ = 	snop  }
0x3b: {  	_ = 	snop  }
0x3c: {  	p2 =	seq.s32 s10, $0x1;
	s10 =	sld [smem:$0x3FB4]  }
0x3d: {  	_ =	shalt  }
0x3e: {  	_ =	shalt  }
0x3f: {  	_ =	shalt  }
0x40: {  	_ =	shalt  }
0x41: {  	_ =	shalt  }
0x42: {  	_ =	shalt  }
0x43: {  	_ =	shalt  }
0x44: {  	_ =	shalt  }
0x45: {  	_ =	shalt  }
0x46: {  	_ =	shalt  }
0x47: {  	_ =	shalt  }
0x48: {  	_ =	shalt  }
0x49: {  	_ =	shalt  }
0x4a: {  	_ =	shalt  }
0x4b: {  	_ =	shalt  }
0x4c: {  	_ =	shalt  }
0x4d: {  	_ =	shalt  }
0x4e: {  	_ =	shalt  }
0x4f: {  	_ =	shalt  }
0x50: {  	_ =	shalt  }
0x51: {  	_ =	shalt  }
0x52: {  	_ =	shalt  }
0x53: {  	_ =	shalt  }
0x54: {  	_ =	shalt  }
0x55: {  	_ =	shalt  }
0x56: {  	_ =	shalt  }
0x57: {  	_ =	shalt  }
0x58: {  	_ =	shalt  }
0x59: {  	_ =	shalt  }
0x5a: {  	_ =	shalt  }
0x5b: {  	_ =	shalt  }
0x5c: {  	_ =	shalt  }
0x5d: {  	_ =	shalt  }
0x5e: {  	_ =	shalt  }
0x5f: {  	_ =	shalt  }
0x60: {  	_ =	shalt  }
0x61: {  	_ =	shalt  }
0x62: {  	_ =	shalt  }
0x63: {  	_ =	shalt  }
0x64: {  	_ =	shalt  }
0x65: {  	_ =	shalt  }
0x66: {  	_ =	shalt  }
0x67: {  	_ =	shalt  }
0x68: {  	_ =	shalt  }
0x69: {  	_ =	shalt  }
0x6a: {  	_ =	shalt  }
0x6b: {  	_ =	shalt  }
0x6c: {  	_ =	shalt  }
0x6d: {  	_ =	shalt  }
0x6e: {  	_ =	shalt  }
0x6f: {  	_ =	shalt  }
0x70: {  	_ =	shalt  }
0x71: {  	_ =	shalt  }
0x72: {  	_ =	shalt  }
0x73: {  	_ =	shalt  }
0x74: {  	_ =	shalt  }
0x75: {  	_ =	shalt  }
0x76: {  	_ =	shalt  }
0x77: {  	_ =	shalt  }
0x78: {  	_ =	shalt  }
0x79: {  	_ =	shalt  }
0x7a: {  	_ =	shalt  }
0x7b: {  	_ =	shalt  }
0x7c: {  	_ =	shalt  }
0x7d: {  	_ =	shalt  }
0x7e: {  	_ =	shalt  }
0x7f: {  	_ =	shalt  }
0x80: {  	_ =	shalt  }
0x81: {  	_ =	shalt  }
0x82: {  	_ =	shalt  }
0x83: {  	_ =	shalt  }
0x84: {  	_ =	shalt  }
0x85: {  	_ =	shalt  }
0x86: {  	_ =	shalt  }
0x87: {  	_ =	shalt  }
.Lfunc_end0:
.L_simem_size_0:
called_computation.2_lowered:
.L_overlay_start_0:
0x88: {  	s2 =	sld [smem:$0x3FD9]  }
0x89: {  	s3 =	sld [smem:$0x3FFE];
	_ =	sdelay $0x1  }
0x8a: {  	s1 =	srdreg.scid  }
0x8b: {  	s0 =	sand.u32 $0x1, s1  }
0x8c: {  	s17 =	sshll.u32 s0, $0xA;
	s2 =	sadd.s32 s3, s2  }
0x8d: {  	s2 =	sadd.s32 s2, s17  }
0x8e: {  	[smem:$0x3FC0] =	sst s2  }
0x8f: {  	_ = 	snop  }
0x90: {  	s2 =	sld [smem:$0x3FD0];
	(tm) =	ssettm $0x1  }
0x91: {  	s18 =	sld [smem:$0x3FFB];
	_ =	sdelay $0x3  }
0x92: {  	_ =	strace s18  }
0x93: {  	s3 =	sld [smem:$0x3FFC];
	_ =	sdelay $0x3  }
0x94: {  	_ =	strace s3  }
0x95: {  	s3 =	sld [smem:$0x3FFD];
	_ =	sdelay $0x3  }
0x96: {  	_ =	strace s3  }
0x97: {  	_ =	strace $0x8FFFFFFF  }
0x98: {  	s19 =	sld [smem:$0x3FDB];
	_ =	sdelay $0x1  }
0x99: {  	s4 =	simm.s32 $_scs_section_size  }
0x9a: {  	s5 =	simm.s32 $_size__tile_overlayer_lowered;
	s6 =	simm.s32 $_tile_overlayer_lowered  }
0x9b: {  	s22 =	simm.s32 $0x1BFF;
	s21 =	sshll.u32 s6, $0x1;
	s3 =	sadd.s32 s4, s19  }
0x9c: {  	s7 =	simm.s32 $0x0;
	s20 =	sshll.u32 s5, $0x1;
	s5 =	sadd.s32 s21, s3  }
0x9d: {  	[timem:s7], [sflag:s22] =	dma.local [hbm:s5], s20  }
0x9e: {  	_ =	swait.ge [sflag:s22], s20  }
0x9f: {  	s4 =	ssub.s32 $0x0, s20;
	[sflag:s22] =	ssyncset.done $0x0  }
0xa0: {  	[sflag:s22] =	ssyncadd.s32 s4;
	_ =	sdelay $0x1  }
0xa1: {  	s23 =	simm.s32 $0x1B8B  }
0xa2: {  	_ =	swait.ge [sflag:s23], $0x1  }
0xa3: {  	[sflag:s23] =	ssyncset.done $0x0  }
0xa4: {  	s25 =	simm.s32 $0x1B8E;
	s24 =	sld [smem:$0x3FFE];
	[sflag:s23] =	ssyncadd.s32 $0xFFFFFFFF  }
0xa5: {  	s26 =	simm.s32 $execute0_lowered;
	[smem:$0x3FD2] =	sst s25  }
0xa6: {  	s5 =	sshll.u32 s26, $0x1;
	_ =	strace $0x8000004C;
	[dreg:$0x1] =	wrdreg $0xFFFFFFFF  }
0xa7: {  	s28 =	simm.s32 $_size_execute0_lowered;
	s3 =	sadd.s32 s3, s5;
	[dreg:$0x0] =	wrdreg $0x0  }
0xa8: {  	s5 =	sshll.u32 s28, $0x1;
	[dreg:$0x2] =	wrdreg s3  }
0xa9: {  	[dreg:$0x3] =	wrdreg s5  }
0xaa: {  	[dreg:$0x4] =	wrdreg $0xC0  }
0xab: {  	_ =	task [dreg:s7], $0x5FFFF  }
0xac: {  	[dreg:$0x1] =	wrdreg $0xFFFFFFFF  }
0xad: {  	[dreg:$0x0] =	wrdreg $0x60  }
0xae: {  	[dreg:$0x2] =	wrdreg s24  }
0xaf: {  	[dreg:$0x3] =	wrdreg s2  }
0xb0: {  	[dreg:$0x4] =	wrdreg $0xD2200  }
0xb1: {  	[dreg:$0x5] =	wrdreg $0x9  }
0xb2: {  	_ =	task.clear_ibuf [dreg:s7], $0x6FFFF;
	_ =	strace $0x9000004C  }
0xb3: {  	s29 =	simm.s32 $0x9;
	_ =	strace $0x8000004E  }
0xb4: {  	_ =	swait.ge [sflag:s29], $0x1  }
0xb5: {  	[sflag:s29] =	ssyncadd.s32 $0xFFFFFFFF  }
0xb6: {  	_ =	strace $0x9000004E  }
0xb7: {  	_ =	sfence  }
0xb8: {  	s30 =	sld [smem:$0x0];
	_ =	sdelay $0x2  }
0xb9: {  	s31 =	sshll.u32 s1, $0xD;
	s1 =	sshrl.u32 s1, $0x2  }
0xba: {  	s3 =	sand.u32 $0x4000, s31;
	s1 =	sadd.s32 s1, s30  }
0xbb: {  	s0 =	sor.u32 s3, s0;
	s1 =	sshll.u32 s1, $0x11  }
0xbc: {  	s0 =	sor.u32 s1, s0  }
0xbd: {  	s0 =	sadd.s32 $0x8F2B, s0  }
0xbe: {  	[sflag:s0] =	ssyncadd.remote.s32 $0x1  }
0xbf: {  	_ =	sfence.sel $0xFFFF  }
0xc0: {  	[dreg:$0x0] =	wrdreg $0xFFFFFFFF;
	(pc) =	sbr.abs _section_cstart, $3  }
0xc1: {  	[dreg:$0x1] =	wrdreg $0xFFFFFFFF  }
0xc2: {  	_ =	task.clear_ibuf [dreg:s7], $0x2FFFF;
	_ =	strace $0x9FFFFFFF  }
0xc3: {  	(tm) =	ssettm $0x7FFFFFFF  }
tec
execute0_lowered:
.L_overlay_start_1:
0x0: {  	(tag) =	ssettag $0x1  }
0x1: {  	s0 =	srdreg.scid  }
0x2: {  	s1 =	rddreg [dreg:$0x0];
	s9 =	stileid.u32  }
0x3: {  	s3 =	rddreg [dreg:$0x1];
	s7 =	simm.s32 $0x0;
	s13 =	simm.s32 $0x17  }
0x4: {  	s15 =	simm.s32 $0x1;
	s28 =	simm.s32 $0x7620;
	s30 =	simm.s32 $0x8020  }
0x5: {  	s31 =	simm.s32 $0x3;
	s14 =	simm.s32 $0x9420;
	s29 =	simm.s32 $0xA820  }
0x6: {  	s10 =	simm.s32 $0x12;
	s0 =	sand.u32 $0x1, s0;
	s6 =	smul.u32 $0x14000, s9  }
0x7: {  	[smem:$0x7FF] =	sst s7;
	s19 =	smul.u32 $0x28000, s9;
	s2 =	sshll.u32 s0, $0x4  }
0x8: {  	s17 =	sshll.u32 s0, $0x6;
	s0 =	ssub.s32 $0x2, s0;
	s4 =	sor.u32 s9, s2  }
0x9: {  	s2 =	rddreg [dreg:$0x2];
	_ =	strace $0x8000004D;
	s6 =	sor.u32 s17, s6  }
0xa: {  	s20 =	sshrl.u32 s0, $0x1;
	s21 =	sshrl.u32 s19, $0x2;
	s19 =	simm.s32 $0x28  }
0xb: {  	s9 =	simm.s32 $0xC;
	s5 =	smul.u32 $0x2710, s4;
	s11 =	sadd.s32 s21, s2  }
0xc: {  	s6 =	sshrl.u32 s6, $0x3;
	s23 =	sadd.s32 $0x2000, s11;
	[dreg:$0x4] =	wrdreg s11  }
0xd: {  	s0 =	ssub.s32 s0, s20;
	s24 =	sadd.s32 $0x4000, s11;
	[dreg:$0x7] =	wrdreg s23  }
0xe: {  	s20 =	simm.s32 $0x4E20;
	s25 =	sadd.s32 $0x6000, s11;
	[dreg:$0x8] =	wrdreg s24  }
0xf: {  	s21 =	simm.s32 $0x5820;
	s26 =	sadd.s32 $0x8000, s11;
	[dreg:$0x9] =	wrdreg s25  }
0x10: {  	s0 =	smax.u32 s0, $0x1;
	s4 =	sadd.s32 $0x4E200, s5;
	[dreg:$0xa] =	wrdreg s26  }
0x11: {  	s22 =	sshrl.u32 s5, $0x3;
	[dreg:$0xc] =	wrdreg s0;
	s8 =	smulhi.u32 $0xCCCCCCCD, s4  }
0x12: {  	s23 =	simm.s32 $0x6220;
	s25 =	simm.s32 $0x6C20;
	s0 =	simm.s32 $0x4  }
0x13: {  	s24 =	simm.s32 $0x9E20;
	s26 =	simm.s32 $0x6;
	s18 =	sshrl.u32 s8, $0x5  }
0x14: {  	s4 =	sadd.s32 $0x2E00, s1;
	s1 =	sadd.s32 s6, s1;
	s7 =	smul.u32 $0x28, s18  }
.Ltmp0:
0x15: {  	s5 =	sadd.s32 s3, s22;
	s22 =	simm.s32 $0x5;
	(pc) =	sbr.rel .LBB2_1-.Ltmp0, $4  }
0x16: {  	s6 =	simm.s32 $0x7;
	[dreg:$0x5] =	wrdreg s5;
	s1 =	sadd.s32 $0x16E00, s1  }
0x17: {  	s5 =	simm.s32 $0x0;
	[dreg:$0xb] =	wrdreg s1;
	s7 =	sshrl.u32 s7, $0x3  }
0x18: {  	s1 =	simm.s32 $0x8A20;
	s8 =	simm.s32 $0xB;
	s3 =	sadd.s32 s3, s7  }
0x19: {  	v0 =	vimm.f32 $0.0e+00;
	s18 =	simm.s32 $0x11;
	s7 =	simm.s32 $0x9;
	[dreg:$0x6] =	wrdreg s3  }
.LBB2_6:
0x1a: {  	_ =	swait.ge [sflag:s9], $0xA00  }
0x1b: {  	[sflag:s9] =	ssyncset.done $0x0  }
0x1c: {  	s3 =	simm.s32 $0xD;
	[sflag:s9] =	ssyncadd.s32 $0xFFFFF600  }
0x1d: {  	[spmem:s2] =	stream.indirect.scatter.add.f32 [tilespmem:s29], [sflag:$0x16], $0x40, s17, s19, $0xb8;
	[tilespmem:$0x17220] =	vst v63  }
0x1e: {  	_ =	swait.ge [sflag:s3], $0xA00  }
0x1f: {  	[sflag:s3] =	ssyncset.done $0x0  }
0x20: {  	s15 =	simm.s32 $0xE;
	[sflag:s3] =	ssyncadd.s32 $0xFFFFF600  }
0x21: {  	_ =	swait.ge [sflag:s15], $0xA00  }
0x22: {  	[sflag:s15] =	ssyncset.done $0x0  }
0x23: {  	s16 =	simm.s32 $0xF;
	[sflag:s15] =	ssyncadd.s32 $0xFFFFF600  }
0x24: {  	_ =	swait.ge [sflag:s16], $0xA00  }
0x25: {  	[sflag:s16] =	ssyncset.done $0x0  }
0x26: {  	s13 =	simm.s32 $0x10;
	[sflag:s16] =	ssyncadd.s32 $0xFFFFF600  }
0x27: {  	_ =	swait.ge [sflag:s13], $0xA00  }
0x28: {  	[sflag:s13] =	ssyncset.done $0x0  }
0x29: {  	[sflag:s13] =	ssyncadd.s32 $0xFFFFF600  }
0x2a: {  	_ =	swait.ge [sflag:s18], $0xA00  }
0x2b: {  	[sflag:s18] =	ssyncset.done $0x0  }
0x2c: {  	[sflag:s18] =	ssyncadd.s32 $0xFFFFF600  }
0x2d: {  	_ =	swait.ge [sflag:s10], $0xA00  }
0x2e: {  	[sflag:s10] =	ssyncset.done $0x0  }
0x2f: {  	s17 =	simm.s32 $0x13;
	[sflag:s10] =	ssyncadd.s32 $0xFFFFF600  }
0x30: {  	_ =	swait.ge [sflag:s17], $0xA00  }
0x31: {  	[sflag:s17] =	ssyncset.done $0x0  }
0x32: {  	s5 =	simm.s32 $0x14;
	[sflag:s17] =	ssyncadd.s32 $0xFFFFF600  }
0x33: {  	_ =	swait.ge [sflag:s5], $0xA00  }
0x34: {  	[sflag:s5] =	ssyncset.done $0x0  }
0x35: {  	s11 =	simm.s32 $0x15;
	[sflag:s5] =	ssyncadd.s32 $0xFFFFF600  }
0x36: {  	_ =	swait.ge [sflag:s11], $0xA00  }
0x37: {  	[sflag:s11] =	ssyncset.done $0x0  }
0x38: {  	s12 =	simm.s32 $0x16;
	[sflag:s11] =	ssyncadd.s32 $0xFFFFF600  }
0x39: {  	_ =	swait.ge [sflag:s12], $0xA00  }
0x3a: {  	[sflag:s12] =	ssyncset.done $0x0  }
0x3b: {  	s15 =	stileid.u32;
	[sflag:s12] =	ssyncadd.s32 $0xFFFFF600  }
0x3c: {  	s3 =	sshll.u32 s15, $0x6;
	[bflag:$0x0] =	sbarrier.arrive $0xFFFF  }
0x3d: {  	s15 =	simm.s32 $0x1;
	s3 =	sor.u32 $0x1C17, s3;
	s11 =	rddreg [dreg:$0x4]  }
0x3e: {  	s16 =	simm.s32 $0x8;
	s12 =	rddreg [dreg:$0xb];
	s5 =	sshrl.u32 s11, $0x3  }
0x3f: {  	[hbm:s12@s13], [sflag:s3] =	dma.strided [spmem:s5@s16], $0x1400, s15, $0x8   }
0x40: {  	s13 =	simm.s32 $0x17  }
0x41: {  	_ =	swait.ge [sflag:s13], $0x1400  }
0x42: {  	s16 =	rddreg [dreg:$0xd]  }
0x43: {  	s17 =	rddreg [dreg:$0xc];
	s5 =	sadd.s32 $0x1, s16  }
0x44: {  	p0 =	sne.s32 s5, s17  }
.Ltmp1:
0x45: {  	_ = 	snop;
	(pc) =	sbr.rel @!p0 .LBB2_7-.Ltmp1, $3  }
0x46: {  	_ =	sdelay $0x1  }
0x47: {  	[sflag:s13] =	ssyncset.done $0x0  }
0x48: {  	[sflag:s13] =	ssyncadd.s32 $0xFFFFEC00  }
.LBB2_1:
0x49: {  	s16 =	simm.s32 $0x0;
	s3 =	rddreg [dreg:$0x5]  }
0x4a: {  	[tilespmem:s16], [sflag:$0x1] =	stream.linear.gather [hbm4b:s3+s16], $0x2710, $0x38;
	[tilespmem:$0x17220] =	vst v63  }
0x4b: {  	s17 =	rddreg [dreg:$0x6];
	s12 =	simm.s32 $0x2710  }
0x4c: {  	[tilespmem:s12], [sflag:$0x2] =	stream.linear.gather [hbm4b:s17+s16], $0x2710, $0x38;
	[tilespmem:$0x17220] =	vst v63  }
0x4d: {  	s12 =	sand.u32 $0x7F00, s16  }
0x4e: {  	[dreg:$0xd] =	wrdreg s5;
	s16 =	sand.u32 $0x30, s16;
	s17 =	sshrl.u32 s12, $0x2  }
0x4f: {  	s3 =	simm.s32 $0x40;
	s12 =	simm.s32 $0x0;
	s17 =	sor.u32 s16, s17  }
.LBB2_2:
0x50: {  	p0 =	sne.s32 s3, $0x7FC0  }
0x51: {  	[tilespmem:s17+$0xB220] =	vst v0;
	s12 =	sadd.s32 $0x10, s12;
	s17 =	smov.u32 s3;
	s3 =	sadd.s32 $0x40, s3  }
.Ltmp2:
0x52: {  	(pc) =	sbr.rel @p0 .LBB2_2-.Ltmp2, $4  }
0x53: {  	_ = 	snop  }
0x54: {  	s17 =	sand.u32 $0x7F00, s17  }
0x55: {  	s5 =	sand.u32 $0x30, s12;
	s17 =	sshrl.u32 s17, $0x2  }
0x56: {  	s17 =	sor.u32 s5, s17  }
0x57: {  	[tilespmem:s17+$0xB220] =	vst v0;
	s5 =	simm.s32 $0xB220  }
0x58: {  	[spmem:s11] =	stream.linear.scatter [tilespmem:s5], [sflag:$0x17], $0x2000, $0x38;
	[tilespmem:$0x17220] =	vst v63  }
0x59: {  	_ =	swait.ge [sflag:s13], $0x2000  }
0x5a: {  	[sflag:s13] =	ssyncset.done $0x0  }
0x5b: {  	s3 =	rddreg [dreg:$0x7];
	[sflag:s13] =	ssyncadd.s32 $0xFFFFE000  }
0x5c: {  	[spmem:s3] =	stream.linear.scatter [tilespmem:s5], [sflag:$0x17], $0x2000, $0x38;
	[tilespmem:$0x17220] =	vst v63  }
0x5d: {  	_ =	swait.ge [sflag:s13], $0x2000  }
0x5e: {  	[sflag:s13] =	ssyncset.done $0x0  }
0x5f: {  	s16 =	rddreg [dreg:$0x8];
	[sflag:s13] =	ssyncadd.s32 $0xFFFFE000  }
0x60: {  	[spmem:s16] =	stream.linear.scatter [tilespmem:s5], [sflag:$0x17], $0x2000, $0x38;
	[tilespmem:$0x17220] =	vst v63  }
0x61: {  	_ =	swait.ge [sflag:s13], $0x2000  }
0x62: {  	[sflag:s13] =	ssyncset.done $0x0  }
0x63: {  	s17 =	rddreg [dreg:$0x9];
	[sflag:s13] =	ssyncadd.s32 $0xFFFFE000  }
0x64: {  	[spmem:s17] =	stream.linear.scatter [tilespmem:s5], [sflag:$0x17], $0x2000, $0x38;
	[tilespmem:$0x17220] =	vst v63  }
0x65: {  	_ =	swait.ge [sflag:s13], $0x2000  }
0x66: {  	[sflag:s13] =	ssyncset.done $0x0  }
0x67: {  	s11 =	rddreg [dreg:$0xa];
	[sflag:s13] =	ssyncadd.s32 $0xFFFFE000  }
0x68: {  	[spmem:s11] =	stream.linear.scatter [tilespmem:s5], [sflag:$0x17], $0x2000, $0x38;
	[tilespmem:$0x17220] =	vst v63  }
0x69: {  	_ =	swait.ge [sflag:s13], $0x2000  }
0x6a: {  	[sflag:s13] =	ssyncset.done $0x0  }
0x6b: {  	[sflag:s13] =	ssyncadd.s32 $0xFFFFE000  }
0x6c: {  	_ =	swait.ge [sflag:s15], $0x2710  }
0x6d: {  	[sflag:s15] =	ssyncset.done $0x0  }
0x6e: {  	s12 =	simm.s32 $0x2;
	[sflag:s15] =	ssyncadd.s32 $0xFFFFD8F0  }
0x6f: {  	_ =	swait.ge [sflag:s12], $0x2710  }
0x70: {  	[sflag:s12] =	ssyncset.done $0x0  }
0x71: {  	[sflag:s12] =	ssyncadd.s32 $0xFFFFD8F0  }
0x72: {  	s12 =	simm.s32 $0x0;
	[bflag:$0x0] =	sbarrier.arrive $0xFFFF  }
0x73: {  	[tilespmem:s20], [sflag:$0x3] =	stream.indirect.gather [hbm4b:s4+s19], $0x40, s12, s19, $0xb8;
	[tilespmem:$0x17220] =	vst v63  }
0x74: {  	_ = 	snop  }
0x75: {  	[tilespmem:s21], [sflag:$0x4] =	stream.indirect.gather [hbm4b:s4+s19], $0x40, s19, s19, $0xb8;
	[tilespmem:$0x17220] =	vst v63  }
0x76: {  	s13 =	simm.s32 $0x50  }
0x77: {  	[tilespmem:s23], [sflag:$0x5] =	stream.indirect.gather [hbm4b:s4+s19], $0x40, s13, s19, $0xb8;
	[tilespmem:$0x17220] =	vst v63  }
0x78: {  	s15 =	simm.s32 $0x78  }
0x79: {  	[tilespmem:s25], [sflag:$0x6] =	stream.indirect.gather [hbm4b:s4+s19], $0x40, s15, s19, $0xb8;
	[tilespmem:$0x17220] =	vst v63  }
0x7a: {  	s16 =	simm.s32 $0xA0  }
0x7b: {  	[tilespmem:s28], [sflag:$0x7] =	stream.indirect.gather [hbm4b:s4+s19], $0x40, s16, s19, $0xb8;
	[tilespmem:$0x17220] =	vst v63  }
0x7c: {  	s17 =	simm.s32 $0xC8  }
0x7d: {  	[tilespmem:s30], [sflag:$0x8] =	stream.indirect.gather [hbm4b:s4+s19], $0x40, s17, s19, $0xb8;
	[tilespmem:$0x17220] =	vst v63  }
.LBB2_4:
0x7e: {  	_ =	swait.ge [sflag:s31], $0xA00  }
0x7f: {  	s3 =	sshra.s32 s12, $0x2;
	[sflag:s31] =	ssyncset.done $0x0  }
0x80: {  	p0 =	seq.s32 s12, $0x0;
	s5 =	sadd.s32 $0x2710, s3;
	[sflag:s31] =	ssyncadd.s32 $0xFFFFF600  }
0x81: {  	[spmem:s2] =	stream.indirect.scatter.add.f32 [tilespmem:s20], [sflag:$0xD], $0x40, s5, s19, $0xb8;
	[tilespmem:$0x17220] =	vst v63  }
0x82: {  	s5 =	simm.s32 @!p0 $0x13  }
0x83: {  	_ =	swait.ge @!p0 [sflag:s5], $0xA00  }
0x84: {  	[sflag:s5] =	ssyncset.done @!p0 $0x0  }
0x85: {  	s13 =	sadd.s32 $0xF0, s3;
	[sflag:s5] =	ssyncadd.s32 @!p0 $0xFFFFF600  }
0x86: {  	[tilespmem:s1], [sflag:$0x9] =	stream.indirect.gather [hbm4b:s4+s19], $0x40, s13, s19, $0xb8;
	[tilespmem:$0x17220] =	vst v63  }
0x87: {  	_ =	swait.ge [sflag:s0], $0xA00  }
0x88: {  	[sflag:s0] =	ssyncset.done $0x0  }
0x89: {  	s15 =	sadd.s32 $0x2738, s3;
	s5 =	simm.s32 @!p0 $0x14;
	[sflag:s0] =	ssyncadd.s32 $0xFFFFF600  }
0x8a: {  	[spmem:s2] =	stream.indirect.scatter.add.f32 [tilespmem:s21], [sflag:$0xE], $0x40, s15, s19, $0xb8;
	[tilespmem:$0x17220] =	vst v63  }
0x8b: {  	_ =	swait.ge @!p0 [sflag:s5], $0xA00  }
0x8c: {  	[sflag:s5] =	ssyncset.done @!p0 $0x0  }
0x8d: {  	s16 =	sadd.s32 $0x118, s3;
	[sflag:s5] =	ssyncadd.s32 @!p0 $0xFFFFF600  }
0x8e: {  	[tilespmem:s14], [sflag:$0xA] =	stream.indirect.gather [hbm4b:s4+s19], $0x40, s16, s19, $0xb8;
	[tilespmem:$0x17220] =	vst v63  }
0x8f: {  	_ =	swait.ge [sflag:s22], $0xA00  }
0x90: {  	[sflag:s22] =	ssyncset.done $0x0  }
0x91: {  	s17 =	sadd.s32 $0x2760, s3;
	s5 =	simm.s32 @!p0 $0x15;
	[sflag:s22] =	ssyncadd.s32 $0xFFFFF600  }
0x92: {  	[spmem:s2] =	stream.indirect.scatter.add.f32 [tilespmem:s23], [sflag:$0xF], $0x40, s17, s19, $0xb8;
	[tilespmem:$0x17220] =	vst v63  }
0x93: {  	_ =	swait.ge @!p0 [sflag:s5], $0xA00  }
0x94: {  	[sflag:s5] =	ssyncset.done @!p0 $0x0  }
0x95: {  	s11 =	sadd.s32 $0x140, s3;
	[sflag:s5] =	ssyncadd.s32 @!p0 $0xFFFFF600  }
0x96: {  	[tilespmem:s24], [sflag:$0xB] =	stream.indirect.gather [hbm4b:s4+s19], $0x40, s11, s19, $0xb8;
	[tilespmem:$0x17220] =	vst v63  }
0x97: {  	_ =	swait.ge [sflag:s26], $0xA00  }
0x98: {  	[sflag:s26] =	ssyncset.done $0x0  }
0x99: {  	s13 =	sadd.s32 $0x2788, s3;
	s5 =	simm.s32 @!p0 $0x16;
	[sflag:s26] =	ssyncadd.s32 $0xFFFFF600  }
0x9a: {  	[spmem:s2] =	stream.indirect.scatter.add.f32 [tilespmem:s25], [sflag:$0x10], $0x40, s13, s19, $0xb8;
	[tilespmem:$0x17220] =	vst v63  }
0x9b: {  	_ =	swait.ge @!p0 [sflag:s5], $0xA00  }
0x9c: {  	[sflag:s5] =	ssyncset.done @!p0 $0x0  }
0x9d: {  	s15 =	sadd.s32 $0x168, s3;
	[sflag:s5] =	ssyncadd.s32 @!p0 $0xFFFFF600  }
0x9e: {  	[tilespmem:s29], [sflag:$0xC] =	stream.indirect.gather [hbm4b:s4+s19], $0x40, s15, s19, $0xb8;
	[tilespmem:$0x17220] =	vst v63  }
0x9f: {  	_ =	swait.ge [sflag:s6], $0xA00  }
0xa0: {  	p0 =	seq.s32 s12, $0x9600;
	[sflag:s6] =	ssyncset.done $0x0  }
0xa1: {  	s16 =	sadd.s32 $0x27B0, s3;
	s5 =	simm.s32 @p0 $0x8;
	[sflag:s6] =	ssyncadd.s32 $0xFFFFF600  }
0xa2: {  	[spmem:s2] =	stream.indirect.scatter.add.f32 [tilespmem:s28], [sflag:$0x11], $0x40, s16, s19, $0xb8;
	[tilespmem:$0x17220] =	vst v63  }
0xa3: {  	_ =	swait.ge @p0 [sflag:s5], $0xA00  }
0xa4: {  	[sflag:s5] =	ssyncset.done @p0 $0x0  }
0xa5: {  	[sflag:s5] =	ssyncadd.s32 @p0 $0xFFFFF600;
	s5 =	sshra.s32 @p0 s12, $0x2  }
0xa6: {  	s13 =	simm.s32 @p0 $0x28;
	s15 =	simm.s32 @p0 $0x8020;
	s17 =	sadd.s32 @p0 $0x27D8, s5  }
0xa7: {  	[spmem:s2] =	stream.indirect.scatter.add.f32 @p0 [tilespmem:s15], [sflag:$0x12], $0x40, s17, s13, $0xb8;
	[tilespmem:$0x17220] =	vst v63  }
0xa8: {  	s15 =	simm.s32 @!p0 $0xD  }
0xa9: {  	_ =	swait.ge @!p0 [sflag:s15], $0xA00  }
0xaa: {  	[sflag:s15] =	ssyncset.done @!p0 $0x0  }
0xab: {  	[sflag:s15] =	ssyncadd.s32 @!p0 $0xFFFFF600;
	s15 =	sshra.s32 @!p0 s12, $0x2  }
0xac: {  	s11 =	simm.s32 @!p0 $0x28;
	s16 =	simm.s32 @!p0 $0x4E20;
	s17 =	sadd.s32 @!p0 $0x190, s15  }
0xad: {  	[tilespmem:s16], [sflag:$0x3] =	stream.indirect.gather @!p0 [hbm4b:s4+s11], $0x40, s17, s11, $0xb8;
	[tilespmem:$0x17220] =	vst v63  }
0xae: {  	s16 =	simm.s32 @!p0 $0x8  }
0xaf: {  	_ =	swait.ge @!p0 [sflag:s16], $0xA00  }
0xb0: {  	[sflag:s16] =	ssyncset.done @!p0 $0x0  }
0xb1: {  	s17 =	simm.s32 @!p0 $0x8020;
	[sflag:s16] =	ssyncadd.s32 @!p0 $0xFFFFF600;
	s16 =	sadd.s32 @!p0 $0x27D8, s15  }
0xb2: {  	[spmem:s2] =	stream.indirect.scatter.add.f32 @!p0 [tilespmem:s17], [sflag:$0x12], $0x40, s16, s11, $0xb8;
	[tilespmem:$0x17220] =	vst v63  }
0xb3: {  	s16 =	simm.s32 @!p0 $0xE  }
0xb4: {  	_ =	swait.ge @!p0 [sflag:s16], $0xA00  }
0xb5: {  	[sflag:s16] =	ssyncset.done @!p0 $0x0  }
0xb6: {  	s17 =	simm.s32 @!p0 $0x5820;
	[sflag:s16] =	ssyncadd.s32 @!p0 $0xFFFFF600;
	s16 =	sadd.s32 @!p0 $0x1B8, s15  }
0xb7: {  	[tilespmem:s17], [sflag:$0x4] =	stream.indirect.gather @!p0 [hbm4b:s4+s11], $0x40, s16, s11, $0xb8;
	[tilespmem:$0x17220] =	vst v63  }
0xb8: {  	_ =	swait.ge [sflag:s7], $0xA00  }
0xb9: {  	[sflag:s7] =	ssyncset.done $0x0  }
0xba: {  	s17 =	sadd.s32 $0x2800, s3;
	s16 =	simm.s32 @p0 $0xA;
	[sflag:s7] =	ssyncadd.s32 $0xFFFFF600  }
0xbb: {  	[spmem:s2] =	stream.indirect.scatter.add.f32 [tilespmem:s1], [sflag:$0x13], $0x40, s17, s19, $0xb8;
	[tilespmem:$0x17220] =	vst v63  }
0xbc: {  	_ =	swait.ge @p0 [sflag:s16], $0xA00  }
0xbd: {  	[sflag:s16] =	ssyncset.done @p0 $0x0  }
0xbe: {  	s5 =	sadd.s32 @p0 $0x2828, s5;
	[sflag:s16] =	ssyncadd.s32 @p0 $0xFFFFF600;
	s16 =	simm.s32 @p0 $0x9420  }
0xbf: {  	[spmem:s2] =	stream.indirect.scatter.add.f32 @p0 [tilespmem:s16], [sflag:$0x14], $0x40, s5, s13, $0xb8;
	[tilespmem:$0x17220] =	vst v63  }
0xc0: {  	s5 =	simm.s32 @!p0 $0xF  }
0xc1: {  	_ =	swait.ge @!p0 [sflag:s5], $0xA00  }
0xc2: {  	[sflag:s5] =	ssyncset.done @!p0 $0x0  }
0xc3: {  	s13 =	simm.s32 @!p0 $0x6220;
	[sflag:s5] =	ssyncadd.s32 @!p0 $0xFFFFF600;
	s5 =	sadd.s32 @!p0 $0x1E0, s15  }
0xc4: {  	[tilespmem:s13], [sflag:$0x5] =	stream.indirect.gather @!p0 [hbm4b:s4+s11], $0x40, s5, s11, $0xb8;
	[tilespmem:$0x17220] =	vst v63  }
0xc5: {  	s5 =	simm.s32 @!p0 $0xA  }
0xc6: {  	_ =	swait.ge @!p0 [sflag:s5], $0xA00  }
0xc7: {  	[sflag:s5] =	ssyncset.done @!p0 $0x0  }
0xc8: {  	s13 =	simm.s32 @!p0 $0x9420;
	[sflag:s5] =	ssyncadd.s32 @!p0 $0xFFFFF600;
	s5 =	sadd.s32 @!p0 $0x2828, s15  }
0xc9: {  	[spmem:s2] =	stream.indirect.scatter.add.f32 @!p0 [tilespmem:s13], [sflag:$0x14], $0x40, s5, s11, $0xb8;
	[tilespmem:$0x17220] =	vst v63  }
0xca: {  	s5 =	simm.s32 @!p0 $0x10  }
0xcb: {  	_ =	swait.ge @!p0 [sflag:s5], $0xA00  }
0xcc: {  	[sflag:s5] =	ssyncset.done @!p0 $0x0  }
0xcd: {  	s13 =	simm.s32 @!p0 $0x6C20;
	[sflag:s5] =	ssyncadd.s32 @!p0 $0xFFFFF600;
	s5 =	sadd.s32 @!p0 $0x208, s15  }
0xce: {  	[tilespmem:s13], [sflag:$0x6] =	stream.indirect.gather @!p0 [hbm4b:s4+s11], $0x40, s5, s11, $0xb8;
	[tilespmem:$0x17220] =	vst v63  }
.Ltmp3:
0xcf: {  	_ =	swait.ge [sflag:s8], $0xA00;
	(pc) =	sbr.rel @p0 .LBB2_6-.Ltmp3, $4  }
0xd0: {  	[sflag:s8] =	ssyncset.done $0x0  }
0xd1: {  	s17 =	sadd.s32 $0x2850, s3;
	[sflag:s8] =	ssyncadd.s32 $0xFFFFF600  }
0xd2: {  	[spmem:s2] =	stream.indirect.scatter.add.f32 [tilespmem:s24], [sflag:$0x15], $0x40, s17, s19, $0xb8;
	[tilespmem:$0x17220] =	vst v63  }
0xd3: {  	s17 =	sadd.s32 $0x2878, s3  }
0xd4: {  	_ =	swait.ge [sflag:s18], $0xA00  }
0xd5: {  	[sflag:s18] =	ssyncset.done $0x0  }
0xd6: {  	s5 =	sadd.s32 $0x230, s3;
	[sflag:s18] =	ssyncadd.s32 $0xFFFFF600  }
0xd7: {  	[tilespmem:s28], [sflag:$0x7] =	stream.indirect.gather [hbm4b:s4+s19], $0x40, s5, s19, $0xb8;
	[tilespmem:$0x17220] =	vst v63  }
0xd8: {  	_ =	swait.ge [sflag:s9], $0xA00  }
0xd9: {  	[sflag:s9] =	ssyncset.done $0x0  }
0xda: {  	[sflag:s9] =	ssyncadd.s32 $0xFFFFF600  }
0xdb: {  	[spmem:s2] =	stream.indirect.scatter.add.f32 [tilespmem:s29], [sflag:$0x16], $0x40, s17, s19, $0xb8;
	[tilespmem:$0x17220] =	vst v63  }
.Ltmp4:
0xdc: {  	_ = 	snop;
	(pc) =	sbr.rel .LBB2_4-.Ltmp4, $4  }
0xdd: {  	_ =	swait.ge [sflag:s10], $0xA00  }
0xde: {  	[sflag:s10] =	ssyncset.done $0x0  }
0xdf: {  	s12 =	sadd.s32 $0x640, s12;
	s17 =	sadd.s32 $0x258, s3;
	[sflag:s10] =	ssyncadd.s32 $0xFFFFF600  }
0xe0: {  	[tilespmem:s30], [sflag:$0x8] =	stream.indirect.gather [hbm4b:s4+s19], $0x40, s17, s19, $0xb8;
	[tilespmem:$0x17220] =	vst v63  }
.LBB2_7:
0xe1: {  	_ =	sfence.sel $0x180000  }
0xe2: {  	[bflag:$0x0] =	sbarrier.arrive $0xFFFF  }
0xe3: {  	_ =	strace $0x9000004D  }
0xe4: {  	s0 =	stileid.u32;
	[bflag:$0x2] =	sbarrier.arrive $0xFFFF  }
0xe5: {  	p0 =	sne.s32 s0, $0x0;
	s0 =	rddreg [dreg:$0x3]  }
0xe6: {  	s0 =	sadd.s32 @!p0 $0x100000, s0  }
0xe7: {  	[sflag:s0] =	ssyncadd.tile.s32 @!p0 $0x1;
	_ =	shalt  }
.Lfunc_end2:
_tile_overlayer_lowered:
.L_overlay_start_2:
0xe8: {  	(tag) =	ssettag $0x2  }
0xe9: {  	s0 =	rddreg [dreg:$0x0];
	s2 =	stileid.u32  }
0xea: {  	s1 =	rddreg [dreg:$0x1];
	p0 =	sne.s32 s2, $0x0  }
0xeb: {  	s3 =	rddreg [dreg:$0x2];
	[bflag:$0x3] =	sbarrier.arrive $0xFFFF;
	s2 =	simm.s32 @!p0 $0x1C17  }
0xec: {  	[timem:s3], [sflag:s2] =	dma.local @!p0 [hbm:s0], s1  }
0xed: {  	s0 =	simm.s32 @!p0 $0x17  }
0xee: {  	_ =	swait.ge @!p0 [sflag:s0], s1  }
0xef: {  	s1 =	ssub.s32 @!p0 $0x0, s1;
	[sflag:s0] =	ssyncset.done @!p0 $0x0  }
0xf0: {  	[sflag:s0] =	ssyncadd.s32 @!p0 s1  }
0xf1: {  	[bflag:$0x3] =	sbarrier.arrive $0xFFFF  }
0xf2: {  	_ =	shalt  }

// kernel: kernel.20.cloned.1.call-start
scs
__scs_entry_jumppad:
0x0: {  	(pc) =	sbr.rel $0x88, $3  }
0x1: {  	(tag) =	ssettag $0x0;
	lr =	simm.s32 $0x1  }
0x2: {  	[smem:$0x3F99] =	sst lr;
	_ =	strace $0xD0000000  }
0x3: {  	_ = 	snop  }
0x4: {  	_ = 	snop  }
0x5: {  	_ = 	snop  }
0x6: {  	_ = 	snop  }
0x7: {  	_ = 	snop  }
__scs_overlays_trampoline_lowered:
0x8: {  	[smem:$0x3FA8] =	sst s0  }
0x9: {  	[smem:$0x3FA9] =	sst s1  }
0xa: {  	[smem:$0x3FAA] =	sst s2  }
0xb: {  	[smem:$0x3FAB] =	sst s3  }
0xc: {  	[smem:$0x3FAC] =	sst s4  }
0xd: {  	[smem:$0x3FAD] =	sst s5  }
0xe: {  	[smem:$0x3FAE] =	sst s6  }
0xf: {  	[smem:$0x3FAF] =	sst s7  }
0x10: {  	[smem:$0x3FB0] =	sst s8  }
0x11: {  	[smem:$0x3FB1] =	sst s9;
	s0 =	simm.s32 @!p0 $0x0  }
0x12: {  	s1 =	sld [smem:$0x3F97];
	s0 =	simm.s32 @p0 $0x1  }
0x13: {  	[smem:$0x3FB2] =	sst s0;
	s0 =	simm.s32 @!p1 $0x0  }
0x14: {  	s2 =	sld [smem:$0x3F96];
	s0 =	simm.s32 @p1 $0x1  }
0x15: {  	[smem:$0x3FB3] =	sst s0;
	s0 =	simm.s32 @!p2 $0x0  }
0x16: {  	s3 =	sld [smem:$0x3FDB];
	s0 =	simm.s32 @p2 $0x1  }
0x17: {  	s4 =	simm.s32 $0x1BF5;
	[smem:$0x3FB5] =	sst s0  }
0x18: {  	s0 =	sld [smem:$0x3F98];
	_ =	swait.ge [sflag:s4], $0x0  }
0x19: {  	s7 =	sld [smem:$0x3F99]  }
0x1a: {  	s8 =	sadd.s32 $0xFFFFE003, lr  }
0x1b: {  	s9 =	sadd.s32 $0xFFFFFEF7, lr;
	s5 =	simm.s32 $0xFFFFFFFF;
	p2 =	slt.u32 s8, $0xFFFFF086  }
0x1c: {  	p1 =	slt.u32 s9, $0xF7A;
	s5 =	simm.s32 @!p2 $0x0  }
0x1d: {  	s5 =	simm.s32 @p1 $0x1;
	p0 =	seq.s32 s7, s2  }
0x1e: {  	s7 =	smul.u32 @!p0 $0xF7A, s2;
	p2 =	seq.s32 @!p0 s5, $0x0  }
0x1f: {  	s9 =	smul.u32 $0xF7A, s1;
	s8 =	simm.s32 @!p0 $0x1BF5;
	p2 =	por !p2, p0  }
0x20: {  	[sflag:s8] =	ssyncset.s32 @!p0 $0xFFFFF086;
	s6 =	sadd.s32 @!p0 s3, s7;
	s7 =	simm.s32 @!p0 $0x108  }
0x21: {  	s3 =	sadd.s32 s3, s9;
	s6 =	sadd.s32 @!p0 $0x88, s6;
	s7 =	simm.s32 @p2 $0x1082  }
0x22: {  	[simem:s7], [sflag:s8] =	dma.local @!p0 [hbm:s6], $0xF7A  }
0x23: {  	s9 =	sor.u32 $0xD0000000, s2;
	s6 =	simm.s32 $0x108;
	_ =	swait.ge @!p0 [sflag:s8], $0x0  }
0x24: {  	s3 =	sadd.s32 $0x88, s3;
	s6 =	simm.s32 @!p1 $0x1082;
	[sflag:s4] =	ssyncset.s32 $0xFFFFF086  }
0x25: {  	[simem:s6], [sflag:s4] =	dma.local [hbm:s3], $0xF7A  }
0x26: {  	[smem:$0x3F99] =	sst s1;
	(tag) =	ssettag s2;
	_ =	strace s9  }
0x27: {  	s1 =	sld [smem:$0x3FA9]  }
0x28: {  	s2 =	sld [smem:$0x3FAA]  }
0x29: {  	s4 =	sld [smem:$0x3FAC]  }
0x2a: {  	p0 =	seq.s32 s5, $0x0;
	s5 =	sld [smem:$0x3FAD]  }
0x2b: {  	s6 =	sld [smem:$0x3FAE]  }
0x2c: {  	s7 =	sld [smem:$0x3FAF]  }
0x2d: {  	s3 =	simm.s32 $0x108;
	s8 =	sld [smem:$0x3FB0]  }
0x2e: {  	s3 =	simm.s32 @!p0 $0x1082;
	s9 =	sld [smem:$0x3FB1]  }
0x2f: {  	lr =	sadd.s32 s0, s3;
	s0 =	sld [smem:$0x3FA8]  }
0x30: {  	s3 =	sld [smem:$0x3FAB]  }
0x31: {  	[smem:$0x3FB4] =	sst s10  }
0x32: {  	s10 =	sld [smem:$0x3FB2];
	_ =	sdelay $0x3  }
0x33: {  	p0 =	seq.s32 s10, $0x1;
	s10 =	sld [smem:$0x3FB4];
	_ =	sdelay $0x3  }
0x34: {  	[smem:$0x3FB4] =	sst s10  }
0x35: {  	s10 =	sld [smem:$0x3FB3];
	_ =	sdelay $0x3  }
0x36: {  	p1 =	seq.s32 s10, $0x1;
	s10 =	sld [smem:$0x3FB4];
	_ =	sdelay $0x3  }
0x37: {  	[smem:$0x3FB4] =	sst s10  }
0x38: {  	s10 =	sld [smem:$0x3FB5]  }
0x39: {  	_ = 	snop;
	(pc) =	sbr.ind lr, $3  }
0x3a: {  	_ = 	snop  }
0x3b: {  	_ = 	snop  }
0x3c: {  	p2 =	seq.s32 s10, $0x1;
	s10 =	sld [smem:$0x3FB4]  }
0x3d: {  	_ =	shalt  }
0x3e: {  	_ =	shalt  }
0x3f: {  	_ =	shalt  }
0x40: {  	_ =	shalt  }
0x41: {  	_ =	shalt  }
0x42: {  	_ =	shalt  }
0x43: {  	_ =	shalt  }
0x44: {  	_ =	shalt  }
0x45: {  	_ =	shalt  }
0x46: {  	_ =	shalt  }
0x47: {  	_ =	shalt  }
0x48: {  	_ =	shalt  }
0x49: {  	_ =	shalt  }
0x4a: {  	_ =	shalt  }
0x4b: {  	_ =	shalt  }
0x4c: {  	_ =	shalt  }
0x4d: {  	_ =	shalt  }
0x4e: {  	_ =	shalt  }
0x4f: {  	_ =	shalt  }
0x50: {  	_ =	shalt  }
0x51: {  	_ =	shalt  }
0x52: {  	_ =	shalt  }
0x53: {  	_ =	shalt  }
0x54: {  	_ =	shalt  }
0x55: {  	_ =	shalt  }
0x56: {  	_ =	shalt  }
0x57: {  	_ =	shalt  }
0x58: {  	_ =	shalt  }
0x59: {  	_ =	shalt  }
0x5a: {  	_ =	shalt  }
0x5b: {  	_ =	shalt  }
0x5c: {  	_ =	shalt  }
0x5d: {  	_ =	shalt  }
0x5e: {  	_ =	shalt  }
0x5f: {  	_ =	shalt  }
0x60: {  	_ =	shalt  }
0x61: {  	_ =	shalt  }
0x62: {  	_ =	shalt  }
0x63: {  	_ =	shalt  }
0x64: {  	_ =	shalt  }
0x65: {  	_ =	shalt  }
0x66: {  	_ =	shalt  }
0x67: {  	_ =	shalt  }
0x68: {  	_ =	shalt  }
0x69: {  	_ =	shalt  }
0x6a: {  	_ =	shalt  }
0x6b: {  	_ =	shalt  }
0x6c: {  	_ =	shalt  }
0x6d: {  	_ =	shalt  }
0x6e: {  	_ =	shalt  }
0x6f: {  	_ =	shalt  }
0x70: {  	_ =	shalt  }
0x71: {  	_ =	shalt  }
0x72: {  	_ =	shalt  }
0x73: {  	_ =	shalt  }
0x74: {  	_ =	shalt  }
0x75: {  	_ =	shalt  }
0x76: {  	_ =	shalt  }
0x77: {  	_ =	shalt  }
0x78: {  	_ =	shalt  }
0x79: {  	_ =	shalt  }
0x7a: {  	_ =	shalt  }
0x7b: {  	_ =	shalt  }
0x7c: {  	_ =	shalt  }
0x7d: {  	_ =	shalt  }
0x7e: {  	_ =	shalt  }
0x7f: {  	_ =	shalt  }
0x80: {  	_ =	shalt  }
0x81: {  	_ =	shalt  }
0x82: {  	_ =	shalt  }
0x83: {  	_ =	shalt  }
0x84: {  	_ =	shalt  }
0x85: {  	_ =	shalt  }
0x86: {  	_ =	shalt  }
0x87: {  	_ =	shalt  }
.Lfunc_end0:
.L_simem_size_0:
called_computation.3_lowered:
.L_overlay_start_0:
0x88: {  	s2 =	sld [smem:$0x3FD9]  }
0x89: {  	s3 =	sld [smem:$0x3FFE];
	_ =	sdelay $0x1  }
0x8a: {  	s1 =	srdreg.scid  }
0x8b: {  	s0 =	sand.u32 $0x1, s1  }
0x8c: {  	s17 =	sshll.u32 s0, $0xA;
	s2 =	sadd.s32 s3, s2  }
0x8d: {  	s2 =	sadd.s32 s2, s17  }
0x8e: {  	[smem:$0x3FC0] =	sst s2  }
0x8f: {  	_ = 	snop  }
0x90: {  	s2 =	sld [smem:$0x3FD0];
	(tm) =	ssettm $0x1  }
0x91: {  	s18 =	sld [smem:$0x3FFB];
	_ =	sdelay $0x3  }
0x92: {  	_ =	strace s18  }
0x93: {  	s3 =	sld [smem:$0x3FFC];
	_ =	sdelay $0x3  }
0x94: {  	_ =	strace s3  }
0x95: {  	s3 =	sld [smem:$0x3FFD];
	_ =	sdelay $0x3  }
0x96: {  	_ =	strace s3  }
0x97: {  	_ =	strace $0x8FFFFFFF  }
0x98: {  	s19 =	sld [smem:$0x3FDB];
	_ =	sdelay $0x1  }
0x99: {  	s4 =	simm.s32 $_scs_section_size  }
0x9a: {  	s5 =	simm.s32 $_size__tile_overlayer_lowered;
	s6 =	simm.s32 $_tile_overlayer_lowered  }
0x9b: {  	s22 =	simm.s32 $0x1BFF;
	s21 =	sshll.u32 s6, $0x1;
	s3 =	sadd.s32 s4, s19  }
0x9c: {  	s7 =	simm.s32 $0x0;
	s20 =	sshll.u32 s5, $0x1;
	s5 =	sadd.s32 s21, s3  }
0x9d: {  	[timem:s7], [sflag:s22] =	dma.local [hbm:s5], s20  }
0x9e: {  	_ =	swait.ge [sflag:s22], s20  }
0x9f: {  	s4 =	ssub.s32 $0x0, s20;
	[sflag:s22] =	ssyncset.done $0x0  }
0xa0: {  	[sflag:s22] =	ssyncadd.s32 s4;
	_ =	sdelay $0x1  }
0xa1: {  	s23 =	simm.s32 $0x1B8B  }
0xa2: {  	_ =	swait.ge [sflag:s23], $0x1  }
0xa3: {  	[sflag:s23] =	ssyncset.done $0x0  }
0xa4: {  	s25 =	simm.s32 $0x1B8E;
	s24 =	sld [smem:$0x3FFE];
	[sflag:s23] =	ssyncadd.s32 $0xFFFFFFFF  }
0xa5: {  	s26 =	simm.s32 $execute0_lowered;
	[smem:$0x3FD2] =	sst s25  }
0xa6: {  	s5 =	sshll.u32 s26, $0x1;
	_ =	strace $0x8000004F;
	[dreg:$0x1] =	wrdreg $0xFFFFFFFF  }
0xa7: {  	s28 =	simm.s32 $_size_execute0_lowered;
	s3 =	sadd.s32 s3, s5;
	[dreg:$0x0] =	wrdreg $0x0  }
0xa8: {  	s5 =	sshll.u32 s28, $0x1;
	[dreg:$0x2] =	wrdreg s3  }
0xa9: {  	[dreg:$0x3] =	wrdreg s5  }
0xaa: {  	[dreg:$0x4] =	wrdreg $0xC0  }
0xab: {  	_ =	task [dreg:s7], $0x5FFFF  }
0xac: {  	[dreg:$0x1] =	wrdreg $0xFFFFFFFF  }
0xad: {  	[dreg:$0x0] =	wrdreg $0x60  }
0xae: {  	[dreg:$0x2] =	wrdreg s24  }
0xaf: {  	[dreg:$0x3] =	wrdreg s2  }
0xb0: {  	[dreg:$0x4] =	wrdreg $0xD2200  }
0xb1: {  	[dreg:$0x5] =	wrdreg $0x9  }
0xb2: {  	_ =	task.clear_ibuf [dreg:s7], $0x6FFFF;
	_ =	strace $0x9000004F  }
0xb3: {  	s29 =	simm.s32 $0x9;
	_ =	strace $0x80000051  }
0xb4: {  	_ =	swait.ge [sflag:s29], $0x1  }
0xb5: {  	[sflag:s29] =	ssyncadd.s32 $0xFFFFFFFF  }
0xb6: {  	_ =	strace $0x90000051  }
0xb7: {  	_ =	sfence  }
0xb8: {  	s30 =	sld [smem:$0x0];
	_ =	sdelay $0x2  }
0xb9: {  	s31 =	sshll.u32 s1, $0xD;
	s1 =	sshrl.u32 s1, $0x2  }
0xba: {  	s3 =	sand.u32 $0x4000, s31;
	s1 =	sadd.s32 s1, s30  }
0xbb: {  	s0 =	sor.u32 s3, s0;
	s1 =	sshll.u32 s1, $0x11  }
0xbc: {  	s0 =	sor.u32 s1, s0  }
0xbd: {  	s0 =	sadd.s32 $0x8F2B, s0  }
0xbe: {  	[sflag:s0] =	ssyncadd.remote.s32 $0x1  }
0xbf: {  	_ =	sfence.sel $0xFFFF  }
0xc0: {  	[dreg:$0x0] =	wrdreg $0xFFFFFFFF;
	(pc) =	sbr.abs _section_cstart, $3  }
0xc1: {  	[dreg:$0x1] =	wrdreg $0xFFFFFFFF  }
0xc2: {  	_ =	task.clear_ibuf [dreg:s7], $0x2FFFF;
	_ =	strace $0x9FFFFFFF  }
0xc3: {  	(tm) =	ssettm $0x7FFFFFFF  }
tec
execute0_lowered:
.L_overlay_start_1:
0x0: {  	(tag) =	ssettag $0x1  }
0x1: {  	s0 =	srdreg.scid  }
0x2: {  	s1 =	rddreg [dreg:$0x0];
	s9 =	stileid.u32  }
0x3: {  	s3 =	rddreg [dreg:$0x1];
	s7 =	simm.s32 $0x0;
	s13 =	simm.s32 $0x17  }
0x4: {  	s15 =	simm.s32 $0x1;
	s28 =	simm.s32 $0x7620;
	s30 =	simm.s32 $0x8020  }
0x5: {  	s31 =	simm.s32 $0x3;
	s14 =	simm.s32 $0x9420;
	s29 =	simm.s32 $0xA820  }
0x6: {  	s10 =	simm.s32 $0x12;
	s0 =	sand.u32 $0x1, s0;
	s6 =	smul.u32 $0x14000, s9  }
0x7: {  	[smem:$0x7FF] =	sst s7;
	s19 =	smul.u32 $0x28000, s9;
	s2 =	sshll.u32 s0, $0x4  }
0x8: {  	s17 =	sshll.u32 s0, $0x6;
	s0 =	ssub.s32 $0x2, s0;
	s4 =	sor.u32 s9, s2  }
0x9: {  	s2 =	rddreg [dreg:$0x2];
	_ =	strace $0x80000050;
	s6 =	sor.u32 s17, s6  }
0xa: {  	s20 =	sshrl.u32 s0, $0x1;
	s21 =	sshrl.u32 s19, $0x2;
	s19 =	simm.s32 $0x28  }
0xb: {  	s9 =	simm.s32 $0xC;
	s5 =	smul.u32 $0x2710, s4;
	s11 =	sadd.s32 s21, s2  }
0xc: {  	s6 =	sshrl.u32 s6, $0x3;
	s23 =	sadd.s32 $0x2000, s11;
	[dreg:$0x4] =	wrdreg s11  }
0xd: {  	s0 =	ssub.s32 s0, s20;
	s24 =	sadd.s32 $0x4000, s11;
	[dreg:$0x7] =	wrdreg s23  }
0xe: {  	s20 =	simm.s32 $0x4E20;
	s25 =	sadd.s32 $0x6000, s11;
	[dreg:$0x8] =	wrdreg s24  }
0xf: {  	s21 =	simm.s32 $0x5820;
	s26 =	sadd.s32 $0x8000, s11;
	[dreg:$0x9] =	wrdreg s25  }
0x10: {  	s0 =	smax.u32 s0, $0x1;
	s4 =	sadd.s32 $0x4E200, s5;
	[dreg:$0xa] =	wrdreg s26  }
0x11: {  	s22 =	sshrl.u32 s5, $0x3;
	[dreg:$0xc] =	wrdreg s0;
	s8 =	smulhi.u32 $0xCCCCCCCD, s4  }
0x12: {  	s23 =	simm.s32 $0x6220;
	s25 =	simm.s32 $0x6C20;
	s0 =	simm.s32 $0x4  }
0x13: {  	s24 =	simm.s32 $0x9E20;
	s26 =	simm.s32 $0x6;
	s18 =	sshrl.u32 s8, $0x5  }
0x14: {  	s4 =	sadd.s32 $0x2E00, s1;
	s1 =	sadd.s32 s6, s1;
	s7 =	smul.u32 $0x28, s18  }
.Ltmp0:
0x15: {  	s5 =	sadd.s32 s3, s22;
	s22 =	simm.s32 $0x5;
	(pc) =	sbr.rel .LBB2_1-.Ltmp0, $4  }
0x16: {  	s6 =	simm.s32 $0x7;
	[dreg:$0x5] =	wrdreg s5;
	s1 =	sadd.s32 $0x16E00, s1  }
0x17: {  	s5 =	simm.s32 $0x0;
	[dreg:$0xb] =	wrdreg s1;
	s7 =	sshrl.u32 s7, $0x3  }
0x18: {  	s1 =	simm.s32 $0x8A20;
	s8 =	simm.s32 $0xB;
	s3 =	sadd.s32 s3, s7  }
0x19: {  	v0 =	vimm.f32 $0.0e+00;
	s18 =	simm.s32 $0x11;
	s7 =	simm.s32 $0x9;
	[dreg:$0x6] =	wrdreg s3  }
.LBB2_6:
0x1a: {  	_ =	swait.ge [sflag:s9], $0xA00  }
0x1b: {  	[sflag:s9] =	ssyncset.done $0x0  }
0x1c: {  	s3 =	simm.s32 $0xD;
	[sflag:s9] =	ssyncadd.s32 $0xFFFFF600  }
0x1d: {  	[spmem:s2] =	stream.indirect.scatter.add.f32 [tilespmem:s29], [sflag:$0x16], $0x40, s17, s19, $0xb8;
	[tilespmem:$0x17220] =	vst v63  }
0x1e: {  	_ =	swait.ge [sflag:s3], $0xA00  }
0x1f: {  	[sflag:s3] =	ssyncset.done $0x0  }
0x20: {  	s15 =	simm.s32 $0xE;
	[sflag:s3] =	ssyncadd.s32 $0xFFFFF600  }
0x21: {  	_ =	swait.ge [sflag:s15], $0xA00  }
0x22: {  	[sflag:s15] =	ssyncset.done $0x0  }
0x23: {  	s16 =	simm.s32 $0xF;
	[sflag:s15] =	ssyncadd.s32 $0xFFFFF600  }
0x24: {  	_ =	swait.ge [sflag:s16], $0xA00  }
0x25: {  	[sflag:s16] =	ssyncset.done $0x0  }
0x26: {  	s13 =	simm.s32 $0x10;
	[sflag:s16] =	ssyncadd.s32 $0xFFFFF600  }
0x27: {  	_ =	swait.ge [sflag:s13], $0xA00  }
0x28: {  	[sflag:s13] =	ssyncset.done $0x0  }
0x29: {  	[sflag:s13] =	ssyncadd.s32 $0xFFFFF600  }
0x2a: {  	_ =	swait.ge [sflag:s18], $0xA00  }
0x2b: {  	[sflag:s18] =	ssyncset.done $0x0  }
0x2c: {  	[sflag:s18] =	ssyncadd.s32 $0xFFFFF600  }
0x2d: {  	_ =	swait.ge [sflag:s10], $0xA00  }
0x2e: {  	[sflag:s10] =	ssyncset.done $0x0  }
0x2f: {  	s17 =	simm.s32 $0x13;
	[sflag:s10] =	ssyncadd.s32 $0xFFFFF600  }
0x30: {  	_ =	swait.ge [sflag:s17], $0xA00  }
0x31: {  	[sflag:s17] =	ssyncset.done $0x0  }
0x32: {  	s5 =	simm.s32 $0x14;
	[sflag:s17] =	ssyncadd.s32 $0xFFFFF600  }
0x33: {  	_ =	swait.ge [sflag:s5], $0xA00  }
0x34: {  	[sflag:s5] =	ssyncset.done $0x0  }
0x35: {  	s11 =	simm.s32 $0x15;
	[sflag:s5] =	ssyncadd.s32 $0xFFFFF600  }
0x36: {  	_ =	swait.ge [sflag:s11], $0xA00  }
0x37: {  	[sflag:s11] =	ssyncset.done $0x0  }
0x38: {  	s12 =	simm.s32 $0x16;
	[sflag:s11] =	ssyncadd.s32 $0xFFFFF600  }
0x39: {  	_ =	swait.ge [sflag:s12], $0xA00  }
0x3a: {  	[sflag:s12] =	ssyncset.done $0x0  }
0x3b: {  	s15 =	stileid.u32;
	[sflag:s12] =	ssyncadd.s32 $0xFFFFF600  }
0x3c: {  	s3 =	sshll.u32 s15, $0x6;
	[bflag:$0x0] =	sbarrier.arrive $0xFFFF  }
0x3d: {  	s15 =	simm.s32 $0x1;
	s3 =	sor.u32 $0x1C17, s3;
	s11 =	rddreg [dreg:$0x4]  }
0x3e: {  	s16 =	simm.s32 $0x8;
	s12 =	rddreg [dreg:$0xb];
	s5 =	sshrl.u32 s11, $0x3  }
0x3f: {  	[hbm:s12@s13], [sflag:s3] =	dma.strided [spmem:s5@s16], $0x1400, s15, $0x8   }
0x40: {  	s13 =	simm.s32 $0x17  }
0x41: {  	_ =	swait.ge [sflag:s13], $0x1400  }
0x42: {  	s16 =	rddreg [dreg:$0xd]  }
0x43: {  	s17 =	rddreg [dreg:$0xc];
	s5 =	sadd.s32 $0x1, s16  }
0x44: {  	p0 =	sne.s32 s5, s17  }
.Ltmp1:
0x45: {  	_ = 	snop;
	(pc) =	sbr.rel @!p0 .LBB2_7-.Ltmp1, $3  }
0x46: {  	_ =	sdelay $0x1  }
0x47: {  	[sflag:s13] =	ssyncset.done $0x0  }
0x48: {  	[sflag:s13] =	ssyncadd.s32 $0xFFFFEC00  }
.LBB2_1:
0x49: {  	s16 =	simm.s32 $0x0;
	s3 =	rddreg [dreg:$0x5]  }
0x4a: {  	[tilespmem:s16], [sflag:$0x1] =	stream.linear.gather [hbm4b:s3+s16], $0x2710, $0x38;
	[tilespmem:$0x17220] =	vst v63  }
0x4b: {  	s17 =	rddreg [dreg:$0x6];
	s12 =	simm.s32 $0x2710  }
0x4c: {  	[tilespmem:s12], [sflag:$0x2] =	stream.linear.gather [hbm4b:s17+s16], $0x2710, $0x38;
	[tilespmem:$0x17220] =	vst v63  }
0x4d: {  	s12 =	sand.u32 $0x7F00, s16  }
0x4e: {  	[dreg:$0xd] =	wrdreg s5;
	s16 =	sand.u32 $0x30, s16;
	s17 =	sshrl.u32 s12, $0x2  }
0x4f: {  	s3 =	simm.s32 $0x40;
	s12 =	simm.s32 $0x0;
	s17 =	sor.u32 s16, s17  }
.LBB2_2:
0x50: {  	p0 =	sne.s32 s3, $0x7FC0  }
0x51: {  	[tilespmem:s17+$0xB220] =	vst v0;
	s12 =	sadd.s32 $0x10, s12;
	s17 =	smov.u32 s3;
	s3 =	sadd.s32 $0x40, s3  }
.Ltmp2:
0x52: {  	(pc) =	sbr.rel @p0 .LBB2_2-.Ltmp2, $4  }
0x53: {  	_ = 	snop  }
0x54: {  	s17 =	sand.u32 $0x7F00, s17  }
0x55: {  	s5 =	sand.u32 $0x30, s12;
	s17 =	sshrl.u32 s17, $0x2  }
0x56: {  	s17 =	sor.u32 s5, s17  }
0x57: {  	[tilespmem:s17+$0xB220] =	vst v0;
	s5 =	simm.s32 $0xB220  }
0x58: {  	[spmem:s11] =	stream.linear.scatter [tilespmem:s5], [sflag:$0x17], $0x2000, $0x38;
	[tilespmem:$0x17220] =	vst v63  }
0x59: {  	_ =	swait.ge [sflag:s13], $0x2000  }
0x5a: {  	[sflag:s13] =	ssyncset.done $0x0  }
0x5b: {  	s3 =	rddreg [dreg:$0x7];
	[sflag:s13] =	ssyncadd.s32 $0xFFFFE000  }
0x5c: {  	[spmem:s3] =	stream.linear.scatter [tilespmem:s5], [sflag:$0x17], $0x2000, $0x38;
	[tilespmem:$0x17220] =	vst v63  }
0x5d: {  	_ =	swait.ge [sflag:s13], $0x2000  }
0x5e: {  	[sflag:s13] =	ssyncset.done $0x0  }
0x5f: {  	s16 =	rddreg [dreg:$0x8];
	[sflag:s13] =	ssyncadd.s32 $0xFFFFE000  }
0x60: {  	[spmem:s16] =	stream.linear.scatter [tilespmem:s5], [sflag:$0x17], $0x2000, $0x38;
	[tilespmem:$0x17220] =	vst v63  }
0x61: {  	_ =	swait.ge [sflag:s13], $0x2000  }
0x62: {  	[sflag:s13] =	ssyncset.done $0x0  }
0x63: {  	s17 =	rddreg [dreg:$0x9];
	[sflag:s13] =	ssyncadd.s32 $0xFFFFE000  }
0x64: {  	[spmem:s17] =	stream.linear.scatter [tilespmem:s5], [sflag:$0x17], $0x2000, $0x38;
	[tilespmem:$0x17220] =	vst v63  }
0x65: {  	_ =	swait.ge [sflag:s13], $0x2000  }
0x66: {  	[sflag:s13] =	ssyncset.done $0x0  }
0x67: {  	s11 =	rddreg [dreg:$0xa];
	[sflag:s13] =	ssyncadd.s32 $0xFFFFE000  }
0x68: {  	[spmem:s11] =	stream.linear.scatter [tilespmem:s5], [sflag:$0x17], $0x2000, $0x38;
	[tilespmem:$0x17220] =	vst v63  }
0x69: {  	_ =	swait.ge [sflag:s13], $0x2000  }
0x6a: {  	[sflag:s13] =	ssyncset.done $0x0  }
0x6b: {  	[sflag:s13] =	ssyncadd.s32 $0xFFFFE000  }
0x6c: {  	_ =	swait.ge [sflag:s15], $0x2710  }
0x6d: {  	[sflag:s15] =	ssyncset.done $0x0  }
0x6e: {  	s12 =	simm.s32 $0x2;
	[sflag:s15] =	ssyncadd.s32 $0xFFFFD8F0  }
0x6f: {  	_ =	swait.ge [sflag:s12], $0x2710  }
0x70: {  	[sflag:s12] =	ssyncset.done $0x0  }
0x71: {  	[sflag:s12] =	ssyncadd.s32 $0xFFFFD8F0  }
0x72: {  	s12 =	simm.s32 $0x0;
	[bflag:$0x0] =	sbarrier.arrive $0xFFFF  }
0x73: {  	[tilespmem:s20], [sflag:$0x3] =	stream.indirect.gather [hbm4b:s4+s19], $0x40, s12, s19, $0xb8;
	[tilespmem:$0x17220] =	vst v63  }
0x74: {  	_ = 	snop  }
0x75: {  	[tilespmem:s21], [sflag:$0x4] =	stream.indirect.gather [hbm4b:s4+s19], $0x40, s19, s19, $0xb8;
	[tilespmem:$0x17220] =	vst v63  }
0x76: {  	s13 =	simm.s32 $0x50  }
0x77: {  	[tilespmem:s23], [sflag:$0x5] =	stream.indirect.gather [hbm4b:s4+s19], $0x40, s13, s19, $0xb8;
	[tilespmem:$0x17220] =	vst v63  }
0x78: {  	s15 =	simm.s32 $0x78  }
0x79: {  	[tilespmem:s25], [sflag:$0x6] =	stream.indirect.gather [hbm4b:s4+s19], $0x40, s15, s19, $0xb8;
	[tilespmem:$0x17220] =	vst v63  }
0x7a: {  	s16 =	simm.s32 $0xA0  }
0x7b: {  	[tilespmem:s28], [sflag:$0x7] =	stream.indirect.gather [hbm4b:s4+s19], $0x40, s16, s19, $0xb8;
	[tilespmem:$0x17220] =	vst v63  }
0x7c: {  	s17 =	simm.s32 $0xC8  }
0x7d: {  	[tilespmem:s30], [sflag:$0x8] =	stream.indirect.gather [hbm4b:s4+s19], $0x40, s17, s19, $0xb8;
	[tilespmem:$0x17220] =	vst v63  }
.LBB2_4:
0x7e: {  	_ =	swait.ge [sflag:s31], $0xA00  }
0x7f: {  	s3 =	sshra.s32 s12, $0x2;
	[sflag:s31] =	ssyncset.done $0x0  }
0x80: {  	p0 =	seq.s32 s12, $0x0;
	s5 =	sadd.s32 $0x2710, s3;
	[sflag:s31] =	ssyncadd.s32 $0xFFFFF600  }
0x81: {  	[spmem:s2] =	stream.indirect.scatter.add.f32 [tilespmem:s20], [sflag:$0xD], $0x40, s5, s19, $0xb8;
	[tilespmem:$0x17220] =	vst v63  }
0x82: {  	s5 =	simm.s32 @!p0 $0x13  }
0x83: {  	_ =	swait.ge @!p0 [sflag:s5], $0xA00  }
0x84: {  	[sflag:s5] =	ssyncset.done @!p0 $0x0  }
0x85: {  	s13 =	sadd.s32 $0xF0, s3;
	[sflag:s5] =	ssyncadd.s32 @!p0 $0xFFFFF600  }
0x86: {  	[tilespmem:s1], [sflag:$0x9] =	stream.indirect.gather [hbm4b:s4+s19], $0x40, s13, s19, $0xb8;
	[tilespmem:$0x17220] =	vst v63  }
0x87: {  	_ =	swait.ge [sflag:s0], $0xA00  }
0x88: {  	[sflag:s0] =	ssyncset.done $0x0  }
0x89: {  	s15 =	sadd.s32 $0x2738, s3;
	s5 =	simm.s32 @!p0 $0x14;
	[sflag:s0] =	ssyncadd.s32 $0xFFFFF600  }
0x8a: {  	[spmem:s2] =	stream.indirect.scatter.add.f32 [tilespmem:s21], [sflag:$0xE], $0x40, s15, s19, $0xb8;
	[tilespmem:$0x17220] =	vst v63  }
0x8b: {  	_ =	swait.ge @!p0 [sflag:s5], $0xA00  }
0x8c: {  	[sflag:s5] =	ssyncset.done @!p0 $0x0  }
0x8d: {  	s16 =	sadd.s32 $0x118, s3;
	[sflag:s5] =	ssyncadd.s32 @!p0 $0xFFFFF600  }
0x8e: {  	[tilespmem:s14], [sflag:$0xA] =	stream.indirect.gather [hbm4b:s4+s19], $0x40, s16, s19, $0xb8;
	[tilespmem:$0x17220] =	vst v63  }
0x8f: {  	_ =	swait.ge [sflag:s22], $0xA00  }
0x90: {  	[sflag:s22] =	ssyncset.done $0x0  }
0x91: {  	s17 =	sadd.s32 $0x2760, s3;
	s5 =	simm.s32 @!p0 $0x15;
	[sflag:s22] =	ssyncadd.s32 $0xFFFFF600  }
0x92: {  	[spmem:s2] =	stream.indirect.scatter.add.f32 [tilespmem:s23], [sflag:$0xF], $0x40, s17, s19, $0xb8;
	[tilespmem:$0x17220] =	vst v63  }
0x93: {  	_ =	swait.ge @!p0 [sflag:s5], $0xA00  }
0x94: {  	[sflag:s5] =	ssyncset.done @!p0 $0x0  }
0x95: {  	s11 =	sadd.s32 $0x140, s3;
	[sflag:s5] =	ssyncadd.s32 @!p0 $0xFFFFF600  }
0x96: {  	[tilespmem:s24], [sflag:$0xB] =	stream.indirect.gather [hbm4b:s4+s19], $0x40, s11, s19, $0xb8;
	[tilespmem:$0x17220] =	vst v63  }
0x97: {  	_ =	swait.ge [sflag:s26], $0xA00  }
0x98: {  	[sflag:s26] =	ssyncset.done $0x0  }
0x99: {  	s13 =	sadd.s32 $0x2788, s3;
	s5 =	simm.s32 @!p0 $0x16;
	[sflag:s26] =	ssyncadd.s32 $0xFFFFF600  }
0x9a: {  	[spmem:s2] =	stream.indirect.scatter.add.f32 [tilespmem:s25], [sflag:$0x10], $0x40, s13, s19, $0xb8;
	[tilespmem:$0x17220] =	vst v63  }
0x9b: {  	_ =	swait.ge @!p0 [sflag:s5], $0xA00  }
0x9c: {  	[sflag:s5] =	ssyncset.done @!p0 $0x0  }
0x9d: {  	s15 =	sadd.s32 $0x168, s3;
	[sflag:s5] =	ssyncadd.s32 @!p0 $0xFFFFF600  }
0x9e: {  	[tilespmem:s29], [sflag:$0xC] =	stream.indirect.gather [hbm4b:s4+s19], $0x40, s15, s19, $0xb8;
	[tilespmem:$0x17220] =	vst v63  }
0x9f: {  	_ =	swait.ge [sflag:s6], $0xA00  }
0xa0: {  	p0 =	seq.s32 s12, $0x9600;
	[sflag:s6] =	ssyncset.done $0x0  }
0xa1: {  	s16 =	sadd.s32 $0x27B0, s3;
	s5 =	simm.s32 @p0 $0x8;
	[sflag:s6] =	ssyncadd.s32 $0xFFFFF600  }
0xa2: {  	[spmem:s2] =	stream.indirect.scatter.add.f32 [tilespmem:s28], [sflag:$0x11], $0x40, s16, s19, $0xb8;
	[tilespmem:$0x17220] =	vst v63  }
0xa3: {  	_ =	swait.ge @p0 [sflag:s5], $0xA00  }
0xa4: {  	[sflag:s5] =	ssyncset.done @p0 $0x0  }
0xa5: {  	[sflag:s5] =	ssyncadd.s32 @p0 $0xFFFFF600;
	s5 =	sshra.s32 @p0 s12, $0x2  }
0xa6: {  	s13 =	simm.s32 @p0 $0x28;
	s15 =	simm.s32 @p0 $0x8020;
	s17 =	sadd.s32 @p0 $0x27D8, s5  }
0xa7: {  	[spmem:s2] =	stream.indirect.scatter.add.f32 @p0 [tilespmem:s15], [sflag:$0x12], $0x40, s17, s13, $0xb8;
	[tilespmem:$0x17220] =	vst v63  }
0xa8: {  	s15 =	simm.s32 @!p0 $0xD  }
0xa9: {  	_ =	swait.ge @!p0 [sflag:s15], $0xA00  }
0xaa: {  	[sflag:s15] =	ssyncset.done @!p0 $0x0  }
0xab: {  	[sflag:s15] =	ssyncadd.s32 @!p0 $0xFFFFF600;
	s15 =	sshra.s32 @!p0 s12, $0x2  }
0xac: {  	s11 =	simm.s32 @!p0 $0x28;
	s16 =	simm.s32 @!p0 $0x4E20;
	s17 =	sadd.s32 @!p0 $0x190, s15  }
0xad: {  	[tilespmem:s16], [sflag:$0x3] =	stream.indirect.gather @!p0 [hbm4b:s4+s11], $0x40, s17, s11, $0xb8;
	[tilespmem:$0x17220] =	vst v63  }
0xae: {  	s16 =	simm.s32 @!p0 $0x8  }
0xaf: {  	_ =	swait.ge @!p0 [sflag:s16], $0xA00  }
0xb0: {  	[sflag:s16] =	ssyncset.done @!p0 $0x0  }
0xb1: {  	s17 =	simm.s32 @!p0 $0x8020;
	[sflag:s16] =	ssyncadd.s32 @!p0 $0xFFFFF600;
	s16 =	sadd.s32 @!p0 $0x27D8, s15  }
0xb2: {  	[spmem:s2] =	stream.indirect.scatter.add.f32 @!p0 [tilespmem:s17], [sflag:$0x12], $0x40, s16, s11, $0xb8;
	[tilespmem:$0x17220] =	vst v63  }
0xb3: {  	s16 =	simm.s32 @!p0 $0xE  }
0xb4: {  	_ =	swait.ge @!p0 [sflag:s16], $0xA00  }
0xb5: {  	[sflag:s16] =	ssyncset.done @!p0 $0x0  }
0xb6: {  	s17 =	simm.s32 @!p0 $0x5820;
	[sflag:s16] =	ssyncadd.s32 @!p0 $0xFFFFF600;
	s16 =	sadd.s32 @!p0 $0x1B8, s15  }
0xb7: {  	[tilespmem:s17], [sflag:$0x4] =	stream.indirect.gather @!p0 [hbm4b:s4+s11], $0x40, s16, s11, $0xb8;
	[tilespmem:$0x17220] =	vst v63  }
0xb8: {  	_ =	swait.ge [sflag:s7], $0xA00  }
0xb9: {  	[sflag:s7] =	ssyncset.done $0x0  }
0xba: {  	s17 =	sadd.s32 $0x2800, s3;
	s16 =	simm.s32 @p0 $0xA;
	[sflag:s7] =	ssyncadd.s32 $0xFFFFF600  }
0xbb: {  	[spmem:s2] =	stream.indirect.scatter.add.f32 [tilespmem:s1], [sflag:$0x13], $0x40, s17, s19, $0xb8;
	[tilespmem:$0x17220] =	vst v63  }
0xbc: {  	_ =	swait.ge @p0 [sflag:s16], $0xA00  }
0xbd: {  	[sflag:s16] =	ssyncset.done @p0 $0x0  }
0xbe: {  	s5 =	sadd.s32 @p0 $0x2828, s5;
	[sflag:s16] =	ssyncadd.s32 @p0 $0xFFFFF600;
	s16 =	simm.s32 @p0 $0x9420  }
0xbf: {  	[spmem:s2] =	stream.indirect.scatter.add.f32 @p0 [tilespmem:s16], [sflag:$0x14], $0x40, s5, s13, $0xb8;
	[tilespmem:$0x17220] =	vst v63  }
0xc0: {  	s5 =	simm.s32 @!p0 $0xF  }
0xc1: {  	_ =	swait.ge @!p0 [sflag:s5], $0xA00  }
0xc2: {  	[sflag:s5] =	ssyncset.done @!p0 $0x0  }
0xc3: {  	s13 =	simm.s32 @!p0 $0x6220;
	[sflag:s5] =	ssyncadd.s32 @!p0 $0xFFFFF600;
	s5 =	sadd.s32 @!p0 $0x1E0, s15  }
0xc4: {  	[tilespmem:s13], [sflag:$0x5] =	stream.indirect.gather @!p0 [hbm4b:s4+s11], $0x40, s5, s11, $0xb8;
	[tilespmem:$0x17220] =	vst v63  }
0xc5: {  	s5 =	simm.s32 @!p0 $0xA  }
0xc6: {  	_ =	swait.ge @!p0 [sflag:s5], $0xA00  }
0xc7: {  	[sflag:s5] =	ssyncset.done @!p0 $0x0  }
0xc8: {  	s13 =	simm.s32 @!p0 $0x9420;
	[sflag:s5] =	ssyncadd.s32 @!p0 $0xFFFFF600;
	s5 =	sadd.s32 @!p0 $0x2828, s15  }
0xc9: {  	[spmem:s2] =	stream.indirect.scatter.add.f32 @!p0 [tilespmem:s13], [sflag:$0x14], $0x40, s5, s11, $0xb8;
	[tilespmem:$0x17220] =	vst v63  }
0xca: {  	s5 =	simm.s32 @!p0 $0x10  }
0xcb: {  	_ =	swait.ge @!p0 [sflag:s5], $0xA00  }
0xcc: {  	[sflag:s5] =	ssyncset.done @!p0 $0x0  }
0xcd: {  	s13 =	simm.s32 @!p0 $0x6C20;
	[sflag:s5] =	ssyncadd.s32 @!p0 $0xFFFFF600;
	s5 =	sadd.s32 @!p0 $0x208, s15  }
0xce: {  	[tilespmem:s13], [sflag:$0x6] =	stream.indirect.gather @!p0 [hbm4b:s4+s11], $0x40, s5, s11, $0xb8;
	[tilespmem:$0x17220] =	vst v63  }
.Ltmp3:
0xcf: {  	_ =	swait.ge [sflag:s8], $0xA00;
	(pc) =	sbr.rel @p0 .LBB2_6-.Ltmp3, $4  }
0xd0: {  	[sflag:s8] =	ssyncset.done $0x0  }
0xd1: {  	s17 =	sadd.s32 $0x2850, s3;
	[sflag:s8] =	ssyncadd.s32 $0xFFFFF600  }
0xd2: {  	[spmem:s2] =	stream.indirect.scatter.add.f32 [tilespmem:s24], [sflag:$0x15], $0x40, s17, s19, $0xb8;
	[tilespmem:$0x17220] =	vst v63  }
0xd3: {  	s17 =	sadd.s32 $0x2878, s3  }
0xd4: {  	_ =	swait.ge [sflag:s18], $0xA00  }
0xd5: {  	[sflag:s18] =	ssyncset.done $0x0  }
0xd6: {  	s5 =	sadd.s32 $0x230, s3;
	[sflag:s18] =	ssyncadd.s32 $0xFFFFF600  }
0xd7: {  	[tilespmem:s28], [sflag:$0x7] =	stream.indirect.gather [hbm4b:s4+s19], $0x40, s5, s19, $0xb8;
	[tilespmem:$0x17220] =	vst v63  }
0xd8: {  	_ =	swait.ge [sflag:s9], $0xA00  }
0xd9: {  	[sflag:s9] =	ssyncset.done $0x0  }
0xda: {  	[sflag:s9] =	ssyncadd.s32 $0xFFFFF600  }
0xdb: {  	[spmem:s2] =	stream.indirect.scatter.add.f32 [tilespmem:s29], [sflag:$0x16], $0x40, s17, s19, $0xb8;
	[tilespmem:$0x17220] =	vst v63  }
.Ltmp4:
0xdc: {  	_ = 	snop;
	(pc) =	sbr.rel .LBB2_4-.Ltmp4, $4  }
0xdd: {  	_ =	swait.ge [sflag:s10], $0xA00  }
0xde: {  	[sflag:s10] =	ssyncset.done $0x0  }
0xdf: {  	s12 =	sadd.s32 $0x640, s12;
	s17 =	sadd.s32 $0x258, s3;
	[sflag:s10] =	ssyncadd.s32 $0xFFFFF600  }
0xe0: {  	[tilespmem:s30], [sflag:$0x8] =	stream.indirect.gather [hbm4b:s4+s19], $0x40, s17, s19, $0xb8;
	[tilespmem:$0x17220] =	vst v63  }
.LBB2_7:
0xe1: {  	_ =	sfence.sel $0x180000  }
0xe2: {  	[bflag:$0x0] =	sbarrier.arrive $0xFFFF  }
0xe3: {  	_ =	strace $0x90000050  }
0xe4: {  	s0 =	stileid.u32;
	[bflag:$0x2] =	sbarrier.arrive $0xFFFF  }
0xe5: {  	p0 =	sne.s32 s0, $0x0;
	s0 =	rddreg [dreg:$0x3]  }
0xe6: {  	s0 =	sadd.s32 @!p0 $0x100000, s0  }
0xe7: {  	[sflag:s0] =	ssyncadd.tile.s32 @!p0 $0x1;
	_ =	shalt  }
.Lfunc_end2:
_tile_overlayer_lowered:
.L_overlay_start_2:
0xe8: {  	(tag) =	ssettag $0x2  }
0xe9: {  	s0 =	rddreg [dreg:$0x0];
	s2 =	stileid.u32  }
0xea: {  	s1 =	rddreg [dreg:$0x1];
	p0 =	sne.s32 s2, $0x0  }
0xeb: {  	s3 =	rddreg [dreg:$0x2];
	[bflag:$0x3] =	sbarrier.arrive $0xFFFF;
	s2 =	simm.s32 @!p0 $0x1C17  }
0xec: {  	[timem:s3], [sflag:s2] =	dma.local @!p0 [hbm:s0], s1  }
0xed: {  	s0 =	simm.s32 @!p0 $0x17  }
0xee: {  	_ =	swait.ge @!p0 [sflag:s0], s1  }
0xef: {  	s1 =	ssub.s32 @!p0 $0x0, s1;
	[sflag:s0] =	ssyncset.done @!p0 $0x0  }
0xf0: {  	[sflag:s0] =	ssyncadd.s32 @!p0 s1  }
0xf1: {  	[bflag:$0x3] =	sbarrier.arrive $0xFFFF  }
0xf2: {  	_ =	shalt  }

</sc_bundles>
